<compile_context>
chip_gen: v7x
topology: tpu7x:2x2x1
jax: 0.10.2.dev20260603
libtpu: 0.0.44.dev20260713+nightly
codegen_flags: <defaults>
</compile_context>

<pallas_src>
import functools

import jax
import jax.numpy as jnp
from jax import lax
from jax.experimental import pallas as pl
from jax.experimental.pallas import tpu as pltpu
from jax.experimental.pallas import tpu_sc as plsc

_L = 16
_B = 8
_TB = 128


def _make_sc_kernel(num_nodes, n_lambs, n_feat1, table_rows):
  info = plsc.get_sparse_core_info()
  nc, ns = info.num_cores, info.num_subcores
  nw = nc * ns
  assert num_nodes % (nw * 2 * _B) == 0
  bpw = num_nodes // nw
  nb = bpw // _B
  n_feat = n_feat1 - 1
  out_w = n_lambs * n_feat

  mesh = plsc.VectorSubcoreMesh(core_axis_name="c", subcore_axis_name="s")

  @functools.partial(
      pl.kernel,
      mesh=mesh,
      out_type=jax.ShapeDtypeStruct((out_w, num_nodes), jnp.float32),
      scratch_types=[
          pltpu.VMEM((bpw + _L,), jnp.int32),
          pltpu.VMEM((2 * _B, n_feat1, n_lambs, _TB), jnp.float32),
          pltpu.VMEM((out_w, bpw), jnp.float32),
          pltpu.SemaphoreType.DMA,
          pltpu.SemaphoreType.DMA,
      ],
      compiler_params=pltpu.CompilerParams(needs_layout_passes=False),
  )
  def sc_kernel(mem_hbm, nodes_hbm, out_hbm, idx_v, blk_v, out_v, s0, s1):
    wid = lax.axis_index("s") * nc + lax.axis_index("c")
    base = wid * bpw
    pltpu.sync_copy(nodes_hbm.at[pl.ds(base, bpw)], idx_v.at[pl.ds(0, bpw)])

    lanes = lax.iota(jnp.int32, _L)
    denf = jnp.full((_L,), n_feat, jnp.int32)

    def fetch(b, ring, sem):
      vec = idx_v[pl.ds(b * _B, _L)]
      for j in range(_B):
        blk = pl.multiple_of((vec[j] >> 7) << 7, _TB)
        pltpu.async_copy(
            mem_hbm.at[:, :, pl.ds(blk, _TB)],
            blk_v.at[ring * _B + j],
            sem,
        )

    def wait_compute(b, ring, sem):
      vec = idx_v[pl.ds(b * _B, _L)]
      for j in range(_B):
        pltpu.make_async_copy(
            mem_hbm.at[:, :, pl.ds(0, _TB)], blk_v.at[ring * _B + j], sem
        ).wait()
      for j in range(_B):
        jv = jnp.full((_L,), ring * _B + j, jnp.int32)
        rv = jnp.full((_L,), vec[j] & (_TB - 1), jnp.int32)
        col = jnp.full((_L,), b * _B + j, jnp.int32)
        for lamb in range(n_lambs):
          lv = jnp.full((_L,), lamb, jnp.int32)
          num = plsc.load_gather(blk_v, [jv, lanes, lv, rv])
          den = plsc.load_gather(blk_v, [jv, denf, lv, rv])
          plsc.store_scatter(
              out_v, [lanes + lamb * n_feat, col], num / den
          )

    fetch(0, 0, s0)

    def body(i, carry):
      b = i * 2
      fetch(b + 1, 1, s1)
      wait_compute(b, 0, s0)
      fetch(b + 2, 0, s0)
      wait_compute(b + 1, 1, s1)
      return carry

    lax.fori_loop(0, nb // 2 - 1, body, 0)
    fetch(nb - 1, 1, s1)
    wait_compute(nb - 2, 0, s0)
    wait_compute(nb - 1, 1, s1)
    pltpu.sync_copy(out_v, out_hbm.at[:, pl.ds(base, bpw)])

  return sc_kernel


def kernel(memory, nodes):
  num_nodes = nodes.shape[0]
  table_rows, n_lambs, n_feat1 = memory.shape
  sc = _make_sc_kernel(num_nodes, n_lambs, n_feat1, table_rows)
  mem_t = jnp.transpose(memory, (2, 1, 0))
  out_t = sc(mem_t, nodes.astype(jnp.int32))
  return out_t.T

# --- scband reference (transcript-rebuilt; emitter-appended) ---
"""Pipeline reference for scband-exp-lambs-embedding-56238301774540 (READ-ONLY COPY).

The authoritative reference and input builder live on the scoring server;
editing this copy changes nothing except your own understanding.
"""

import jax, jax.numpy as jnp
import numpy as np


def setup_inputs(seed: int = 0) -> dict:
    key = jax.random.key(seed)
    k_mem, k_nodes = jax.random.split(key)
    # memory: [num_nodes, n_lambs, n_feat+1]; last channel is the normalizer.
    # fill='rand' -> uniform in [0, 1); denominator values are strictly positive w.p. 1.
    memory = jax.random.uniform(k_mem, (1000000, 2, 17), dtype=jnp.float32)
    nodes = jax.random.randint(k_nodes, (16384,), 0, 1000000, dtype=jnp.int64)
    return {"memory": memory, "nodes": nodes}


def reference(memory, nodes):
    # Faithful translation of ExpLambsEmbedding.compute_embedding:
    # embeddings = (memory[nodes, :, :-1] / memory[nodes, :, -1:]).reshape([len(nodes), -1])
    gathered = jnp.take(memory, nodes, axis=0)          # [B, 2, 17] gather (SparseCore-friendly)
    embeddings = gathered[:, :, :-1] / gathered[:, :, -1:]  # [B, 2, 16]
    return embeddings.reshape(nodes.shape[0], -1)        # [B, 32]

if __name__ == "__main__":
    import jax
    _d = setup_inputs()
    print(jax.jit(kernel)(*tuple(_d.values())))

</pallas_src>

<mosaic_0001>
#map = affine_map<(d0, d1) -> (0, 0, 0)>
#map1 = affine_map<(d0, d1) -> (0)>
#map2 = affine_map<(d0, d1) -> (0, 0)>
module attributes {stable_mosaic.version = 14 : i64} {
  func.func @sc_kernel(%arg0: i32, %arg1: i32, %arg2: memref<17x2x1000000xf32, #tpu.memory_space<hbm>>, %arg3: memref<16384xi32, #tpu.memory_space<hbm>>, %arg4: memref<32x16384xf32, #tpu.memory_space<hbm>>, %arg5: memref<528xi32, #tpu.memory_space<vmem>>, %arg6: memref<16x17x2x128xf32, #tpu.memory_space<vmem>>, %arg7: memref<32x512xf32, #tpu.memory_space<vmem>>, %arg8: memref<!tpu.dma_semaphore, #tpu.memory_space<semaphore_mem>>, %arg9: memref<!tpu.dma_semaphore, #tpu.memory_space<semaphore_mem>>) attributes {dimension_semantics = [#tpu.dimension_semantics<core_parallel>, #tpu.dimension_semantics<subcore_parallel>], iteration_bounds = array<i64: 2, 16>, scalar_prefetch = 0 : i64, scratch_operands = 5 : i64, tpu.core_type = #tpu.core_type<sc_vector_subcore>, window_params = [{transform_indices = #map}, {transform_indices = #map1}, {transform_indices = #map2}]} {
    %mul3A = arith.constant 2 : i32
    %mul3A_0 = arith.muli %arg1, %mul3A : i32
    %add3A = arith.addi %mul3A_0, %arg0 : i32
    %mul3A_1 = arith.constant 512 : i32
    %mul3A_2 = arith.muli %add3A, %mul3A_1 : i32
    "tpu.region"() ({
      %run_scoped3A = tpu.sem_alloc : memref<!tpu.dma_semaphore, #tpu.memory_space<semaphore_mem>>
      %dma_start3A_1094 = arith.constant 0 : i32
      %dma_start3A_1095 = tpu.memref_slice %arg5[%dma_start3A_1094] : memref<528xi32, #tpu.memory_space<vmem>> -> memref<512xi32, #tpu.memory_space<vmem>>
      %dma_start3A_1096 = tpu.memref_slice %arg3[%mul3A_2] : memref<16384xi32, #tpu.memory_space<hbm>> -> memref<512xi32, #tpu.memory_space<hbm>>
      %dma_start3A_1097 = arith.constant 0 : i32
      %dma_start3A_1098 = tpu.memref_slice %arg5[%dma_start3A_1097] : memref<528xi32, #tpu.memory_space<vmem>> -> memref<512xi32, #tpu.memory_space<vmem>>
      %dma_start3A_1099 = tpu.memref_slice %arg3[%mul3A_2] : memref<16384xi32, #tpu.memory_space<hbm>> -> memref<512xi32, #tpu.memory_space<hbm>>
      tpu.enqueue_dma source(%dma_start3A_1099 : memref<512xi32, #tpu.memory_space<hbm>>) target(%dma_start3A_1098 : memref<512xi32, #tpu.memory_space<vmem>>) target_semaphore(%run_scoped3A : memref<!tpu.dma_semaphore, #tpu.memory_space<semaphore_mem>>)
      %dma_wait3A_1100 = arith.constant 0 : i32
      %dma_wait3A_1101 = tpu.memref_slice %arg5[%dma_wait3A_1100] : memref<528xi32, #tpu.memory_space<vmem>> -> memref<512xi32, #tpu.memory_space<vmem>>
      %dma_wait3A_1102 = tpu.memref_slice %arg3[%mul3A_2] : memref<16384xi32, #tpu.memory_space<hbm>> -> memref<512xi32, #tpu.memory_space<hbm>>
      %dma_wait3A_1103 = arith.constant 0 : i32
      %dma_wait3A_1104 = tpu.memref_slice %arg5[%dma_wait3A_1103] : memref<528xi32, #tpu.memory_space<vmem>> -> memref<512xi32, #tpu.memory_space<vmem>>
      %dma_wait3A_1105 = tpu.memref_slice %arg3[%mul3A_2] : memref<16384xi32, #tpu.memory_space<hbm>> -> memref<512xi32, #tpu.memory_space<hbm>>
      tpu.wait_dma2 semaphore(%run_scoped3A : memref<!tpu.dma_semaphore, #tpu.memory_space<semaphore_mem>>) src(%dma_wait3A_1105 : memref<512xi32, #tpu.memory_space<hbm>>) dst(%dma_wait3A_1104 : memref<512xi32, #tpu.memory_space<vmem>>)
      tpu.yield
    }) : () -> ()
    %iota3A = tpu.iota {dimensions = array<i32: 0>} : vector<16xi32>
    %broadcast_in_dim3A = arith.constant 16 : i32
    %broadcast_in_dim3A_3 = vector.broadcast %broadcast_in_dim3A : i32 to vector<16xi32>
    %get3A = arith.constant 0 : index
    %get3A_4 = tpu.vector_load %arg5[%get3A] {strides = array<i32>} : memref<528xi32, #tpu.memory_space<vmem>>, vector<16xi32>,
    %slice3A = vector.extract_strided_slice %get3A_4 {offsets = [0], sizes = [1], strides = [1]} : vector<16xi32> to vector<1xi32>
    %squeeze3A = vector.extract %slice3A[0] : i32 from vector<1xi32>
    %shift_right_arithmetic3A = arith.constant 7 : i32
    %shift_right_arithmetic3A_5 = arith.shrsi %squeeze3A, %shift_right_arithmetic3A : i32
    %shift_left3A = arith.constant 7 : i32
    %shift_left3A_6 = arith.shli %shift_right_arithmetic3A_5, %shift_left3A : i32
    %multiple_of3A = tpu.assume_multiple %shift_left3A_6, 128 : i32
    %dma_start3A = arith.constant 0 : i32
    %dma_start3A_7 = arith.constant 0 : i32
    %dma_start3A_8 = arith.constant 0 : i32
    %dma_start3A_9 = arith.constant 0 : i32
    %dma_start3A_10 = tpu.memref_slice %arg6[%dma_start3A, %dma_start3A_7, %dma_start3A_8, %dma_start3A_9] : memref<16x17x2x128xf32, #tpu.memory_space<vmem>> -> memref<1x17x2x128xf32, #tpu.memory_space<vmem>>
    %dma_start3A_11 = tpu.memref_squeeze %dma_start3A_10 : memref<1x17x2x128xf32, #tpu.memory_space<vmem>> -> memref<17x2x128xf32, #tpu.memory_space<vmem>>
    %dma_start3A_12 = arith.constant 0 : i32
    %dma_start3A_13 = arith.constant 0 : i32
    %dma_start3A_14 = tpu.memref_slice %arg2[%dma_start3A_12, %dma_start3A_13, %multiple_of3A] : memref<17x2x1000000xf32, #tpu.memory_space<hbm>> -> memref<17x2x128xf32, #tpu.memory_space<hbm>>
    %dma_start3A_15 = arith.constant 0 : i32
    %dma_start3A_16 = arith.constant 0 : i32
    %dma_start3A_17 = arith.constant 0 : i32
    %dma_start3A_18 = tpu.memref_slice %arg6[%dma_start3A, %dma_start3A_15, %dma_start3A_16, %dma_start3A_17] : memref<16x17x2x128xf32, #tpu.memory_space<vmem>> -> memref<1x17x2x128xf32, #tpu.memory_space<vmem>>
    %dma_start3A_19 = tpu.memref_squeeze %dma_start3A_18 : memref<1x17x2x128xf32, #tpu.memory_space<vmem>> -> memref<17x2x128xf32, #tpu.memory_space<vmem>>
    %dma_start3A_20 = arith.constant 0 : i32
    %dma_start3A_21 = arith.constant 0 : i32
    %dma_start3A_22 = tpu.memref_slice %arg2[%dma_start3A_20, %dma_start3A_21, %multiple_of3A] : memref<17x2x1000000xf32, #tpu.memory_space<hbm>> -> memref<17x2x128xf32, #tpu.memory_space<hbm>>
    tpu.enqueue_dma source(%dma_start3A_22 : memref<17x2x128xf32, #tpu.memory_space<hbm>>) target(%dma_start3A_19 : memref<17x2x128xf32, #tpu.memory_space<vmem>>) target_semaphore(%arg8 : memref<!tpu.dma_semaphore, #tpu.memory_space<semaphore_mem>>)
    %slice3A_23 = vector.extract_strided_slice %get3A_4 {offsets = [1], sizes = [1], strides = [1]} : vector<16xi32> to vector<1xi32>
    %squeeze3A_24 = vector.extract %slice3A_23[0] : i32 from vector<1xi32>
    %shift_right_arithmetic3A_25 = arith.constant 7 : i32
    %shift_right_arithmetic3A_26 = arith.shrsi %squeeze3A_24, %shift_right_arithmetic3A_25 : i32
    %shift_left3A_27 = arith.constant 7 : i32
    %shift_left3A_28 = arith.shli %shift_right_arithmetic3A_26, %shift_left3A_27 : i32
    %multiple_of3A_29 = tpu.assume_multiple %shift_left3A_28, 128 : i32
    %dma_start3A_30 = arith.constant 1 : i32
    %dma_start3A_31 = arith.constant 0 : i32
    %dma_start3A_32 = arith.constant 0 : i32
    %dma_start3A_33 = arith.constant 0 : i32
    %dma_start3A_34 = tpu.memref_slice %arg6[%dma_start3A_30, %dma_start3A_31, %dma_start3A_32, %dma_start3A_33] : memref<16x17x2x128xf32, #tpu.memory_space<vmem>> -> memref<1x17x2x128xf32, #tpu.memory_space<vmem>>
    %dma_start3A_35 = tpu.memref_squeeze %dma_start3A_34 : memref<1x17x2x128xf32, #tpu.memory_space<vmem>> -> memref<17x2x128xf32, #tpu.memory_space<vmem>>
    %dma_start3A_36 = arith.constant 0 : i32
    %dma_start3A_37 = arith.constant 0 : i32
    %dma_start3A_38 = tpu.memref_slice %arg2[%dma_start3A_36, %dma_start3A_37, %multiple_of3A_29] : memref<17x2x1000000xf32, #tpu.memory_space<hbm>> -> memref<17x2x128xf32, #tpu.memory_space<hbm>>
    %dma_start3A_39 = arith.constant 0 : i32
    %dma_start3A_40 = arith.constant 0 : i32
    %dma_start3A_41 = arith.constant 0 : i32
    %dma_start3A_42 = tpu.memref_slice %arg6[%dma_start3A_30, %dma_start3A_39, %dma_start3A_40, %dma_start3A_41] : memref<16x17x2x128xf32, #tpu.memory_space<vmem>> -> memref<1x17x2x128xf32, #tpu.memory_space<vmem>>
    %dma_start3A_43 = tpu.memref_squeeze %dma_start3A_42 : memref<1x17x2x128xf32, #tpu.memory_space<vmem>> -> memref<17x2x128xf32, #tpu.memory_space<vmem>>
    %dma_start3A_44 = arith.constant 0 : i32
    %dma_start3A_45 = arith.constant 0 : i32
    %dma_start3A_46 = tpu.memref_slice %arg2[%dma_start3A_44, %dma_start3A_45, %multiple_of3A_29] : memref<17x2x1000000xf32, #tpu.memory_space<hbm>> -> memref<17x2x128xf32, #tpu.memory_space<hbm>>
    tpu.enqueue_dma source(%dma_start3A_46 : memref<17x2x128xf32, #tpu.memory_space<hbm>>) target(%dma_start3A_43 : memref<17x2x128xf32, #tpu.memory_space<vmem>>) target_semaphore(%arg8 : memref<!tpu.dma_semaphore, #tpu.memory_space<semaphore_mem>>)
    %slice3A_47 = vector.extract_strided_slice %get3A_4 {offsets = [2], sizes = [1], strides = [1]} : vector<16xi32> to vector<1xi32>
    %squeeze3A_48 = vector.extract %slice3A_47[0] : i32 from vector<1xi32>
    %shift_right_arithmetic3A_49 = arith.constant 7 : i32
    %shift_right_arithmetic3A_50 = arith.shrsi %squeeze3A_48, %shift_right_arithmetic3A_49 : i32
    %shift_left3A_51 = arith.constant 7 : i32
    %shift_left3A_52 = arith.shli %shift_right_arithmetic3A_50, %shift_left3A_51 : i32
    %multiple_of3A_53 = tpu.assume_multiple %shift_left3A_52, 128 : i32
    %dma_start3A_54 = arith.constant 2 : i32
    %dma_start3A_55 = arith.constant 0 : i32
    %dma_start3A_56 = arith.constant 0 : i32
    %dma_start3A_57 = arith.constant 0 : i32
    %dma_start3A_58 = tpu.memref_slice %arg6[%dma_start3A_54, %dma_start3A_55, %dma_start3A_56, %dma_start3A_57] : memref<16x17x2x128xf32, #tpu.memory_space<vmem>> -> memref<1x17x2x128xf32, #tpu.memory_space<vmem>>
    %dma_start3A_59 = tpu.memref_squeeze %dma_start3A_58 : memref<1x17x2x128xf32, #tpu.memory_space<vmem>> -> memref<17x2x128xf32, #tpu.memory_space<vmem>>
    %dma_start3A_60 = arith.constant 0 : i32
    %dma_start3A_61 = arith.constant 0 : i32
    %dma_start3A_62 = tpu.memref_slice %arg2[%dma_start3A_60, %dma_start3A_61, %multiple_of3A_53] : memref<17x2x1000000xf32, #tpu.memory_space<hbm>> -> memref<17x2x128xf32, #tpu.memory_space<hbm>>
    %dma_start3A_63 = arith.constant 0 : i32
    %dma_start3A_64 = arith.constant 0 : i32
    %dma_start3A_65 = arith.constant 0 : i32
    %dma_start3A_66 = tpu.memref_slice %arg6[%dma_start3A_54, %dma_start3A_63, %dma_start3A_64, %dma_start3A_65] : memref<16x17x2x128xf32, #tpu.memory_space<vmem>> -> memref<1x17x2x128xf32, #tpu.memory_space<vmem>>
    %dma_start3A_67 = tpu.memref_squeeze %dma_start3A_66 : memref<1x17x2x128xf32, #tpu.memory_space<vmem>> -> memref<17x2x128xf32, #tpu.memory_space<vmem>>
    %dma_start3A_68 = arith.constant 0 : i32
    %dma_start3A_69 = arith.constant 0 : i32
    %dma_start3A_70 = tpu.memref_slice %arg2[%dma_start3A_68, %dma_start3A_69, %multiple_of3A_53] : memref<17x2x1000000xf32, #tpu.memory_space<hbm>> -> memref<17x2x128xf32, #tpu.memory_space<hbm>>
    tpu.enqueue_dma source(%dma_start3A_70 : memref<17x2x128xf32, #tpu.memory_space<hbm>>) target(%dma_start3A_67 : memref<17x2x128xf32, #tpu.memory_space<vmem>>) target_semaphore(%arg8 : memref<!tpu.dma_semaphore, #tpu.memory_space<semaphore_mem>>)
    %slice3A_71 = vector.extract_strided_slice %get3A_4 {offsets = [3], sizes = [1], strides = [1]} : vector<16xi32> to vector<1xi32>
    %squeeze3A_72 = vector.extract %slice3A_71[0] : i32 from vector<1xi32>
    %shift_right_arithmetic3A_73 = arith.constant 7 : i32
    %shift_right_arithmetic3A_74 = arith.shrsi %squeeze3A_72, %shift_right_arithmetic3A_73 : i32
    %shift_left3A_75 = arith.constant 7 : i32
    %shift_left3A_76 = arith.shli %shift_right_arithmetic3A_74, %shift_left3A_75 : i32
    %multiple_of3A_77 = tpu.assume_multiple %shift_left3A_76, 128 : i32
    %dma_start3A_78 = arith.constant 3 : i32
    %dma_start3A_79 = arith.constant 0 : i32
    %dma_start3A_80 = arith.constant 0 : i32
    %dma_start3A_81 = arith.constant 0 : i32
    %dma_start3A_82 = tpu.memref_slice %arg6[%dma_start3A_78, %dma_start3A_79, %dma_start3A_80, %dma_start3A_81] : memref<16x17x2x128xf32, #tpu.memory_space<vmem>> -> memref<1x17x2x128xf32, #tpu.memory_space<vmem>>
    %dma_start3A_83 = tpu.memref_squeeze %dma_start3A_82 : memref<1x17x2x128xf32, #tpu.memory_space<vmem>> -> memref<17x2x128xf32, #tpu.memory_space<vmem>>
    %dma_start3A_84 = arith.constant 0 : i32
    %dma_start3A_85 = arith.constant 0 : i32
    %dma_start3A_86 = tpu.memref_slice %arg2[%dma_start3A_84, %dma_start3A_85, %multiple_of3A_77] : memref<17x2x1000000xf32, #tpu.memory_space<hbm>> -> memref<17x2x128xf32, #tpu.memory_space<hbm>>
    %dma_start3A_87 = arith.constant 0 : i32
    %dma_start3A_88 = arith.constant 0 : i32
    %dma_start3A_89 = arith.constant 0 : i32
    %dma_start3A_90 = tpu.memref_slice %arg6[%dma_start3A_78, %dma_start3A_87, %dma_start3A_88, %dma_start3A_89] : memref<16x17x2x128xf32, #tpu.memory_space<vmem>> -> memref<1x17x2x128xf32, #tpu.memory_space<vmem>>
    %dma_start3A_91 = tpu.memref_squeeze %dma_start3A_90 : memref<1x17x2x128xf32, #tpu.memory_space<vmem>> -> memref<17x2x128xf32, #tpu.memory_space<vmem>>
    %dma_start3A_92 = arith.constant 0 : i32
    %dma_start3A_93 = arith.constant 0 : i32
    %dma_start3A_94 = tpu.memref_slice %arg2[%dma_start3A_92, %dma_start3A_93, %multiple_of3A_77] : memref<17x2x1000000xf32, #tpu.memory_space<hbm>> -> memref<17x2x128xf32, #tpu.memory_space<hbm>>
    tpu.enqueue_dma source(%dma_start3A_94 : memref<17x2x128xf32, #tpu.memory_space<hbm>>) target(%dma_start3A_91 : memref<17x2x128xf32, #tpu.memory_space<vmem>>) target_semaphore(%arg8 : memref<!tpu.dma_semaphore, #tpu.memory_space<semaphore_mem>>)
    %slice3A_95 = vector.extract_strided_slice %get3A_4 {offsets = [4], sizes = [1], strides = [1]} : vector<16xi32> to vector<1xi32>
    %squeeze3A_96 = vector.extract %slice3A_95[0] : i32 from vector<1xi32>
    %shift_right_arithmetic3A_97 = arith.constant 7 : i32
    %shift_right_arithmetic3A_98 = arith.shrsi %squeeze3A_96, %shift_right_arithmetic3A_97 : i32
    %shift_left3A_99 = arith.constant 7 : i32
    %shift_left3A_100 = arith.shli %shift_right_arithmetic3A_98, %shift_left3A_99 : i32
    %multiple_of3A_101 = tpu.assume_multiple %shift_left3A_100, 128 : i32
    %dma_start3A_102 = arith.constant 4 : i32
    %dma_start3A_103 = arith.constant 0 : i32
    %dma_start3A_104 = arith.constant 0 : i32
    %dma_start3A_105 = arith.constant 0 : i32
    %dma_start3A_106 = tpu.memref_slice %arg6[%dma_start3A_102, %dma_start3A_103, %dma_start3A_104, %dma_start3A_105] : memref<16x17x2x128xf32, #tpu.memory_space<vmem>> -> memref<1x17x2x128xf32, #tpu.memory_space<vmem>>
    %dma_start3A_107 = tpu.memref_squeeze %dma_start3A_106 : memref<1x17x2x128xf32, #tpu.memory_space<vmem>> -> memref<17x2x128xf32, #tpu.memory_space<vmem>>
    %dma_start3A_108 = arith.constant 0 : i32
    %dma_start3A_109 = arith.constant 0 : i32
    %dma_start3A_110 = tpu.memref_slice %arg2[%dma_start3A_108, %dma_start3A_109, %multiple_of3A_101] : memref<17x2x1000000xf32, #tpu.memory_space<hbm>> -> memref<17x2x128xf32, #tpu.memory_space<hbm>>
    %dma_start3A_111 = arith.constant 0 : i32
    %dma_start3A_112 = arith.constant 0 : i32
    %dma_start3A_113 = arith.constant 0 : i32
    %dma_start3A_114 = tpu.memref_slice %arg6[%dma_start3A_102, %dma_start3A_111, %dma_start3A_112, %dma_start3A_113] : memref<16x17x2x128xf32, #tpu.memory_space<vmem>> -> memref<1x17x2x128xf32, #tpu.memory_space<vmem>>
    %dma_start3A_115 = tpu.memref_squeeze %dma_start3A_114 : memref<1x17x2x128xf32, #tpu.memory_space<vmem>> -> memref<17x2x128xf32, #tpu.memory_space<vmem>>
    %dma_start3A_116 = arith.constant 0 : i32
    %dma_start3A_117 = arith.constant 0 : i32
    %dma_start3A_118 = tpu.memref_slice %arg2[%dma_start3A_116, %dma_start3A_117, %multiple_of3A_101] : memref<17x2x1000000xf32, #tpu.memory_space<hbm>> -> memref<17x2x128xf32, #tpu.memory_space<hbm>>
    tpu.enqueue_dma source(%dma_start3A_118 : memref<17x2x128xf32, #tpu.memory_space<hbm>>) target(%dma_start3A_115 : memref<17x2x128xf32, #tpu.memory_space<vmem>>) target_semaphore(%arg8 : memref<!tpu.dma_semaphore, #tpu.memory_space<semaphore_mem>>)
    %slice3A_119 = vector.extract_strided_slice %get3A_4 {offsets = [5], sizes = [1], strides = [1]} : vector<16xi32> to vector<1xi32>
    %squeeze3A_120 = vector.extract %slice3A_119[0] : i32 from vector<1xi32>
    %shift_right_arithmetic3A_121 = arith.constant 7 : i32
    %shift_right_arithmetic3A_122 = arith.shrsi %squeeze3A_120, %shift_right_arithmetic3A_121 : i32
    %shift_left3A_123 = arith.constant 7 : i32
    %shift_left3A_124 = arith.shli %shift_right_arithmetic3A_122, %shift_left3A_123 : i32
    %multiple_of3A_125 = tpu.assume_multiple %shift_left3A_124, 128 : i32
    %dma_start3A_126 = arith.constant 5 : i32
    %dma_start3A_127 = arith.constant 0 : i32
    %dma_start3A_128 = arith.constant 0 : i32
    %dma_start3A_129 = arith.constant 0 : i32
    %dma_start3A_130 = tpu.memref_slice %arg6[%dma_start3A_126, %dma_start3A_127, %dma_start3A_128, %dma_start3A_129] : memref<16x17x2x128xf32, #tpu.memory_space<vmem>> -> memref<1x17x2x128xf32, #tpu.memory_space<vmem>>
    %dma_start3A_131 = tpu.memref_squeeze %dma_start3A_130 : memref<1x17x2x128xf32, #tpu.memory_space<vmem>> -> memref<17x2x128xf32, #tpu.memory_space<vmem>>
    %dma_start3A_132 = arith.constant 0 : i32
    %dma_start3A_133 = arith.constant 0 : i32
    %dma_start3A_134 = tpu.memref_slice %arg2[%dma_start3A_132, %dma_start3A_133, %multiple_of3A_125] : memref<17x2x1000000xf32, #tpu.memory_space<hbm>> -> memref<17x2x128xf32, #tpu.memory_space<hbm>>
    %dma_start3A_135 = arith.constant 0 : i32
    %dma_start3A_136 = arith.constant 0 : i32
    %dma_start3A_137 = arith.constant 0 : i32
    %dma_start3A_138 = tpu.memref_slice %arg6[%dma_start3A_126, %dma_start3A_135, %dma_start3A_136, %dma_start3A_137] : memref<16x17x2x128xf32, #tpu.memory_space<vmem>> -> memref<1x17x2x128xf32, #tpu.memory_space<vmem>>
    %dma_start3A_139 = tpu.memref_squeeze %dma_start3A_138 : memref<1x17x2x128xf32, #tpu.memory_space<vmem>> -> memref<17x2x128xf32, #tpu.memory_space<vmem>>
    %dma_start3A_140 = arith.constant 0 : i32
    %dma_start3A_141 = arith.constant 0 : i32
    %dma_start3A_142 = tpu.memref_slice %arg2[%dma_start3A_140, %dma_start3A_141, %multiple_of3A_125] : memref<17x2x1000000xf32, #tpu.memory_space<hbm>> -> memref<17x2x128xf32, #tpu.memory_space<hbm>>
    tpu.enqueue_dma source(%dma_start3A_142 : memref<17x2x128xf32, #tpu.memory_space<hbm>>) target(%dma_start3A_139 : memref<17x2x128xf32, #tpu.memory_space<vmem>>) target_semaphore(%arg8 : memref<!tpu.dma_semaphore, #tpu.memory_space<semaphore_mem>>)
    %slice3A_143 = vector.extract_strided_slice %get3A_4 {offsets = [6], sizes = [1], strides = [1]} : vector<16xi32> to vector<1xi32>
    %squeeze3A_144 = vector.extract %slice3A_143[0] : i32 from vector<1xi32>
    %shift_right_arithmetic3A_145 = arith.constant 7 : i32
    %shift_right_arithmetic3A_146 = arith.shrsi %squeeze3A_144, %shift_right_arithmetic3A_145 : i32
    %shift_left3A_147 = arith.constant 7 : i32
    %shift_left3A_148 = arith.shli %shift_right_arithmetic3A_146, %shift_left3A_147 : i32
    %multiple_of3A_149 = tpu.assume_multiple %shift_left3A_148, 128 : i32
    %dma_start3A_150 = arith.constant 6 : i32
    %dma_start3A_151 = arith.constant 0 : i32
    %dma_start3A_152 = arith.constant 0 : i32
    %dma_start3A_153 = arith.constant 0 : i32
    %dma_start3A_154 = tpu.memref_slice %arg6[%dma_start3A_150, %dma_start3A_151, %dma_start3A_152, %dma_start3A_153] : memref<16x17x2x128xf32, #tpu.memory_space<vmem>> -> memref<1x17x2x128xf32, #tpu.memory_space<vmem>>
    %dma_start3A_155 = tpu.memref_squeeze %dma_start3A_154 : memref<1x17x2x128xf32, #tpu.memory_space<vmem>> -> memref<17x2x128xf32, #tpu.memory_space<vmem>>
    %dma_start3A_156 = arith.constant 0 : i32
    %dma_start3A_157 = arith.constant 0 : i32
    %dma_start3A_158 = tpu.memref_slice %arg2[%dma_start3A_156, %dma_start3A_157, %multiple_of3A_149] : memref<17x2x1000000xf32, #tpu.memory_space<hbm>> -> memref<17x2x128xf32, #tpu.memory_space<hbm>>
    %dma_start3A_159 = arith.constant 0 : i32
    %dma_start3A_160 = arith.constant 0 : i32
    %dma_start3A_161 = arith.constant 0 : i32
    %dma_start3A_162 = tpu.memref_slice %arg6[%dma_start3A_150, %dma_start3A_159, %dma_start3A_160, %dma_start3A_161] : memref<16x17x2x128xf32, #tpu.memory_space<vmem>> -> memref<1x17x2x128xf32, #tpu.memory_space<vmem>>
    %dma_start3A_163 = tpu.memref_squeeze %dma_start3A_162 : memref<1x17x2x128xf32, #tpu.memory_space<vmem>> -> memref<17x2x128xf32, #tpu.memory_space<vmem>>
    %dma_start3A_164 = arith.constant 0 : i32
    %dma_start3A_165 = arith.constant 0 : i32
    %dma_start3A_166 = tpu.memref_slice %arg2[%dma_start3A_164, %dma_start3A_165, %multiple_of3A_149] : memref<17x2x1000000xf32, #tpu.memory_space<hbm>> -> memref<17x2x128xf32, #tpu.memory_space<hbm>>
    tpu.enqueue_dma source(%dma_start3A_166 : memref<17x2x128xf32, #tpu.memory_space<hbm>>) target(%dma_start3A_163 : memref<17x2x128xf32, #tpu.memory_space<vmem>>) target_semaphore(%arg8 : memref<!tpu.dma_semaphore, #tpu.memory_space<semaphore_mem>>)
    %slice3A_167 = vector.extract_strided_slice %get3A_4 {offsets = [7], sizes = [1], strides = [1]} : vector<16xi32> to vector<1xi32>
    %squeeze3A_168 = vector.extract %slice3A_167[0] : i32 from vector<1xi32>
    %shift_right_arithmetic3A_169 = arith.constant 7 : i32
    %shift_right_arithmetic3A_170 = arith.shrsi %squeeze3A_168, %shift_right_arithmetic3A_169 : i32
    %shift_left3A_171 = arith.constant 7 : i32
    %shift_left3A_172 = arith.shli %shift_right_arithmetic3A_170, %shift_left3A_171 : i32
    %multiple_of3A_173 = tpu.assume_multiple %shift_left3A_172, 128 : i32
    %dma_start3A_174 = arith.constant 7 : i32
    %dma_start3A_175 = arith.constant 0 : i32
    %dma_start3A_176 = arith.constant 0 : i32
    %dma_start3A_177 = arith.constant 0 : i32
    %dma_start3A_178 = tpu.memref_slice %arg6[%dma_start3A_174, %dma_start3A_175, %dma_start3A_176, %dma_start3A_177] : memref<16x17x2x128xf32, #tpu.memory_space<vmem>> -> memref<1x17x2x128xf32, #tpu.memory_space<vmem>>
    %dma_start3A_179 = tpu.memref_squeeze %dma_start3A_178 : memref<1x17x2x128xf32, #tpu.memory_space<vmem>> -> memref<17x2x128xf32, #tpu.memory_space<vmem>>
    %dma_start3A_180 = arith.constant 0 : i32
    %dma_start3A_181 = arith.constant 0 : i32
    %dma_start3A_182 = tpu.memref_slice %arg2[%dma_start3A_180, %dma_start3A_181, %multiple_of3A_173] : memref<17x2x1000000xf32, #tpu.memory_space<hbm>> -> memref<17x2x128xf32, #tpu.memory_space<hbm>>
    %dma_start3A_183 = arith.constant 0 : i32
    %dma_start3A_184 = arith.constant 0 : i32
    %dma_start3A_185 = arith.constant 0 : i32
    %dma_start3A_186 = tpu.memref_slice %arg6[%dma_start3A_174, %dma_start3A_183, %dma_start3A_184, %dma_start3A_185] : memref<16x17x2x128xf32, #tpu.memory_space<vmem>> -> memref<1x17x2x128xf32, #tpu.memory_space<vmem>>
    %dma_start3A_187 = tpu.memref_squeeze %dma_start3A_186 : memref<1x17x2x128xf32, #tpu.memory_space<vmem>> -> memref<17x2x128xf32, #tpu.memory_space<vmem>>
    %dma_start3A_188 = arith.constant 0 : i32
    %dma_start3A_189 = arith.constant 0 : i32
    %dma_start3A_190 = tpu.memref_slice %arg2[%dma_start3A_188, %dma_start3A_189, %multiple_of3A_173] : memref<17x2x1000000xf32, #tpu.memory_space<hbm>> -> memref<17x2x128xf32, #tpu.memory_space<hbm>>
    tpu.enqueue_dma source(%dma_start3A_190 : memref<17x2x128xf32, #tpu.memory_space<hbm>>) target(%dma_start3A_187 : memref<17x2x128xf32, #tpu.memory_space<vmem>>) target_semaphore(%arg8 : memref<!tpu.dma_semaphore, #tpu.memory_space<semaphore_mem>>)
    %scan3A = arith.constant 0 : i32
    %scan3A_191 = arith.constant 0 : i32
    %scan3A_192 = arith.constant 31 : i32
    %scan3A_193 = arith.addi %scan3A_191, %scan3A_192 : i32
    %scan3A_194 = arith.constant 1 : i32
    scf.for %scan3A_1094 = %scan3A_191 to %scan3A_193 step %scan3A_194  : i32 {
      %mul3A_1095 = arith.constant 2 : i32
      %mul3A_1096 = arith.muli %scan3A_1094, %mul3A_1095 : i32
      %add3A_1097 = arith.constant 1 : i32
      %add3A_1098 = arith.addi %mul3A_1096, %add3A_1097 : i32
      %mul3A_1099 = arith.constant 8 : i32
      %mul3A_1100 = arith.muli %add3A_1098, %mul3A_1099 : i32
      %get3A_1101 = arith.index_cast %mul3A_1100 : i32 to index
      %get3A_1102 = tpu.vector_load %arg5[%get3A_1101] {strides = array<i32>} : memref<528xi32, #tpu.memory_space<vmem>>, vector<16xi32>,
      %slice3A_1103 = vector.extract_strided_slice %get3A_1102 {offsets = [0], sizes = [1], strides = [1]} : vector<16xi32> to vector<1xi32>
      %squeeze3A_1104 = vector.extract %slice3A_1103[0] : i32 from vector<1xi32>
      %shift_right_arithmetic3A_1105 = arith.constant 7 : i32
      %shift_right_arithmetic3A_1106 = arith.shrsi %squeeze3A_1104, %shift_right_arithmetic3A_1105 : i32
      %shift_left3A_1107 = arith.constant 7 : i32
      %shift_left3A_1108 = arith.shli %shift_right_arithmetic3A_1106, %shift_left3A_1107 : i32
      %multiple_of3A_1109 = tpu.assume_multiple %shift_left3A_1108, 128 : i32
      %dma_start3A_1110 = arith.constant 8 : i32
      %dma_start3A_1111 = arith.constant 0 : i32
      %dma_start3A_1112 = arith.constant 0 : i32
      %dma_start3A_1113 = arith.constant 0 : i32
      %dma_start3A_1114 = tpu.memref_slice %arg6[%dma_start3A_1110, %dma_start3A_1111, %dma_start3A_1112, %dma_start3A_1113] : memref<16x17x2x128xf32, #tpu.memory_space<vmem>> -> memref<1x17x2x128xf32, #tpu.memory_space<vmem>>
      %dma_start3A_1115 = tpu.memref_squeeze %dma_start3A_1114 : memref<1x17x2x128xf32, #tpu.memory_space<vmem>> -> memref<17x2x128xf32, #tpu.memory_space<vmem>>
      %dma_start3A_1116 = arith.constant 0 : i32
      %dma_start3A_1117 = arith.constant 0 : i32
      %dma_start3A_1118 = tpu.memref_slice %arg2[%dma_start3A_1116, %dma_start3A_1117, %multiple_of3A_1109] : memref<17x2x1000000xf32, #tpu.memory_space<hbm>> -> memref<17x2x128xf32, #tpu.memory_space<hbm>>
      %dma_start3A_1119 = arith.constant 0 : i32
      %dma_start3A_1120 = arith.constant 0 : i32
      %dma_start3A_1121 = arith.constant 0 : i32
      %dma_start3A_1122 = tpu.memref_slice %arg6[%dma_start3A_1110, %dma_start3A_1119, %dma_start3A_1120, %dma_start3A_1121] : memref<16x17x2x128xf32, #tpu.memory_space<vmem>> -> memref<1x17x2x128xf32, #tpu.memory_space<vmem>>
      %dma_start3A_1123 = tpu.memref_squeeze %dma_start3A_1122 : memref<1x17x2x128xf32, #tpu.memory_space<vmem>> -> memref<17x2x128xf32, #tpu.memory_space<vmem>>
      %dma_start3A_1124 = arith.constant 0 : i32
      %dma_start3A_1125 = arith.constant 0 : i32
      %dma_start3A_1126 = tpu.memref_slice %arg2[%dma_start3A_1124, %dma_start3A_1125, %multiple_of3A_1109] : memref<17x2x1000000xf32, #tpu.memory_space<hbm>> -> memref<17x2x128xf32, #tpu.memory_space<hbm>>
      tpu.enqueue_dma source(%dma_start3A_1126 : memref<17x2x128xf32, #tpu.memory_space<hbm>>) target(%dma_start3A_1123 : memref<17x2x128xf32, #tpu.memory_space<vmem>>) target_semaphore(%arg9 : memref<!tpu.dma_semaphore, #tpu.memory_space<semaphore_mem>>)
      %slice3A_1127 = vector.extract_strided_slice %get3A_1102 {offsets = [1], sizes = [1], strides = [1]} : vector<16xi32> to vector<1xi32>
      %squeeze3A_1128 = vector.extract %slice3A_1127[0] : i32 from vector<1xi32>
      %shift_right_arithmetic3A_1129 = arith.constant 7 : i32
      %shift_right_arithmetic3A_1130 = arith.shrsi %squeeze3A_1128, %shift_right_arithmetic3A_1129 : i32
      %shift_left3A_1131 = arith.constant 7 : i32
      %shift_left3A_1132 = arith.shli %shift_right_arithmetic3A_1130, %shift_left3A_1131 : i32
      %multiple_of3A_1133 = tpu.assume_multiple %shift_left3A_1132, 128 : i32
      %dma_start3A_1134 = arith.constant 9 : i32
      %dma_start3A_1135 = arith.constant 0 : i32
      %dma_start3A_1136 = arith.constant 0 : i32
      %dma_start3A_1137 = arith.constant 0 : i32
      %dma_start3A_1138 = tpu.memref_slice %arg6[%dma_start3A_1134, %dma_start3A_1135, %dma_start3A_1136, %dma_start3A_1137] : memref<16x17x2x128xf32, #tpu.memory_space<vmem>> -> memref<1x17x2x128xf32, #tpu.memory_space<vmem>>
      %dma_start3A_1139 = tpu.memref_squeeze %dma_start3A_1138 : memref<1x17x2x128xf32, #tpu.memory_space<vmem>> -> memref<17x2x128xf32, #tpu.memory_space<vmem>>
      %dma_start3A_1140 = arith.constant 0 : i32
      %dma_start3A_1141 = arith.constant 0 : i32
      %dma_start3A_1142 = tpu.memref_slice %arg2[%dma_start3A_1140, %dma_start3A_1141, %multiple_of3A_1133] : memref<17x2x1000000xf32, #tpu.memory_space<hbm>> -> memref<17x2x128xf32, #tpu.memory_space<hbm>>
      %dma_start3A_1143 = arith.constant 0 : i32
      %dma_start3A_1144 = arith.constant 0 : i32
      %dma_start3A_1145 = arith.constant 0 : i32
      %dma_start3A_1146 = tpu.memref_slice %arg6[%dma_start3A_1134, %dma_start3A_1143, %dma_start3A_1144, %dma_start3A_1145] : memref<16x17x2x128xf32, #tpu.memory_space<vmem>> -> memref<1x17x2x128xf32, #tpu.memory_space<vmem>>
      %dma_start3A_1147 = tpu.memref_squeeze %dma_start3A_1146 : memref<1x17x2x128xf32, #tpu.memory_space<vmem>> -> memref<17x2x128xf32, #tpu.memory_space<vmem>>
      %dma_start3A_1148 = arith.constant 0 : i32
      %dma_start3A_1149 = arith.constant 0 : i32
      %dma_start3A_1150 = tpu.memref_slice %arg2[%dma_start3A_1148, %dma_start3A_1149, %multiple_of3A_1133] : memref<17x2x1000000xf32, #tpu.memory_space<hbm>> -> memref<17x2x128xf32, #tpu.memory_space<hbm>>
      tpu.enqueue_dma source(%dma_start3A_1150 : memref<17x2x128xf32, #tpu.memory_space<hbm>>) target(%dma_start3A_1147 : memref<17x2x128xf32, #tpu.memory_space<vmem>>) target_semaphore(%arg9 : memref<!tpu.dma_semaphore, #tpu.memory_space<semaphore_mem>>)
      %slice3A_1151 = vector.extract_strided_slice %get3A_1102 {offsets = [2], sizes = [1], strides = [1]} : vector<16xi32> to vector<1xi32>
      %squeeze3A_1152 = vector.extract %slice3A_1151[0] : i32 from vector<1xi32>
      %shift_right_arithmetic3A_1153 = arith.constant 7 : i32
      %shift_right_arithmetic3A_1154 = arith.shrsi %squeeze3A_1152, %shift_right_arithmetic3A_1153 : i32
      %shift_left3A_1155 = arith.constant 7 : i32
      %shift_left3A_1156 = arith.shli %shift_right_arithmetic3A_1154, %shift_left3A_1155 : i32
      %multiple_of3A_1157 = tpu.assume_multiple %shift_left3A_1156, 128 : i32
      %dma_start3A_1158 = arith.constant 10 : i32
      %dma_start3A_1159 = arith.constant 0 : i32
      %dma_start3A_1160 = arith.constant 0 : i32
      %dma_start3A_1161 = arith.constant 0 : i32
      %dma_start3A_1162 = tpu.memref_slice %arg6[%dma_start3A_1158, %dma_start3A_1159, %dma_start3A_1160, %dma_start3A_1161] : memref<16x17x2x128xf32, #tpu.memory_space<vmem>> -> memref<1x17x2x128xf32, #tpu.memory_space<vmem>>
      %dma_start3A_1163 = tpu.memref_squeeze %dma_start3A_1162 : memref<1x17x2x128xf32, #tpu.memory_space<vmem>> -> memref<17x2x128xf32, #tpu.memory_space<vmem>>
      %dma_start3A_1164 = arith.constant 0 : i32
      %dma_start3A_1165 = arith.constant 0 : i32
      %dma_start3A_1166 = tpu.memref_slice %arg2[%dma_start3A_1164, %dma_start3A_1165, %multiple_of3A_1157] : memref<17x2x1000000xf32, #tpu.memory_space<hbm>> -> memref<17x2x128xf32, #tpu.memory_space<hbm>>
      %dma_start3A_1167 = arith.constant 0 : i32
      %dma_start3A_1168 = arith.constant 0 : i32
      %dma_start3A_1169 = arith.constant 0 : i32
      %dma_start3A_1170 = tpu.memref_slice %arg6[%dma_start3A_1158, %dma_start3A_1167, %dma_start3A_1168, %dma_start3A_1169] : memref<16x17x2x128xf32, #tpu.memory_space<vmem>> -> memref<1x17x2x128xf32, #tpu.memory_space<vmem>>
      %dma_start3A_1171 = tpu.memref_squeeze %dma_start3A_1170 : memref<1x17x2x128xf32, #tpu.memory_space<vmem>> -> memref<17x2x128xf32, #tpu.memory_space<vmem>>
      %dma_start3A_1172 = arith.constant 0 : i32
      %dma_start3A_1173 = arith.constant 0 : i32
      %dma_start3A_1174 = tpu.memref_slice %arg2[%dma_start3A_1172, %dma_start3A_1173, %multiple_of3A_1157] : memref<17x2x1000000xf32, #tpu.memory_space<hbm>> -> memref<17x2x128xf32, #tpu.memory_space<hbm>>
      tpu.enqueue_dma source(%dma_start3A_1174 : memref<17x2x128xf32, #tpu.memory_space<hbm>>) target(%dma_start3A_1171 : memref<17x2x128xf32, #tpu.memory_space<vmem>>) target_semaphore(%arg9 : memref<!tpu.dma_semaphore, #tpu.memory_space<semaphore_mem>>)
      %slice3A_1175 = vector.extract_strided_slice %get3A_1102 {offsets = [3], sizes = [1], strides = [1]} : vector<16xi32> to vector<1xi32>
      %squeeze3A_1176 = vector.extract %slice3A_1175[0] : i32 from vector<1xi32>
      %shift_right_arithmetic3A_1177 = arith.constant 7 : i32
      %shift_right_arithmetic3A_1178 = arith.shrsi %squeeze3A_1176, %shift_right_arithmetic3A_1177 : i32
      %shift_left3A_1179 = arith.constant 7 : i32
      %shift_left3A_1180 = arith.shli %shift_right_arithmetic3A_1178, %shift_left3A_1179 : i32
      %multiple_of3A_1181 = tpu.assume_multiple %shift_left3A_1180, 128 : i32
      %dma_start3A_1182 = arith.constant 11 : i32
      %dma_start3A_1183 = arith.constant 0 : i32
      %dma_start3A_1184 = arith.constant 0 : i32
      %dma_start3A_1185 = arith.constant 0 : i32
      %dma_start3A_1186 = tpu.memref_slice %arg6[%dma_start3A_1182, %dma_start3A_1183, %dma_start3A_1184, %dma_start3A_1185] : memref<16x17x2x128xf32, #tpu.memory_space<vmem>> -> memref<1x17x2x128xf32, #tpu.memory_space<vmem>>
      %dma_start3A_1187 = tpu.memref_squeeze %dma_start3A_1186 : memref<1x17x2x128xf32, #tpu.memory_space<vmem>> -> memref<17x2x128xf32, #tpu.memory_space<vmem>>
      %dma_start3A_1188 = arith.constant 0 : i32
      %dma_start3A_1189 = arith.constant 0 : i32
      %dma_start3A_1190 = tpu.memref_slice %arg2[%dma_start3A_1188, %dma_start3A_1189, %multiple_of3A_1181] : memref<17x2x1000000xf32, #tpu.memory_space<hbm>> -> memref<17x2x128xf32, #tpu.memory_space<hbm>>
      %dma_start3A_1191 = arith.constant 0 : i32
      %dma_start3A_1192 = arith.constant 0 : i32
      %dma_start3A_1193 = arith.constant 0 : i32
      %dma_start3A_1194 = tpu.memref_slice %arg6[%dma_start3A_1182, %dma_start3A_1191, %dma_start3A_1192, %dma_start3A_1193] : memref<16x17x2x128xf32, #tpu.memory_space<vmem>> -> memref<1x17x2x128xf32, #tpu.memory_space<vmem>>
      %dma_start3A_1195 = tpu.memref_squeeze %dma_start3A_1194 : memref<1x17x2x128xf32, #tpu.memory_space<vmem>> -> memref<17x2x128xf32, #tpu.memory_space<vmem>>
      %dma_start3A_1196 = arith.constant 0 : i32
      %dma_start3A_1197 = arith.constant 0 : i32
      %dma_start3A_1198 = tpu.memref_slice %arg2[%dma_start3A_1196, %dma_start3A_1197, %multiple_of3A_1181] : memref<17x2x1000000xf32, #tpu.memory_space<hbm>> -> memref<17x2x128xf32, #tpu.memory_space<hbm>>
      tpu.enqueue_dma source(%dma_start3A_1198 : memref<17x2x128xf32, #tpu.memory_space<hbm>>) target(%dma_start3A_1195 : memref<17x2x128xf32, #tpu.memory_space<vmem>>) target_semaphore(%arg9 : memref<!tpu.dma_semaphore, #tpu.memory_space<semaphore_mem>>)
      %slice3A_1199 = vector.extract_strided_slice %get3A_1102 {offsets = [4], sizes = [1], strides = [1]} : vector<16xi32> to vector<1xi32>
      %squeeze3A_1200 = vector.extract %slice3A_1199[0] : i32 from vector<1xi32>
      %shift_right_arithmetic3A_1201 = arith.constant 7 : i32
      %shift_right_arithmetic3A_1202 = arith.shrsi %squeeze3A_1200, %shift_right_arithmetic3A_1201 : i32
      %shift_left3A_1203 = arith.constant 7 : i32
      %shift_left3A_1204 = arith.shli %shift_right_arithmetic3A_1202, %shift_left3A_1203 : i32
      %multiple_of3A_1205 = tpu.assume_multiple %shift_left3A_1204, 128 : i32
      %dma_start3A_1206 = arith.constant 12 : i32
      %dma_start3A_1207 = arith.constant 0 : i32
      %dma_start3A_1208 = arith.constant 0 : i32
      %dma_start3A_1209 = arith.constant 0 : i32
      %dma_start3A_1210 = tpu.memref_slice %arg6[%dma_start3A_1206, %dma_start3A_1207, %dma_start3A_1208, %dma_start3A_1209] : memref<16x17x2x128xf32, #tpu.memory_space<vmem>> -> memref<1x17x2x128xf32, #tpu.memory_space<vmem>>
      %dma_start3A_1211 = tpu.memref_squeeze %dma_start3A_1210 : memref<1x17x2x128xf32, #tpu.memory_space<vmem>> -> memref<17x2x128xf32, #tpu.memory_space<vmem>>
      %dma_start3A_1212 = arith.constant 0 : i32
      %dma_start3A_1213 = arith.constant 0 : i32
      %dma_start3A_1214 = tpu.memref_slice %arg2[%dma_start3A_1212, %dma_start3A_1213, %multiple_of3A_1205] : memref<17x2x1000000xf32, #tpu.memory_space<hbm>> -> memref<17x2x128xf32, #tpu.memory_space<hbm>>
      %dma_start3A_1215 = arith.constant 0 : i32
      %dma_start3A_1216 = arith.constant 0 : i32
      %dma_start3A_1217 = arith.constant 0 : i32
      %dma_start3A_1218 = tpu.memref_slice %arg6[%dma_start3A_1206, %dma_start3A_1215, %dma_start3A_1216, %dma_start3A_1217] : memref<16x17x2x128xf32, #tpu.memory_space<vmem>> -> memref<1x17x2x128xf32, #tpu.memory_space<vmem>>
      %dma_start3A_1219 = tpu.memref_squeeze %dma_start3A_1218 : memref<1x17x2x128xf32, #tpu.memory_space<vmem>> -> memref<17x2x128xf32, #tpu.memory_space<vmem>>
      %dma_start3A_1220 = arith.constant 0 : i32
      %dma_start3A_1221 = arith.constant 0 : i32
      %dma_start3A_1222 = tpu.memref_slice %arg2[%dma_start3A_1220, %dma_start3A_1221, %multiple_of3A_1205] : memref<17x2x1000000xf32, #tpu.memory_space<hbm>> -> memref<17x2x128xf32, #tpu.memory_space<hbm>>
      tpu.enqueue_dma source(%dma_start3A_1222 : memref<17x2x128xf32, #tpu.memory_space<hbm>>) target(%dma_start3A_1219 : memref<17x2x128xf32, #tpu.memory_space<vmem>>) target_semaphore(%arg9 : memref<!tpu.dma_semaphore, #tpu.memory_space<semaphore_mem>>)
      %slice3A_1223 = vector.extract_strided_slice %get3A_1102 {offsets = [5], sizes = [1], strides = [1]} : vector<16xi32> to vector<1xi32>
      %squeeze3A_1224 = vector.extract %slice3A_1223[0] : i32 from vector<1xi32>
      %shift_right_arithmetic3A_1225 = arith.constant 7 : i32
      %shift_right_arithmetic3A_1226 = arith.shrsi %squeeze3A_1224, %shift_right_arithmetic3A_1225 : i32
      %shift_left3A_1227 = arith.constant 7 : i32
      %shift_left3A_1228 = arith.shli %shift_right_arithmetic3A_1226, %shift_left3A_1227 : i32
      %multiple_of3A_1229 = tpu.assume_multiple %shift_left3A_1228, 128 : i32
      %dma_start3A_1230 = arith.constant 13 : i32
      %dma_start3A_1231 = arith.constant 0 : i32
      %dma_start3A_1232 = arith.constant 0 : i32
      %dma_start3A_1233 = arith.constant 0 : i32
      %dma_start3A_1234 = tpu.memref_slice %arg6[%dma_start3A_1230, %dma_start3A_1231, %dma_start3A_1232, %dma_start3A_1233] : memref<16x17x2x128xf32, #tpu.memory_space<vmem>> -> memref<1x17x2x128xf32, #tpu.memory_space<vmem>>
      %dma_start3A_1235 = tpu.memref_squeeze %dma_start3A_1234 : memref<1x17x2x128xf32, #tpu.memory_space<vmem>> -> memref<17x2x128xf32, #tpu.memory_space<vmem>>
      %dma_start3A_1236 = arith.constant 0 : i32
      %dma_start3A_1237 = arith.constant 0 : i32
      %dma_start3A_1238 = tpu.memref_slice %arg2[%dma_start3A_1236, %dma_start3A_1237, %multiple_of3A_1229] : memref<17x2x1000000xf32, #tpu.memory_space<hbm>> -> memref<17x2x128xf32, #tpu.memory_space<hbm>>
      %dma_start3A_1239 = arith.constant 0 : i32
      %dma_start3A_1240 = arith.constant 0 : i32
      %dma_start3A_1241 = arith.constant 0 : i32
      %dma_start3A_1242 = tpu.memref_slice %arg6[%dma_start3A_1230, %dma_start3A_1239, %dma_start3A_1240, %dma_start3A_1241] : memref<16x17x2x128xf32, #tpu.memory_space<vmem>> -> memref<1x17x2x128xf32, #tpu.memory_space<vmem>>
      %dma_start3A_1243 = tpu.memref_squeeze %dma_start3A_1242 : memref<1x17x2x128xf32, #tpu.memory_space<vmem>> -> memref<17x2x128xf32, #tpu.memory_space<vmem>>
      %dma_start3A_1244 = arith.constant 0 : i32
      %dma_start3A_1245 = arith.constant 0 : i32
      %dma_start3A_1246 = tpu.memref_slice %arg2[%dma_start3A_1244, %dma_start3A_1245, %multiple_of3A_1229] : memref<17x2x1000000xf32, #tpu.memory_space<hbm>> -> memref<17x2x128xf32, #tpu.memory_space<hbm>>
      tpu.enqueue_dma source(%dma_start3A_1246 : memref<17x2x128xf32, #tpu.memory_space<hbm>>) target(%dma_start3A_1243 : memref<17x2x128xf32, #tpu.memory_space<vmem>>) target_semaphore(%arg9 : memref<!tpu.dma_semaphore, #tpu.memory_space<semaphore_mem>>)
      %slice3A_1247 = vector.extract_strided_slice %get3A_1102 {offsets = [6], sizes = [1], strides = [1]} : vector<16xi32> to vector<1xi32>
      %squeeze3A_1248 = vector.extract %slice3A_1247[0] : i32 from vector<1xi32>
      %shift_right_arithmetic3A_1249 = arith.constant 7 : i32
      %shift_right_arithmetic3A_1250 = arith.shrsi %squeeze3A_1248, %shift_right_arithmetic3A_1249 : i32
      %shift_left3A_1251 = arith.constant 7 : i32
      %shift_left3A_1252 = arith.shli %shift_right_arithmetic3A_1250, %shift_left3A_1251 : i32
      %multiple_of3A_1253 = tpu.assume_multiple %shift_left3A_1252, 128 : i32
      %dma_start3A_1254 = arith.constant 14 : i32
      %dma_start3A_1255 = arith.constant 0 : i32
      %dma_start3A_1256 = arith.constant 0 : i32
      %dma_start3A_1257 = arith.constant 0 : i32
      %dma_start3A_1258 = tpu.memref_slice %arg6[%dma_start3A_1254, %dma_start3A_1255, %dma_start3A_1256, %dma_start3A_1257] : memref<16x17x2x128xf32, #tpu.memory_space<vmem>> -> memref<1x17x2x128xf32, #tpu.memory_space<vmem>>
      %dma_start3A_1259 = tpu.memref_squeeze %dma_start3A_1258 : memref<1x17x2x128xf32, #tpu.memory_space<vmem>> -> memref<17x2x128xf32, #tpu.memory_space<vmem>>
      %dma_start3A_1260 = arith.constant 0 : i32
      %dma_start3A_1261 = arith.constant 0 : i32
      %dma_start3A_1262 = tpu.memref_slice %arg2[%dma_start3A_1260, %dma_start3A_1261, %multiple_of3A_1253] : memref<17x2x1000000xf32, #tpu.memory_space<hbm>> -> memref<17x2x128xf32, #tpu.memory_space<hbm>>
      %dma_start3A_1263 = arith.constant 0 : i32
      %dma_start3A_1264 = arith.constant 0 : i32
      %dma_start3A_1265 = arith.constant 0 : i32
      %dma_start3A_1266 = tpu.memref_slice %arg6[%dma_start3A_1254, %dma_start3A_1263, %dma_start3A_1264, %dma_start3A_1265] : memref<16x17x2x128xf32, #tpu.memory_space<vmem>> -> memref<1x17x2x128xf32, #tpu.memory_space<vmem>>
      %dma_start3A_1267 = tpu.memref_squeeze %dma_start3A_1266 : memref<1x17x2x128xf32, #tpu.memory_space<vmem>> -> memref<17x2x128xf32, #tpu.memory_space<vmem>>
      %dma_start3A_1268 = arith.constant 0 : i32
      %dma_start3A_1269 = arith.constant 0 : i32
      %dma_start3A_1270 = tpu.memref_slice %arg2[%dma_start3A_1268, %dma_start3A_1269, %multiple_of3A_1253] : memref<17x2x1000000xf32, #tpu.memory_space<hbm>> -> memref<17x2x128xf32, #tpu.memory_space<hbm>>
      tpu.enqueue_dma source(%dma_start3A_1270 : memref<17x2x128xf32, #tpu.memory_space<hbm>>) target(%dma_start3A_1267 : memref<17x2x128xf32, #tpu.memory_space<vmem>>) target_semaphore(%arg9 : memref<!tpu.dma_semaphore, #tpu.memory_space<semaphore_mem>>)
      %slice3A_1271 = vector.extract_strided_slice %get3A_1102 {offsets = [7], sizes = [1], strides = [1]} : vector<16xi32> to vector<1xi32>
      %squeeze3A_1272 = vector.extract %slice3A_1271[0] : i32 from vector<1xi32>
      %shift_right_arithmetic3A_1273 = arith.constant 7 : i32
      %shift_right_arithmetic3A_1274 = arith.shrsi %squeeze3A_1272, %shift_right_arithmetic3A_1273 : i32
      %shift_left3A_1275 = arith.constant 7 : i32
      %shift_left3A_1276 = arith.shli %shift_right_arithmetic3A_1274, %shift_left3A_1275 : i32
      %multiple_of3A_1277 = tpu.assume_multiple %shift_left3A_1276, 128 : i32
      %dma_start3A_1278 = arith.constant 15 : i32
      %dma_start3A_1279 = arith.constant 0 : i32
      %dma_start3A_1280 = arith.constant 0 : i32
      %dma_start3A_1281 = arith.constant 0 : i32
      %dma_start3A_1282 = tpu.memref_slice %arg6[%dma_start3A_1278, %dma_start3A_1279, %dma_start3A_1280, %dma_start3A_1281] : memref<16x17x2x128xf32, #tpu.memory_space<vmem>> -> memref<1x17x2x128xf32, #tpu.memory_space<vmem>>
      %dma_start3A_1283 = tpu.memref_squeeze %dma_start3A_1282 : memref<1x17x2x128xf32, #tpu.memory_space<vmem>> -> memref<17x2x128xf32, #tpu.memory_space<vmem>>
      %dma_start3A_1284 = arith.constant 0 : i32
      %dma_start3A_1285 = arith.constant 0 : i32
      %dma_start3A_1286 = tpu.memref_slice %arg2[%dma_start3A_1284, %dma_start3A_1285, %multiple_of3A_1277] : memref<17x2x1000000xf32, #tpu.memory_space<hbm>> -> memref<17x2x128xf32, #tpu.memory_space<hbm>>
      %dma_start3A_1287 = arith.constant 0 : i32
      %dma_start3A_1288 = arith.constant 0 : i32
      %dma_start3A_1289 = arith.constant 0 : i32
      %dma_start3A_1290 = tpu.memref_slice %arg6[%dma_start3A_1278, %dma_start3A_1287, %dma_start3A_1288, %dma_start3A_1289] : memref<16x17x2x128xf32, #tpu.memory_space<vmem>> -> memref<1x17x2x128xf32, #tpu.memory_space<vmem>>
      %dma_start3A_1291 = tpu.memref_squeeze %dma_start3A_1290 : memref<1x17x2x128xf32, #tpu.memory_space<vmem>> -> memref<17x2x128xf32, #tpu.memory_space<vmem>>
      %dma_start3A_1292 = arith.constant 0 : i32
      %dma_start3A_1293 = arith.constant 0 : i32
      %dma_start3A_1294 = tpu.memref_slice %arg2[%dma_start3A_1292, %dma_start3A_1293, %multiple_of3A_1277] : memref<17x2x1000000xf32, #tpu.memory_space<hbm>> -> memref<17x2x128xf32, #tpu.memory_space<hbm>>
      tpu.enqueue_dma source(%dma_start3A_1294 : memref<17x2x128xf32, #tpu.memory_space<hbm>>) target(%dma_start3A_1291 : memref<17x2x128xf32, #tpu.memory_space<vmem>>) target_semaphore(%arg9 : memref<!tpu.dma_semaphore, #tpu.memory_space<semaphore_mem>>)
      %mul3A_1295 = arith.constant 8 : i32
      %mul3A_1296 = arith.muli %mul3A_1096, %mul3A_1295 : i32
      %get3A_1297 = arith.index_cast %mul3A_1296 : i32 to index
      %get3A_1298 = tpu.vector_load %arg5[%get3A_1297] {strides = array<i32>} : memref<528xi32, #tpu.memory_space<vmem>>, vector<16xi32>,
      %dma_wait3A_1299 = arith.constant 0 : i32
      %dma_wait3A_1300 = arith.constant 0 : i32
      %dma_wait3A_1301 = arith.constant 0 : i32
      %dma_wait3A_1302 = arith.constant 0 : i32
      %dma_wait3A_1303 = tpu.memref_slice %arg6[%dma_wait3A_1299, %dma_wait3A_1300, %dma_wait3A_1301, %dma_wait3A_1302] : memref<16x17x2x128xf32, #tpu.memory_space<vmem>> -> memref<1x17x2x128xf32, #tpu.memory_space<vmem>>
      %dma_wait3A_1304 = tpu.memref_squeeze %dma_wait3A_1303 : memref<1x17x2x128xf32, #tpu.memory_space<vmem>> -> memref<17x2x128xf32, #tpu.memory_space<vmem>>
      %dma_wait3A_1305 = arith.constant 0 : i32
      %dma_wait3A_1306 = arith.constant 0 : i32
      %dma_wait3A_1307 = arith.constant 0 : i32
      %dma_wait3A_1308 = tpu.memref_slice %arg2[%dma_wait3A_1305, %dma_wait3A_1306, %dma_wait3A_1307] : memref<17x2x1000000xf32, #tpu.memory_space<hbm>> -> memref<17x2x128xf32, #tpu.memory_space<hbm>>
      %dma_wait3A_1309 = arith.constant 0 : i32
      %dma_wait3A_1310 = arith.constant 0 : i32
      %dma_wait3A_1311 = arith.constant 0 : i32
      %dma_wait3A_1312 = tpu.memref_slice %arg6[%dma_wait3A_1299, %dma_wait3A_1309, %dma_wait3A_1310, %dma_wait3A_1311] : memref<16x17x2x128xf32, #tpu.memory_space<vmem>> -> memref<1x17x2x128xf32, #tpu.memory_space<vmem>>
      %dma_wait3A_1313 = tpu.memref_squeeze %dma_wait3A_1312 : memref<1x17x2x128xf32, #tpu.memory_space<vmem>> -> memref<17x2x128xf32, #tpu.memory_space<vmem>>
      %dma_wait3A_1314 = arith.constant 0 : i32
      %dma_wait3A_1315 = arith.constant 0 : i32
      %dma_wait3A_1316 = arith.constant 0 : i32
      %dma_wait3A_1317 = tpu.memref_slice %arg2[%dma_wait3A_1314, %dma_wait3A_1315, %dma_wait3A_1316] : memref<17x2x1000000xf32, #tpu.memory_space<hbm>> -> memref<17x2x128xf32, #tpu.memory_space<hbm>>
      tpu.wait_dma2 semaphore(%arg8 : memref<!tpu.dma_semaphore, #tpu.memory_space<semaphore_mem>>) src(%dma_wait3A_1317 : memref<17x2x128xf32, #tpu.memory_space<hbm>>) dst(%dma_wait3A_1313 : memref<17x2x128xf32, #tpu.memory_space<vmem>>)
      %dma_wait3A_1318 = arith.constant 1 : i32
      %dma_wait3A_1319 = arith.constant 0 : i32
      %dma_wait3A_1320 = arith.constant 0 : i32
      %dma_wait3A_1321 = arith.constant 0 : i32
      %dma_wait3A_1322 = tpu.memref_slice %arg6[%dma_wait3A_1318, %dma_wait3A_1319, %dma_wait3A_1320, %dma_wait3A_1321] : memref<16x17x2x128xf32, #tpu.memory_space<vmem>> -> memref<1x17x2x128xf32, #tpu.memory_space<vmem>>
      %dma_wait3A_1323 = tpu.memref_squeeze %dma_wait3A_1322 : memref<1x17x2x128xf32, #tpu.memory_space<vmem>> -> memref<17x2x128xf32, #tpu.memory_space<vmem>>
      %dma_wait3A_1324 = arith.constant 0 : i32
      %dma_wait3A_1325 = arith.constant 0 : i32
      %dma_wait3A_1326 = arith.constant 0 : i32
      %dma_wait3A_1327 = tpu.memref_slice %arg2[%dma_wait3A_1324, %dma_wait3A_1325, %dma_wait3A_1326] : memref<17x2x1000000xf32, #tpu.memory_space<hbm>> -> memref<17x2x128xf32, #tpu.memory_space<hbm>>
      %dma_wait3A_1328 = arith.constant 0 : i32
      %dma_wait3A_1329 = arith.constant 0 : i32
      %dma_wait3A_1330 = arith.constant 0 : i32
      %dma_wait3A_1331 = tpu.memref_slice %arg6[%dma_wait3A_1318, %dma_wait3A_1328, %dma_wait3A_1329, %dma_wait3A_1330] : memref<16x17x2x128xf32, #tpu.memory_space<vmem>> -> memref<1x17x2x128xf32, #tpu.memory_space<vmem>>
      %dma_wait3A_1332 = tpu.memref_squeeze %dma_wait3A_1331 : memref<1x17x2x128xf32, #tpu.memory_space<vmem>> -> memref<17x2x128xf32, #tpu.memory_space<vmem>>
      %dma_wait3A_1333 = arith.constant 0 : i32
      %dma_wait3A_1334 = arith.constant 0 : i32
      %dma_wait3A_1335 = arith.constant 0 : i32
      %dma_wait3A_1336 = tpu.memref_slice %arg2[%dma_wait3A_1333, %dma_wait3A_1334, %dma_wait3A_1335] : memref<17x2x1000000xf32, #tpu.memory_space<hbm>> -> memref<17x2x128xf32, #tpu.memory_space<hbm>>
      tpu.wait_dma2 semaphore(%arg8 : memref<!tpu.dma_semaphore, #tpu.memory_space<semaphore_mem>>) src(%dma_wait3A_1336 : memref<17x2x128xf32, #tpu.memory_space<hbm>>) dst(%dma_wait3A_1332 : memref<17x2x128xf32, #tpu.memory_space<vmem>>)
      %dma_wait3A_1337 = arith.constant 2 : i32
      %dma_wait3A_1338 = arith.constant 0 : i32
      %dma_wait3A_1339 = arith.constant 0 : i32
      %dma_wait3A_1340 = arith.constant 0 : i32
      %dma_wait3A_1341 = tpu.memref_slice %arg6[%dma_wait3A_1337, %dma_wait3A_1338, %dma_wait3A_1339, %dma_wait3A_1340] : memref<16x17x2x128xf32, #tpu.memory_space<vmem>> -> memref<1x17x2x128xf32, #tpu.memory_space<vmem>>
      %dma_wait3A_1342 = tpu.memref_squeeze %dma_wait3A_1341 : memref<1x17x2x128xf32, #tpu.memory_space<vmem>> -> memref<17x2x128xf32, #tpu.memory_space<vmem>>
      %dma_wait3A_1343 = arith.constant 0 : i32
      %dma_wait3A_1344 = arith.constant 0 : i32
      %dma_wait3A_1345 = arith.constant 0 : i32
      %dma_wait3A_1346 = tpu.memref_slice %arg2[%dma_wait3A_1343, %dma_wait3A_1344, %dma_wait3A_1345] : memref<17x2x1000000xf32, #tpu.memory_space<hbm>> -> memref<17x2x128xf32, #tpu.memory_space<hbm>>
      %dma_wait3A_1347 = arith.constant 0 : i32
      %dma_wait3A_1348 = arith.constant 0 : i32
      %dma_wait3A_1349 = arith.constant 0 : i32
      %dma_wait3A_1350 = tpu.memref_slice %arg6[%dma_wait3A_1337, %dma_wait3A_1347, %dma_wait3A_1348, %dma_wait3A_1349] : memref<16x17x2x128xf32, #tpu.memory_space<vmem>> -> memref<1x17x2x128xf32, #tpu.memory_space<vmem>>
      %dma_wait3A_1351 = tpu.memref_squeeze %dma_wait3A_1350 : memref<1x17x2x128xf32, #tpu.memory_space<vmem>> -> memref<17x2x128xf32, #tpu.memory_space<vmem>>
      %dma_wait3A_1352 = arith.constant 0 : i32
      %dma_wait3A_1353 = arith.constant 0 : i32
      %dma_wait3A_1354 = arith.constant 0 : i32
      %dma_wait3A_1355 = tpu.memref_slice %arg2[%dma_wait3A_1352, %dma_wait3A_1353, %dma_wait3A_1354] : memref<17x2x1000000xf32, #tpu.memory_space<hbm>> -> memref<17x2x128xf32, #tpu.memory_space<hbm>>
      tpu.wait_dma2 semaphore(%arg8 : memref<!tpu.dma_semaphore, #tpu.memory_space<semaphore_mem>>) src(%dma_wait3A_1355 : memref<17x2x128xf32, #tpu.memory_space<hbm>>) dst(%dma_wait3A_1351 : memref<17x2x128xf32, #tpu.memory_space<vmem>>)
      %dma_wait3A_1356 = arith.constant 3 : i32
      %dma_wait3A_1357 = arith.constant 0 : i32
      %dma_wait3A_1358 = arith.constant 0 : i32
      %dma_wait3A_1359 = arith.constant 0 : i32
      %dma_wait3A_1360 = tpu.memref_slice %arg6[%dma_wait3A_1356, %dma_wait3A_1357, %dma_wait3A_1358, %dma_wait3A_1359] : memref<16x17x2x128xf32, #tpu.memory_space<vmem>> -> memref<1x17x2x128xf32, #tpu.memory_space<vmem>>
      %dma_wait3A_1361 = tpu.memref_squeeze %dma_wait3A_1360 : memref<1x17x2x128xf32, #tpu.memory_space<vmem>> -> memref<17x2x128xf32, #tpu.memory_space<vmem>>
      %dma_wait3A_1362 = arith.constant 0 : i32
      %dma_wait3A_1363 = arith.constant 0 : i32
      %dma_wait3A_1364 = arith.constant 0 : i32
      %dma_wait3A_1365 = tpu.memref_slice %arg2[%dma_wait3A_1362, %dma_wait3A_1363, %dma_wait3A_1364] : memref<17x2x1000000xf32, #tpu.memory_space<hbm>> -> memref<17x2x128xf32, #tpu.memory_space<hbm>>
      %dma_wait3A_1366 = arith.constant 0 : i32
      %dma_wait3A_1367 = arith.constant 0 : i32
      %dma_wait3A_1368 = arith.constant 0 : i32
      %dma_wait3A_1369 = tpu.memref_slice %arg6[%dma_wait3A_1356, %dma_wait3A_1366, %dma_wait3A_1367, %dma_wait3A_1368] : memref<16x17x2x128xf32, #tpu.memory_space<vmem>> -> memref<1x17x2x128xf32, #tpu.memory_space<vmem>>
      %dma_wait3A_1370 = tpu.memref_squeeze %dma_wait3A_1369 : memref<1x17x2x128xf32, #tpu.memory_space<vmem>> -> memref<17x2x128xf32, #tpu.memory_space<vmem>>
      %dma_wait3A_1371 = arith.constant 0 : i32
      %dma_wait3A_1372 = arith.constant 0 : i32
      %dma_wait3A_1373 = arith.constant 0 : i32
      %dma_wait3A_1374 = tpu.memref_slice %arg2[%dma_wait3A_1371, %dma_wait3A_1372, %dma_wait3A_1373] : memref<17x2x1000000xf32, #tpu.memory_space<hbm>> -> memref<17x2x128xf32, #tpu.memory_space<hbm>>
      tpu.wait_dma2 semaphore(%arg8 : memref<!tpu.dma_semaphore, #tpu.memory_space<semaphore_mem>>) src(%dma_wait3A_1374 : memref<17x2x128xf32, #tpu.memory_space<hbm>>) dst(%dma_wait3A_1370 : memref<17x2x128xf32, #tpu.memory_space<vmem>>)
      %dma_wait3A_1375 = arith.constant 4 : i32
      %dma_wait3A_1376 = arith.constant 0 : i32
      %dma_wait3A_1377 = arith.constant 0 : i32
      %dma_wait3A_1378 = arith.constant 0 : i32
      %dma_wait3A_1379 = tpu.memref_slice %arg6[%dma_wait3A_1375, %dma_wait3A_1376, %dma_wait3A_1377, %dma_wait3A_1378] : memref<16x17x2x128xf32, #tpu.memory_space<vmem>> -> memref<1x17x2x128xf32, #tpu.memory_space<vmem>>
      %dma_wait3A_1380 = tpu.memref_squeeze %dma_wait3A_1379 : memref<1x17x2x128xf32, #tpu.memory_space<vmem>> -> memref<17x2x128xf32, #tpu.memory_space<vmem>>
      %dma_wait3A_1381 = arith.constant 0 : i32
      %dma_wait3A_1382 = arith.constant 0 : i32
      %dma_wait3A_1383 = arith.constant 0 : i32
      %dma_wait3A_1384 = tpu.memref_slice %arg2[%dma_wait3A_1381, %dma_wait3A_1382, %dma_wait3A_1383] : memref<17x2x1000000xf32, #tpu.memory_space<hbm>> -> memref<17x2x128xf32, #tpu.memory_space<hbm>>
      %dma_wait3A_1385 = arith.constant 0 : i32
      %dma_wait3A_1386 = arith.constant 0 : i32
      %dma_wait3A_1387 = arith.constant 0 : i32
      %dma_wait3A_1388 = tpu.memref_slice %arg6[%dma_wait3A_1375, %dma_wait3A_1385, %dma_wait3A_1386, %dma_wait3A_1387] : memref<16x17x2x128xf32, #tpu.memory_space<vmem>> -> memref<1x17x2x128xf32, #tpu.memory_space<vmem>>
      %dma_wait3A_1389 = tpu.memref_squeeze %dma_wait3A_1388 : memref<1x17x2x128xf32, #tpu.memory_space<vmem>> -> memref<17x2x128xf32, #tpu.memory_space<vmem>>
      %dma_wait3A_1390 = arith.constant 0 : i32
      %dma_wait3A_1391 = arith.constant 0 : i32
      %dma_wait3A_1392 = arith.constant 0 : i32
      %dma_wait3A_1393 = tpu.memref_slice %arg2[%dma_wait3A_1390, %dma_wait3A_1391, %dma_wait3A_1392] : memref<17x2x1000000xf32, #tpu.memory_space<hbm>> -> memref<17x2x128xf32, #tpu.memory_space<hbm>>
      tpu.wait_dma2 semaphore(%arg8 : memref<!tpu.dma_semaphore, #tpu.memory_space<semaphore_mem>>) src(%dma_wait3A_1393 : memref<17x2x128xf32, #tpu.memory_space<hbm>>) dst(%dma_wait3A_1389 : memref<17x2x128xf32, #tpu.memory_space<vmem>>)
      %dma_wait3A_1394 = arith.constant 5 : i32
      %dma_wait3A_1395 = arith.constant 0 : i32
      %dma_wait3A_1396 = arith.constant 0 : i32
      %dma_wait3A_1397 = arith.constant 0 : i32
      %dma_wait3A_1398 = tpu.memref_slice %arg6[%dma_wait3A_1394, %dma_wait3A_1395, %dma_wait3A_1396, %dma_wait3A_1397] : memref<16x17x2x128xf32, #tpu.memory_space<vmem>> -> memref<1x17x2x128xf32, #tpu.memory_space<vmem>>
      %dma_wait3A_1399 = tpu.memref_squeeze %dma_wait3A_1398 : memref<1x17x2x128xf32, #tpu.memory_space<vmem>> -> memref<17x2x128xf32, #tpu.memory_space<vmem>>
      %dma_wait3A_1400 = arith.constant 0 : i32
      %dma_wait3A_1401 = arith.constant 0 : i32
      %dma_wait3A_1402 = arith.constant 0 : i32
      %dma_wait3A_1403 = tpu.memref_slice %arg2[%dma_wait3A_1400, %dma_wait3A_1401, %dma_wait3A_1402] : memref<17x2x1000000xf32, #tpu.memory_space<hbm>> -> memref<17x2x128xf32, #tpu.memory_space<hbm>>
      %dma_wait3A_1404 = arith.constant 0 : i32
      %dma_wait3A_1405 = arith.constant 0 : i32
      %dma_wait3A_1406 = arith.constant 0 : i32
      %dma_wait3A_1407 = tpu.memref_slice %arg6[%dma_wait3A_1394, %dma_wait3A_1404, %dma_wait3A_1405, %dma_wait3A_1406] : memref<16x17x2x128xf32, #tpu.memory_space<vmem>> -> memref<1x17x2x128xf32, #tpu.memory_space<vmem>>
      %dma_wait3A_1408 = tpu.memref_squeeze %dma_wait3A_1407 : memref<1x17x2x128xf32, #tpu.memory_space<vmem>> -> memref<17x2x128xf32, #tpu.memory_space<vmem>>
      %dma_wait3A_1409 = arith.constant 0 : i32
      %dma_wait3A_1410 = arith.constant 0 : i32
      %dma_wait3A_1411 = arith.constant 0 : i32
      %dma_wait3A_1412 = tpu.memref_slice %arg2[%dma_wait3A_1409, %dma_wait3A_1410, %dma_wait3A_1411] : memref<17x2x1000000xf32, #tpu.memory_space<hbm>> -> memref<17x2x128xf32, #tpu.memory_space<hbm>>
      tpu.wait_dma2 semaphore(%arg8 : memref<!tpu.dma_semaphore, #tpu.memory_space<semaphore_mem>>) src(%dma_wait3A_1412 : memref<17x2x128xf32, #tpu.memory_space<hbm>>) dst(%dma_wait3A_1408 : memref<17x2x128xf32, #tpu.memory_space<vmem>>)
      %dma_wait3A_1413 = arith.constant 6 : i32
      %dma_wait3A_1414 = arith.constant 0 : i32
      %dma_wait3A_1415 = arith.constant 0 : i32
      %dma_wait3A_1416 = arith.constant 0 : i32
      %dma_wait3A_1417 = tpu.memref_slice %arg6[%dma_wait3A_1413, %dma_wait3A_1414, %dma_wait3A_1415, %dma_wait3A_1416] : memref<16x17x2x128xf32, #tpu.memory_space<vmem>> -> memref<1x17x2x128xf32, #tpu.memory_space<vmem>>
      %dma_wait3A_1418 = tpu.memref_squeeze %dma_wait3A_1417 : memref<1x17x2x128xf32, #tpu.memory_space<vmem>> -> memref<17x2x128xf32, #tpu.memory_space<vmem>>
      %dma_wait3A_1419 = arith.constant 0 : i32
      %dma_wait3A_1420 = arith.constant 0 : i32
      %dma_wait3A_1421 = arith.constant 0 : i32
      %dma_wait3A_1422 = tpu.memref_slice %arg2[%dma_wait3A_1419, %dma_wait3A_1420, %dma_wait3A_1421] : memref<17x2x1000000xf32, #tpu.memory_space<hbm>> -> memref<17x2x128xf32, #tpu.memory_space<hbm>>
      %dma_wait3A_1423 = arith.constant 0 : i32
      %dma_wait3A_1424 = arith.constant 0 : i32
      %dma_wait3A_1425 = arith.constant 0 : i32
      %dma_wait3A_1426 = tpu.memref_slice %arg6[%dma_wait3A_1413, %dma_wait3A_1423, %dma_wait3A_1424, %dma_wait3A_1425] : memref<16x17x2x128xf32, #tpu.memory_space<vmem>> -> memref<1x17x2x128xf32, #tpu.memory_space<vmem>>
      %dma_wait3A_1427 = tpu.memref_squeeze %dma_wait3A_1426 : memref<1x17x2x128xf32, #tpu.memory_space<vmem>> -> memref<17x2x128xf32, #tpu.memory_space<vmem>>
      %dma_wait3A_1428 = arith.constant 0 : i32
      %dma_wait3A_1429 = arith.constant 0 : i32
      %dma_wait3A_1430 = arith.constant 0 : i32
      %dma_wait3A_1431 = tpu.memref_slice %arg2[%dma_wait3A_1428, %dma_wait3A_1429, %dma_wait3A_1430] : memref<17x2x1000000xf32, #tpu.memory_space<hbm>> -> memref<17x2x128xf32, #tpu.memory_space<hbm>>
      tpu.wait_dma2 semaphore(%arg8 : memref<!tpu.dma_semaphore, #tpu.memory_space<semaphore_mem>>) src(%dma_wait3A_1431 : memref<17x2x128xf32, #tpu.memory_space<hbm>>) dst(%dma_wait3A_1427 : memref<17x2x128xf32, #tpu.memory_space<vmem>>)
      %dma_wait3A_1432 = arith.constant 7 : i32
      %dma_wait3A_1433 = arith.constant 0 : i32
      %dma_wait3A_1434 = arith.constant 0 : i32
      %dma_wait3A_1435 = arith.constant 0 : i32
      %dma_wait3A_1436 = tpu.memref_slice %arg6[%dma_wait3A_1432, %dma_wait3A_1433, %dma_wait3A_1434, %dma_wait3A_1435] : memref<16x17x2x128xf32, #tpu.memory_space<vmem>> -> memref<1x17x2x128xf32, #tpu.memory_space<vmem>>
      %dma_wait3A_1437 = tpu.memref_squeeze %dma_wait3A_1436 : memref<1x17x2x128xf32, #tpu.memory_space<vmem>> -> memref<17x2x128xf32, #tpu.memory_space<vmem>>
      %dma_wait3A_1438 = arith.constant 0 : i32
      %dma_wait3A_1439 = arith.constant 0 : i32
      %dma_wait3A_1440 = arith.constant 0 : i32
      %dma_wait3A_1441 = tpu.memref_slice %arg2[%dma_wait3A_1438, %dma_wait3A_1439, %dma_wait3A_1440] : memref<17x2x1000000xf32, #tpu.memory_space<hbm>> -> memref<17x2x128xf32, #tpu.memory_space<hbm>>
      %dma_wait3A_1442 = arith.constant 0 : i32
      %dma_wait3A_1443 = arith.constant 0 : i32
      %dma_wait3A_1444 = arith.constant 0 : i32
      %dma_wait3A_1445 = tpu.memref_slice %arg6[%dma_wait3A_1432, %dma_wait3A_1442, %dma_wait3A_1443, %dma_wait3A_1444] : memref<16x17x2x128xf32, #tpu.memory_space<vmem>> -> memref<1x17x2x128xf32, #tpu.memory_space<vmem>>
      %dma_wait3A_1446 = tpu.memref_squeeze %dma_wait3A_1445 : memref<1x17x2x128xf32, #tpu.memory_space<vmem>> -> memref<17x2x128xf32, #tpu.memory_space<vmem>>
      %dma_wait3A_1447 = arith.constant 0 : i32
      %dma_wait3A_1448 = arith.constant 0 : i32
      %dma_wait3A_1449 = arith.constant 0 : i32
      %dma_wait3A_1450 = tpu.memref_slice %arg2[%dma_wait3A_1447, %dma_wait3A_1448, %dma_wait3A_1449] : memref<17x2x1000000xf32, #tpu.memory_space<hbm>> -> memref<17x2x128xf32, #tpu.memory_space<hbm>>
      tpu.wait_dma2 semaphore(%arg8 : memref<!tpu.dma_semaphore, #tpu.memory_space<semaphore_mem>>) src(%dma_wait3A_1450 : memref<17x2x128xf32, #tpu.memory_space<hbm>>) dst(%dma_wait3A_1446 : memref<17x2x128xf32, #tpu.memory_space<vmem>>)
      %broadcast_in_dim3A_1451 = arith.constant 0 : i32
      %broadcast_in_dim3A_1452 = vector.broadcast %broadcast_in_dim3A_1451 : i32 to vector<16xi32>
      %slice3A_1453 = vector.extract_strided_slice %get3A_1298 {offsets = [0], sizes = [1], strides = [1]} : vector<16xi32> to vector<1xi32>
      %squeeze3A_1454 = vector.extract %slice3A_1453[0] : i32 from vector<1xi32>
      %and3A_1455 = arith.constant 127 : i32
      %and3A_1456 = arith.andi %squeeze3A_1454, %and3A_1455 : i32
      %broadcast_in_dim3A_1457 = vector.broadcast %and3A_1456 : i32 to vector<16xi32>
      %mul3A_1458 = arith.constant 8 : i32
      %mul3A_1459 = arith.muli %mul3A_1096, %mul3A_1458 : i32
      %add3A_1460 = arith.constant 0 : i32
      %add3A_1461 = arith.addi %mul3A_1459, %add3A_1460 : i32
      %broadcast_in_dim3A_1462 = vector.broadcast %add3A_1461 : i32 to vector<16xi32>
      %broadcast_in_dim3A_1463 = arith.constant 0 : i32
      %broadcast_in_dim3A_1464 = vector.broadcast %broadcast_in_dim3A_1463 : i32 to vector<16xi32>
      %gather3A_1465 = tpu.vector_load_idx %arg6[%broadcast_in_dim3A_1452, %iota3A, %broadcast_in_dim3A_1464, %broadcast_in_dim3A_1457] : memref<16x17x2x128xf32, #tpu.memory_space<vmem>>[vector<16xi32>, vector<16xi32>, vector<16xi32>, vector<16xi32>], vector<16xf32>,
      %gather3A_1466 = tpu.vector_load_idx %arg6[%broadcast_in_dim3A_1452, %broadcast_in_dim3A_3, %broadcast_in_dim3A_1464, %broadcast_in_dim3A_1457] : memref<16x17x2x128xf32, #tpu.memory_space<vmem>>[vector<16xi32>, vector<16xi32>, vector<16xi32>, vector<16xi32>], vector<16xf32>,
      %add3A_1467 = arith.constant 0 : i32
      %add3A_1468 = vector.broadcast %add3A_1467 : i32 to vector<16xi32>
      %add3A_1469 = arith.addi %iota3A, %add3A_1468 : vector<16xi32>
      %div3A_1470 = arith.divf %gather3A_1465, %gather3A_1466 : vector<16xf32>
      tpu.vector_store_idx %arg7[%add3A_1469, %broadcast_in_dim3A_1462], %div3A_1470 : memref<32x512xf32, #tpu.memory_space<vmem>>[vector<16xi32>, vector<16xi32>], vector<16xf32>,
      %broadcast_in_dim3A_1471 = arith.constant 1 : i32
      %broadcast_in_dim3A_1472 = vector.broadcast %broadcast_in_dim3A_1471 : i32 to vector<16xi32>
      %gather3A_1473 = tpu.vector_load_idx %arg6[%broadcast_in_dim3A_1452, %iota3A, %broadcast_in_dim3A_1472, %broadcast_in_dim3A_1457] : memref<16x17x2x128xf32, #tpu.memory_space<vmem>>[vector<16xi32>, vector<16xi32>, vector<16xi32>, vector<16xi32>], vector<16xf32>,
      %gather3A_1474 = tpu.vector_load_idx %arg6[%broadcast_in_dim3A_1452, %broadcast_in_dim3A_3, %broadcast_in_dim3A_1472, %broadcast_in_dim3A_1457] : memref<16x17x2x128xf32, #tpu.memory_space<vmem>>[vector<16xi32>, vector<16xi32>, vector<16xi32>, vector<16xi32>], vector<16xf32>,
      %add3A_1475 = arith.constant 16 : i32
      %add3A_1476 = vector.broadcast %add3A_1475 : i32 to vector<16xi32>
      %add3A_1477 = arith.addi %iota3A, %add3A_1476 : vector<16xi32>
      %div3A_1478 = arith.divf %gather3A_1473, %gather3A_1474 : vector<16xf32>
      tpu.vector_store_idx %arg7[%add3A_1477, %broadcast_in_dim3A_1462], %div3A_1478 : memref<32x512xf32, #tpu.memory_space<vmem>>[vector<16xi32>, vector<16xi32>], vector<16xf32>,
      %broadcast_in_dim3A_1479 = arith.constant 1 : i32
      %broadcast_in_dim3A_1480 = vector.broadcast %broadcast_in_dim3A_1479 : i32 to vector<16xi32>
      %slice3A_1481 = vector.extract_strided_slice %get3A_1298 {offsets = [1], sizes = [1], strides = [1]} : vector<16xi32> to vector<1xi32>
      %squeeze3A_1482 = vector.extract %slice3A_1481[0] : i32 from vector<1xi32>
      %and3A_1483 = arith.constant 127 : i32
      %and3A_1484 = arith.andi %squeeze3A_1482, %and3A_1483 : i32
      %broadcast_in_dim3A_1485 = vector.broadcast %and3A_1484 : i32 to vector<16xi32>
      %mul3A_1486 = arith.constant 8 : i32
      %mul3A_1487 = arith.muli %mul3A_1096, %mul3A_1486 : i32
      %add3A_1488 = arith.constant 1 : i32
      %add3A_1489 = arith.addi %mul3A_1487, %add3A_1488 : i32
      %broadcast_in_dim3A_1490 = vector.broadcast %add3A_1489 : i32 to vector<16xi32>
      %broadcast_in_dim3A_1491 = arith.constant 0 : i32
      %broadcast_in_dim3A_1492 = vector.broadcast %broadcast_in_dim3A_1491 : i32 to vector<16xi32>
      %gather3A_1493 = tpu.vector_load_idx %arg6[%broadcast_in_dim3A_1480, %iota3A, %broadcast_in_dim3A_1492, %broadcast_in_dim3A_1485] : memref<16x17x2x128xf32, #tpu.memory_space<vmem>>[vector<16xi32>, vector<16xi32>, vector<16xi32>, vector<16xi32>], vector<16xf32>,
      %gather3A_1494 = tpu.vector_load_idx %arg6[%broadcast_in_dim3A_1480, %broadcast_in_dim3A_3, %broadcast_in_dim3A_1492, %broadcast_in_dim3A_1485] : memref<16x17x2x128xf32, #tpu.memory_space<vmem>>[vector<16xi32>, vector<16xi32>, vector<16xi32>, vector<16xi32>], vector<16xf32>,
      %add3A_1495 = arith.constant 0 : i32
      %add3A_1496 = vector.broadcast %add3A_1495 : i32 to vector<16xi32>
      %add3A_1497 = arith.addi %iota3A, %add3A_1496 : vector<16xi32>
      %div3A_1498 = arith.divf %gather3A_1493, %gather3A_1494 : vector<16xf32>
      tpu.vector_store_idx %arg7[%add3A_1497, %broadcast_in_dim3A_1490], %div3A_1498 : memref<32x512xf32, #tpu.memory_space<vmem>>[vector<16xi32>, vector<16xi32>], vector<16xf32>,
      %broadcast_in_dim3A_1499 = arith.constant 1 : i32
      %broadcast_in_dim3A_1500 = vector.broadcast %broadcast_in_dim3A_1499 : i32 to vector<16xi32>
      %gather3A_1501 = tpu.vector_load_idx %arg6[%broadcast_in_dim3A_1480, %iota3A, %broadcast_in_dim3A_1500, %broadcast_in_dim3A_1485] : memref<16x17x2x128xf32, #tpu.memory_space<vmem>>[vector<16xi32>, vector<16xi32>, vector<16xi32>, vector<16xi32>], vector<16xf32>,
      %gather3A_1502 = tpu.vector_load_idx %arg6[%broadcast_in_dim3A_1480, %broadcast_in_dim3A_3, %broadcast_in_dim3A_1500, %broadcast_in_dim3A_1485] : memref<16x17x2x128xf32, #tpu.memory_space<vmem>>[vector<16xi32>, vector<16xi32>, vector<16xi32>, vector<16xi32>], vector<16xf32>,
      %add3A_1503 = arith.constant 16 : i32
      %add3A_1504 = vector.broadcast %add3A_1503 : i32 to vector<16xi32>
      %add3A_1505 = arith.addi %iota3A, %add3A_1504 : vector<16xi32>
      %div3A_1506 = arith.divf %gather3A_1501, %gather3A_1502 : vector<16xf32>
      tpu.vector_store_idx %arg7[%add3A_1505, %broadcast_in_dim3A_1490], %div3A_1506 : memref<32x512xf32, #tpu.memory_space<vmem>>[vector<16xi32>, vector<16xi32>], vector<16xf32>,
      %broadcast_in_dim3A_1507 = arith.constant 2 : i32
      %broadcast_in_dim3A_1508 = vector.broadcast %broadcast_in_dim3A_1507 : i32 to vector<16xi32>
      %slice3A_1509 = vector.extract_strided_slice %get3A_1298 {offsets = [2], sizes = [1], strides = [1]} : vector<16xi32> to vector<1xi32>
      %squeeze3A_1510 = vector.extract %slice3A_1509[0] : i32 from vector<1xi32>
      %and3A_1511 = arith.constant 127 : i32
      %and3A_1512 = arith.andi %squeeze3A_1510, %and3A_1511 : i32
      %broadcast_in_dim3A_1513 = vector.broadcast %and3A_1512 : i32 to vector<16xi32>
      %mul3A_1514 = arith.constant 8 : i32
      %mul3A_1515 = arith.muli %mul3A_1096, %mul3A_1514 : i32
      %add3A_1516 = arith.constant 2 : i32
      %add3A_1517 = arith.addi %mul3A_1515, %add3A_1516 : i32
      %broadcast_in_dim3A_1518 = vector.broadcast %add3A_1517 : i32 to vector<16xi32>
      %broadcast_in_dim3A_1519 = arith.constant 0 : i32
      %broadcast_in_dim3A_1520 = vector.broadcast %broadcast_in_dim3A_1519 : i32 to vector<16xi32>
      %gather3A_1521 = tpu.vector_load_idx %arg6[%broadcast_in_dim3A_1508, %iota3A, %broadcast_in_dim3A_1520, %broadcast_in_dim3A_1513] : memref<16x17x2x128xf32, #tpu.memory_space<vmem>>[vector<16xi32>, vector<16xi32>, vector<16xi32>, vector<16xi32>], vector<16xf32>,
      %gather3A_1522 = tpu.vector_load_idx %arg6[%broadcast_in_dim3A_1508, %broadcast_in_dim3A_3, %broadcast_in_dim3A_1520, %broadcast_in_dim3A_1513] : memref<16x17x2x128xf32, #tpu.memory_space<vmem>>[vector<16xi32>, vector<16xi32>, vector<16xi32>, vector<16xi32>], vector<16xf32>,
      %add3A_1523 = arith.constant 0 : i32
      %add3A_1524 = vector.broadcast %add3A_1523 : i32 to vector<16xi32>
      %add3A_1525 = arith.addi %iota3A, %add3A_1524 : vector<16xi32>
      %div3A_1526 = arith.divf %gather3A_1521, %gather3A_1522 : vector<16xf32>
      tpu.vector_store_idx %arg7[%add3A_1525, %broadcast_in_dim3A_1518], %div3A_1526 : memref<32x512xf32, #tpu.memory_space<vmem>>[vector<16xi32>, vector<16xi32>], vector<16xf32>,
      %broadcast_in_dim3A_1527 = arith.constant 1 : i32
      %broadcast_in_dim3A_1528 = vector.broadcast %broadcast_in_dim3A_1527 : i32 to vector<16xi32>
      %gather3A_1529 = tpu.vector_load_idx %arg6[%broadcast_in_dim3A_1508, %iota3A, %broadcast_in_dim3A_1528, %broadcast_in_dim3A_1513] : memref<16x17x2x128xf32, #tpu.memory_space<vmem>>[vector<16xi32>, vector<16xi32>, vector<16xi32>, vector<16xi32>], vector<16xf32>,
      %gather3A_1530 = tpu.vector_load_idx %arg6[%broadcast_in_dim3A_1508, %broadcast_in_dim3A_3, %broadcast_in_dim3A_1528, %broadcast_in_dim3A_1513] : memref<16x17x2x128xf32, #tpu.memory_space<vmem>>[vector<16xi32>, vector<16xi32>, vector<16xi32>, vector<16xi32>], vector<16xf32>,
      %add3A_1531 = arith.constant 16 : i32
      %add3A_1532 = vector.broadcast %add3A_1531 : i32 to vector<16xi32>
      %add3A_1533 = arith.addi %iota3A, %add3A_1532 : vector<16xi32>
      %div3A_1534 = arith.divf %gather3A_1529, %gather3A_1530 : vector<16xf32>
      tpu.vector_store_idx %arg7[%add3A_1533, %broadcast_in_dim3A_1518], %div3A_1534 : memref<32x512xf32, #tpu.memory_space<vmem>>[vector<16xi32>, vector<16xi32>], vector<16xf32>,
      %broadcast_in_dim3A_1535 = arith.constant 3 : i32
      %broadcast_in_dim3A_1536 = vector.broadcast %broadcast_in_dim3A_1535 : i32 to vector<16xi32>
      %slice3A_1537 = vector.extract_strided_slice %get3A_1298 {offsets = [3], sizes = [1], strides = [1]} : vector<16xi32> to vector<1xi32>
      %squeeze3A_1538 = vector.extract %slice3A_1537[0] : i32 from vector<1xi32>
      %and3A_1539 = arith.constant 127 : i32
      %and3A_1540 = arith.andi %squeeze3A_1538, %and3A_1539 : i32
      %broadcast_in_dim3A_1541 = vector.broadcast %and3A_1540 : i32 to vector<16xi32>
      %mul3A_1542 = arith.constant 8 : i32
      %mul3A_1543 = arith.muli %mul3A_1096, %mul3A_1542 : i32
      %add3A_1544 = arith.constant 3 : i32
      %add3A_1545 = arith.addi %mul3A_1543, %add3A_1544 : i32
      %broadcast_in_dim3A_1546 = vector.broadcast %add3A_1545 : i32 to vector<16xi32>
      %broadcast_in_dim3A_1547 = arith.constant 0 : i32
      %broadcast_in_dim3A_1548 = vector.broadcast %broadcast_in_dim3A_1547 : i32 to vector<16xi32>
      %gather3A_1549 = tpu.vector_load_idx %arg6[%broadcast_in_dim3A_1536, %iota3A, %broadcast_in_dim3A_1548, %broadcast_in_dim3A_1541] : memref<16x17x2x128xf32, #tpu.memory_space<vmem>>[vector<16xi32>, vector<16xi32>, vector<16xi32>, vector<16xi32>], vector<16xf32>,
      %gather3A_1550 = tpu.vector_load_idx %arg6[%broadcast_in_dim3A_1536, %broadcast_in_dim3A_3, %broadcast_in_dim3A_1548, %broadcast_in_dim3A_1541] : memref<16x17x2x128xf32, #tpu.memory_space<vmem>>[vector<16xi32>, vector<16xi32>, vector<16xi32>, vector<16xi32>], vector<16xf32>,
      %add3A_1551 = arith.constant 0 : i32
      %add3A_1552 = vector.broadcast %add3A_1551 : i32 to vector<16xi32>
      %add3A_1553 = arith.addi %iota3A, %add3A_1552 : vector<16xi32>
      %div3A_1554 = arith.divf %gather3A_1549, %gather3A_1550 : vector<16xf32>
      tpu.vector_store_idx %arg7[%add3A_1553, %broadcast_in_dim3A_1546], %div3A_1554 : memref<32x512xf32, #tpu.memory_space<vmem>>[vector<16xi32>, vector<16xi32>], vector<16xf32>,
      %broadcast_in_dim3A_1555 = arith.constant 1 : i32
      %broadcast_in_dim3A_1556 = vector.broadcast %broadcast_in_dim3A_1555 : i32 to vector<16xi32>
      %gather3A_1557 = tpu.vector_load_idx %arg6[%broadcast_in_dim3A_1536, %iota3A, %broadcast_in_dim3A_1556, %broadcast_in_dim3A_1541] : memref<16x17x2x128xf32, #tpu.memory_space<vmem>>[vector<16xi32>, vector<16xi32>, vector<16xi32>, vector<16xi32>], vector<16xf32>,
      %gather3A_1558 = tpu.vector_load_idx %arg6[%broadcast_in_dim3A_1536, %broadcast_in_dim3A_3, %broadcast_in_dim3A_1556, %broadcast_in_dim3A_1541] : memref<16x17x2x128xf32, #tpu.memory_space<vmem>>[vector<16xi32>, vector<16xi32>, vector<16xi32>, vector<16xi32>], vector<16xf32>,
      %add3A_1559 = arith.constant 16 : i32
      %add3A_1560 = vector.broadcast %add3A_1559 : i32 to vector<16xi32>
      %add3A_1561 = arith.addi %iota3A, %add3A_1560 : vector<16xi32>
      %div3A_1562 = arith.divf %gather3A_1557, %gather3A_1558 : vector<16xf32>
      tpu.vector_store_idx %arg7[%add3A_1561, %broadcast_in_dim3A_1546], %div3A_1562 : memref<32x512xf32, #tpu.memory_space<vmem>>[vector<16xi32>, vector<16xi32>], vector<16xf32>,
      %broadcast_in_dim3A_1563 = arith.constant 4 : i32
      %broadcast_in_dim3A_1564 = vector.broadcast %broadcast_in_dim3A_1563 : i32 to vector<16xi32>
      %slice3A_1565 = vector.extract_strided_slice %get3A_1298 {offsets = [4], sizes = [1], strides = [1]} : vector<16xi32> to vector<1xi32>
      %squeeze3A_1566 = vector.extract %slice3A_1565[0] : i32 from vector<1xi32>
      %and3A_1567 = arith.constant 127 : i32
      %and3A_1568 = arith.andi %squeeze3A_1566, %and3A_1567 : i32
      %broadcast_in_dim3A_1569 = vector.broadcast %and3A_1568 : i32 to vector<16xi32>
      %mul3A_1570 = arith.constant 8 : i32
      %mul3A_1571 = arith.muli %mul3A_1096, %mul3A_1570 : i32
      %add3A_1572 = arith.constant 4 : i32
      %add3A_1573 = arith.addi %mul3A_1571, %add3A_1572 : i32
      %broadcast_in_dim3A_1574 = vector.broadcast %add3A_1573 : i32 to vector<16xi32>
      %broadcast_in_dim3A_1575 = arith.constant 0 : i32
      %broadcast_in_dim3A_1576 = vector.broadcast %broadcast_in_dim3A_1575 : i32 to vector<16xi32>
      %gather3A_1577 = tpu.vector_load_idx %arg6[%broadcast_in_dim3A_1564, %iota3A, %broadcast_in_dim3A_1576, %broadcast_in_dim3A_1569] : memref<16x17x2x128xf32, #tpu.memory_space<vmem>>[vector<16xi32>, vector<16xi32>, vector<16xi32>, vector<16xi32>], vector<16xf32>,
      %gather3A_1578 = tpu.vector_load_idx %arg6[%broadcast_in_dim3A_1564, %broadcast_in_dim3A_3, %broadcast_in_dim3A_1576, %broadcast_in_dim3A_1569] : memref<16x17x2x128xf32, #tpu.memory_space<vmem>>[vector<16xi32>, vector<16xi32>, vector<16xi32>, vector<16xi32>], vector<16xf32>,
      %add3A_1579 = arith.constant 0 : i32
      %add3A_1580 = vector.broadcast %add3A_1579 : i32 to vector<16xi32>
      %add3A_1581 = arith.addi %iota3A, %add3A_1580 : vector<16xi32>
      %div3A_1582 = arith.divf %gather3A_1577, %gather3A_1578 : vector<16xf32>
      tpu.vector_store_idx %arg7[%add3A_1581, %broadcast_in_dim3A_1574], %div3A_1582 : memref<32x512xf32, #tpu.memory_space<vmem>>[vector<16xi32>, vector<16xi32>], vector<16xf32>,
      %broadcast_in_dim3A_1583 = arith.constant 1 : i32
      %broadcast_in_dim3A_1584 = vector.broadcast %broadcast_in_dim3A_1583 : i32 to vector<16xi32>
      %gather3A_1585 = tpu.vector_load_idx %arg6[%broadcast_in_dim3A_1564, %iota3A, %broadcast_in_dim3A_1584, %broadcast_in_dim3A_1569] : memref<16x17x2x128xf32, #tpu.memory_space<vmem>>[vector<16xi32>, vector<16xi32>, vector<16xi32>, vector<16xi32>], vector<16xf32>,
      %gather3A_1586 = tpu.vector_load_idx %arg6[%broadcast_in_dim3A_1564, %broadcast_in_dim3A_3, %broadcast_in_dim3A_1584, %broadcast_in_dim3A_1569] : memref<16x17x2x128xf32, #tpu.memory_space<vmem>>[vector<16xi32>, vector<16xi32>, vector<16xi32>, vector<16xi32>], vector<16xf32>,
      %add3A_1587 = arith.constant 16 : i32
      %add3A_1588 = vector.broadcast %add3A_1587 : i32 to vector<16xi32>
      %add3A_1589 = arith.addi %iota3A, %add3A_1588 : vector<16xi32>
      %div3A_1590 = arith.divf %gather3A_1585, %gather3A_1586 : vector<16xf32>
      tpu.vector_store_idx %arg7[%add3A_1589, %broadcast_in_dim3A_1574], %div3A_1590 : memref<32x512xf32, #tpu.memory_space<vmem>>[vector<16xi32>, vector<16xi32>], vector<16xf32>,
      %broadcast_in_dim3A_1591 = arith.constant 5 : i32
      %broadcast_in_dim3A_1592 = vector.broadcast %broadcast_in_dim3A_1591 : i32 to vector<16xi32>
      %slice3A_1593 = vector.extract_strided_slice %get3A_1298 {offsets = [5], sizes = [1], strides = [1]} : vector<16xi32> to vector<1xi32>
      %squeeze3A_1594 = vector.extract %slice3A_1593[0] : i32 from vector<1xi32>
      %and3A_1595 = arith.constant 127 : i32
      %and3A_1596 = arith.andi %squeeze3A_1594, %and3A_1595 : i32
      %broadcast_in_dim3A_1597 = vector.broadcast %and3A_1596 : i32 to vector<16xi32>
      %mul3A_1598 = arith.constant 8 : i32
      %mul3A_1599 = arith.muli %mul3A_1096, %mul3A_1598 : i32
      %add3A_1600 = arith.constant 5 : i32
      %add3A_1601 = arith.addi %mul3A_1599, %add3A_1600 : i32
      %broadcast_in_dim3A_1602 = vector.broadcast %add3A_1601 : i32 to vector<16xi32>
      %broadcast_in_dim3A_1603 = arith.constant 0 : i32
      %broadcast_in_dim3A_1604 = vector.broadcast %broadcast_in_dim3A_1603 : i32 to vector<16xi32>
      %gather3A_1605 = tpu.vector_load_idx %arg6[%broadcast_in_dim3A_1592, %iota3A, %broadcast_in_dim3A_1604, %broadcast_in_dim3A_1597] : memref<16x17x2x128xf32, #tpu.memory_space<vmem>>[vector<16xi32>, vector<16xi32>, vector<16xi32>, vector<16xi32>], vector<16xf32>,
      %gather3A_1606 = tpu.vector_load_idx %arg6[%broadcast_in_dim3A_1592, %broadcast_in_dim3A_3, %broadcast_in_dim3A_1604, %broadcast_in_dim3A_1597] : memref<16x17x2x128xf32, #tpu.memory_space<vmem>>[vector<16xi32>, vector<16xi32>, vector<16xi32>, vector<16xi32>], vector<16xf32>,
      %add3A_1607 = arith.constant 0 : i32
      %add3A_1608 = vector.broadcast %add3A_1607 : i32 to vector<16xi32>
      %add3A_1609 = arith.addi %iota3A, %add3A_1608 : vector<16xi32>
      %div3A_1610 = arith.divf %gather3A_1605, %gather3A_1606 : vector<16xf32>
      tpu.vector_store_idx %arg7[%add3A_1609, %broadcast_in_dim3A_1602], %div3A_1610 : memref<32x512xf32, #tpu.memory_space<vmem>>[vector<16xi32>, vector<16xi32>], vector<16xf32>,
      %broadcast_in_dim3A_1611 = arith.constant 1 : i32
      %broadcast_in_dim3A_1612 = vector.broadcast %broadcast_in_dim3A_1611 : i32 to vector<16xi32>
      %gather3A_1613 = tpu.vector_load_idx %arg6[%broadcast_in_dim3A_1592, %iota3A, %broadcast_in_dim3A_1612, %broadcast_in_dim3A_1597] : memref<16x17x2x128xf32, #tpu.memory_space<vmem>>[vector<16xi32>, vector<16xi32>, vector<16xi32>, vector<16xi32>], vector<16xf32>,
      %gather3A_1614 = tpu.vector_load_idx %arg6[%broadcast_in_dim3A_1592, %broadcast_in_dim3A_3, %broadcast_in_dim3A_1612, %broadcast_in_dim3A_1597] : memref<16x17x2x128xf32, #tpu.memory_space<vmem>>[vector<16xi32>, vector<16xi32>, vector<16xi32>, vector<16xi32>], vector<16xf32>,
      %add3A_1615 = arith.constant 16 : i32
      %add3A_1616 = vector.broadcast %add3A_1615 : i32 to vector<16xi32>
      %add3A_1617 = arith.addi %iota3A, %add3A_1616 : vector<16xi32>
      %div3A_1618 = arith.divf %gather3A_1613, %gather3A_1614 : vector<16xf32>
      tpu.vector_store_idx %arg7[%add3A_1617, %broadcast_in_dim3A_1602], %div3A_1618 : memref<32x512xf32, #tpu.memory_space<vmem>>[vector<16xi32>, vector<16xi32>], vector<16xf32>,
      %broadcast_in_dim3A_1619 = arith.constant 6 : i32
      %broadcast_in_dim3A_1620 = vector.broadcast %broadcast_in_dim3A_1619 : i32 to vector<16xi32>
      %slice3A_1621 = vector.extract_strided_slice %get3A_1298 {offsets = [6], sizes = [1], strides = [1]} : vector<16xi32> to vector<1xi32>
      %squeeze3A_1622 = vector.extract %slice3A_1621[0] : i32 from vector<1xi32>
      %and3A_1623 = arith.constant 127 : i32
      %and3A_1624 = arith.andi %squeeze3A_1622, %and3A_1623 : i32
      %broadcast_in_dim3A_1625 = vector.broadcast %and3A_1624 : i32 to vector<16xi32>
      %mul3A_1626 = arith.constant 8 : i32
      %mul3A_1627 = arith.muli %mul3A_1096, %mul3A_1626 : i32
      %add3A_1628 = arith.constant 6 : i32
      %add3A_1629 = arith.addi %mul3A_1627, %add3A_1628 : i32
      %broadcast_in_dim3A_1630 = vector.broadcast %add3A_1629 : i32 to vector<16xi32>
      %broadcast_in_dim3A_1631 = arith.constant 0 : i32
      %broadcast_in_dim3A_1632 = vector.broadcast %broadcast_in_dim3A_1631 : i32 to vector<16xi32>
      %gather3A_1633 = tpu.vector_load_idx %arg6[%broadcast_in_dim3A_1620, %iota3A, %broadcast_in_dim3A_1632, %broadcast_in_dim3A_1625] : memref<16x17x2x128xf32, #tpu.memory_space<vmem>>[vector<16xi32>, vector<16xi32>, vector<16xi32>, vector<16xi32>], vector<16xf32>,
      %gather3A_1634 = tpu.vector_load_idx %arg6[%broadcast_in_dim3A_1620, %broadcast_in_dim3A_3, %broadcast_in_dim3A_1632, %broadcast_in_dim3A_1625] : memref<16x17x2x128xf32, #tpu.memory_space<vmem>>[vector<16xi32>, vector<16xi32>, vector<16xi32>, vector<16xi32>], vector<16xf32>,
      %add3A_1635 = arith.constant 0 : i32
      %add3A_1636 = vector.broadcast %add3A_1635 : i32 to vector<16xi32>
      %add3A_1637 = arith.addi %iota3A, %add3A_1636 : vector<16xi32>
      %div3A_1638 = arith.divf %gather3A_1633, %gather3A_1634 : vector<16xf32>
      tpu.vector_store_idx %arg7[%add3A_1637, %broadcast_in_dim3A_1630], %div3A_1638 : memref<32x512xf32, #tpu.memory_space<vmem>>[vector<16xi32>, vector<16xi32>], vector<16xf32>,
      %broadcast_in_dim3A_1639 = arith.constant 1 : i32
      %broadcast_in_dim3A_1640 = vector.broadcast %broadcast_in_dim3A_1639 : i32 to vector<16xi32>
      %gather3A_1641 = tpu.vector_load_idx %arg6[%broadcast_in_dim3A_1620, %iota3A, %broadcast_in_dim3A_1640, %broadcast_in_dim3A_1625] : memref<16x17x2x128xf32, #tpu.memory_space<vmem>>[vector<16xi32>, vector<16xi32>, vector<16xi32>, vector<16xi32>], vector<16xf32>,
      %gather3A_1642 = tpu.vector_load_idx %arg6[%broadcast_in_dim3A_1620, %broadcast_in_dim3A_3, %broadcast_in_dim3A_1640, %broadcast_in_dim3A_1625] : memref<16x17x2x128xf32, #tpu.memory_space<vmem>>[vector<16xi32>, vector<16xi32>, vector<16xi32>, vector<16xi32>], vector<16xf32>,
      %add3A_1643 = arith.constant 16 : i32
      %add3A_1644 = vector.broadcast %add3A_1643 : i32 to vector<16xi32>
      %add3A_1645 = arith.addi %iota3A, %add3A_1644 : vector<16xi32>
      %div3A_1646 = arith.divf %gather3A_1641, %gather3A_1642 : vector<16xf32>
      tpu.vector_store_idx %arg7[%add3A_1645, %broadcast_in_dim3A_1630], %div3A_1646 : memref<32x512xf32, #tpu.memory_space<vmem>>[vector<16xi32>, vector<16xi32>], vector<16xf32>,
      %broadcast_in_dim3A_1647 = arith.constant 7 : i32
      %broadcast_in_dim3A_1648 = vector.broadcast %broadcast_in_dim3A_1647 : i32 to vector<16xi32>
      %slice3A_1649 = vector.extract_strided_slice %get3A_1298 {offsets = [7], sizes = [1], strides = [1]} : vector<16xi32> to vector<1xi32>
      %squeeze3A_1650 = vector.extract %slice3A_1649[0] : i32 from vector<1xi32>
      %and3A_1651 = arith.constant 127 : i32
      %and3A_1652 = arith.andi %squeeze3A_1650, %and3A_1651 : i32
      %broadcast_in_dim3A_1653 = vector.broadcast %and3A_1652 : i32 to vector<16xi32>
      %mul3A_1654 = arith.constant 8 : i32
      %mul3A_1655 = arith.muli %mul3A_1096, %mul3A_1654 : i32
      %add3A_1656 = arith.constant 7 : i32
      %add3A_1657 = arith.addi %mul3A_1655, %add3A_1656 : i32
      %broadcast_in_dim3A_1658 = vector.broadcast %add3A_1657 : i32 to vector<16xi32>
      %broadcast_in_dim3A_1659 = arith.constant 0 : i32
      %broadcast_in_dim3A_1660 = vector.broadcast %broadcast_in_dim3A_1659 : i32 to vector<16xi32>
      %gather3A_1661 = tpu.vector_load_idx %arg6[%broadcast_in_dim3A_1648, %iota3A, %broadcast_in_dim3A_1660, %broadcast_in_dim3A_1653] : memref<16x17x2x128xf32, #tpu.memory_space<vmem>>[vector<16xi32>, vector<16xi32>, vector<16xi32>, vector<16xi32>], vector<16xf32>,
      %gather3A_1662 = tpu.vector_load_idx %arg6[%broadcast_in_dim3A_1648, %broadcast_in_dim3A_3, %broadcast_in_dim3A_1660, %broadcast_in_dim3A_1653] : memref<16x17x2x128xf32, #tpu.memory_space<vmem>>[vector<16xi32>, vector<16xi32>, vector<16xi32>, vector<16xi32>], vector<16xf32>,
      %add3A_1663 = arith.constant 0 : i32
      %add3A_1664 = vector.broadcast %add3A_1663 : i32 to vector<16xi32>
      %add3A_1665 = arith.addi %iota3A, %add3A_1664 : vector<16xi32>
      %div3A_1666 = arith.divf %gather3A_1661, %gather3A_1662 : vector<16xf32>
      tpu.vector_store_idx %arg7[%add3A_1665, %broadcast_in_dim3A_1658], %div3A_1666 : memref<32x512xf32, #tpu.memory_space<vmem>>[vector<16xi32>, vector<16xi32>], vector<16xf32>,
      %broadcast_in_dim3A_1667 = arith.constant 1 : i32
      %broadcast_in_dim3A_1668 = vector.broadcast %broadcast_in_dim3A_1667 : i32 to vector<16xi32>
      %gather3A_1669 = tpu.vector_load_idx %arg6[%broadcast_in_dim3A_1648, %iota3A, %broadcast_in_dim3A_1668, %broadcast_in_dim3A_1653] : memref<16x17x2x128xf32, #tpu.memory_space<vmem>>[vector<16xi32>, vector<16xi32>, vector<16xi32>, vector<16xi32>], vector<16xf32>,
      %gather3A_1670 = tpu.vector_load_idx %arg6[%broadcast_in_dim3A_1648, %broadcast_in_dim3A_3, %broadcast_in_dim3A_1668, %broadcast_in_dim3A_1653] : memref<16x17x2x128xf32, #tpu.memory_space<vmem>>[vector<16xi32>, vector<16xi32>, vector<16xi32>, vector<16xi32>], vector<16xf32>,
      %add3A_1671 = arith.constant 16 : i32
      %add3A_1672 = vector.broadcast %add3A_1671 : i32 to vector<16xi32>
      %add3A_1673 = arith.addi %iota3A, %add3A_1672 : vector<16xi32>
      %div3A_1674 = arith.divf %gather3A_1669, %gather3A_1670 : vector<16xf32>
      tpu.vector_store_idx %arg7[%add3A_1673, %broadcast_in_dim3A_1658], %div3A_1674 : memref<32x512xf32, #tpu.memory_space<vmem>>[vector<16xi32>, vector<16xi32>], vector<16xf32>,
      %add3A_1675 = arith.constant 2 : i32
      %add3A_1676 = arith.addi %mul3A_1096, %add3A_1675 : i32
      %mul3A_1677 = arith.constant 8 : i32
      %mul3A_1678 = arith.muli %add3A_1676, %mul3A_1677 : i32
      %get3A_1679 = arith.index_cast %mul3A_1678 : i32 to index
      %get3A_1680 = tpu.vector_load %arg5[%get3A_1679] {strides = array<i32>} : memref<528xi32, #tpu.memory_space<vmem>>, vector<16xi32>,
      %slice3A_1681 = vector.extract_strided_slice %get3A_1680 {offsets = [0], sizes = [1], strides = [1]} : vector<16xi32> to vector<1xi32>
      %squeeze3A_1682 = vector.extract %slice3A_1681[0] : i32 from vector<1xi32>
      %shift_right_arithmetic3A_1683 = arith.constant 7 : i32
      %shift_right_arithmetic3A_1684 = arith.shrsi %squeeze3A_1682, %shift_right_arithmetic3A_1683 : i32
      %shift_left3A_1685 = arith.constant 7 : i32
      %shift_left3A_1686 = arith.shli %shift_right_arithmetic3A_1684, %shift_left3A_1685 : i32
      %multiple_of3A_1687 = tpu.assume_multiple %shift_left3A_1686, 128 : i32
      %dma_start3A_1688 = arith.constant 0 : i32
      %dma_start3A_1689 = arith.constant 0 : i32
      %dma_start3A_1690 = arith.constant 0 : i32
      %dma_start3A_1691 = arith.constant 0 : i32
      %dma_start3A_1692 = tpu.memref_slice %arg6[%dma_start3A_1688, %dma_start3A_1689, %dma_start3A_1690, %dma_start3A_1691] : memref<16x17x2x128xf32, #tpu.memory_space<vmem>> -> memref<1x17x2x128xf32, #tpu.memory_space<vmem>>
      %dma_start3A_1693 = tpu.memref_squeeze %dma_start3A_1692 : memref<1x17x2x128xf32, #tpu.memory_space<vmem>> -> memref<17x2x128xf32, #tpu.memory_space<vmem>>
      %dma_start3A_1694 = arith.constant 0 : i32
      %dma_start3A_1695 = arith.constant 0 : i32
      %dma_start3A_1696 = tpu.memref_slice %arg2[%dma_start3A_1694, %dma_start3A_1695, %multiple_of3A_1687] : memref<17x2x1000000xf32, #tpu.memory_space<hbm>> -> memref<17x2x128xf32, #tpu.memory_space<hbm>>
      %dma_start3A_1697 = arith.constant 0 : i32
      %dma_start3A_1698 = arith.constant 0 : i32
      %dma_start3A_1699 = arith.constant 0 : i32
      %dma_start3A_1700 = tpu.memref_slice %arg6[%dma_start3A_1688, %dma_start3A_1697, %dma_start3A_1698, %dma_start3A_1699] : memref<16x17x2x128xf32, #tpu.memory_space<vmem>> -> memref<1x17x2x128xf32, #tpu.memory_space<vmem>>
      %dma_start3A_1701 = tpu.memref_squeeze %dma_start3A_1700 : memref<1x17x2x128xf32, #tpu.memory_space<vmem>> -> memref<17x2x128xf32, #tpu.memory_space<vmem>>
      %dma_start3A_1702 = arith.constant 0 : i32
      %dma_start3A_1703 = arith.constant 0 : i32
      %dma_start3A_1704 = tpu.memref_slice %arg2[%dma_start3A_1702, %dma_start3A_1703, %multiple_of3A_1687] : memref<17x2x1000000xf32, #tpu.memory_space<hbm>> -> memref<17x2x128xf32, #tpu.memory_space<hbm>>
      tpu.enqueue_dma source(%dma_start3A_1704 : memref<17x2x128xf32, #tpu.memory_space<hbm>>) target(%dma_start3A_1701 : memref<17x2x128xf32, #tpu.memory_space<vmem>>) target_semaphore(%arg8 : memref<!tpu.dma_semaphore, #tpu.memory_space<semaphore_mem>>)
      %slice3A_1705 = vector.extract_strided_slice %get3A_1680 {offsets = [1], sizes = [1], strides = [1]} : vector<16xi32> to vector<1xi32>
      %squeeze3A_1706 = vector.extract %slice3A_1705[0] : i32 from vector<1xi32>
      %shift_right_arithmetic3A_1707 = arith.constant 7 : i32
      %shift_right_arithmetic3A_1708 = arith.shrsi %squeeze3A_1706, %shift_right_arithmetic3A_1707 : i32
      %shift_left3A_1709 = arith.constant 7 : i32
      %shift_left3A_1710 = arith.shli %shift_right_arithmetic3A_1708, %shift_left3A_1709 : i32
      %multiple_of3A_1711 = tpu.assume_multiple %shift_left3A_1710, 128 : i32
      %dma_start3A_1712 = arith.constant 1 : i32
      %dma_start3A_1713 = arith.constant 0 : i32
      %dma_start3A_1714 = arith.constant 0 : i32
      %dma_start3A_1715 = arith.constant 0 : i32
      %dma_start3A_1716 = tpu.memref_slice %arg6[%dma_start3A_1712, %dma_start3A_1713, %dma_start3A_1714, %dma_start3A_1715] : memref<16x17x2x128xf32, #tpu.memory_space<vmem>> -> memref<1x17x2x128xf32, #tpu.memory_space<vmem>>
      %dma_start3A_1717 = tpu.memref_squeeze %dma_start3A_1716 : memref<1x17x2x128xf32, #tpu.memory_space<vmem>> -> memref<17x2x128xf32, #tpu.memory_space<vmem>>
      %dma_start3A_1718 = arith.constant 0 : i32
      %dma_start3A_1719 = arith.constant 0 : i32
      %dma_start3A_1720 = tpu.memref_slice %arg2[%dma_start3A_1718, %dma_start3A_1719, %multiple_of3A_1711] : memref<17x2x1000000xf32, #tpu.memory_space<hbm>> -> memref<17x2x128xf32, #tpu.memory_space<hbm>>
      %dma_start3A_1721 = arith.constant 0 : i32
      %dma_start3A_1722 = arith.constant 0 : i32
      %dma_start3A_1723 = arith.constant 0 : i32
      %dma_start3A_1724 = tpu.memref_slice %arg6[%dma_start3A_1712, %dma_start3A_1721, %dma_start3A_1722, %dma_start3A_1723] : memref<16x17x2x128xf32, #tpu.memory_space<vmem>> -> memref<1x17x2x128xf32, #tpu.memory_space<vmem>>
      %dma_start3A_1725 = tpu.memref_squeeze %dma_start3A_1724 : memref<1x17x2x128xf32, #tpu.memory_space<vmem>> -> memref<17x2x128xf32, #tpu.memory_space<vmem>>
      %dma_start3A_1726 = arith.constant 0 : i32
      %dma_start3A_1727 = arith.constant 0 : i32
      %dma_start3A_1728 = tpu.memref_slice %arg2[%dma_start3A_1726, %dma_start3A_1727, %multiple_of3A_1711] : memref<17x2x1000000xf32, #tpu.memory_space<hbm>> -> memref<17x2x128xf32, #tpu.memory_space<hbm>>
      tpu.enqueue_dma source(%dma_start3A_1728 : memref<17x2x128xf32, #tpu.memory_space<hbm>>) target(%dma_start3A_1725 : memref<17x2x128xf32, #tpu.memory_space<vmem>>) target_semaphore(%arg8 : memref<!tpu.dma_semaphore, #tpu.memory_space<semaphore_mem>>)
      %slice3A_1729 = vector.extract_strided_slice %get3A_1680 {offsets = [2], sizes = [1], strides = [1]} : vector<16xi32> to vector<1xi32>
      %squeeze3A_1730 = vector.extract %slice3A_1729[0] : i32 from vector<1xi32>
      %shift_right_arithmetic3A_1731 = arith.constant 7 : i32
      %shift_right_arithmetic3A_1732 = arith.shrsi %squeeze3A_1730, %shift_right_arithmetic3A_1731 : i32
      %shift_left3A_1733 = arith.constant 7 : i32
      %shift_left3A_1734 = arith.shli %shift_right_arithmetic3A_1732, %shift_left3A_1733 : i32
      %multiple_of3A_1735 = tpu.assume_multiple %shift_left3A_1734, 128 : i32
      %dma_start3A_1736 = arith.constant 2 : i32
      %dma_start3A_1737 = arith.constant 0 : i32
      %dma_start3A_1738 = arith.constant 0 : i32
      %dma_start3A_1739 = arith.constant 0 : i32
      %dma_start3A_1740 = tpu.memref_slice %arg6[%dma_start3A_1736, %dma_start3A_1737, %dma_start3A_1738, %dma_start3A_1739] : memref<16x17x2x128xf32, #tpu.memory_space<vmem>> -> memref<1x17x2x128xf32, #tpu.memory_space<vmem>>
      %dma_start3A_1741 = tpu.memref_squeeze %dma_start3A_1740 : memref<1x17x2x128xf32, #tpu.memory_space<vmem>> -> memref<17x2x128xf32, #tpu.memory_space<vmem>>
      %dma_start3A_1742 = arith.constant 0 : i32
      %dma_start3A_1743 = arith.constant 0 : i32
      %dma_start3A_1744 = tpu.memref_slice %arg2[%dma_start3A_1742, %dma_start3A_1743, %multiple_of3A_1735] : memref<17x2x1000000xf32, #tpu.memory_space<hbm>> -> memref<17x2x128xf32, #tpu.memory_space<hbm>>
      %dma_start3A_1745 = arith.constant 0 : i32
      %dma_start3A_1746 = arith.constant 0 : i32
      %dma_start3A_1747 = arith.constant 0 : i32
      %dma_start3A_1748 = tpu.memref_slice %arg6[%dma_start3A_1736, %dma_start3A_1745, %dma_start3A_1746, %dma_start3A_1747] : memref<16x17x2x128xf32, #tpu.memory_space<vmem>> -> memref<1x17x2x128xf32, #tpu.memory_space<vmem>>
      %dma_start3A_1749 = tpu.memref_squeeze %dma_start3A_1748 : memref<1x17x2x128xf32, #tpu.memory_space<vmem>> -> memref<17x2x128xf32, #tpu.memory_space<vmem>>
      %dma_start3A_1750 = arith.constant 0 : i32
      %dma_start3A_1751 = arith.constant 0 : i32
      %dma_start3A_1752 = tpu.memref_slice %arg2[%dma_start3A_1750, %dma_start3A_1751, %multiple_of3A_1735] : memref<17x2x1000000xf32, #tpu.memory_space<hbm>> -> memref<17x2x128xf32, #tpu.memory_space<hbm>>
      tpu.enqueue_dma source(%dma_start3A_1752 : memref<17x2x128xf32, #tpu.memory_space<hbm>>) target(%dma_start3A_1749 : memref<17x2x128xf32, #tpu.memory_space<vmem>>) target_semaphore(%arg8 : memref<!tpu.dma_semaphore, #tpu.memory_space<semaphore_mem>>)
      %slice3A_1753 = vector.extract_strided_slice %get3A_1680 {offsets = [3], sizes = [1], strides = [1]} : vector<16xi32> to vector<1xi32>
      %squeeze3A_1754 = vector.extract %slice3A_1753[0] : i32 from vector<1xi32>
      %shift_right_arithmetic3A_1755 = arith.constant 7 : i32
      %shift_right_arithmetic3A_1756 = arith.shrsi %squeeze3A_1754, %shift_right_arithmetic3A_1755 : i32
      %shift_left3A_1757 = arith.constant 7 : i32
      %shift_left3A_1758 = arith.shli %shift_right_arithmetic3A_1756, %shift_left3A_1757 : i32
      %multiple_of3A_1759 = tpu.assume_multiple %shift_left3A_1758, 128 : i32
      %dma_start3A_1760 = arith.constant 3 : i32
      %dma_start3A_1761 = arith.constant 0 : i32
      %dma_start3A_1762 = arith.constant 0 : i32
      %dma_start3A_1763 = arith.constant 0 : i32
      %dma_start3A_1764 = tpu.memref_slice %arg6[%dma_start3A_1760, %dma_start3A_1761, %dma_start3A_1762, %dma_start3A_1763] : memref<16x17x2x128xf32, #tpu.memory_space<vmem>> -> memref<1x17x2x128xf32, #tpu.memory_space<vmem>>
      %dma_start3A_1765 = tpu.memref_squeeze %dma_start3A_1764 : memref<1x17x2x128xf32, #tpu.memory_space<vmem>> -> memref<17x2x128xf32, #tpu.memory_space<vmem>>
      %dma_start3A_1766 = arith.constant 0 : i32
      %dma_start3A_1767 = arith.constant 0 : i32
      %dma_start3A_1768 = tpu.memref_slice %arg2[%dma_start3A_1766, %dma_start3A_1767, %multiple_of3A_1759] : memref<17x2x1000000xf32, #tpu.memory_space<hbm>> -> memref<17x2x128xf32, #tpu.memory_space<hbm>>
      %dma_start3A_1769 = arith.constant 0 : i32
      %dma_start3A_1770 = arith.constant 0 : i32
      %dma_start3A_1771 = arith.constant 0 : i32
      %dma_start3A_1772 = tpu.memref_slice %arg6[%dma_start3A_1760, %dma_start3A_1769, %dma_start3A_1770, %dma_start3A_1771] : memref<16x17x2x128xf32, #tpu.memory_space<vmem>> -> memref<1x17x2x128xf32, #tpu.memory_space<vmem>>
      %dma_start3A_1773 = tpu.memref_squeeze %dma_start3A_1772 : memref<1x17x2x128xf32, #tpu.memory_space<vmem>> -> memref<17x2x128xf32, #tpu.memory_space<vmem>>
      %dma_start3A_1774 = arith.constant 0 : i32
      %dma_start3A_1775 = arith.constant 0 : i32
      %dma_start3A_1776 = tpu.memref_slice %arg2[%dma_start3A_1774, %dma_start3A_1775, %multiple_of3A_1759] : memref<17x2x1000000xf32, #tpu.memory_space<hbm>> -> memref<17x2x128xf32, #tpu.memory_space<hbm>>
      tpu.enqueue_dma source(%dma_start3A_1776 : memref<17x2x128xf32, #tpu.memory_space<hbm>>) target(%dma_start3A_1773 : memref<17x2x128xf32, #tpu.memory_space<vmem>>) target_semaphore(%arg8 : memref<!tpu.dma_semaphore, #tpu.memory_space<semaphore_mem>>)
      %slice3A_1777 = vector.extract_strided_slice %get3A_1680 {offsets = [4], sizes = [1], strides = [1]} : vector<16xi32> to vector<1xi32>
      %squeeze3A_1778 = vector.extract %slice3A_1777[0] : i32 from vector<1xi32>
      %shift_right_arithmetic3A_1779 = arith.constant 7 : i32
      %shift_right_arithmetic3A_1780 = arith.shrsi %squeeze3A_1778, %shift_right_arithmetic3A_1779 : i32
      %shift_left3A_1781 = arith.constant 7 : i32
      %shift_left3A_1782 = arith.shli %shift_right_arithmetic3A_1780, %shift_left3A_1781 : i32
      %multiple_of3A_1783 = tpu.assume_multiple %shift_left3A_1782, 128 : i32
      %dma_start3A_1784 = arith.constant 4 : i32
      %dma_start3A_1785 = arith.constant 0 : i32
      %dma_start3A_1786 = arith.constant 0 : i32
      %dma_start3A_1787 = arith.constant 0 : i32
      %dma_start3A_1788 = tpu.memref_slice %arg6[%dma_start3A_1784, %dma_start3A_1785, %dma_start3A_1786, %dma_start3A_1787] : memref<16x17x2x128xf32, #tpu.memory_space<vmem>> -> memref<1x17x2x128xf32, #tpu.memory_space<vmem>>
      %dma_start3A_1789 = tpu.memref_squeeze %dma_start3A_1788 : memref<1x17x2x128xf32, #tpu.memory_space<vmem>> -> memref<17x2x128xf32, #tpu.memory_space<vmem>>
      %dma_start3A_1790 = arith.constant 0 : i32
      %dma_start3A_1791 = arith.constant 0 : i32
      %dma_start3A_1792 = tpu.memref_slice %arg2[%dma_start3A_1790, %dma_start3A_1791, %multiple_of3A_1783] : memref<17x2x1000000xf32, #tpu.memory_space<hbm>> -> memref<17x2x128xf32, #tpu.memory_space<hbm>>
      %dma_start3A_1793 = arith.constant 0 : i32
      %dma_start3A_1794 = arith.constant 0 : i32
      %dma_start3A_1795 = arith.constant 0 : i32
      %dma_start3A_1796 = tpu.memref_slice %arg6[%dma_start3A_1784, %dma_start3A_1793, %dma_start3A_1794, %dma_start3A_1795] : memref<16x17x2x128xf32, #tpu.memory_space<vmem>> -> memref<1x17x2x128xf32, #tpu.memory_space<vmem>>
      %dma_start3A_1797 = tpu.memref_squeeze %dma_start3A_1796 : memref<1x17x2x128xf32, #tpu.memory_space<vmem>> -> memref<17x2x128xf32, #tpu.memory_space<vmem>>
      %dma_start3A_1798 = arith.constant 0 : i32
      %dma_start3A_1799 = arith.constant 0 : i32
      %dma_start3A_1800 = tpu.memref_slice %arg2[%dma_start3A_1798, %dma_start3A_1799, %multiple_of3A_1783] : memref<17x2x1000000xf32, #tpu.memory_space<hbm>> -> memref<17x2x128xf32, #tpu.memory_space<hbm>>
      tpu.enqueue_dma source(%dma_start3A_1800 : memref<17x2x128xf32, #tpu.memory_space<hbm>>) target(%dma_start3A_1797 : memref<17x2x128xf32, #tpu.memory_space<vmem>>) target_semaphore(%arg8 : memref<!tpu.dma_semaphore, #tpu.memory_space<semaphore_mem>>)
      %slice3A_1801 = vector.extract_strided_slice %get3A_1680 {offsets = [5], sizes = [1], strides = [1]} : vector<16xi32> to vector<1xi32>
      %squeeze3A_1802 = vector.extract %slice3A_1801[0] : i32 from vector<1xi32>
      %shift_right_arithmetic3A_1803 = arith.constant 7 : i32
      %shift_right_arithmetic3A_1804 = arith.shrsi %squeeze3A_1802, %shift_right_arithmetic3A_1803 : i32
      %shift_left3A_1805 = arith.constant 7 : i32
      %shift_left3A_1806 = arith.shli %shift_right_arithmetic3A_1804, %shift_left3A_1805 : i32
      %multiple_of3A_1807 = tpu.assume_multiple %shift_left3A_1806, 128 : i32
      %dma_start3A_1808 = arith.constant 5 : i32
      %dma_start3A_1809 = arith.constant 0 : i32
      %dma_start3A_1810 = arith.constant 0 : i32
      %dma_start3A_1811 = arith.constant 0 : i32
      %dma_start3A_1812 = tpu.memref_slice %arg6[%dma_start3A_1808, %dma_start3A_1809, %dma_start3A_1810, %dma_start3A_1811] : memref<16x17x2x128xf32, #tpu.memory_space<vmem>> -> memref<1x17x2x128xf32, #tpu.memory_space<vmem>>
      %dma_start3A_1813 = tpu.memref_squeeze %dma_start3A_1812 : memref<1x17x2x128xf32, #tpu.memory_space<vmem>> -> memref<17x2x128xf32, #tpu.memory_space<vmem>>
      %dma_start3A_1814 = arith.constant 0 : i32
      %dma_start3A_1815 = arith.constant 0 : i32
      %dma_start3A_1816 = tpu.memref_slice %arg2[%dma_start3A_1814, %dma_start3A_1815, %multiple_of3A_1807] : memref<17x2x1000000xf32, #tpu.memory_space<hbm>> -> memref<17x2x128xf32, #tpu.memory_space<hbm>>
      %dma_start3A_1817 = arith.constant 0 : i32
      %dma_start3A_1818 = arith.constant 0 : i32
      %dma_start3A_1819 = arith.constant 0 : i32
      %dma_start3A_1820 = tpu.memref_slice %arg6[%dma_start3A_1808, %dma_start3A_1817, %dma_start3A_1818, %dma_start3A_1819] : memref<16x17x2x128xf32, #tpu.memory_space<vmem>> -> memref<1x17x2x128xf32, #tpu.memory_space<vmem>>
      %dma_start3A_1821 = tpu.memref_squeeze %dma_start3A_1820 : memref<1x17x2x128xf32, #tpu.memory_space<vmem>> -> memref<17x2x128xf32, #tpu.memory_space<vmem>>
      %dma_start3A_1822 = arith.constant 0 : i32
      %dma_start3A_1823 = arith.constant 0 : i32
      %dma_start3A_1824 = tpu.memref_slice %arg2[%dma_start3A_1822, %dma_start3A_1823, %multiple_of3A_1807] : memref<17x2x1000000xf32, #tpu.memory_space<hbm>> -> memref<17x2x128xf32, #tpu.memory_space<hbm>>
      tpu.enqueue_dma source(%dma_start3A_1824 : memref<17x2x128xf32, #tpu.memory_space<hbm>>) target(%dma_start3A_1821 : memref<17x2x128xf32, #tpu.memory_space<vmem>>) target_semaphore(%arg8 : memref<!tpu.dma_semaphore, #tpu.memory_space<semaphore_mem>>)
      %slice3A_1825 = vector.extract_strided_slice %get3A_1680 {offsets = [6], sizes = [1], strides = [1]} : vector<16xi32> to vector<1xi32>
      %squeeze3A_1826 = vector.extract %slice3A_1825[0] : i32 from vector<1xi32>
      %shift_right_arithmetic3A_1827 = arith.constant 7 : i32
      %shift_right_arithmetic3A_1828 = arith.shrsi %squeeze3A_1826, %shift_right_arithmetic3A_1827 : i32
      %shift_left3A_1829 = arith.constant 7 : i32
      %shift_left3A_1830 = arith.shli %shift_right_arithmetic3A_1828, %shift_left3A_1829 : i32
      %multiple_of3A_1831 = tpu.assume_multiple %shift_left3A_1830, 128 : i32
      %dma_start3A_1832 = arith.constant 6 : i32
      %dma_start3A_1833 = arith.constant 0 : i32
      %dma_start3A_1834 = arith.constant 0 : i32
      %dma_start3A_1835 = arith.constant 0 : i32
      %dma_start3A_1836 = tpu.memref_slice %arg6[%dma_start3A_1832, %dma_start3A_1833, %dma_start3A_1834, %dma_start3A_1835] : memref<16x17x2x128xf32, #tpu.memory_space<vmem>> -> memref<1x17x2x128xf32, #tpu.memory_space<vmem>>
      %dma_start3A_1837 = tpu.memref_squeeze %dma_start3A_1836 : memref<1x17x2x128xf32, #tpu.memory_space<vmem>> -> memref<17x2x128xf32, #tpu.memory_space<vmem>>
      %dma_start3A_1838 = arith.constant 0 : i32
      %dma_start3A_1839 = arith.constant 0 : i32
      %dma_start3A_1840 = tpu.memref_slice %arg2[%dma_start3A_1838, %dma_start3A_1839, %multiple_of3A_1831] : memref<17x2x1000000xf32, #tpu.memory_space<hbm>> -> memref<17x2x128xf32, #tpu.memory_space<hbm>>
      %dma_start3A_1841 = arith.constant 0 : i32
      %dma_start3A_1842 = arith.constant 0 : i32
      %dma_start3A_1843 = arith.constant 0 : i32
      %dma_start3A_1844 = tpu.memref_slice %arg6[%dma_start3A_1832, %dma_start3A_1841, %dma_start3A_1842, %dma_start3A_1843] : memref<16x17x2x128xf32, #tpu.memory_space<vmem>> -> memref<1x17x2x128xf32, #tpu.memory_space<vmem>>
      %dma_start3A_1845 = tpu.memref_squeeze %dma_start3A_1844 : memref<1x17x2x128xf32, #tpu.memory_space<vmem>> -> memref<17x2x128xf32, #tpu.memory_space<vmem>>
      %dma_start3A_1846 = arith.constant 0 : i32
      %dma_start3A_1847 = arith.constant 0 : i32
      %dma_start3A_1848 = tpu.memref_slice %arg2[%dma_start3A_1846, %dma_start3A_1847, %multiple_of3A_1831] : memref<17x2x1000000xf32, #tpu.memory_space<hbm>> -> memref<17x2x128xf32, #tpu.memory_space<hbm>>
      tpu.enqueue_dma source(%dma_start3A_1848 : memref<17x2x128xf32, #tpu.memory_space<hbm>>) target(%dma_start3A_1845 : memref<17x2x128xf32, #tpu.memory_space<vmem>>) target_semaphore(%arg8 : memref<!tpu.dma_semaphore, #tpu.memory_space<semaphore_mem>>)
      %slice3A_1849 = vector.extract_strided_slice %get3A_1680 {offsets = [7], sizes = [1], strides = [1]} : vector<16xi32> to vector<1xi32>
      %squeeze3A_1850 = vector.extract %slice3A_1849[0] : i32 from vector<1xi32>
      %shift_right_arithmetic3A_1851 = arith.constant 7 : i32
      %shift_right_arithmetic3A_1852 = arith.shrsi %squeeze3A_1850, %shift_right_arithmetic3A_1851 : i32
      %shift_left3A_1853 = arith.constant 7 : i32
      %shift_left3A_1854 = arith.shli %shift_right_arithmetic3A_1852, %shift_left3A_1853 : i32
      %multiple_of3A_1855 = tpu.assume_multiple %shift_left3A_1854, 128 : i32
      %dma_start3A_1856 = arith.constant 7 : i32
      %dma_start3A_1857 = arith.constant 0 : i32
      %dma_start3A_1858 = arith.constant 0 : i32
      %dma_start3A_1859 = arith.constant 0 : i32
      %dma_start3A_1860 = tpu.memref_slice %arg6[%dma_start3A_1856, %dma_start3A_1857, %dma_start3A_1858, %dma_start3A_1859] : memref<16x17x2x128xf32, #tpu.memory_space<vmem>> -> memref<1x17x2x128xf32, #tpu.memory_space<vmem>>
      %dma_start3A_1861 = tpu.memref_squeeze %dma_start3A_1860 : memref<1x17x2x128xf32, #tpu.memory_space<vmem>> -> memref<17x2x128xf32, #tpu.memory_space<vmem>>
      %dma_start3A_1862 = arith.constant 0 : i32
      %dma_start3A_1863 = arith.constant 0 : i32
      %dma_start3A_1864 = tpu.memref_slice %arg2[%dma_start3A_1862, %dma_start3A_1863, %multiple_of3A_1855] : memref<17x2x1000000xf32, #tpu.memory_space<hbm>> -> memref<17x2x128xf32, #tpu.memory_space<hbm>>
      %dma_start3A_1865 = arith.constant 0 : i32
      %dma_start3A_1866 = arith.constant 0 : i32
      %dma_start3A_1867 = arith.constant 0 : i32
      %dma_start3A_1868 = tpu.memref_slice %arg6[%dma_start3A_1856, %dma_start3A_1865, %dma_start3A_1866, %dma_start3A_1867] : memref<16x17x2x128xf32, #tpu.memory_space<vmem>> -> memref<1x17x2x128xf32, #tpu.memory_space<vmem>>
      %dma_start3A_1869 = tpu.memref_squeeze %dma_start3A_1868 : memref<1x17x2x128xf32, #tpu.memory_space<vmem>> -> memref<17x2x128xf32, #tpu.memory_space<vmem>>
      %dma_start3A_1870 = arith.constant 0 : i32
      %dma_start3A_1871 = arith.constant 0 : i32
      %dma_start3A_1872 = tpu.memref_slice %arg2[%dma_start3A_1870, %dma_start3A_1871, %multiple_of3A_1855] : memref<17x2x1000000xf32, #tpu.memory_space<hbm>> -> memref<17x2x128xf32, #tpu.memory_space<hbm>>
      tpu.enqueue_dma source(%dma_start3A_1872 : memref<17x2x128xf32, #tpu.memory_space<hbm>>) target(%dma_start3A_1869 : memref<17x2x128xf32, #tpu.memory_space<vmem>>) target_semaphore(%arg8 : memref<!tpu.dma_semaphore, #tpu.memory_space<semaphore_mem>>)
      %add3A_1873 = arith.constant 1 : i32
      %add3A_1874 = arith.addi %mul3A_1096, %add3A_1873 : i32
      %mul3A_1875 = arith.constant 8 : i32
      %mul3A_1876 = arith.muli %add3A_1874, %mul3A_1875 : i32
      %get3A_1877 = arith.index_cast %mul3A_1876 : i32 to index
      %get3A_1878 = tpu.vector_load %arg5[%get3A_1877] {strides = array<i32>} : memref<528xi32, #tpu.memory_space<vmem>>, vector<16xi32>,
      %dma_wait3A_1879 = arith.constant 8 : i32
      %dma_wait3A_1880 = arith.constant 0 : i32
      %dma_wait3A_1881 = arith.constant 0 : i32
      %dma_wait3A_1882 = arith.constant 0 : i32
      %dma_wait3A_1883 = tpu.memref_slice %arg6[%dma_wait3A_1879, %dma_wait3A_1880, %dma_wait3A_1881, %dma_wait3A_1882] : memref<16x17x2x128xf32, #tpu.memory_space<vmem>> -> memref<1x17x2x128xf32, #tpu.memory_space<vmem>>
      %dma_wait3A_1884 = tpu.memref_squeeze %dma_wait3A_1883 : memref<1x17x2x128xf32, #tpu.memory_space<vmem>> -> memref<17x2x128xf32, #tpu.memory_space<vmem>>
      %dma_wait3A_1885 = arith.constant 0 : i32
      %dma_wait3A_1886 = arith.constant 0 : i32
      %dma_wait3A_1887 = arith.constant 0 : i32
      %dma_wait3A_1888 = tpu.memref_slice %arg2[%dma_wait3A_1885, %dma_wait3A_1886, %dma_wait3A_1887] : memref<17x2x1000000xf32, #tpu.memory_space<hbm>> -> memref<17x2x128xf32, #tpu.memory_space<hbm>>
      %dma_wait3A_1889 = arith.constant 0 : i32
      %dma_wait3A_1890 = arith.constant 0 : i32
      %dma_wait3A_1891 = arith.constant 0 : i32
      %dma_wait3A_1892 = tpu.memref_slice %arg6[%dma_wait3A_1879, %dma_wait3A_1889, %dma_wait3A_1890, %dma_wait3A_1891] : memref<16x17x2x128xf32, #tpu.memory_space<vmem>> -> memref<1x17x2x128xf32, #tpu.memory_space<vmem>>
      %dma_wait3A_1893 = tpu.memref_squeeze %dma_wait3A_1892 : memref<1x17x2x128xf32, #tpu.memory_space<vmem>> -> memref<17x2x128xf32, #tpu.memory_space<vmem>>
      %dma_wait3A_1894 = arith.constant 0 : i32
      %dma_wait3A_1895 = arith.constant 0 : i32
      %dma_wait3A_1896 = arith.constant 0 : i32
      %dma_wait3A_1897 = tpu.memref_slice %arg2[%dma_wait3A_1894, %dma_wait3A_1895, %dma_wait3A_1896] : memref<17x2x1000000xf32, #tpu.memory_space<hbm>> -> memref<17x2x128xf32, #tpu.memory_space<hbm>>
      tpu.wait_dma2 semaphore(%arg9 : memref<!tpu.dma_semaphore, #tpu.memory_space<semaphore_mem>>) src(%dma_wait3A_1897 : memref<17x2x128xf32, #tpu.memory_space<hbm>>) dst(%dma_wait3A_1893 : memref<17x2x128xf32, #tpu.memory_space<vmem>>)
      %dma_wait3A_1898 = arith.constant 9 : i32
      %dma_wait3A_1899 = arith.constant 0 : i32
      %dma_wait3A_1900 = arith.constant 0 : i32
      %dma_wait3A_1901 = arith.constant 0 : i32
      %dma_wait3A_1902 = tpu.memref_slice %arg6[%dma_wait3A_1898, %dma_wait3A_1899, %dma_wait3A_1900, %dma_wait3A_1901] : memref<16x17x2x128xf32, #tpu.memory_space<vmem>> -> memref<1x17x2x128xf32, #tpu.memory_space<vmem>>
      %dma_wait3A_1903 = tpu.memref_squeeze %dma_wait3A_1902 : memref<1x17x2x128xf32, #tpu.memory_space<vmem>> -> memref<17x2x128xf32, #tpu.memory_space<vmem>>
      %dma_wait3A_1904 = arith.constant 0 : i32
      %dma_wait3A_1905 = arith.constant 0 : i32
      %dma_wait3A_1906 = arith.constant 0 : i32
      %dma_wait3A_1907 = tpu.memref_slice %arg2[%dma_wait3A_1904, %dma_wait3A_1905, %dma_wait3A_1906] : memref<17x2x1000000xf32, #tpu.memory_space<hbm>> -> memref<17x2x128xf32, #tpu.memory_space<hbm>>
      %dma_wait3A_1908 = arith.constant 0 : i32
      %dma_wait3A_1909 = arith.constant 0 : i32
      %dma_wait3A_1910 = arith.constant 0 : i32
      %dma_wait3A_1911 = tpu.memref_slice %arg6[%dma_wait3A_1898, %dma_wait3A_1908, %dma_wait3A_1909, %dma_wait3A_1910] : memref<16x17x2x128xf32, #tpu.memory_space<vmem>> -> memref<1x17x2x128xf32, #tpu.memory_space<vmem>>
      %dma_wait3A_1912 = tpu.memref_squeeze %dma_wait3A_1911 : memref<1x17x2x128xf32, #tpu.memory_space<vmem>> -> memref<17x2x128xf32, #tpu.memory_space<vmem>>
      %dma_wait3A_1913 = arith.constant 0 : i32
      %dma_wait3A_1914 = arith.constant 0 : i32
      %dma_wait3A_1915 = arith.constant 0 : i32
      %dma_wait3A_1916 = tpu.memref_slice %arg2[%dma_wait3A_1913, %dma_wait3A_1914, %dma_wait3A_1915] : memref<17x2x1000000xf32, #tpu.memory_space<hbm>> -> memref<17x2x128xf32, #tpu.memory_space<hbm>>
      tpu.wait_dma2 semaphore(%arg9 : memref<!tpu.dma_semaphore, #tpu.memory_space<semaphore_mem>>) src(%dma_wait3A_1916 : memref<17x2x128xf32, #tpu.memory_space<hbm>>) dst(%dma_wait3A_1912 : memref<17x2x128xf32, #tpu.memory_space<vmem>>)
      %dma_wait3A_1917 = arith.constant 10 : i32
      %dma_wait3A_1918 = arith.constant 0 : i32
      %dma_wait3A_1919 = arith.constant 0 : i32
      %dma_wait3A_1920 = arith.constant 0 : i32
      %dma_wait3A_1921 = tpu.memref_slice %arg6[%dma_wait3A_1917, %dma_wait3A_1918, %dma_wait3A_1919, %dma_wait3A_1920] : memref<16x17x2x128xf32, #tpu.memory_space<vmem>> -> memref<1x17x2x128xf32, #tpu.memory_space<vmem>>
      %dma_wait3A_1922 = tpu.memref_squeeze %dma_wait3A_1921 : memref<1x17x2x128xf32, #tpu.memory_space<vmem>> -> memref<17x2x128xf32, #tpu.memory_space<vmem>>
      %dma_wait3A_1923 = arith.constant 0 : i32
      %dma_wait3A_1924 = arith.constant 0 : i32
      %dma_wait3A_1925 = arith.constant 0 : i32
      %dma_wait3A_1926 = tpu.memref_slice %arg2[%dma_wait3A_1923, %dma_wait3A_1924, %dma_wait3A_1925] : memref<17x2x1000000xf32, #tpu.memory_space<hbm>> -> memref<17x2x128xf32, #tpu.memory_space<hbm>>
      %dma_wait3A_1927 = arith.constant 0 : i32
      %dma_wait3A_1928 = arith.constant 0 : i32
      %dma_wait3A_1929 = arith.constant 0 : i32
      %dma_wait3A_1930 = tpu.memref_slice %arg6[%dma_wait3A_1917, %dma_wait3A_1927, %dma_wait3A_1928, %dma_wait3A_1929] : memref<16x17x2x128xf32, #tpu.memory_space<vmem>> -> memref<1x17x2x128xf32, #tpu.memory_space<vmem>>
      %dma_wait3A_1931 = tpu.memref_squeeze %dma_wait3A_1930 : memref<1x17x2x128xf32, #tpu.memory_space<vmem>> -> memref<17x2x128xf32, #tpu.memory_space<vmem>>
      %dma_wait3A_1932 = arith.constant 0 : i32
      %dma_wait3A_1933 = arith.constant 0 : i32
      %dma_wait3A_1934 = arith.constant 0 : i32
      %dma_wait3A_1935 = tpu.memref_slice %arg2[%dma_wait3A_1932, %dma_wait3A_1933, %dma_wait3A_1934] : memref<17x2x1000000xf32, #tpu.memory_space<hbm>> -> memref<17x2x128xf32, #tpu.memory_space<hbm>>
      tpu.wait_dma2 semaphore(%arg9 : memref<!tpu.dma_semaphore, #tpu.memory_space<semaphore_mem>>) src(%dma_wait3A_1935 : memref<17x2x128xf32, #tpu.memory_space<hbm>>) dst(%dma_wait3A_1931 : memref<17x2x128xf32, #tpu.memory_space<vmem>>)
      %dma_wait3A_1936 = arith.constant 11 : i32
      %dma_wait3A_1937 = arith.constant 0 : i32
      %dma_wait3A_1938 = arith.constant 0 : i32
      %dma_wait3A_1939 = arith.constant 0 : i32
      %dma_wait3A_1940 = tpu.memref_slice %arg6[%dma_wait3A_1936, %dma_wait3A_1937, %dma_wait3A_1938, %dma_wait3A_1939] : memref<16x17x2x128xf32, #tpu.memory_space<vmem>> -> memref<1x17x2x128xf32, #tpu.memory_space<vmem>>
      %dma_wait3A_1941 = tpu.memref_squeeze %dma_wait3A_1940 : memref<1x17x2x128xf32, #tpu.memory_space<vmem>> -> memref<17x2x128xf32, #tpu.memory_space<vmem>>
      %dma_wait3A_1942 = arith.constant 0 : i32
      %dma_wait3A_1943 = arith.constant 0 : i32
      %dma_wait3A_1944 = arith.constant 0 : i32
      %dma_wait3A_1945 = tpu.memref_slice %arg2[%dma_wait3A_1942, %dma_wait3A_1943, %dma_wait3A_1944] : memref<17x2x1000000xf32, #tpu.memory_space<hbm>> -> memref<17x2x128xf32, #tpu.memory_space<hbm>>
      %dma_wait3A_1946 = arith.constant 0 : i32
      %dma_wait3A_1947 = arith.constant 0 : i32
      %dma_wait3A_1948 = arith.constant 0 : i32
      %dma_wait3A_1949 = tpu.memref_slice %arg6[%dma_wait3A_1936, %dma_wait3A_1946, %dma_wait3A_1947, %dma_wait3A_1948] : memref<16x17x2x128xf32, #tpu.memory_space<vmem>> -> memref<1x17x2x128xf32, #tpu.memory_space<vmem>>
      %dma_wait3A_1950 = tpu.memref_squeeze %dma_wait3A_1949 : memref<1x17x2x128xf32, #tpu.memory_space<vmem>> -> memref<17x2x128xf32, #tpu.memory_space<vmem>>
      %dma_wait3A_1951 = arith.constant 0 : i32
      %dma_wait3A_1952 = arith.constant 0 : i32
      %dma_wait3A_1953 = arith.constant 0 : i32
      %dma_wait3A_1954 = tpu.memref_slice %arg2[%dma_wait3A_1951, %dma_wait3A_1952, %dma_wait3A_1953] : memref<17x2x1000000xf32, #tpu.memory_space<hbm>> -> memref<17x2x128xf32, #tpu.memory_space<hbm>>
      tpu.wait_dma2 semaphore(%arg9 : memref<!tpu.dma_semaphore, #tpu.memory_space<semaphore_mem>>) src(%dma_wait3A_1954 : memref<17x2x128xf32, #tpu.memory_space<hbm>>) dst(%dma_wait3A_1950 : memref<17x2x128xf32, #tpu.memory_space<vmem>>)
      %dma_wait3A_1955 = arith.constant 12 : i32
      %dma_wait3A_1956 = arith.constant 0 : i32
      %dma_wait3A_1957 = arith.constant 0 : i32
      %dma_wait3A_1958 = arith.constant 0 : i32
      %dma_wait3A_1959 = tpu.memref_slice %arg6[%dma_wait3A_1955, %dma_wait3A_1956, %dma_wait3A_1957, %dma_wait3A_1958] : memref<16x17x2x128xf32, #tpu.memory_space<vmem>> -> memref<1x17x2x128xf32, #tpu.memory_space<vmem>>
      %dma_wait3A_1960 = tpu.memref_squeeze %dma_wait3A_1959 : memref<1x17x2x128xf32, #tpu.memory_space<vmem>> -> memref<17x2x128xf32, #tpu.memory_space<vmem>>
      %dma_wait3A_1961 = arith.constant 0 : i32
      %dma_wait3A_1962 = arith.constant 0 : i32
      %dma_wait3A_1963 = arith.constant 0 : i32
      %dma_wait3A_1964 = tpu.memref_slice %arg2[%dma_wait3A_1961, %dma_wait3A_1962, %dma_wait3A_1963] : memref<17x2x1000000xf32, #tpu.memory_space<hbm>> -> memref<17x2x128xf32, #tpu.memory_space<hbm>>
      %dma_wait3A_1965 = arith.constant 0 : i32
      %dma_wait3A_1966 = arith.constant 0 : i32
      %dma_wait3A_1967 = arith.constant 0 : i32
      %dma_wait3A_1968 = tpu.memref_slice %arg6[%dma_wait3A_1955, %dma_wait3A_1965, %dma_wait3A_1966, %dma_wait3A_1967] : memref<16x17x2x128xf32, #tpu.memory_space<vmem>> -> memref<1x17x2x128xf32, #tpu.memory_space<vmem>>
      %dma_wait3A_1969 = tpu.memref_squeeze %dma_wait3A_1968 : memref<1x17x2x128xf32, #tpu.memory_space<vmem>> -> memref<17x2x128xf32, #tpu.memory_space<vmem>>
      %dma_wait3A_1970 = arith.constant 0 : i32
      %dma_wait3A_1971 = arith.constant 0 : i32
      %dma_wait3A_1972 = arith.constant 0 : i32
      %dma_wait3A_1973 = tpu.memref_slice %arg2[%dma_wait3A_1970, %dma_wait3A_1971, %dma_wait3A_1972] : memref<17x2x1000000xf32, #tpu.memory_space<hbm>> -> memref<17x2x128xf32, #tpu.memory_space<hbm>>
      tpu.wait_dma2 semaphore(%arg9 : memref<!tpu.dma_semaphore, #tpu.memory_space<semaphore_mem>>) src(%dma_wait3A_1973 : memref<17x2x128xf32, #tpu.memory_space<hbm>>) dst(%dma_wait3A_1969 : memref<17x2x128xf32, #tpu.memory_space<vmem>>)
      %dma_wait3A_1974 = arith.constant 13 : i32
      %dma_wait3A_1975 = arith.constant 0 : i32
      %dma_wait3A_1976 = arith.constant 0 : i32
      %dma_wait3A_1977 = arith.constant 0 : i32
      %dma_wait3A_1978 = tpu.memref_slice %arg6[%dma_wait3A_1974, %dma_wait3A_1975, %dma_wait3A_1976, %dma_wait3A_1977] : memref<16x17x2x128xf32, #tpu.memory_space<vmem>> -> memref<1x17x2x128xf32, #tpu.memory_space<vmem>>
      %dma_wait3A_1979 = tpu.memref_squeeze %dma_wait3A_1978 : memref<1x17x2x128xf32, #tpu.memory_space<vmem>> -> memref<17x2x128xf32, #tpu.memory_space<vmem>>
      %dma_wait3A_1980 = arith.constant 0 : i32
      %dma_wait3A_1981 = arith.constant 0 : i32
      %dma_wait3A_1982 = arith.constant 0 : i32
      %dma_wait3A_1983 = tpu.memref_slice %arg2[%dma_wait3A_1980, %dma_wait3A_1981, %dma_wait3A_1982] : memref<17x2x1000000xf32, #tpu.memory_space<hbm>> -> memref<17x2x128xf32, #tpu.memory_space<hbm>>
      %dma_wait3A_1984 = arith.constant 0 : i32
      %dma_wait3A_1985 = arith.constant 0 : i32
      %dma_wait3A_1986 = arith.constant 0 : i32
      %dma_wait3A_1987 = tpu.memref_slice %arg6[%dma_wait3A_1974, %dma_wait3A_1984, %dma_wait3A_1985, %dma_wait3A_1986] : memref<16x17x2x128xf32, #tpu.memory_space<vmem>> -> memref<1x17x2x128xf32, #tpu.memory_space<vmem>>
      %dma_wait3A_1988 = tpu.memref_squeeze %dma_wait3A_1987 : memref<1x17x2x128xf32, #tpu.memory_space<vmem>> -> memref<17x2x128xf32, #tpu.memory_space<vmem>>
      %dma_wait3A_1989 = arith.constant 0 : i32
      %dma_wait3A_1990 = arith.constant 0 : i32
      %dma_wait3A_1991 = arith.constant 0 : i32
      %dma_wait3A_1992 = tpu.memref_slice %arg2[%dma_wait3A_1989, %dma_wait3A_1990, %dma_wait3A_1991] : memref<17x2x1000000xf32, #tpu.memory_space<hbm>> -> memref<17x2x128xf32, #tpu.memory_space<hbm>>
      tpu.wait_dma2 semaphore(%arg9 : memref<!tpu.dma_semaphore, #tpu.memory_space<semaphore_mem>>) src(%dma_wait3A_1992 : memref<17x2x128xf32, #tpu.memory_space<hbm>>) dst(%dma_wait3A_1988 : memref<17x2x128xf32, #tpu.memory_space<vmem>>)
      %dma_wait3A_1993 = arith.constant 14 : i32
      %dma_wait3A_1994 = arith.constant 0 : i32
      %dma_wait3A_1995 = arith.constant 0 : i32
      %dma_wait3A_1996 = arith.constant 0 : i32
      %dma_wait3A_1997 = tpu.memref_slice %arg6[%dma_wait3A_1993, %dma_wait3A_1994, %dma_wait3A_1995, %dma_wait3A_1996] : memref<16x17x2x128xf32, #tpu.memory_space<vmem>> -> memref<1x17x2x128xf32, #tpu.memory_space<vmem>>
      %dma_wait3A_1998 = tpu.memref_squeeze %dma_wait3A_1997 : memref<1x17x2x128xf32, #tpu.memory_space<vmem>> -> memref<17x2x128xf32, #tpu.memory_space<vmem>>
      %dma_wait3A_1999 = arith.constant 0 : i32
      %dma_wait3A_2000 = arith.constant 0 : i32
      %dma_wait3A_2001 = arith.constant 0 : i32
      %dma_wait3A_2002 = tpu.memref_slice %arg2[%dma_wait3A_1999, %dma_wait3A_2000, %dma_wait3A_2001] : memref<17x2x1000000xf32, #tpu.memory_space<hbm>> -> memref<17x2x128xf32, #tpu.memory_space<hbm>>
      %dma_wait3A_2003 = arith.constant 0 : i32
      %dma_wait3A_2004 = arith.constant 0 : i32
      %dma_wait3A_2005 = arith.constant 0 : i32
      %dma_wait3A_2006 = tpu.memref_slice %arg6[%dma_wait3A_1993, %dma_wait3A_2003, %dma_wait3A_2004, %dma_wait3A_2005] : memref<16x17x2x128xf32, #tpu.memory_space<vmem>> -> memref<1x17x2x128xf32, #tpu.memory_space<vmem>>
      %dma_wait3A_2007 = tpu.memref_squeeze %dma_wait3A_2006 : memref<1x17x2x128xf32, #tpu.memory_space<vmem>> -> memref<17x2x128xf32, #tpu.memory_space<vmem>>
      %dma_wait3A_2008 = arith.constant 0 : i32
      %dma_wait3A_2009 = arith.constant 0 : i32
      %dma_wait3A_2010 = arith.constant 0 : i32
      %dma_wait3A_2011 = tpu.memref_slice %arg2[%dma_wait3A_2008, %dma_wait3A_2009, %dma_wait3A_2010] : memref<17x2x1000000xf32, #tpu.memory_space<hbm>> -> memref<17x2x128xf32, #tpu.memory_space<hbm>>
      tpu.wait_dma2 semaphore(%arg9 : memref<!tpu.dma_semaphore, #tpu.memory_space<semaphore_mem>>) src(%dma_wait3A_2011 : memref<17x2x128xf32, #tpu.memory_space<hbm>>) dst(%dma_wait3A_2007 : memref<17x2x128xf32, #tpu.memory_space<vmem>>)
      %dma_wait3A_2012 = arith.constant 15 : i32
      %dma_wait3A_2013 = arith.constant 0 : i32
      %dma_wait3A_2014 = arith.constant 0 : i32
      %dma_wait3A_2015 = arith.constant 0 : i32
      %dma_wait3A_2016 = tpu.memref_slice %arg6[%dma_wait3A_2012, %dma_wait3A_2013, %dma_wait3A_2014, %dma_wait3A_2015] : memref<16x17x2x128xf32, #tpu.memory_space<vmem>> -> memref<1x17x2x128xf32, #tpu.memory_space<vmem>>
      %dma_wait3A_2017 = tpu.memref_squeeze %dma_wait3A_2016 : memref<1x17x2x128xf32, #tpu.memory_space<vmem>> -> memref<17x2x128xf32, #tpu.memory_space<vmem>>
      %dma_wait3A_2018 = arith.constant 0 : i32
      %dma_wait3A_2019 = arith.constant 0 : i32
      %dma_wait3A_2020 = arith.constant 0 : i32
      %dma_wait3A_2021 = tpu.memref_slice %arg2[%dma_wait3A_2018, %dma_wait3A_2019, %dma_wait3A_2020] : memref<17x2x1000000xf32, #tpu.memory_space<hbm>> -> memref<17x2x128xf32, #tpu.memory_space<hbm>>
      %dma_wait3A_2022 = arith.constant 0 : i32
      %dma_wait3A_2023 = arith.constant 0 : i32
      %dma_wait3A_2024 = arith.constant 0 : i32
      %dma_wait3A_2025 = tpu.memref_slice %arg6[%dma_wait3A_2012, %dma_wait3A_2022, %dma_wait3A_2023, %dma_wait3A_2024] : memref<16x17x2x128xf32, #tpu.memory_space<vmem>> -> memref<1x17x2x128xf32, #tpu.memory_space<vmem>>
      %dma_wait3A_2026 = tpu.memref_squeeze %dma_wait3A_2025 : memref<1x17x2x128xf32, #tpu.memory_space<vmem>> -> memref<17x2x128xf32, #tpu.memory_space<vmem>>
      %dma_wait3A_2027 = arith.constant 0 : i32
      %dma_wait3A_2028 = arith.constant 0 : i32
      %dma_wait3A_2029 = arith.constant 0 : i32
      %dma_wait3A_2030 = tpu.memref_slice %arg2[%dma_wait3A_2027, %dma_wait3A_2028, %dma_wait3A_2029] : memref<17x2x1000000xf32, #tpu.memory_space<hbm>> -> memref<17x2x128xf32, #tpu.memory_space<hbm>>
      tpu.wait_dma2 semaphore(%arg9 : memref<!tpu.dma_semaphore, #tpu.memory_space<semaphore_mem>>) src(%dma_wait3A_2030 : memref<17x2x128xf32, #tpu.memory_space<hbm>>) dst(%dma_wait3A_2026 : memref<17x2x128xf32, #tpu.memory_space<vmem>>)
      %broadcast_in_dim3A_2031 = arith.constant 8 : i32
      %broadcast_in_dim3A_2032 = vector.broadcast %broadcast_in_dim3A_2031 : i32 to vector<16xi32>
      %slice3A_2033 = vector.extract_strided_slice %get3A_1878 {offsets = [0], sizes = [1], strides = [1]} : vector<16xi32> to vector<1xi32>
      %squeeze3A_2034 = vector.extract %slice3A_2033[0] : i32 from vector<1xi32>
      %and3A_2035 = arith.constant 127 : i32
      %and3A_2036 = arith.andi %squeeze3A_2034, %and3A_2035 : i32
      %broadcast_in_dim3A_2037 = vector.broadcast %and3A_2036 : i32 to vector<16xi32>
      %mul3A_2038 = arith.constant 8 : i32
      %mul3A_2039 = arith.muli %add3A_1874, %mul3A_2038 : i32
      %add3A_2040 = arith.constant 0 : i32
      %add3A_2041 = arith.addi %mul3A_2039, %add3A_2040 : i32
      %broadcast_in_dim3A_2042 = vector.broadcast %add3A_2041 : i32 to vector<16xi32>
      %broadcast_in_dim3A_2043 = arith.constant 0 : i32
      %broadcast_in_dim3A_2044 = vector.broadcast %broadcast_in_dim3A_2043 : i32 to vector<16xi32>
      %gather3A_2045 = tpu.vector_load_idx %arg6[%broadcast_in_dim3A_2032, %iota3A, %broadcast_in_dim3A_2044, %broadcast_in_dim3A_2037] : memref<16x17x2x128xf32, #tpu.memory_space<vmem>>[vector<16xi32>, vector<16xi32>, vector<16xi32>, vector<16xi32>], vector<16xf32>,
      %gather3A_2046 = tpu.vector_load_idx %arg6[%broadcast_in_dim3A_2032, %broadcast_in_dim3A_3, %broadcast_in_dim3A_2044, %broadcast_in_dim3A_2037] : memref<16x17x2x128xf32, #tpu.memory_space<vmem>>[vector<16xi32>, vector<16xi32>, vector<16xi32>, vector<16xi32>], vector<16xf32>,
      %add3A_2047 = arith.constant 0 : i32
      %add3A_2048 = vector.broadcast %add3A_2047 : i32 to vector<16xi32>
      %add3A_2049 = arith.addi %iota3A, %add3A_2048 : vector<16xi32>
      %div3A_2050 = arith.divf %gather3A_2045, %gather3A_2046 : vector<16xf32>
      tpu.vector_store_idx %arg7[%add3A_2049, %broadcast_in_dim3A_2042], %div3A_2050 : memref<32x512xf32, #tpu.memory_space<vmem>>[vector<16xi32>, vector<16xi32>], vector<16xf32>,
      %broadcast_in_dim3A_2051 = arith.constant 1 : i32
      %broadcast_in_dim3A_2052 = vector.broadcast %broadcast_in_dim3A_2051 : i32 to vector<16xi32>
      %gather3A_2053 = tpu.vector_load_idx %arg6[%broadcast_in_dim3A_2032, %iota3A, %broadcast_in_dim3A_2052, %broadcast_in_dim3A_2037] : memref<16x17x2x128xf32, #tpu.memory_space<vmem>>[vector<16xi32>, vector<16xi32>, vector<16xi32>, vector<16xi32>], vector<16xf32>,
      %gather3A_2054 = tpu.vector_load_idx %arg6[%broadcast_in_dim3A_2032, %broadcast_in_dim3A_3, %broadcast_in_dim3A_2052, %broadcast_in_dim3A_2037] : memref<16x17x2x128xf32, #tpu.memory_space<vmem>>[vector<16xi32>, vector<16xi32>, vector<16xi32>, vector<16xi32>], vector<16xf32>,
      %add3A_2055 = arith.constant 16 : i32
      %add3A_2056 = vector.broadcast %add3A_2055 : i32 to vector<16xi32>
      %add3A_2057 = arith.addi %iota3A, %add3A_2056 : vector<16xi32>
      %div3A_2058 = arith.divf %gather3A_2053, %gather3A_2054 : vector<16xf32>
      tpu.vector_store_idx %arg7[%add3A_2057, %broadcast_in_dim3A_2042], %div3A_2058 : memref<32x512xf32, #tpu.memory_space<vmem>>[vector<16xi32>, vector<16xi32>], vector<16xf32>,
      %broadcast_in_dim3A_2059 = arith.constant 9 : i32
      %broadcast_in_dim3A_2060 = vector.broadcast %broadcast_in_dim3A_2059 : i32 to vector<16xi32>
      %slice3A_2061 = vector.extract_strided_slice %get3A_1878 {offsets = [1], sizes = [1], strides = [1]} : vector<16xi32> to vector<1xi32>
      %squeeze3A_2062 = vector.extract %slice3A_2061[0] : i32 from vector<1xi32>
      %and3A_2063 = arith.constant 127 : i32
      %and3A_2064 = arith.andi %squeeze3A_2062, %and3A_2063 : i32
      %broadcast_in_dim3A_2065 = vector.broadcast %and3A_2064 : i32 to vector<16xi32>
      %mul3A_2066 = arith.constant 8 : i32
      %mul3A_2067 = arith.muli %add3A_1874, %mul3A_2066 : i32
      %add3A_2068 = arith.constant 1 : i32
      %add3A_2069 = arith.addi %mul3A_2067, %add3A_2068 : i32
      %broadcast_in_dim3A_2070 = vector.broadcast %add3A_2069 : i32 to vector<16xi32>
      %broadcast_in_dim3A_2071 = arith.constant 0 : i32
      %broadcast_in_dim3A_2072 = vector.broadcast %broadcast_in_dim3A_2071 : i32 to vector<16xi32>
      %gather3A_2073 = tpu.vector_load_idx %arg6[%broadcast_in_dim3A_2060, %iota3A, %broadcast_in_dim3A_2072, %broadcast_in_dim3A_2065] : memref<16x17x2x128xf32, #tpu.memory_space<vmem>>[vector<16xi32>, vector<16xi32>, vector<16xi32>, vector<16xi32>], vector<16xf32>,
      %gather3A_2074 = tpu.vector_load_idx %arg6[%broadcast_in_dim3A_2060, %broadcast_in_dim3A_3, %broadcast_in_dim3A_2072, %broadcast_in_dim3A_2065] : memref<16x17x2x128xf32, #tpu.memory_space<vmem>>[vector<16xi32>, vector<16xi32>, vector<16xi32>, vector<16xi32>], vector<16xf32>,
      %add3A_2075 = arith.constant 0 : i32
      %add3A_2076 = vector.broadcast %add3A_2075 : i32 to vector<16xi32>
      %add3A_2077 = arith.addi %iota3A, %add3A_2076 : vector<16xi32>
      %div3A_2078 = arith.divf %gather3A_2073, %gather3A_2074 : vector<16xf32>
      tpu.vector_store_idx %arg7[%add3A_2077, %broadcast_in_dim3A_2070], %div3A_2078 : memref<32x512xf32, #tpu.memory_space<vmem>>[vector<16xi32>, vector<16xi32>], vector<16xf32>,
      %broadcast_in_dim3A_2079 = arith.constant 1 : i32
      %broadcast_in_dim3A_2080 = vector.broadcast %broadcast_in_dim3A_2079 : i32 to vector<16xi32>
      %gather3A_2081 = tpu.vector_load_idx %arg6[%broadcast_in_dim3A_2060, %iota3A, %broadcast_in_dim3A_2080, %broadcast_in_dim3A_2065] : memref<16x17x2x128xf32, #tpu.memory_space<vmem>>[vector<16xi32>, vector<16xi32>, vector<16xi32>, vector<16xi32>], vector<16xf32>,
      %gather3A_2082 = tpu.vector_load_idx %arg6[%broadcast_in_dim3A_2060, %broadcast_in_dim3A_3, %broadcast_in_dim3A_2080, %broadcast_in_dim3A_2065] : memref<16x17x2x128xf32, #tpu.memory_space<vmem>>[vector<16xi32>, vector<16xi32>, vector<16xi32>, vector<16xi32>], vector<16xf32>,
      %add3A_2083 = arith.constant 16 : i32
      %add3A_2084 = vector.broadcast %add3A_2083 : i32 to vector<16xi32>
      %add3A_2085 = arith.addi %iota3A, %add3A_2084 : vector<16xi32>
      %div3A_2086 = arith.divf %gather3A_2081, %gather3A_2082 : vector<16xf32>
      tpu.vector_store_idx %arg7[%add3A_2085, %broadcast_in_dim3A_2070], %div3A_2086 : memref<32x512xf32, #tpu.memory_space<vmem>>[vector<16xi32>, vector<16xi32>], vector<16xf32>,
      %broadcast_in_dim3A_2087 = arith.constant 10 : i32
      %broadcast_in_dim3A_2088 = vector.broadcast %broadcast_in_dim3A_2087 : i32 to vector<16xi32>
      %slice3A_2089 = vector.extract_strided_slice %get3A_1878 {offsets = [2], sizes = [1], strides = [1]} : vector<16xi32> to vector<1xi32>
      %squeeze3A_2090 = vector.extract %slice3A_2089[0] : i32 from vector<1xi32>
      %and3A_2091 = arith.constant 127 : i32
      %and3A_2092 = arith.andi %squeeze3A_2090, %and3A_2091 : i32
      %broadcast_in_dim3A_2093 = vector.broadcast %and3A_2092 : i32 to vector<16xi32>
      %mul3A_2094 = arith.constant 8 : i32
      %mul3A_2095 = arith.muli %add3A_1874, %mul3A_2094 : i32
      %add3A_2096 = arith.constant 2 : i32
      %add3A_2097 = arith.addi %mul3A_2095, %add3A_2096 : i32
      %broadcast_in_dim3A_2098 = vector.broadcast %add3A_2097 : i32 to vector<16xi32>
      %broadcast_in_dim3A_2099 = arith.constant 0 : i32
      %broadcast_in_dim3A_2100 = vector.broadcast %broadcast_in_dim3A_2099 : i32 to vector<16xi32>
      %gather3A_2101 = tpu.vector_load_idx %arg6[%broadcast_in_dim3A_2088, %iota3A, %broadcast_in_dim3A_2100, %broadcast_in_dim3A_2093] : memref<16x17x2x128xf32, #tpu.memory_space<vmem>>[vector<16xi32>, vector<16xi32>, vector<16xi32>, vector<16xi32>], vector<16xf32>,
      %gather3A_2102 = tpu.vector_load_idx %arg6[%broadcast_in_dim3A_2088, %broadcast_in_dim3A_3, %broadcast_in_dim3A_2100, %broadcast_in_dim3A_2093] : memref<16x17x2x128xf32, #tpu.memory_space<vmem>>[vector<16xi32>, vector<16xi32>, vector<16xi32>, vector<16xi32>], vector<16xf32>,
      %add3A_2103 = arith.constant 0 : i32
      %add3A_2104 = vector.broadcast %add3A_2103 : i32 to vector<16xi32>
      %add3A_2105 = arith.addi %iota3A, %add3A_2104 : vector<16xi32>
      %div3A_2106 = arith.divf %gather3A_2101, %gather3A_2102 : vector<16xf32>
      tpu.vector_store_idx %arg7[%add3A_2105, %broadcast_in_dim3A_2098], %div3A_2106 : memref<32x512xf32, #tpu.memory_space<vmem>>[vector<16xi32>, vector<16xi32>], vector<16xf32>,
      %broadcast_in_dim3A_2107 = arith.constant 1 : i32
      %broadcast_in_dim3A_2108 = vector.broadcast %broadcast_in_dim3A_2107 : i32 to vector<16xi32>
      %gather3A_2109 = tpu.vector_load_idx %arg6[%broadcast_in_dim3A_2088, %iota3A, %broadcast_in_dim3A_2108, %broadcast_in_dim3A_2093] : memref<16x17x2x128xf32, #tpu.memory_space<vmem>>[vector<16xi32>, vector<16xi32>, vector<16xi32>, vector<16xi32>], vector<16xf32>,
      %gather3A_2110 = tpu.vector_load_idx %arg6[%broadcast_in_dim3A_2088, %broadcast_in_dim3A_3, %broadcast_in_dim3A_2108, %broadcast_in_dim3A_2093] : memref<16x17x2x128xf32, #tpu.memory_space<vmem>>[vector<16xi32>, vector<16xi32>, vector<16xi32>, vector<16xi32>], vector<16xf32>,
      %add3A_2111 = arith.constant 16 : i32
      %add3A_2112 = vector.broadcast %add3A_2111 : i32 to vector<16xi32>
      %add3A_2113 = arith.addi %iota3A, %add3A_2112 : vector<16xi32>
      %div3A_2114 = arith.divf %gather3A_2109, %gather3A_2110 : vector<16xf32>
      tpu.vector_store_idx %arg7[%add3A_2113, %broadcast_in_dim3A_2098], %div3A_2114 : memref<32x512xf32, #tpu.memory_space<vmem>>[vector<16xi32>, vector<16xi32>], vector<16xf32>,
      %broadcast_in_dim3A_2115 = arith.constant 11 : i32
      %broadcast_in_dim3A_2116 = vector.broadcast %broadcast_in_dim3A_2115 : i32 to vector<16xi32>
      %slice3A_2117 = vector.extract_strided_slice %get3A_1878 {offsets = [3], sizes = [1], strides = [1]} : vector<16xi32> to vector<1xi32>
      %squeeze3A_2118 = vector.extract %slice3A_2117[0] : i32 from vector<1xi32>
      %and3A_2119 = arith.constant 127 : i32
      %and3A_2120 = arith.andi %squeeze3A_2118, %and3A_2119 : i32
      %broadcast_in_dim3A_2121 = vector.broadcast %and3A_2120 : i32 to vector<16xi32>
      %mul3A_2122 = arith.constant 8 : i32
      %mul3A_2123 = arith.muli %add3A_1874, %mul3A_2122 : i32
      %add3A_2124 = arith.constant 3 : i32
      %add3A_2125 = arith.addi %mul3A_2123, %add3A_2124 : i32
      %broadcast_in_dim3A_2126 = vector.broadcast %add3A_2125 : i32 to vector<16xi32>
      %broadcast_in_dim3A_2127 = arith.constant 0 : i32
      %broadcast_in_dim3A_2128 = vector.broadcast %broadcast_in_dim3A_2127 : i32 to vector<16xi32>
      %gather3A_2129 = tpu.vector_load_idx %arg6[%broadcast_in_dim3A_2116, %iota3A, %broadcast_in_dim3A_2128, %broadcast_in_dim3A_2121] : memref<16x17x2x128xf32, #tpu.memory_space<vmem>>[vector<16xi32>, vector<16xi32>, vector<16xi32>, vector<16xi32>], vector<16xf32>,
      %gather3A_2130 = tpu.vector_load_idx %arg6[%broadcast_in_dim3A_2116, %broadcast_in_dim3A_3, %broadcast_in_dim3A_2128, %broadcast_in_dim3A_2121] : memref<16x17x2x128xf32, #tpu.memory_space<vmem>>[vector<16xi32>, vector<16xi32>, vector<16xi32>, vector<16xi32>], vector<16xf32>,
      %add3A_2131 = arith.constant 0 : i32
      %add3A_2132 = vector.broadcast %add3A_2131 : i32 to vector<16xi32>
      %add3A_2133 = arith.addi %iota3A, %add3A_2132 : vector<16xi32>
      %div3A_2134 = arith.divf %gather3A_2129, %gather3A_2130 : vector<16xf32>
      tpu.vector_store_idx %arg7[%add3A_2133, %broadcast_in_dim3A_2126], %div3A_2134 : memref<32x512xf32, #tpu.memory_space<vmem>>[vector<16xi32>, vector<16xi32>], vector<16xf32>,
      %broadcast_in_dim3A_2135 = arith.constant 1 : i32
      %broadcast_in_dim3A_2136 = vector.broadcast %broadcast_in_dim3A_2135 : i32 to vector<16xi32>
      %gather3A_2137 = tpu.vector_load_idx %arg6[%broadcast_in_dim3A_2116, %iota3A, %broadcast_in_dim3A_2136, %broadcast_in_dim3A_2121] : memref<16x17x2x128xf32, #tpu.memory_space<vmem>>[vector<16xi32>, vector<16xi32>, vector<16xi32>, vector<16xi32>], vector<16xf32>,
      %gather3A_2138 = tpu.vector_load_idx %arg6[%broadcast_in_dim3A_2116, %broadcast_in_dim3A_3, %broadcast_in_dim3A_2136, %broadcast_in_dim3A_2121] : memref<16x17x2x128xf32, #tpu.memory_space<vmem>>[vector<16xi32>, vector<16xi32>, vector<16xi32>, vector<16xi32>], vector<16xf32>,
      %add3A_2139 = arith.constant 16 : i32
      %add3A_2140 = vector.broadcast %add3A_2139 : i32 to vector<16xi32>
      %add3A_2141 = arith.addi %iota3A, %add3A_2140 : vector<16xi32>
      %div3A_2142 = arith.divf %gather3A_2137, %gather3A_2138 : vector<16xf32>
      tpu.vector_store_idx %arg7[%add3A_2141, %broadcast_in_dim3A_2126], %div3A_2142 : memref<32x512xf32, #tpu.memory_space<vmem>>[vector<16xi32>, vector<16xi32>], vector<16xf32>,
      %broadcast_in_dim3A_2143 = arith.constant 12 : i32
      %broadcast_in_dim3A_2144 = vector.broadcast %broadcast_in_dim3A_2143 : i32 to vector<16xi32>
      %slice3A_2145 = vector.extract_strided_slice %get3A_1878 {offsets = [4], sizes = [1], strides = [1]} : vector<16xi32> to vector<1xi32>
      %squeeze3A_2146 = vector.extract %slice3A_2145[0] : i32 from vector<1xi32>
      %and3A_2147 = arith.constant 127 : i32
      %and3A_2148 = arith.andi %squeeze3A_2146, %and3A_2147 : i32
      %broadcast_in_dim3A_2149 = vector.broadcast %and3A_2148 : i32 to vector<16xi32>
      %mul3A_2150 = arith.constant 8 : i32
      %mul3A_2151 = arith.muli %add3A_1874, %mul3A_2150 : i32
      %add3A_2152 = arith.constant 4 : i32
      %add3A_2153 = arith.addi %mul3A_2151, %add3A_2152 : i32
      %broadcast_in_dim3A_2154 = vector.broadcast %add3A_2153 : i32 to vector<16xi32>
      %broadcast_in_dim3A_2155 = arith.constant 0 : i32
      %broadcast_in_dim3A_2156 = vector.broadcast %broadcast_in_dim3A_2155 : i32 to vector<16xi32>
      %gather3A_2157 = tpu.vector_load_idx %arg6[%broadcast_in_dim3A_2144, %iota3A, %broadcast_in_dim3A_2156, %broadcast_in_dim3A_2149] : memref<16x17x2x128xf32, #tpu.memory_space<vmem>>[vector<16xi32>, vector<16xi32>, vector<16xi32>, vector<16xi32>], vector<16xf32>,
      %gather3A_2158 = tpu.vector_load_idx %arg6[%broadcast_in_dim3A_2144, %broadcast_in_dim3A_3, %broadcast_in_dim3A_2156, %broadcast_in_dim3A_2149] : memref<16x17x2x128xf32, #tpu.memory_space<vmem>>[vector<16xi32>, vector<16xi32>, vector<16xi32>, vector<16xi32>], vector<16xf32>,
      %add3A_2159 = arith.constant 0 : i32
      %add3A_2160 = vector.broadcast %add3A_2159 : i32 to vector<16xi32>
      %add3A_2161 = arith.addi %iota3A, %add3A_2160 : vector<16xi32>
      %div3A_2162 = arith.divf %gather3A_2157, %gather3A_2158 : vector<16xf32>
      tpu.vector_store_idx %arg7[%add3A_2161, %broadcast_in_dim3A_2154], %div3A_2162 : memref<32x512xf32, #tpu.memory_space<vmem>>[vector<16xi32>, vector<16xi32>], vector<16xf32>,
      %broadcast_in_dim3A_2163 = arith.constant 1 : i32
      %broadcast_in_dim3A_2164 = vector.broadcast %broadcast_in_dim3A_2163 : i32 to vector<16xi32>
      %gather3A_2165 = tpu.vector_load_idx %arg6[%broadcast_in_dim3A_2144, %iota3A, %broadcast_in_dim3A_2164, %broadcast_in_dim3A_2149] : memref<16x17x2x128xf32, #tpu.memory_space<vmem>>[vector<16xi32>, vector<16xi32>, vector<16xi32>, vector<16xi32>], vector<16xf32>,
      %gather3A_2166 = tpu.vector_load_idx %arg6[%broadcast_in_dim3A_2144, %broadcast_in_dim3A_3, %broadcast_in_dim3A_2164, %broadcast_in_dim3A_2149] : memref<16x17x2x128xf32, #tpu.memory_space<vmem>>[vector<16xi32>, vector<16xi32>, vector<16xi32>, vector<16xi32>], vector<16xf32>,
      %add3A_2167 = arith.constant 16 : i32
      %add3A_2168 = vector.broadcast %add3A_2167 : i32 to vector<16xi32>
      %add3A_2169 = arith.addi %iota3A, %add3A_2168 : vector<16xi32>
      %div3A_2170 = arith.divf %gather3A_2165, %gather3A_2166 : vector<16xf32>
      tpu.vector_store_idx %arg7[%add3A_2169, %broadcast_in_dim3A_2154], %div3A_2170 : memref<32x512xf32, #tpu.memory_space<vmem>>[vector<16xi32>, vector<16xi32>], vector<16xf32>,
      %broadcast_in_dim3A_2171 = arith.constant 13 : i32
      %broadcast_in_dim3A_2172 = vector.broadcast %broadcast_in_dim3A_2171 : i32 to vector<16xi32>
      %slice3A_2173 = vector.extract_strided_slice %get3A_1878 {offsets = [5], sizes = [1], strides = [1]} : vector<16xi32> to vector<1xi32>
      %squeeze3A_2174 = vector.extract %slice3A_2173[0] : i32 from vector<1xi32>
      %and3A_2175 = arith.constant 127 : i32
      %and3A_2176 = arith.andi %squeeze3A_2174, %and3A_2175 : i32
      %broadcast_in_dim3A_2177 = vector.broadcast %and3A_2176 : i32 to vector<16xi32>
      %mul3A_2178 = arith.constant 8 : i32
      %mul3A_2179 = arith.muli %add3A_1874, %mul3A_2178 : i32
      %add3A_2180 = arith.constant 5 : i32
      %add3A_2181 = arith.addi %mul3A_2179, %add3A_2180 : i32
      %broadcast_in_dim3A_2182 = vector.broadcast %add3A_2181 : i32 to vector<16xi32>
      %broadcast_in_dim3A_2183 = arith.constant 0 : i32
      %broadcast_in_dim3A_2184 = vector.broadcast %broadcast_in_dim3A_2183 : i32 to vector<16xi32>
      %gather3A_2185 = tpu.vector_load_idx %arg6[%broadcast_in_dim3A_2172, %iota3A, %broadcast_in_dim3A_2184, %broadcast_in_dim3A_2177] : memref<16x17x2x128xf32, #tpu.memory_space<vmem>>[vector<16xi32>, vector<16xi32>, vector<16xi32>, vector<16xi32>], vector<16xf32>,
      %gather3A_2186 = tpu.vector_load_idx %arg6[%broadcast_in_dim3A_2172, %broadcast_in_dim3A_3, %broadcast_in_dim3A_2184, %broadcast_in_dim3A_2177] : memref<16x17x2x128xf32, #tpu.memory_space<vmem>>[vector<16xi32>, vector<16xi32>, vector<16xi32>, vector<16xi32>], vector<16xf32>,
      %add3A_2187 = arith.constant 0 : i32
      %add3A_2188 = vector.broadcast %add3A_2187 : i32 to vector<16xi32>
      %add3A_2189 = arith.addi %iota3A, %add3A_2188 : vector<16xi32>
      %div3A_2190 = arith.divf %gather3A_2185, %gather3A_2186 : vector<16xf32>
      tpu.vector_store_idx %arg7[%add3A_2189, %broadcast_in_dim3A_2182], %div3A_2190 : memref<32x512xf32, #tpu.memory_space<vmem>>[vector<16xi32>, vector<16xi32>], vector<16xf32>,
      %broadcast_in_dim3A_2191 = arith.constant 1 : i32
      %broadcast_in_dim3A_2192 = vector.broadcast %broadcast_in_dim3A_2191 : i32 to vector<16xi32>
      %gather3A_2193 = tpu.vector_load_idx %arg6[%broadcast_in_dim3A_2172, %iota3A, %broadcast_in_dim3A_2192, %broadcast_in_dim3A_2177] : memref<16x17x2x128xf32, #tpu.memory_space<vmem>>[vector<16xi32>, vector<16xi32>, vector<16xi32>, vector<16xi32>], vector<16xf32>,
      %gather3A_2194 = tpu.vector_load_idx %arg6[%broadcast_in_dim3A_2172, %broadcast_in_dim3A_3, %broadcast_in_dim3A_2192, %broadcast_in_dim3A_2177] : memref<16x17x2x128xf32, #tpu.memory_space<vmem>>[vector<16xi32>, vector<16xi32>, vector<16xi32>, vector<16xi32>], vector<16xf32>,
      %add3A_2195 = arith.constant 16 : i32
      %add3A_2196 = vector.broadcast %add3A_2195 : i32 to vector<16xi32>
      %add3A_2197 = arith.addi %iota3A, %add3A_2196 : vector<16xi32>
      %div3A_2198 = arith.divf %gather3A_2193, %gather3A_2194 : vector<16xf32>
      tpu.vector_store_idx %arg7[%add3A_2197, %broadcast_in_dim3A_2182], %div3A_2198 : memref<32x512xf32, #tpu.memory_space<vmem>>[vector<16xi32>, vector<16xi32>], vector<16xf32>,
      %broadcast_in_dim3A_2199 = arith.constant 14 : i32
      %broadcast_in_dim3A_2200 = vector.broadcast %broadcast_in_dim3A_2199 : i32 to vector<16xi32>
      %slice3A_2201 = vector.extract_strided_slice %get3A_1878 {offsets = [6], sizes = [1], strides = [1]} : vector<16xi32> to vector<1xi32>
      %squeeze3A_2202 = vector.extract %slice3A_2201[0] : i32 from vector<1xi32>
      %and3A_2203 = arith.constant 127 : i32
      %and3A_2204 = arith.andi %squeeze3A_2202, %and3A_2203 : i32
      %broadcast_in_dim3A_2205 = vector.broadcast %and3A_2204 : i32 to vector<16xi32>
      %mul3A_2206 = arith.constant 8 : i32
      %mul3A_2207 = arith.muli %add3A_1874, %mul3A_2206 : i32
      %add3A_2208 = arith.constant 6 : i32
      %add3A_2209 = arith.addi %mul3A_2207, %add3A_2208 : i32
      %broadcast_in_dim3A_2210 = vector.broadcast %add3A_2209 : i32 to vector<16xi32>
      %broadcast_in_dim3A_2211 = arith.constant 0 : i32
      %broadcast_in_dim3A_2212 = vector.broadcast %broadcast_in_dim3A_2211 : i32 to vector<16xi32>
      %gather3A_2213 = tpu.vector_load_idx %arg6[%broadcast_in_dim3A_2200, %iota3A, %broadcast_in_dim3A_2212, %broadcast_in_dim3A_2205] : memref<16x17x2x128xf32, #tpu.memory_space<vmem>>[vector<16xi32>, vector<16xi32>, vector<16xi32>, vector<16xi32>], vector<16xf32>,
      %gather3A_2214 = tpu.vector_load_idx %arg6[%broadcast_in_dim3A_2200, %broadcast_in_dim3A_3, %broadcast_in_dim3A_2212, %broadcast_in_dim3A_2205] : memref<16x17x2x128xf32, #tpu.memory_space<vmem>>[vector<16xi32>, vector<16xi32>, vector<16xi32>, vector<16xi32>], vector<16xf32>,
      %add3A_2215 = arith.constant 0 : i32
      %add3A_2216 = vector.broadcast %add3A_2215 : i32 to vector<16xi32>
      %add3A_2217 = arith.addi %iota3A, %add3A_2216 : vector<16xi32>
      %div3A_2218 = arith.divf %gather3A_2213, %gather3A_2214 : vector<16xf32>
      tpu.vector_store_idx %arg7[%add3A_2217, %broadcast_in_dim3A_2210], %div3A_2218 : memref<32x512xf32, #tpu.memory_space<vmem>>[vector<16xi32>, vector<16xi32>], vector<16xf32>,
      %broadcast_in_dim3A_2219 = arith.constant 1 : i32
      %broadcast_in_dim3A_2220 = vector.broadcast %broadcast_in_dim3A_2219 : i32 to vector<16xi32>
      %gather3A_2221 = tpu.vector_load_idx %arg6[%broadcast_in_dim3A_2200, %iota3A, %broadcast_in_dim3A_2220, %broadcast_in_dim3A_2205] : memref<16x17x2x128xf32, #tpu.memory_space<vmem>>[vector<16xi32>, vector<16xi32>, vector<16xi32>, vector<16xi32>], vector<16xf32>,
      %gather3A_2222 = tpu.vector_load_idx %arg6[%broadcast_in_dim3A_2200, %broadcast_in_dim3A_3, %broadcast_in_dim3A_2220, %broadcast_in_dim3A_2205] : memref<16x17x2x128xf32, #tpu.memory_space<vmem>>[vector<16xi32>, vector<16xi32>, vector<16xi32>, vector<16xi32>], vector<16xf32>,
      %add3A_2223 = arith.constant 16 : i32
      %add3A_2224 = vector.broadcast %add3A_2223 : i32 to vector<16xi32>
      %add3A_2225 = arith.addi %iota3A, %add3A_2224 : vector<16xi32>
      %div3A_2226 = arith.divf %gather3A_2221, %gather3A_2222 : vector<16xf32>
      tpu.vector_store_idx %arg7[%add3A_2225, %broadcast_in_dim3A_2210], %div3A_2226 : memref<32x512xf32, #tpu.memory_space<vmem>>[vector<16xi32>, vector<16xi32>], vector<16xf32>,
      %broadcast_in_dim3A_2227 = arith.constant 15 : i32
      %broadcast_in_dim3A_2228 = vector.broadcast %broadcast_in_dim3A_2227 : i32 to vector<16xi32>
      %slice3A_2229 = vector.extract_strided_slice %get3A_1878 {offsets = [7], sizes = [1], strides = [1]} : vector<16xi32> to vector<1xi32>
      %squeeze3A_2230 = vector.extract %slice3A_2229[0] : i32 from vector<1xi32>
      %and3A_2231 = arith.constant 127 : i32
      %and3A_2232 = arith.andi %squeeze3A_2230, %and3A_2231 : i32
      %broadcast_in_dim3A_2233 = vector.broadcast %and3A_2232 : i32 to vector<16xi32>
      %mul3A_2234 = arith.constant 8 : i32
      %mul3A_2235 = arith.muli %add3A_1874, %mul3A_2234 : i32
      %add3A_2236 = arith.constant 7 : i32
      %add3A_2237 = arith.addi %mul3A_2235, %add3A_2236 : i32
      %broadcast_in_dim3A_2238 = vector.broadcast %add3A_2237 : i32 to vector<16xi32>
      %broadcast_in_dim3A_2239 = arith.constant 0 : i32
      %broadcast_in_dim3A_2240 = vector.broadcast %broadcast_in_dim3A_2239 : i32 to vector<16xi32>
      %gather3A_2241 = tpu.vector_load_idx %arg6[%broadcast_in_dim3A_2228, %iota3A, %broadcast_in_dim3A_2240, %broadcast_in_dim3A_2233] : memref<16x17x2x128xf32, #tpu.memory_space<vmem>>[vector<16xi32>, vector<16xi32>, vector<16xi32>, vector<16xi32>], vector<16xf32>,
      %gather3A_2242 = tpu.vector_load_idx %arg6[%broadcast_in_dim3A_2228, %broadcast_in_dim3A_3, %broadcast_in_dim3A_2240, %broadcast_in_dim3A_2233] : memref<16x17x2x128xf32, #tpu.memory_space<vmem>>[vector<16xi32>, vector<16xi32>, vector<16xi32>, vector<16xi32>], vector<16xf32>,
      %add3A_2243 = arith.constant 0 : i32
      %add3A_2244 = vector.broadcast %add3A_2243 : i32 to vector<16xi32>
      %add3A_2245 = arith.addi %iota3A, %add3A_2244 : vector<16xi32>
      %div3A_2246 = arith.divf %gather3A_2241, %gather3A_2242 : vector<16xf32>
      tpu.vector_store_idx %arg7[%add3A_2245, %broadcast_in_dim3A_2238], %div3A_2246 : memref<32x512xf32, #tpu.memory_space<vmem>>[vector<16xi32>, vector<16xi32>], vector<16xf32>,
      %broadcast_in_dim3A_2247 = arith.constant 1 : i32
      %broadcast_in_dim3A_2248 = vector.broadcast %broadcast_in_dim3A_2247 : i32 to vector<16xi32>
      %gather3A_2249 = tpu.vector_load_idx %arg6[%broadcast_in_dim3A_2228, %iota3A, %broadcast_in_dim3A_2248, %broadcast_in_dim3A_2233] : memref<16x17x2x128xf32, #tpu.memory_space<vmem>>[vector<16xi32>, vector<16xi32>, vector<16xi32>, vector<16xi32>], vector<16xf32>,
      %gather3A_2250 = tpu.vector_load_idx %arg6[%broadcast_in_dim3A_2228, %broadcast_in_dim3A_3, %broadcast_in_dim3A_2248, %broadcast_in_dim3A_2233] : memref<16x17x2x128xf32, #tpu.memory_space<vmem>>[vector<16xi32>, vector<16xi32>, vector<16xi32>, vector<16xi32>], vector<16xf32>,
      %add3A_2251 = arith.constant 16 : i32
      %add3A_2252 = vector.broadcast %add3A_2251 : i32 to vector<16xi32>
      %add3A_2253 = arith.addi %iota3A, %add3A_2252 : vector<16xi32>
      %div3A_2254 = arith.divf %gather3A_2249, %gather3A_2250 : vector<16xf32>
      tpu.vector_store_idx %arg7[%add3A_2253, %broadcast_in_dim3A_2238], %div3A_2254 : memref<32x512xf32, #tpu.memory_space<vmem>>[vector<16xi32>, vector<16xi32>], vector<16xf32>,
    }
    %scan3A_195 = arith.constant 31 : i32
    %get3A_196 = arith.constant 504 : index
    %get3A_197 = tpu.vector_load %arg5[%get3A_196] {strides = array<i32>} : memref<528xi32, #tpu.memory_space<vmem>>, vector<16xi32>,
    %slice3A_198 = vector.extract_strided_slice %get3A_197 {offsets = [0], sizes = [1], strides = [1]} : vector<16xi32> to vector<1xi32>
    %squeeze3A_199 = vector.extract %slice3A_198[0] : i32 from vector<1xi32>
    %shift_right_arithmetic3A_200 = arith.constant 7 : i32
    %shift_right_arithmetic3A_201 = arith.shrsi %squeeze3A_199, %shift_right_arithmetic3A_200 : i32
    %shift_left3A_202 = arith.constant 7 : i32
    %shift_left3A_203 = arith.shli %shift_right_arithmetic3A_201, %shift_left3A_202 : i32
    %multiple_of3A_204 = tpu.assume_multiple %shift_left3A_203, 128 : i32
    %dma_start3A_205 = arith.constant 8 : i32
    %dma_start3A_206 = arith.constant 0 : i32
    %dma_start3A_207 = arith.constant 0 : i32
    %dma_start3A_208 = arith.constant 0 : i32
    %dma_start3A_209 = tpu.memref_slice %arg6[%dma_start3A_205, %dma_start3A_206, %dma_start3A_207, %dma_start3A_208] : memref<16x17x2x128xf32, #tpu.memory_space<vmem>> -> memref<1x17x2x128xf32, #tpu.memory_space<vmem>>
    %dma_start3A_210 = tpu.memref_squeeze %dma_start3A_209 : memref<1x17x2x128xf32, #tpu.memory_space<vmem>> -> memref<17x2x128xf32, #tpu.memory_space<vmem>>
    %dma_start3A_211 = arith.constant 0 : i32
    %dma_start3A_212 = arith.constant 0 : i32
    %dma_start3A_213 = tpu.memref_slice %arg2[%dma_start3A_211, %dma_start3A_212, %multiple_of3A_204] : memref<17x2x1000000xf32, #tpu.memory_space<hbm>> -> memref<17x2x128xf32, #tpu.memory_space<hbm>>
    %dma_start3A_214 = arith.constant 0 : i32
    %dma_start3A_215 = arith.constant 0 : i32
    %dma_start3A_216 = arith.constant 0 : i32
    %dma_start3A_217 = tpu.memref_slice %arg6[%dma_start3A_205, %dma_start3A_214, %dma_start3A_215, %dma_start3A_216] : memref<16x17x2x128xf32, #tpu.memory_space<vmem>> -> memref<1x17x2x128xf32, #tpu.memory_space<vmem>>
    %dma_start3A_218 = tpu.memref_squeeze %dma_start3A_217 : memref<1x17x2x128xf32, #tpu.memory_space<vmem>> -> memref<17x2x128xf32, #tpu.memory_space<vmem>>
    %dma_start3A_219 = arith.constant 0 : i32
    %dma_start3A_220 = arith.constant 0 : i32
    %dma_start3A_221 = tpu.memref_slice %arg2[%dma_start3A_219, %dma_start3A_220, %multiple_of3A_204] : memref<17x2x1000000xf32, #tpu.memory_space<hbm>> -> memref<17x2x128xf32, #tpu.memory_space<hbm>>
    tpu.enqueue_dma source(%dma_start3A_221 : memref<17x2x128xf32, #tpu.memory_space<hbm>>) target(%dma_start3A_218 : memref<17x2x128xf32, #tpu.memory_space<vmem>>) target_semaphore(%arg9 : memref<!tpu.dma_semaphore, #tpu.memory_space<semaphore_mem>>)
    %slice3A_222 = vector.extract_strided_slice %get3A_197 {offsets = [1], sizes = [1], strides = [1]} : vector<16xi32> to vector<1xi32>
    %squeeze3A_223 = vector.extract %slice3A_222[0] : i32 from vector<1xi32>
    %shift_right_arithmetic3A_224 = arith.constant 7 : i32
    %shift_right_arithmetic3A_225 = arith.shrsi %squeeze3A_223, %shift_right_arithmetic3A_224 : i32
    %shift_left3A_226 = arith.constant 7 : i32
    %shift_left3A_227 = arith.shli %shift_right_arithmetic3A_225, %shift_left3A_226 : i32
    %multiple_of3A_228 = tpu.assume_multiple %shift_left3A_227, 128 : i32
    %dma_start3A_229 = arith.constant 9 : i32
    %dma_start3A_230 = arith.constant 0 : i32
    %dma_start3A_231 = arith.constant 0 : i32
    %dma_start3A_232 = arith.constant 0 : i32
    %dma_start3A_233 = tpu.memref_slice %arg6[%dma_start3A_229, %dma_start3A_230, %dma_start3A_231, %dma_start3A_232] : memref<16x17x2x128xf32, #tpu.memory_space<vmem>> -> memref<1x17x2x128xf32, #tpu.memory_space<vmem>>
    %dma_start3A_234 = tpu.memref_squeeze %dma_start3A_233 : memref<1x17x2x128xf32, #tpu.memory_space<vmem>> -> memref<17x2x128xf32, #tpu.memory_space<vmem>>
    %dma_start3A_235 = arith.constant 0 : i32
    %dma_start3A_236 = arith.constant 0 : i32
    %dma_start3A_237 = tpu.memref_slice %arg2[%dma_start3A_235, %dma_start3A_236, %multiple_of3A_228] : memref<17x2x1000000xf32, #tpu.memory_space<hbm>> -> memref<17x2x128xf32, #tpu.memory_space<hbm>>
    %dma_start3A_238 = arith.constant 0 : i32
    %dma_start3A_239 = arith.constant 0 : i32
    %dma_start3A_240 = arith.constant 0 : i32
    %dma_start3A_241 = tpu.memref_slice %arg6[%dma_start3A_229, %dma_start3A_238, %dma_start3A_239, %dma_start3A_240] : memref<16x17x2x128xf32, #tpu.memory_space<vmem>> -> memref<1x17x2x128xf32, #tpu.memory_space<vmem>>
    %dma_start3A_242 = tpu.memref_squeeze %dma_start3A_241 : memref<1x17x2x128xf32, #tpu.memory_space<vmem>> -> memref<17x2x128xf32, #tpu.memory_space<vmem>>
    %dma_start3A_243 = arith.constant 0 : i32
    %dma_start3A_244 = arith.constant 0 : i32
    %dma_start3A_245 = tpu.memref_slice %arg2[%dma_start3A_243, %dma_start3A_244, %multiple_of3A_228] : memref<17x2x1000000xf32, #tpu.memory_space<hbm>> -> memref<17x2x128xf32, #tpu.memory_space<hbm>>
    tpu.enqueue_dma source(%dma_start3A_245 : memref<17x2x128xf32, #tpu.memory_space<hbm>>) target(%dma_start3A_242 : memref<17x2x128xf32, #tpu.memory_space<vmem>>) target_semaphore(%arg9 : memref<!tpu.dma_semaphore, #tpu.memory_space<semaphore_mem>>)
    %slice3A_246 = vector.extract_strided_slice %get3A_197 {offsets = [2], sizes = [1], strides = [1]} : vector<16xi32> to vector<1xi32>
    %squeeze3A_247 = vector.extract %slice3A_246[0] : i32 from vector<1xi32>
    %shift_right_arithmetic3A_248 = arith.constant 7 : i32
    %shift_right_arithmetic3A_249 = arith.shrsi %squeeze3A_247, %shift_right_arithmetic3A_248 : i32
    %shift_left3A_250 = arith.constant 7 : i32
    %shift_left3A_251 = arith.shli %shift_right_arithmetic3A_249, %shift_left3A_250 : i32
    %multiple_of3A_252 = tpu.assume_multiple %shift_left3A_251, 128 : i32
    %dma_start3A_253 = arith.constant 10 : i32
    %dma_start3A_254 = arith.constant 0 : i32
    %dma_start3A_255 = arith.constant 0 : i32
    %dma_start3A_256 = arith.constant 0 : i32
    %dma_start3A_257 = tpu.memref_slice %arg6[%dma_start3A_253, %dma_start3A_254, %dma_start3A_255, %dma_start3A_256] : memref<16x17x2x128xf32, #tpu.memory_space<vmem>> -> memref<1x17x2x128xf32, #tpu.memory_space<vmem>>
    %dma_start3A_258 = tpu.memref_squeeze %dma_start3A_257 : memref<1x17x2x128xf32, #tpu.memory_space<vmem>> -> memref<17x2x128xf32, #tpu.memory_space<vmem>>
    %dma_start3A_259 = arith.constant 0 : i32
    %dma_start3A_260 = arith.constant 0 : i32
    %dma_start3A_261 = tpu.memref_slice %arg2[%dma_start3A_259, %dma_start3A_260, %multiple_of3A_252] : memref<17x2x1000000xf32, #tpu.memory_space<hbm>> -> memref<17x2x128xf32, #tpu.memory_space<hbm>>
    %dma_start3A_262 = arith.constant 0 : i32
    %dma_start3A_263 = arith.constant 0 : i32
    %dma_start3A_264 = arith.constant 0 : i32
    %dma_start3A_265 = tpu.memref_slice %arg6[%dma_start3A_253, %dma_start3A_262, %dma_start3A_263, %dma_start3A_264] : memref<16x17x2x128xf32, #tpu.memory_space<vmem>> -> memref<1x17x2x128xf32, #tpu.memory_space<vmem>>
    %dma_start3A_266 = tpu.memref_squeeze %dma_start3A_265 : memref<1x17x2x128xf32, #tpu.memory_space<vmem>> -> memref<17x2x128xf32, #tpu.memory_space<vmem>>
    %dma_start3A_267 = arith.constant 0 : i32
    %dma_start3A_268 = arith.constant 0 : i32
    %dma_start3A_269 = tpu.memref_slice %arg2[%dma_start3A_267, %dma_start3A_268, %multiple_of3A_252] : memref<17x2x1000000xf32, #tpu.memory_space<hbm>> -> memref<17x2x128xf32, #tpu.memory_space<hbm>>
    tpu.enqueue_dma source(%dma_start3A_269 : memref<17x2x128xf32, #tpu.memory_space<hbm>>) target(%dma_start3A_266 : memref<17x2x128xf32, #tpu.memory_space<vmem>>) target_semaphore(%arg9 : memref<!tpu.dma_semaphore, #tpu.memory_space<semaphore_mem>>)
    %slice3A_270 = vector.extract_strided_slice %get3A_197 {offsets = [3], sizes = [1], strides = [1]} : vector<16xi32> to vector<1xi32>
    %squeeze3A_271 = vector.extract %slice3A_270[0] : i32 from vector<1xi32>
    %shift_right_arithmetic3A_272 = arith.constant 7 : i32
    %shift_right_arithmetic3A_273 = arith.shrsi %squeeze3A_271, %shift_right_arithmetic3A_272 : i32
    %shift_left3A_274 = arith.constant 7 : i32
    %shift_left3A_275 = arith.shli %shift_right_arithmetic3A_273, %shift_left3A_274 : i32
    %multiple_of3A_276 = tpu.assume_multiple %shift_left3A_275, 128 : i32
    %dma_start3A_277 = arith.constant 11 : i32
    %dma_start3A_278 = arith.constant 0 : i32
    %dma_start3A_279 = arith.constant 0 : i32
    %dma_start3A_280 = arith.constant 0 : i32
    %dma_start3A_281 = tpu.memref_slice %arg6[%dma_start3A_277, %dma_start3A_278, %dma_start3A_279, %dma_start3A_280] : memref<16x17x2x128xf32, #tpu.memory_space<vmem>> -> memref<1x17x2x128xf32, #tpu.memory_space<vmem>>
    %dma_start3A_282 = tpu.memref_squeeze %dma_start3A_281 : memref<1x17x2x128xf32, #tpu.memory_space<vmem>> -> memref<17x2x128xf32, #tpu.memory_space<vmem>>
    %dma_start3A_283 = arith.constant 0 : i32
    %dma_start3A_284 = arith.constant 0 : i32
    %dma_start3A_285 = tpu.memref_slice %arg2[%dma_start3A_283, %dma_start3A_284, %multiple_of3A_276] : memref<17x2x1000000xf32, #tpu.memory_space<hbm>> -> memref<17x2x128xf32, #tpu.memory_space<hbm>>
    %dma_start3A_286 = arith.constant 0 : i32
    %dma_start3A_287 = arith.constant 0 : i32
    %dma_start3A_288 = arith.constant 0 : i32
    %dma_start3A_289 = tpu.memref_slice %arg6[%dma_start3A_277, %dma_start3A_286, %dma_start3A_287, %dma_start3A_288] : memref<16x17x2x128xf32, #tpu.memory_space<vmem>> -> memref<1x17x2x128xf32, #tpu.memory_space<vmem>>
    %dma_start3A_290 = tpu.memref_squeeze %dma_start3A_289 : memref<1x17x2x128xf32, #tpu.memory_space<vmem>> -> memref<17x2x128xf32, #tpu.memory_space<vmem>>
    %dma_start3A_291 = arith.constant 0 : i32
    %dma_start3A_292 = arith.constant 0 : i32
    %dma_start3A_293 = tpu.memref_slice %arg2[%dma_start3A_291, %dma_start3A_292, %multiple_of3A_276] : memref<17x2x1000000xf32, #tpu.memory_space<hbm>> -> memref<17x2x128xf32, #tpu.memory_space<hbm>>
    tpu.enqueue_dma source(%dma_start3A_293 : memref<17x2x128xf32, #tpu.memory_space<hbm>>) target(%dma_start3A_290 : memref<17x2x128xf32, #tpu.memory_space<vmem>>) target_semaphore(%arg9 : memref<!tpu.dma_semaphore, #tpu.memory_space<semaphore_mem>>)
    %slice3A_294 = vector.extract_strided_slice %get3A_197 {offsets = [4], sizes = [1], strides = [1]} : vector<16xi32> to vector<1xi32>
    %squeeze3A_295 = vector.extract %slice3A_294[0] : i32 from vector<1xi32>
    %shift_right_arithmetic3A_296 = arith.constant 7 : i32
    %shift_right_arithmetic3A_297 = arith.shrsi %squeeze3A_295, %shift_right_arithmetic3A_296 : i32
    %shift_left3A_298 = arith.constant 7 : i32
    %shift_left3A_299 = arith.shli %shift_right_arithmetic3A_297, %shift_left3A_298 : i32
    %multiple_of3A_300 = tpu.assume_multiple %shift_left3A_299, 128 : i32
    %dma_start3A_301 = arith.constant 12 : i32
    %dma_start3A_302 = arith.constant 0 : i32
    %dma_start3A_303 = arith.constant 0 : i32
    %dma_start3A_304 = arith.constant 0 : i32
    %dma_start3A_305 = tpu.memref_slice %arg6[%dma_start3A_301, %dma_start3A_302, %dma_start3A_303, %dma_start3A_304] : memref<16x17x2x128xf32, #tpu.memory_space<vmem>> -> memref<1x17x2x128xf32, #tpu.memory_space<vmem>>
    %dma_start3A_306 = tpu.memref_squeeze %dma_start3A_305 : memref<1x17x2x128xf32, #tpu.memory_space<vmem>> -> memref<17x2x128xf32, #tpu.memory_space<vmem>>
    %dma_start3A_307 = arith.constant 0 : i32
    %dma_start3A_308 = arith.constant 0 : i32
    %dma_start3A_309 = tpu.memref_slice %arg2[%dma_start3A_307, %dma_start3A_308, %multiple_of3A_300] : memref<17x2x1000000xf32, #tpu.memory_space<hbm>> -> memref<17x2x128xf32, #tpu.memory_space<hbm>>
    %dma_start3A_310 = arith.constant 0 : i32
    %dma_start3A_311 = arith.constant 0 : i32
    %dma_start3A_312 = arith.constant 0 : i32
    %dma_start3A_313 = tpu.memref_slice %arg6[%dma_start3A_301, %dma_start3A_310, %dma_start3A_311, %dma_start3A_312] : memref<16x17x2x128xf32, #tpu.memory_space<vmem>> -> memref<1x17x2x128xf32, #tpu.memory_space<vmem>>
    %dma_start3A_314 = tpu.memref_squeeze %dma_start3A_313 : memref<1x17x2x128xf32, #tpu.memory_space<vmem>> -> memref<17x2x128xf32, #tpu.memory_space<vmem>>
    %dma_start3A_315 = arith.constant 0 : i32
    %dma_start3A_316 = arith.constant 0 : i32
    %dma_start3A_317 = tpu.memref_slice %arg2[%dma_start3A_315, %dma_start3A_316, %multiple_of3A_300] : memref<17x2x1000000xf32, #tpu.memory_space<hbm>> -> memref<17x2x128xf32, #tpu.memory_space<hbm>>
    tpu.enqueue_dma source(%dma_start3A_317 : memref<17x2x128xf32, #tpu.memory_space<hbm>>) target(%dma_start3A_314 : memref<17x2x128xf32, #tpu.memory_space<vmem>>) target_semaphore(%arg9 : memref<!tpu.dma_semaphore, #tpu.memory_space<semaphore_mem>>)
    %slice3A_318 = vector.extract_strided_slice %get3A_197 {offsets = [5], sizes = [1], strides = [1]} : vector<16xi32> to vector<1xi32>
    %squeeze3A_319 = vector.extract %slice3A_318[0] : i32 from vector<1xi32>
    %shift_right_arithmetic3A_320 = arith.constant 7 : i32
    %shift_right_arithmetic3A_321 = arith.shrsi %squeeze3A_319, %shift_right_arithmetic3A_320 : i32
    %shift_left3A_322 = arith.constant 7 : i32
    %shift_left3A_323 = arith.shli %shift_right_arithmetic3A_321, %shift_left3A_322 : i32
    %multiple_of3A_324 = tpu.assume_multiple %shift_left3A_323, 128 : i32
    %dma_start3A_325 = arith.constant 13 : i32
    %dma_start3A_326 = arith.constant 0 : i32
    %dma_start3A_327 = arith.constant 0 : i32
    %dma_start3A_328 = arith.constant 0 : i32
    %dma_start3A_329 = tpu.memref_slice %arg6[%dma_start3A_325, %dma_start3A_326, %dma_start3A_327, %dma_start3A_328] : memref<16x17x2x128xf32, #tpu.memory_space<vmem>> -> memref<1x17x2x128xf32, #tpu.memory_space<vmem>>
    %dma_start3A_330 = tpu.memref_squeeze %dma_start3A_329 : memref<1x17x2x128xf32, #tpu.memory_space<vmem>> -> memref<17x2x128xf32, #tpu.memory_space<vmem>>
    %dma_start3A_331 = arith.constant 0 : i32
    %dma_start3A_332 = arith.constant 0 : i32
    %dma_start3A_333 = tpu.memref_slice %arg2[%dma_start3A_331, %dma_start3A_332, %multiple_of3A_324] : memref<17x2x1000000xf32, #tpu.memory_space<hbm>> -> memref<17x2x128xf32, #tpu.memory_space<hbm>>
    %dma_start3A_334 = arith.constant 0 : i32
    %dma_start3A_335 = arith.constant 0 : i32
    %dma_start3A_336 = arith.constant 0 : i32
    %dma_start3A_337 = tpu.memref_slice %arg6[%dma_start3A_325, %dma_start3A_334, %dma_start3A_335, %dma_start3A_336] : memref<16x17x2x128xf32, #tpu.memory_space<vmem>> -> memref<1x17x2x128xf32, #tpu.memory_space<vmem>>
    %dma_start3A_338 = tpu.memref_squeeze %dma_start3A_337 : memref<1x17x2x128xf32, #tpu.memory_space<vmem>> -> memref<17x2x128xf32, #tpu.memory_space<vmem>>
    %dma_start3A_339 = arith.constant 0 : i32
    %dma_start3A_340 = arith.constant 0 : i32
    %dma_start3A_341 = tpu.memref_slice %arg2[%dma_start3A_339, %dma_start3A_340, %multiple_of3A_324] : memref<17x2x1000000xf32, #tpu.memory_space<hbm>> -> memref<17x2x128xf32, #tpu.memory_space<hbm>>
    tpu.enqueue_dma source(%dma_start3A_341 : memref<17x2x128xf32, #tpu.memory_space<hbm>>) target(%dma_start3A_338 : memref<17x2x128xf32, #tpu.memory_space<vmem>>) target_semaphore(%arg9 : memref<!tpu.dma_semaphore, #tpu.memory_space<semaphore_mem>>)
    %slice3A_342 = vector.extract_strided_slice %get3A_197 {offsets = [6], sizes = [1], strides = [1]} : vector<16xi32> to vector<1xi32>
    %squeeze3A_343 = vector.extract %slice3A_342[0] : i32 from vector<1xi32>
    %shift_right_arithmetic3A_344 = arith.constant 7 : i32
    %shift_right_arithmetic3A_345 = arith.shrsi %squeeze3A_343, %shift_right_arithmetic3A_344 : i32
    %shift_left3A_346 = arith.constant 7 : i32
    %shift_left3A_347 = arith.shli %shift_right_arithmetic3A_345, %shift_left3A_346 : i32
    %multiple_of3A_348 = tpu.assume_multiple %shift_left3A_347, 128 : i32
    %dma_start3A_349 = arith.constant 14 : i32
    %dma_start3A_350 = arith.constant 0 : i32
    %dma_start3A_351 = arith.constant 0 : i32
    %dma_start3A_352 = arith.constant 0 : i32
    %dma_start3A_353 = tpu.memref_slice %arg6[%dma_start3A_349, %dma_start3A_350, %dma_start3A_351, %dma_start3A_352] : memref<16x17x2x128xf32, #tpu.memory_space<vmem>> -> memref<1x17x2x128xf32, #tpu.memory_space<vmem>>
    %dma_start3A_354 = tpu.memref_squeeze %dma_start3A_353 : memref<1x17x2x128xf32, #tpu.memory_space<vmem>> -> memref<17x2x128xf32, #tpu.memory_space<vmem>>
    %dma_start3A_355 = arith.constant 0 : i32
    %dma_start3A_356 = arith.constant 0 : i32
    %dma_start3A_357 = tpu.memref_slice %arg2[%dma_start3A_355, %dma_start3A_356, %multiple_of3A_348] : memref<17x2x1000000xf32, #tpu.memory_space<hbm>> -> memref<17x2x128xf32, #tpu.memory_space<hbm>>
    %dma_start3A_358 = arith.constant 0 : i32
    %dma_start3A_359 = arith.constant 0 : i32
    %dma_start3A_360 = arith.constant 0 : i32
    %dma_start3A_361 = tpu.memref_slice %arg6[%dma_start3A_349, %dma_start3A_358, %dma_start3A_359, %dma_start3A_360] : memref<16x17x2x128xf32, #tpu.memory_space<vmem>> -> memref<1x17x2x128xf32, #tpu.memory_space<vmem>>
    %dma_start3A_362 = tpu.memref_squeeze %dma_start3A_361 : memref<1x17x2x128xf32, #tpu.memory_space<vmem>> -> memref<17x2x128xf32, #tpu.memory_space<vmem>>
    %dma_start3A_363 = arith.constant 0 : i32
    %dma_start3A_364 = arith.constant 0 : i32
    %dma_start3A_365 = tpu.memref_slice %arg2[%dma_start3A_363, %dma_start3A_364, %multiple_of3A_348] : memref<17x2x1000000xf32, #tpu.memory_space<hbm>> -> memref<17x2x128xf32, #tpu.memory_space<hbm>>
    tpu.enqueue_dma source(%dma_start3A_365 : memref<17x2x128xf32, #tpu.memory_space<hbm>>) target(%dma_start3A_362 : memref<17x2x128xf32, #tpu.memory_space<vmem>>) target_semaphore(%arg9 : memref<!tpu.dma_semaphore, #tpu.memory_space<semaphore_mem>>)
    %slice3A_366 = vector.extract_strided_slice %get3A_197 {offsets = [7], sizes = [1], strides = [1]} : vector<16xi32> to vector<1xi32>
    %squeeze3A_367 = vector.extract %slice3A_366[0] : i32 from vector<1xi32>
    %shift_right_arithmetic3A_368 = arith.constant 7 : i32
    %shift_right_arithmetic3A_369 = arith.shrsi %squeeze3A_367, %shift_right_arithmetic3A_368 : i32
    %shift_left3A_370 = arith.constant 7 : i32
    %shift_left3A_371 = arith.shli %shift_right_arithmetic3A_369, %shift_left3A_370 : i32
    %multiple_of3A_372 = tpu.assume_multiple %shift_left3A_371, 128 : i32
    %dma_start3A_373 = arith.constant 15 : i32
    %dma_start3A_374 = arith.constant 0 : i32
    %dma_start3A_375 = arith.constant 0 : i32
    %dma_start3A_376 = arith.constant 0 : i32
    %dma_start3A_377 = tpu.memref_slice %arg6[%dma_start3A_373, %dma_start3A_374, %dma_start3A_375, %dma_start3A_376] : memref<16x17x2x128xf32, #tpu.memory_space<vmem>> -> memref<1x17x2x128xf32, #tpu.memory_space<vmem>>
    %dma_start3A_378 = tpu.memref_squeeze %dma_start3A_377 : memref<1x17x2x128xf32, #tpu.memory_space<vmem>> -> memref<17x2x128xf32, #tpu.memory_space<vmem>>
    %dma_start3A_379 = arith.constant 0 : i32
    %dma_start3A_380 = arith.constant 0 : i32
    %dma_start3A_381 = tpu.memref_slice %arg2[%dma_start3A_379, %dma_start3A_380, %multiple_of3A_372] : memref<17x2x1000000xf32, #tpu.memory_space<hbm>> -> memref<17x2x128xf32, #tpu.memory_space<hbm>>
    %dma_start3A_382 = arith.constant 0 : i32
    %dma_start3A_383 = arith.constant 0 : i32
    %dma_start3A_384 = arith.constant 0 : i32
    %dma_start3A_385 = tpu.memref_slice %arg6[%dma_start3A_373, %dma_start3A_382, %dma_start3A_383, %dma_start3A_384] : memref<16x17x2x128xf32, #tpu.memory_space<vmem>> -> memref<1x17x2x128xf32, #tpu.memory_space<vmem>>
    %dma_start3A_386 = tpu.memref_squeeze %dma_start3A_385 : memref<1x17x2x128xf32, #tpu.memory_space<vmem>> -> memref<17x2x128xf32, #tpu.memory_space<vmem>>
    %dma_start3A_387 = arith.constant 0 : i32
    %dma_start3A_388 = arith.constant 0 : i32
    %dma_start3A_389 = tpu.memref_slice %arg2[%dma_start3A_387, %dma_start3A_388, %multiple_of3A_372] : memref<17x2x1000000xf32, #tpu.memory_space<hbm>> -> memref<17x2x128xf32, #tpu.memory_space<hbm>>
    tpu.enqueue_dma source(%dma_start3A_389 : memref<17x2x128xf32, #tpu.memory_space<hbm>>) target(%dma_start3A_386 : memref<17x2x128xf32, #tpu.memory_space<vmem>>) target_semaphore(%arg9 : memref<!tpu.dma_semaphore, #tpu.memory_space<semaphore_mem>>)
    %get3A_390 = arith.constant 496 : index
    %get3A_391 = tpu.vector_load %arg5[%get3A_390] {strides = array<i32>} : memref<528xi32, #tpu.memory_space<vmem>>, vector<16xi32>,
    %dma_wait3A = arith.constant 0 : i32
    %dma_wait3A_392 = arith.constant 0 : i32
    %dma_wait3A_393 = arith.constant 0 : i32
    %dma_wait3A_394 = arith.constant 0 : i32
    %dma_wait3A_395 = tpu.memref_slice %arg6[%dma_wait3A, %dma_wait3A_392, %dma_wait3A_393, %dma_wait3A_394] : memref<16x17x2x128xf32, #tpu.memory_space<vmem>> -> memref<1x17x2x128xf32, #tpu.memory_space<vmem>>
    %dma_wait3A_396 = tpu.memref_squeeze %dma_wait3A_395 : memref<1x17x2x128xf32, #tpu.memory_space<vmem>> -> memref<17x2x128xf32, #tpu.memory_space<vmem>>
    %dma_wait3A_397 = arith.constant 0 : i32
    %dma_wait3A_398 = arith.constant 0 : i32
    %dma_wait3A_399 = arith.constant 0 : i32
    %dma_wait3A_400 = tpu.memref_slice %arg2[%dma_wait3A_397, %dma_wait3A_398, %dma_wait3A_399] : memref<17x2x1000000xf32, #tpu.memory_space<hbm>> -> memref<17x2x128xf32, #tpu.memory_space<hbm>>
    %dma_wait3A_401 = arith.constant 0 : i32
    %dma_wait3A_402 = arith.constant 0 : i32
    %dma_wait3A_403 = arith.constant 0 : i32
    %dma_wait3A_404 = tpu.memref_slice %arg6[%dma_wait3A, %dma_wait3A_401, %dma_wait3A_402, %dma_wait3A_403] : memref<16x17x2x128xf32, #tpu.memory_space<vmem>> -> memref<1x17x2x128xf32, #tpu.memory_space<vmem>>
    %dma_wait3A_405 = tpu.memref_squeeze %dma_wait3A_404 : memref<1x17x2x128xf32, #tpu.memory_space<vmem>> -> memref<17x2x128xf32, #tpu.memory_space<vmem>>
    %dma_wait3A_406 = arith.constant 0 : i32
    %dma_wait3A_407 = arith.constant 0 : i32
    %dma_wait3A_408 = arith.constant 0 : i32
    %dma_wait3A_409 = tpu.memref_slice %arg2[%dma_wait3A_406, %dma_wait3A_407, %dma_wait3A_408] : memref<17x2x1000000xf32, #tpu.memory_space<hbm>> -> memref<17x2x128xf32, #tpu.memory_space<hbm>>
    tpu.wait_dma2 semaphore(%arg8 : memref<!tpu.dma_semaphore, #tpu.memory_space<semaphore_mem>>) src(%dma_wait3A_409 : memref<17x2x128xf32, #tpu.memory_space<hbm>>) dst(%dma_wait3A_405 : memref<17x2x128xf32, #tpu.memory_space<vmem>>)
    %dma_wait3A_410 = arith.constant 1 : i32
    %dma_wait3A_411 = arith.constant 0 : i32
    %dma_wait3A_412 = arith.constant 0 : i32
    %dma_wait3A_413 = arith.constant 0 : i32
    %dma_wait3A_414 = tpu.memref_slice %arg6[%dma_wait3A_410, %dma_wait3A_411, %dma_wait3A_412, %dma_wait3A_413] : memref<16x17x2x128xf32, #tpu.memory_space<vmem>> -> memref<1x17x2x128xf32, #tpu.memory_space<vmem>>
    %dma_wait3A_415 = tpu.memref_squeeze %dma_wait3A_414 : memref<1x17x2x128xf32, #tpu.memory_space<vmem>> -> memref<17x2x128xf32, #tpu.memory_space<vmem>>
    %dma_wait3A_416 = arith.constant 0 : i32
    %dma_wait3A_417 = arith.constant 0 : i32
    %dma_wait3A_418 = arith.constant 0 : i32
    %dma_wait3A_419 = tpu.memref_slice %arg2[%dma_wait3A_416, %dma_wait3A_417, %dma_wait3A_418] : memref<17x2x1000000xf32, #tpu.memory_space<hbm>> -> memref<17x2x128xf32, #tpu.memory_space<hbm>>
    %dma_wait3A_420 = arith.constant 0 : i32
    %dma_wait3A_421 = arith.constant 0 : i32
    %dma_wait3A_422 = arith.constant 0 : i32
    %dma_wait3A_423 = tpu.memref_slice %arg6[%dma_wait3A_410, %dma_wait3A_420, %dma_wait3A_421, %dma_wait3A_422] : memref<16x17x2x128xf32, #tpu.memory_space<vmem>> -> memref<1x17x2x128xf32, #tpu.memory_space<vmem>>
    %dma_wait3A_424 = tpu.memref_squeeze %dma_wait3A_423 : memref<1x17x2x128xf32, #tpu.memory_space<vmem>> -> memref<17x2x128xf32, #tpu.memory_space<vmem>>
    %dma_wait3A_425 = arith.constant 0 : i32
    %dma_wait3A_426 = arith.constant 0 : i32
    %dma_wait3A_427 = arith.constant 0 : i32
    %dma_wait3A_428 = tpu.memref_slice %arg2[%dma_wait3A_425, %dma_wait3A_426, %dma_wait3A_427] : memref<17x2x1000000xf32, #tpu.memory_space<hbm>> -> memref<17x2x128xf32, #tpu.memory_space<hbm>>
    tpu.wait_dma2 semaphore(%arg8 : memref<!tpu.dma_semaphore, #tpu.memory_space<semaphore_mem>>) src(%dma_wait3A_428 : memref<17x2x128xf32, #tpu.memory_space<hbm>>) dst(%dma_wait3A_424 : memref<17x2x128xf32, #tpu.memory_space<vmem>>)
    %dma_wait3A_429 = arith.constant 2 : i32
    %dma_wait3A_430 = arith.constant 0 : i32
    %dma_wait3A_431 = arith.constant 0 : i32
    %dma_wait3A_432 = arith.constant 0 : i32
    %dma_wait3A_433 = tpu.memref_slice %arg6[%dma_wait3A_429, %dma_wait3A_430, %dma_wait3A_431, %dma_wait3A_432] : memref<16x17x2x128xf32, #tpu.memory_space<vmem>> -> memref<1x17x2x128xf32, #tpu.memory_space<vmem>>
    %dma_wait3A_434 = tpu.memref_squeeze %dma_wait3A_433 : memref<1x17x2x128xf32, #tpu.memory_space<vmem>> -> memref<17x2x128xf32, #tpu.memory_space<vmem>>
    %dma_wait3A_435 = arith.constant 0 : i32
    %dma_wait3A_436 = arith.constant 0 : i32
    %dma_wait3A_437 = arith.constant 0 : i32
    %dma_wait3A_438 = tpu.memref_slice %arg2[%dma_wait3A_435, %dma_wait3A_436, %dma_wait3A_437] : memref<17x2x1000000xf32, #tpu.memory_space<hbm>> -> memref<17x2x128xf32, #tpu.memory_space<hbm>>
    %dma_wait3A_439 = arith.constant 0 : i32
    %dma_wait3A_440 = arith.constant 0 : i32
    %dma_wait3A_441 = arith.constant 0 : i32
    %dma_wait3A_442 = tpu.memref_slice %arg6[%dma_wait3A_429, %dma_wait3A_439, %dma_wait3A_440, %dma_wait3A_441] : memref<16x17x2x128xf32, #tpu.memory_space<vmem>> -> memref<1x17x2x128xf32, #tpu.memory_space<vmem>>
    %dma_wait3A_443 = tpu.memref_squeeze %dma_wait3A_442 : memref<1x17x2x128xf32, #tpu.memory_space<vmem>> -> memref<17x2x128xf32, #tpu.memory_space<vmem>>
    %dma_wait3A_444 = arith.constant 0 : i32
    %dma_wait3A_445 = arith.constant 0 : i32
    %dma_wait3A_446 = arith.constant 0 : i32
    %dma_wait3A_447 = tpu.memref_slice %arg2[%dma_wait3A_444, %dma_wait3A_445, %dma_wait3A_446] : memref<17x2x1000000xf32, #tpu.memory_space<hbm>> -> memref<17x2x128xf32, #tpu.memory_space<hbm>>
    tpu.wait_dma2 semaphore(%arg8 : memref<!tpu.dma_semaphore, #tpu.memory_space<semaphore_mem>>) src(%dma_wait3A_447 : memref<17x2x128xf32, #tpu.memory_space<hbm>>) dst(%dma_wait3A_443 : memref<17x2x128xf32, #tpu.memory_space<vmem>>)
    %dma_wait3A_448 = arith.constant 3 : i32
    %dma_wait3A_449 = arith.constant 0 : i32
    %dma_wait3A_450 = arith.constant 0 : i32
    %dma_wait3A_451 = arith.constant 0 : i32
    %dma_wait3A_452 = tpu.memref_slice %arg6[%dma_wait3A_448, %dma_wait3A_449, %dma_wait3A_450, %dma_wait3A_451] : memref<16x17x2x128xf32, #tpu.memory_space<vmem>> -> memref<1x17x2x128xf32, #tpu.memory_space<vmem>>
    %dma_wait3A_453 = tpu.memref_squeeze %dma_wait3A_452 : memref<1x17x2x128xf32, #tpu.memory_space<vmem>> -> memref<17x2x128xf32, #tpu.memory_space<vmem>>
    %dma_wait3A_454 = arith.constant 0 : i32
    %dma_wait3A_455 = arith.constant 0 : i32
    %dma_wait3A_456 = arith.constant 0 : i32
    %dma_wait3A_457 = tpu.memref_slice %arg2[%dma_wait3A_454, %dma_wait3A_455, %dma_wait3A_456] : memref<17x2x1000000xf32, #tpu.memory_space<hbm>> -> memref<17x2x128xf32, #tpu.memory_space<hbm>>
    %dma_wait3A_458 = arith.constant 0 : i32
    %dma_wait3A_459 = arith.constant 0 : i32
    %dma_wait3A_460 = arith.constant 0 : i32
    %dma_wait3A_461 = tpu.memref_slice %arg6[%dma_wait3A_448, %dma_wait3A_458, %dma_wait3A_459, %dma_wait3A_460] : memref<16x17x2x128xf32, #tpu.memory_space<vmem>> -> memref<1x17x2x128xf32, #tpu.memory_space<vmem>>
    %dma_wait3A_462 = tpu.memref_squeeze %dma_wait3A_461 : memref<1x17x2x128xf32, #tpu.memory_space<vmem>> -> memref<17x2x128xf32, #tpu.memory_space<vmem>>
    %dma_wait3A_463 = arith.constant 0 : i32
    %dma_wait3A_464 = arith.constant 0 : i32
    %dma_wait3A_465 = arith.constant 0 : i32
    %dma_wait3A_466 = tpu.memref_slice %arg2[%dma_wait3A_463, %dma_wait3A_464, %dma_wait3A_465] : memref<17x2x1000000xf32, #tpu.memory_space<hbm>> -> memref<17x2x128xf32, #tpu.memory_space<hbm>>
    tpu.wait_dma2 semaphore(%arg8 : memref<!tpu.dma_semaphore, #tpu.memory_space<semaphore_mem>>) src(%dma_wait3A_466 : memref<17x2x128xf32, #tpu.memory_space<hbm>>) dst(%dma_wait3A_462 : memref<17x2x128xf32, #tpu.memory_space<vmem>>)
    %dma_wait3A_467 = arith.constant 4 : i32
    %dma_wait3A_468 = arith.constant 0 : i32
    %dma_wait3A_469 = arith.constant 0 : i32
    %dma_wait3A_470 = arith.constant 0 : i32
    %dma_wait3A_471 = tpu.memref_slice %arg6[%dma_wait3A_467, %dma_wait3A_468, %dma_wait3A_469, %dma_wait3A_470] : memref<16x17x2x128xf32, #tpu.memory_space<vmem>> -> memref<1x17x2x128xf32, #tpu.memory_space<vmem>>
    %dma_wait3A_472 = tpu.memref_squeeze %dma_wait3A_471 : memref<1x17x2x128xf32, #tpu.memory_space<vmem>> -> memref<17x2x128xf32, #tpu.memory_space<vmem>>
    %dma_wait3A_473 = arith.constant 0 : i32
    %dma_wait3A_474 = arith.constant 0 : i32
    %dma_wait3A_475 = arith.constant 0 : i32
    %dma_wait3A_476 = tpu.memref_slice %arg2[%dma_wait3A_473, %dma_wait3A_474, %dma_wait3A_475] : memref<17x2x1000000xf32, #tpu.memory_space<hbm>> -> memref<17x2x128xf32, #tpu.memory_space<hbm>>
    %dma_wait3A_477 = arith.constant 0 : i32
    %dma_wait3A_478 = arith.constant 0 : i32
    %dma_wait3A_479 = arith.constant 0 : i32
    %dma_wait3A_480 = tpu.memref_slice %arg6[%dma_wait3A_467, %dma_wait3A_477, %dma_wait3A_478, %dma_wait3A_479] : memref<16x17x2x128xf32, #tpu.memory_space<vmem>> -> memref<1x17x2x128xf32, #tpu.memory_space<vmem>>
    %dma_wait3A_481 = tpu.memref_squeeze %dma_wait3A_480 : memref<1x17x2x128xf32, #tpu.memory_space<vmem>> -> memref<17x2x128xf32, #tpu.memory_space<vmem>>
    %dma_wait3A_482 = arith.constant 0 : i32
    %dma_wait3A_483 = arith.constant 0 : i32
    %dma_wait3A_484 = arith.constant 0 : i32
    %dma_wait3A_485 = tpu.memref_slice %arg2[%dma_wait3A_482, %dma_wait3A_483, %dma_wait3A_484] : memref<17x2x1000000xf32, #tpu.memory_space<hbm>> -> memref<17x2x128xf32, #tpu.memory_space<hbm>>
    tpu.wait_dma2 semaphore(%arg8 : memref<!tpu.dma_semaphore, #tpu.memory_space<semaphore_mem>>) src(%dma_wait3A_485 : memref<17x2x128xf32, #tpu.memory_space<hbm>>) dst(%dma_wait3A_481 : memref<17x2x128xf32, #tpu.memory_space<vmem>>)
    %dma_wait3A_486 = arith.constant 5 : i32
    %dma_wait3A_487 = arith.constant 0 : i32
    %dma_wait3A_488 = arith.constant 0 : i32
    %dma_wait3A_489 = arith.constant 0 : i32
    %dma_wait3A_490 = tpu.memref_slice %arg6[%dma_wait3A_486, %dma_wait3A_487, %dma_wait3A_488, %dma_wait3A_489] : memref<16x17x2x128xf32, #tpu.memory_space<vmem>> -> memref<1x17x2x128xf32, #tpu.memory_space<vmem>>
    %dma_wait3A_491 = tpu.memref_squeeze %dma_wait3A_490 : memref<1x17x2x128xf32, #tpu.memory_space<vmem>> -> memref<17x2x128xf32, #tpu.memory_space<vmem>>
    %dma_wait3A_492 = arith.constant 0 : i32
    %dma_wait3A_493 = arith.constant 0 : i32
    %dma_wait3A_494 = arith.constant 0 : i32
    %dma_wait3A_495 = tpu.memref_slice %arg2[%dma_wait3A_492, %dma_wait3A_493, %dma_wait3A_494] : memref<17x2x1000000xf32, #tpu.memory_space<hbm>> -> memref<17x2x128xf32, #tpu.memory_space<hbm>>
    %dma_wait3A_496 = arith.constant 0 : i32
    %dma_wait3A_497 = arith.constant 0 : i32
    %dma_wait3A_498 = arith.constant 0 : i32
    %dma_wait3A_499 = tpu.memref_slice %arg6[%dma_wait3A_486, %dma_wait3A_496, %dma_wait3A_497, %dma_wait3A_498] : memref<16x17x2x128xf32, #tpu.memory_space<vmem>> -> memref<1x17x2x128xf32, #tpu.memory_space<vmem>>
    %dma_wait3A_500 = tpu.memref_squeeze %dma_wait3A_499 : memref<1x17x2x128xf32, #tpu.memory_space<vmem>> -> memref<17x2x128xf32, #tpu.memory_space<vmem>>
    %dma_wait3A_501 = arith.constant 0 : i32
    %dma_wait3A_502 = arith.constant 0 : i32
    %dma_wait3A_503 = arith.constant 0 : i32
    %dma_wait3A_504 = tpu.memref_slice %arg2[%dma_wait3A_501, %dma_wait3A_502, %dma_wait3A_503] : memref<17x2x1000000xf32, #tpu.memory_space<hbm>> -> memref<17x2x128xf32, #tpu.memory_space<hbm>>
    tpu.wait_dma2 semaphore(%arg8 : memref<!tpu.dma_semaphore, #tpu.memory_space<semaphore_mem>>) src(%dma_wait3A_504 : memref<17x2x128xf32, #tpu.memory_space<hbm>>) dst(%dma_wait3A_500 : memref<17x2x128xf32, #tpu.memory_space<vmem>>)
    %dma_wait3A_505 = arith.constant 6 : i32
    %dma_wait3A_506 = arith.constant 0 : i32
    %dma_wait3A_507 = arith.constant 0 : i32
    %dma_wait3A_508 = arith.constant 0 : i32
    %dma_wait3A_509 = tpu.memref_slice %arg6[%dma_wait3A_505, %dma_wait3A_506, %dma_wait3A_507, %dma_wait3A_508] : memref<16x17x2x128xf32, #tpu.memory_space<vmem>> -> memref<1x17x2x128xf32, #tpu.memory_space<vmem>>
    %dma_wait3A_510 = tpu.memref_squeeze %dma_wait3A_509 : memref<1x17x2x128xf32, #tpu.memory_space<vmem>> -> memref<17x2x128xf32, #tpu.memory_space<vmem>>
    %dma_wait3A_511 = arith.constant 0 : i32
    %dma_wait3A_512 = arith.constant 0 : i32
    %dma_wait3A_513 = arith.constant 0 : i32
    %dma_wait3A_514 = tpu.memref_slice %arg2[%dma_wait3A_511, %dma_wait3A_512, %dma_wait3A_513] : memref<17x2x1000000xf32, #tpu.memory_space<hbm>> -> memref<17x2x128xf32, #tpu.memory_space<hbm>>
    %dma_wait3A_515 = arith.constant 0 : i32
    %dma_wait3A_516 = arith.constant 0 : i32
    %dma_wait3A_517 = arith.constant 0 : i32
    %dma_wait3A_518 = tpu.memref_slice %arg6[%dma_wait3A_505, %dma_wait3A_515, %dma_wait3A_516, %dma_wait3A_517] : memref<16x17x2x128xf32, #tpu.memory_space<vmem>> -> memref<1x17x2x128xf32, #tpu.memory_space<vmem>>
    %dma_wait3A_519 = tpu.memref_squeeze %dma_wait3A_518 : memref<1x17x2x128xf32, #tpu.memory_space<vmem>> -> memref<17x2x128xf32, #tpu.memory_space<vmem>>
    %dma_wait3A_520 = arith.constant 0 : i32
    %dma_wait3A_521 = arith.constant 0 : i32
    %dma_wait3A_522 = arith.constant 0 : i32
    %dma_wait3A_523 = tpu.memref_slice %arg2[%dma_wait3A_520, %dma_wait3A_521, %dma_wait3A_522] : memref<17x2x1000000xf32, #tpu.memory_space<hbm>> -> memref<17x2x128xf32, #tpu.memory_space<hbm>>
    tpu.wait_dma2 semaphore(%arg8 : memref<!tpu.dma_semaphore, #tpu.memory_space<semaphore_mem>>) src(%dma_wait3A_523 : memref<17x2x128xf32, #tpu.memory_space<hbm>>) dst(%dma_wait3A_519 : memref<17x2x128xf32, #tpu.memory_space<vmem>>)
    %dma_wait3A_524 = arith.constant 7 : i32
    %dma_wait3A_525 = arith.constant 0 : i32
    %dma_wait3A_526 = arith.constant 0 : i32
    %dma_wait3A_527 = arith.constant 0 : i32
    %dma_wait3A_528 = tpu.memref_slice %arg6[%dma_wait3A_524, %dma_wait3A_525, %dma_wait3A_526, %dma_wait3A_527] : memref<16x17x2x128xf32, #tpu.memory_space<vmem>> -> memref<1x17x2x128xf32, #tpu.memory_space<vmem>>
    %dma_wait3A_529 = tpu.memref_squeeze %dma_wait3A_528 : memref<1x17x2x128xf32, #tpu.memory_space<vmem>> -> memref<17x2x128xf32, #tpu.memory_space<vmem>>
    %dma_wait3A_530 = arith.constant 0 : i32
    %dma_wait3A_531 = arith.constant 0 : i32
    %dma_wait3A_532 = arith.constant 0 : i32
    %dma_wait3A_533 = tpu.memref_slice %arg2[%dma_wait3A_530, %dma_wait3A_531, %dma_wait3A_532] : memref<17x2x1000000xf32, #tpu.memory_space<hbm>> -> memref<17x2x128xf32, #tpu.memory_space<hbm>>
    %dma_wait3A_534 = arith.constant 0 : i32
    %dma_wait3A_535 = arith.constant 0 : i32
    %dma_wait3A_536 = arith.constant 0 : i32
    %dma_wait3A_537 = tpu.memref_slice %arg6[%dma_wait3A_524, %dma_wait3A_534, %dma_wait3A_535, %dma_wait3A_536] : memref<16x17x2x128xf32, #tpu.memory_space<vmem>> -> memref<1x17x2x128xf32, #tpu.memory_space<vmem>>
    %dma_wait3A_538 = tpu.memref_squeeze %dma_wait3A_537 : memref<1x17x2x128xf32, #tpu.memory_space<vmem>> -> memref<17x2x128xf32, #tpu.memory_space<vmem>>
    %dma_wait3A_539 = arith.constant 0 : i32
    %dma_wait3A_540 = arith.constant 0 : i32
    %dma_wait3A_541 = arith.constant 0 : i32
    %dma_wait3A_542 = tpu.memref_slice %arg2[%dma_wait3A_539, %dma_wait3A_540, %dma_wait3A_541] : memref<17x2x1000000xf32, #tpu.memory_space<hbm>> -> memref<17x2x128xf32, #tpu.memory_space<hbm>>
    tpu.wait_dma2 semaphore(%arg8 : memref<!tpu.dma_semaphore, #tpu.memory_space<semaphore_mem>>) src(%dma_wait3A_542 : memref<17x2x128xf32, #tpu.memory_space<hbm>>) dst(%dma_wait3A_538 : memref<17x2x128xf32, #tpu.memory_space<vmem>>)
    %broadcast_in_dim3A_543 = arith.constant 0 : i32
    %broadcast_in_dim3A_544 = vector.broadcast %broadcast_in_dim3A_543 : i32 to vector<16xi32>
    %slice3A_545 = vector.extract_strided_slice %get3A_391 {offsets = [0], sizes = [1], strides = [1]} : vector<16xi32> to vector<1xi32>
    %squeeze3A_546 = vector.extract %slice3A_545[0] : i32 from vector<1xi32>
    %and3A = arith.constant 127 : i32
    %and3A_547 = arith.andi %squeeze3A_546, %and3A : i32
    %broadcast_in_dim3A_548 = vector.broadcast %and3A_547 : i32 to vector<16xi32>
    %broadcast_in_dim3A_549 = arith.constant 496 : i32
    %broadcast_in_dim3A_550 = vector.broadcast %broadcast_in_dim3A_549 : i32 to vector<16xi32>
    %broadcast_in_dim3A_551 = arith.constant 0 : i32
    %broadcast_in_dim3A_552 = vector.broadcast %broadcast_in_dim3A_551 : i32 to vector<16xi32>
    %gather3A = tpu.vector_load_idx %arg6[%broadcast_in_dim3A_544, %iota3A, %broadcast_in_dim3A_552, %broadcast_in_dim3A_548] : memref<16x17x2x128xf32, #tpu.memory_space<vmem>>[vector<16xi32>, vector<16xi32>, vector<16xi32>, vector<16xi32>], vector<16xf32>,
    %gather3A_553 = tpu.vector_load_idx %arg6[%broadcast_in_dim3A_544, %broadcast_in_dim3A_3, %broadcast_in_dim3A_552, %broadcast_in_dim3A_548] : memref<16x17x2x128xf32, #tpu.memory_space<vmem>>[vector<16xi32>, vector<16xi32>, vector<16xi32>, vector<16xi32>], vector<16xf32>,
    %add3A_554 = arith.constant 0 : i32
    %add3A_555 = vector.broadcast %add3A_554 : i32 to vector<16xi32>
    %add3A_556 = arith.addi %iota3A, %add3A_555 : vector<16xi32>
    %div3A = arith.divf %gather3A, %gather3A_553 : vector<16xf32>
    tpu.vector_store_idx %arg7[%add3A_556, %broadcast_in_dim3A_550], %div3A : memref<32x512xf32, #tpu.memory_space<vmem>>[vector<16xi32>, vector<16xi32>], vector<16xf32>,
    %broadcast_in_dim3A_557 = arith.constant 1 : i32
    %broadcast_in_dim3A_558 = vector.broadcast %broadcast_in_dim3A_557 : i32 to vector<16xi32>
    %gather3A_559 = tpu.vector_load_idx %arg6[%broadcast_in_dim3A_544, %iota3A, %broadcast_in_dim3A_558, %broadcast_in_dim3A_548] : memref<16x17x2x128xf32, #tpu.memory_space<vmem>>[vector<16xi32>, vector<16xi32>, vector<16xi32>, vector<16xi32>], vector<16xf32>,
    %gather3A_560 = tpu.vector_load_idx %arg6[%broadcast_in_dim3A_544, %broadcast_in_dim3A_3, %broadcast_in_dim3A_558, %broadcast_in_dim3A_548] : memref<16x17x2x128xf32, #tpu.memory_space<vmem>>[vector<16xi32>, vector<16xi32>, vector<16xi32>, vector<16xi32>], vector<16xf32>,
    %add3A_561 = arith.constant 16 : i32
    %add3A_562 = vector.broadcast %add3A_561 : i32 to vector<16xi32>
    %add3A_563 = arith.addi %iota3A, %add3A_562 : vector<16xi32>
    %div3A_564 = arith.divf %gather3A_559, %gather3A_560 : vector<16xf32>
    tpu.vector_store_idx %arg7[%add3A_563, %broadcast_in_dim3A_550], %div3A_564 : memref<32x512xf32, #tpu.memory_space<vmem>>[vector<16xi32>, vector<16xi32>], vector<16xf32>,
    %broadcast_in_dim3A_565 = arith.constant 1 : i32
    %broadcast_in_dim3A_566 = vector.broadcast %broadcast_in_dim3A_565 : i32 to vector<16xi32>
    %slice3A_567 = vector.extract_strided_slice %get3A_391 {offsets = [1], sizes = [1], strides = [1]} : vector<16xi32> to vector<1xi32>
    %squeeze3A_568 = vector.extract %slice3A_567[0] : i32 from vector<1xi32>
    %and3A_569 = arith.constant 127 : i32
    %and3A_570 = arith.andi %squeeze3A_568, %and3A_569 : i32
    %broadcast_in_dim3A_571 = vector.broadcast %and3A_570 : i32 to vector<16xi32>
    %broadcast_in_dim3A_572 = arith.constant 497 : i32
    %broadcast_in_dim3A_573 = vector.broadcast %broadcast_in_dim3A_572 : i32 to vector<16xi32>
    %broadcast_in_dim3A_574 = arith.constant 0 : i32
    %broadcast_in_dim3A_575 = vector.broadcast %broadcast_in_dim3A_574 : i32 to vector<16xi32>
    %gather3A_576 = tpu.vector_load_idx %arg6[%broadcast_in_dim3A_566, %iota3A, %broadcast_in_dim3A_575, %broadcast_in_dim3A_571] : memref<16x17x2x128xf32, #tpu.memory_space<vmem>>[vector<16xi32>, vector<16xi32>, vector<16xi32>, vector<16xi32>], vector<16xf32>,
    %gather3A_577 = tpu.vector_load_idx %arg6[%broadcast_in_dim3A_566, %broadcast_in_dim3A_3, %broadcast_in_dim3A_575, %broadcast_in_dim3A_571] : memref<16x17x2x128xf32, #tpu.memory_space<vmem>>[vector<16xi32>, vector<16xi32>, vector<16xi32>, vector<16xi32>], vector<16xf32>,
    %add3A_578 = arith.constant 0 : i32
    %add3A_579 = vector.broadcast %add3A_578 : i32 to vector<16xi32>
    %add3A_580 = arith.addi %iota3A, %add3A_579 : vector<16xi32>
    %div3A_581 = arith.divf %gather3A_576, %gather3A_577 : vector<16xf32>
    tpu.vector_store_idx %arg7[%add3A_580, %broadcast_in_dim3A_573], %div3A_581 : memref<32x512xf32, #tpu.memory_space<vmem>>[vector<16xi32>, vector<16xi32>], vector<16xf32>,
    %broadcast_in_dim3A_582 = arith.constant 1 : i32
    %broadcast_in_dim3A_583 = vector.broadcast %broadcast_in_dim3A_582 : i32 to vector<16xi32>
    %gather3A_584 = tpu.vector_load_idx %arg6[%broadcast_in_dim3A_566, %iota3A, %broadcast_in_dim3A_583, %broadcast_in_dim3A_571] : memref<16x17x2x128xf32, #tpu.memory_space<vmem>>[vector<16xi32>, vector<16xi32>, vector<16xi32>, vector<16xi32>], vector<16xf32>,
    %gather3A_585 = tpu.vector_load_idx %arg6[%broadcast_in_dim3A_566, %broadcast_in_dim3A_3, %broadcast_in_dim3A_583, %broadcast_in_dim3A_571] : memref<16x17x2x128xf32, #tpu.memory_space<vmem>>[vector<16xi32>, vector<16xi32>, vector<16xi32>, vector<16xi32>], vector<16xf32>,
    %add3A_586 = arith.constant 16 : i32
    %add3A_587 = vector.broadcast %add3A_586 : i32 to vector<16xi32>
    %add3A_588 = arith.addi %iota3A, %add3A_587 : vector<16xi32>
    %div3A_589 = arith.divf %gather3A_584, %gather3A_585 : vector<16xf32>
    tpu.vector_store_idx %arg7[%add3A_588, %broadcast_in_dim3A_573], %div3A_589 : memref<32x512xf32, #tpu.memory_space<vmem>>[vector<16xi32>, vector<16xi32>], vector<16xf32>,
    %broadcast_in_dim3A_590 = arith.constant 2 : i32
    %broadcast_in_dim3A_591 = vector.broadcast %broadcast_in_dim3A_590 : i32 to vector<16xi32>
    %slice3A_592 = vector.extract_strided_slice %get3A_391 {offsets = [2], sizes = [1], strides = [1]} : vector<16xi32> to vector<1xi32>
    %squeeze3A_593 = vector.extract %slice3A_592[0] : i32 from vector<1xi32>
    %and3A_594 = arith.constant 127 : i32
    %and3A_595 = arith.andi %squeeze3A_593, %and3A_594 : i32
    %broadcast_in_dim3A_596 = vector.broadcast %and3A_595 : i32 to vector<16xi32>
    %broadcast_in_dim3A_597 = arith.constant 498 : i32
    %broadcast_in_dim3A_598 = vector.broadcast %broadcast_in_dim3A_597 : i32 to vector<16xi32>
    %broadcast_in_dim3A_599 = arith.constant 0 : i32
    %broadcast_in_dim3A_600 = vector.broadcast %broadcast_in_dim3A_599 : i32 to vector<16xi32>
    %gather3A_601 = tpu.vector_load_idx %arg6[%broadcast_in_dim3A_591, %iota3A, %broadcast_in_dim3A_600, %broadcast_in_dim3A_596] : memref<16x17x2x128xf32, #tpu.memory_space<vmem>>[vector<16xi32>, vector<16xi32>, vector<16xi32>, vector<16xi32>], vector<16xf32>,
    %gather3A_602 = tpu.vector_load_idx %arg6[%broadcast_in_dim3A_591, %broadcast_in_dim3A_3, %broadcast_in_dim3A_600, %broadcast_in_dim3A_596] : memref<16x17x2x128xf32, #tpu.memory_space<vmem>>[vector<16xi32>, vector<16xi32>, vector<16xi32>, vector<16xi32>], vector<16xf32>,
    %add3A_603 = arith.constant 0 : i32
    %add3A_604 = vector.broadcast %add3A_603 : i32 to vector<16xi32>
    %add3A_605 = arith.addi %iota3A, %add3A_604 : vector<16xi32>
    %div3A_606 = arith.divf %gather3A_601, %gather3A_602 : vector<16xf32>
    tpu.vector_store_idx %arg7[%add3A_605, %broadcast_in_dim3A_598], %div3A_606 : memref<32x512xf32, #tpu.memory_space<vmem>>[vector<16xi32>, vector<16xi32>], vector<16xf32>,
    %broadcast_in_dim3A_607 = arith.constant 1 : i32
    %broadcast_in_dim3A_608 = vector.broadcast %broadcast_in_dim3A_607 : i32 to vector<16xi32>
    %gather3A_609 = tpu.vector_load_idx %arg6[%broadcast_in_dim3A_591, %iota3A, %broadcast_in_dim3A_608, %broadcast_in_dim3A_596] : memref<16x17x2x128xf32, #tpu.memory_space<vmem>>[vector<16xi32>, vector<16xi32>, vector<16xi32>, vector<16xi32>], vector<16xf32>,
    %gather3A_610 = tpu.vector_load_idx %arg6[%broadcast_in_dim3A_591, %broadcast_in_dim3A_3, %broadcast_in_dim3A_608, %broadcast_in_dim3A_596] : memref<16x17x2x128xf32, #tpu.memory_space<vmem>>[vector<16xi32>, vector<16xi32>, vector<16xi32>, vector<16xi32>], vector<16xf32>,
    %add3A_611 = arith.constant 16 : i32
    %add3A_612 = vector.broadcast %add3A_611 : i32 to vector<16xi32>
    %add3A_613 = arith.addi %iota3A, %add3A_612 : vector<16xi32>
    %div3A_614 = arith.divf %gather3A_609, %gather3A_610 : vector<16xf32>
    tpu.vector_store_idx %arg7[%add3A_613, %broadcast_in_dim3A_598], %div3A_614 : memref<32x512xf32, #tpu.memory_space<vmem>>[vector<16xi32>, vector<16xi32>], vector<16xf32>,
    %broadcast_in_dim3A_615 = arith.constant 3 : i32
    %broadcast_in_dim3A_616 = vector.broadcast %broadcast_in_dim3A_615 : i32 to vector<16xi32>
    %slice3A_617 = vector.extract_strided_slice %get3A_391 {offsets = [3], sizes = [1], strides = [1]} : vector<16xi32> to vector<1xi32>
    %squeeze3A_618 = vector.extract %slice3A_617[0] : i32 from vector<1xi32>
    %and3A_619 = arith.constant 127 : i32
    %and3A_620 = arith.andi %squeeze3A_618, %and3A_619 : i32
    %broadcast_in_dim3A_621 = vector.broadcast %and3A_620 : i32 to vector<16xi32>
    %broadcast_in_dim3A_622 = arith.constant 499 : i32
    %broadcast_in_dim3A_623 = vector.broadcast %broadcast_in_dim3A_622 : i32 to vector<16xi32>
    %broadcast_in_dim3A_624 = arith.constant 0 : i32
    %broadcast_in_dim3A_625 = vector.broadcast %broadcast_in_dim3A_624 : i32 to vector<16xi32>
    %gather3A_626 = tpu.vector_load_idx %arg6[%broadcast_in_dim3A_616, %iota3A, %broadcast_in_dim3A_625, %broadcast_in_dim3A_621] : memref<16x17x2x128xf32, #tpu.memory_space<vmem>>[vector<16xi32>, vector<16xi32>, vector<16xi32>, vector<16xi32>], vector<16xf32>,
    %gather3A_627 = tpu.vector_load_idx %arg6[%broadcast_in_dim3A_616, %broadcast_in_dim3A_3, %broadcast_in_dim3A_625, %broadcast_in_dim3A_621] : memref<16x17x2x128xf32, #tpu.memory_space<vmem>>[vector<16xi32>, vector<16xi32>, vector<16xi32>, vector<16xi32>], vector<16xf32>,
    %add3A_628 = arith.constant 0 : i32
    %add3A_629 = vector.broadcast %add3A_628 : i32 to vector<16xi32>
    %add3A_630 = arith.addi %iota3A, %add3A_629 : vector<16xi32>
    %div3A_631 = arith.divf %gather3A_626, %gather3A_627 : vector<16xf32>
    tpu.vector_store_idx %arg7[%add3A_630, %broadcast_in_dim3A_623], %div3A_631 : memref<32x512xf32, #tpu.memory_space<vmem>>[vector<16xi32>, vector<16xi32>], vector<16xf32>,
    %broadcast_in_dim3A_632 = arith.constant 1 : i32
    %broadcast_in_dim3A_633 = vector.broadcast %broadcast_in_dim3A_632 : i32 to vector<16xi32>
    %gather3A_634 = tpu.vector_load_idx %arg6[%broadcast_in_dim3A_616, %iota3A, %broadcast_in_dim3A_633, %broadcast_in_dim3A_621] : memref<16x17x2x128xf32, #tpu.memory_space<vmem>>[vector<16xi32>, vector<16xi32>, vector<16xi32>, vector<16xi32>], vector<16xf32>,
    %gather3A_635 = tpu.vector_load_idx %arg6[%broadcast_in_dim3A_616, %broadcast_in_dim3A_3, %broadcast_in_dim3A_633, %broadcast_in_dim3A_621] : memref<16x17x2x128xf32, #tpu.memory_space<vmem>>[vector<16xi32>, vector<16xi32>, vector<16xi32>, vector<16xi32>], vector<16xf32>,
    %add3A_636 = arith.constant 16 : i32
    %add3A_637 = vector.broadcast %add3A_636 : i32 to vector<16xi32>
    %add3A_638 = arith.addi %iota3A, %add3A_637 : vector<16xi32>
    %div3A_639 = arith.divf %gather3A_634, %gather3A_635 : vector<16xf32>
    tpu.vector_store_idx %arg7[%add3A_638, %broadcast_in_dim3A_623], %div3A_639 : memref<32x512xf32, #tpu.memory_space<vmem>>[vector<16xi32>, vector<16xi32>], vector<16xf32>,
    %broadcast_in_dim3A_640 = arith.constant 4 : i32
    %broadcast_in_dim3A_641 = vector.broadcast %broadcast_in_dim3A_640 : i32 to vector<16xi32>
    %slice3A_642 = vector.extract_strided_slice %get3A_391 {offsets = [4], sizes = [1], strides = [1]} : vector<16xi32> to vector<1xi32>
    %squeeze3A_643 = vector.extract %slice3A_642[0] : i32 from vector<1xi32>
    %and3A_644 = arith.constant 127 : i32
    %and3A_645 = arith.andi %squeeze3A_643, %and3A_644 : i32
    %broadcast_in_dim3A_646 = vector.broadcast %and3A_645 : i32 to vector<16xi32>
    %broadcast_in_dim3A_647 = arith.constant 500 : i32
    %broadcast_in_dim3A_648 = vector.broadcast %broadcast_in_dim3A_647 : i32 to vector<16xi32>
    %broadcast_in_dim3A_649 = arith.constant 0 : i32
    %broadcast_in_dim3A_650 = vector.broadcast %broadcast_in_dim3A_649 : i32 to vector<16xi32>
    %gather3A_651 = tpu.vector_load_idx %arg6[%broadcast_in_dim3A_641, %iota3A, %broadcast_in_dim3A_650, %broadcast_in_dim3A_646] : memref<16x17x2x128xf32, #tpu.memory_space<vmem>>[vector<16xi32>, vector<16xi32>, vector<16xi32>, vector<16xi32>], vector<16xf32>,
    %gather3A_652 = tpu.vector_load_idx %arg6[%broadcast_in_dim3A_641, %broadcast_in_dim3A_3, %broadcast_in_dim3A_650, %broadcast_in_dim3A_646] : memref<16x17x2x128xf32, #tpu.memory_space<vmem>>[vector<16xi32>, vector<16xi32>, vector<16xi32>, vector<16xi32>], vector<16xf32>,
    %add3A_653 = arith.constant 0 : i32
    %add3A_654 = vector.broadcast %add3A_653 : i32 to vector<16xi32>
    %add3A_655 = arith.addi %iota3A, %add3A_654 : vector<16xi32>
    %div3A_656 = arith.divf %gather3A_651, %gather3A_652 : vector<16xf32>
    tpu.vector_store_idx %arg7[%add3A_655, %broadcast_in_dim3A_648], %div3A_656 : memref<32x512xf32, #tpu.memory_space<vmem>>[vector<16xi32>, vector<16xi32>], vector<16xf32>,
    %broadcast_in_dim3A_657 = arith.constant 1 : i32
    %broadcast_in_dim3A_658 = vector.broadcast %broadcast_in_dim3A_657 : i32 to vector<16xi32>
    %gather3A_659 = tpu.vector_load_idx %arg6[%broadcast_in_dim3A_641, %iota3A, %broadcast_in_dim3A_658, %broadcast_in_dim3A_646] : memref<16x17x2x128xf32, #tpu.memory_space<vmem>>[vector<16xi32>, vector<16xi32>, vector<16xi32>, vector<16xi32>], vector<16xf32>,
    %gather3A_660 = tpu.vector_load_idx %arg6[%broadcast_in_dim3A_641, %broadcast_in_dim3A_3, %broadcast_in_dim3A_658, %broadcast_in_dim3A_646] : memref<16x17x2x128xf32, #tpu.memory_space<vmem>>[vector<16xi32>, vector<16xi32>, vector<16xi32>, vector<16xi32>], vector<16xf32>,
    %add3A_661 = arith.constant 16 : i32
    %add3A_662 = vector.broadcast %add3A_661 : i32 to vector<16xi32>
    %add3A_663 = arith.addi %iota3A, %add3A_662 : vector<16xi32>
    %div3A_664 = arith.divf %gather3A_659, %gather3A_660 : vector<16xf32>
    tpu.vector_store_idx %arg7[%add3A_663, %broadcast_in_dim3A_648], %div3A_664 : memref<32x512xf32, #tpu.memory_space<vmem>>[vector<16xi32>, vector<16xi32>], vector<16xf32>,
    %broadcast_in_dim3A_665 = arith.constant 5 : i32
    %broadcast_in_dim3A_666 = vector.broadcast %broadcast_in_dim3A_665 : i32 to vector<16xi32>
    %slice3A_667 = vector.extract_strided_slice %get3A_391 {offsets = [5], sizes = [1], strides = [1]} : vector<16xi32> to vector<1xi32>
    %squeeze3A_668 = vector.extract %slice3A_667[0] : i32 from vector<1xi32>
    %and3A_669 = arith.constant 127 : i32
    %and3A_670 = arith.andi %squeeze3A_668, %and3A_669 : i32
    %broadcast_in_dim3A_671 = vector.broadcast %and3A_670 : i32 to vector<16xi32>
    %broadcast_in_dim3A_672 = arith.constant 501 : i32
    %broadcast_in_dim3A_673 = vector.broadcast %broadcast_in_dim3A_672 : i32 to vector<16xi32>
    %broadcast_in_dim3A_674 = arith.constant 0 : i32
    %broadcast_in_dim3A_675 = vector.broadcast %broadcast_in_dim3A_674 : i32 to vector<16xi32>
    %gather3A_676 = tpu.vector_load_idx %arg6[%broadcast_in_dim3A_666, %iota3A, %broadcast_in_dim3A_675, %broadcast_in_dim3A_671] : memref<16x17x2x128xf32, #tpu.memory_space<vmem>>[vector<16xi32>, vector<16xi32>, vector<16xi32>, vector<16xi32>], vector<16xf32>,
    %gather3A_677 = tpu.vector_load_idx %arg6[%broadcast_in_dim3A_666, %broadcast_in_dim3A_3, %broadcast_in_dim3A_675, %broadcast_in_dim3A_671] : memref<16x17x2x128xf32, #tpu.memory_space<vmem>>[vector<16xi32>, vector<16xi32>, vector<16xi32>, vector<16xi32>], vector<16xf32>,
    %add3A_678 = arith.constant 0 : i32
    %add3A_679 = vector.broadcast %add3A_678 : i32 to vector<16xi32>
    %add3A_680 = arith.addi %iota3A, %add3A_679 : vector<16xi32>
    %div3A_681 = arith.divf %gather3A_676, %gather3A_677 : vector<16xf32>
    tpu.vector_store_idx %arg7[%add3A_680, %broadcast_in_dim3A_673], %div3A_681 : memref<32x512xf32, #tpu.memory_space<vmem>>[vector<16xi32>, vector<16xi32>], vector<16xf32>,
    %broadcast_in_dim3A_682 = arith.constant 1 : i32
    %broadcast_in_dim3A_683 = vector.broadcast %broadcast_in_dim3A_682 : i32 to vector<16xi32>
    %gather3A_684 = tpu.vector_load_idx %arg6[%broadcast_in_dim3A_666, %iota3A, %broadcast_in_dim3A_683, %broadcast_in_dim3A_671] : memref<16x17x2x128xf32, #tpu.memory_space<vmem>>[vector<16xi32>, vector<16xi32>, vector<16xi32>, vector<16xi32>], vector<16xf32>,
    %gather3A_685 = tpu.vector_load_idx %arg6[%broadcast_in_dim3A_666, %broadcast_in_dim3A_3, %broadcast_in_dim3A_683, %broadcast_in_dim3A_671] : memref<16x17x2x128xf32, #tpu.memory_space<vmem>>[vector<16xi32>, vector<16xi32>, vector<16xi32>, vector<16xi32>], vector<16xf32>,
    %add3A_686 = arith.constant 16 : i32
    %add3A_687 = vector.broadcast %add3A_686 : i32 to vector<16xi32>
    %add3A_688 = arith.addi %iota3A, %add3A_687 : vector<16xi32>
    %div3A_689 = arith.divf %gather3A_684, %gather3A_685 : vector<16xf32>
    tpu.vector_store_idx %arg7[%add3A_688, %broadcast_in_dim3A_673], %div3A_689 : memref<32x512xf32, #tpu.memory_space<vmem>>[vector<16xi32>, vector<16xi32>], vector<16xf32>,
    %broadcast_in_dim3A_690 = arith.constant 6 : i32
    %broadcast_in_dim3A_691 = vector.broadcast %broadcast_in_dim3A_690 : i32 to vector<16xi32>
    %slice3A_692 = vector.extract_strided_slice %get3A_391 {offsets = [6], sizes = [1], strides = [1]} : vector<16xi32> to vector<1xi32>
    %squeeze3A_693 = vector.extract %slice3A_692[0] : i32 from vector<1xi32>
    %and3A_694 = arith.constant 127 : i32
    %and3A_695 = arith.andi %squeeze3A_693, %and3A_694 : i32
    %broadcast_in_dim3A_696 = vector.broadcast %and3A_695 : i32 to vector<16xi32>
    %broadcast_in_dim3A_697 = arith.constant 502 : i32
    %broadcast_in_dim3A_698 = vector.broadcast %broadcast_in_dim3A_697 : i32 to vector<16xi32>
    %broadcast_in_dim3A_699 = arith.constant 0 : i32
    %broadcast_in_dim3A_700 = vector.broadcast %broadcast_in_dim3A_699 : i32 to vector<16xi32>
    %gather3A_701 = tpu.vector_load_idx %arg6[%broadcast_in_dim3A_691, %iota3A, %broadcast_in_dim3A_700, %broadcast_in_dim3A_696] : memref<16x17x2x128xf32, #tpu.memory_space<vmem>>[vector<16xi32>, vector<16xi32>, vector<16xi32>, vector<16xi32>], vector<16xf32>,
    %gather3A_702 = tpu.vector_load_idx %arg6[%broadcast_in_dim3A_691, %broadcast_in_dim3A_3, %broadcast_in_dim3A_700, %broadcast_in_dim3A_696] : memref<16x17x2x128xf32, #tpu.memory_space<vmem>>[vector<16xi32>, vector<16xi32>, vector<16xi32>, vector<16xi32>], vector<16xf32>,
    %add3A_703 = arith.constant 0 : i32
    %add3A_704 = vector.broadcast %add3A_703 : i32 to vector<16xi32>
    %add3A_705 = arith.addi %iota3A, %add3A_704 : vector<16xi32>
    %div3A_706 = arith.divf %gather3A_701, %gather3A_702 : vector<16xf32>
    tpu.vector_store_idx %arg7[%add3A_705, %broadcast_in_dim3A_698], %div3A_706 : memref<32x512xf32, #tpu.memory_space<vmem>>[vector<16xi32>, vector<16xi32>], vector<16xf32>,
    %broadcast_in_dim3A_707 = arith.constant 1 : i32
    %broadcast_in_dim3A_708 = vector.broadcast %broadcast_in_dim3A_707 : i32 to vector<16xi32>
    %gather3A_709 = tpu.vector_load_idx %arg6[%broadcast_in_dim3A_691, %iota3A, %broadcast_in_dim3A_708, %broadcast_in_dim3A_696] : memref<16x17x2x128xf32, #tpu.memory_space<vmem>>[vector<16xi32>, vector<16xi32>, vector<16xi32>, vector<16xi32>], vector<16xf32>,
    %gather3A_710 = tpu.vector_load_idx %arg6[%broadcast_in_dim3A_691, %broadcast_in_dim3A_3, %broadcast_in_dim3A_708, %broadcast_in_dim3A_696] : memref<16x17x2x128xf32, #tpu.memory_space<vmem>>[vector<16xi32>, vector<16xi32>, vector<16xi32>, vector<16xi32>], vector<16xf32>,
    %add3A_711 = arith.constant 16 : i32
    %add3A_712 = vector.broadcast %add3A_711 : i32 to vector<16xi32>
    %add3A_713 = arith.addi %iota3A, %add3A_712 : vector<16xi32>
    %div3A_714 = arith.divf %gather3A_709, %gather3A_710 : vector<16xf32>
    tpu.vector_store_idx %arg7[%add3A_713, %broadcast_in_dim3A_698], %div3A_714 : memref<32x512xf32, #tpu.memory_space<vmem>>[vector<16xi32>, vector<16xi32>], vector<16xf32>,
    %broadcast_in_dim3A_715 = arith.constant 7 : i32
    %broadcast_in_dim3A_716 = vector.broadcast %broadcast_in_dim3A_715 : i32 to vector<16xi32>
    %slice3A_717 = vector.extract_strided_slice %get3A_391 {offsets = [7], sizes = [1], strides = [1]} : vector<16xi32> to vector<1xi32>
    %squeeze3A_718 = vector.extract %slice3A_717[0] : i32 from vector<1xi32>
    %and3A_719 = arith.constant 127 : i32
    %and3A_720 = arith.andi %squeeze3A_718, %and3A_719 : i32
    %broadcast_in_dim3A_721 = vector.broadcast %and3A_720 : i32 to vector<16xi32>
    %broadcast_in_dim3A_722 = arith.constant 503 : i32
    %broadcast_in_dim3A_723 = vector.broadcast %broadcast_in_dim3A_722 : i32 to vector<16xi32>
    %broadcast_in_dim3A_724 = arith.constant 0 : i32
    %broadcast_in_dim3A_725 = vector.broadcast %broadcast_in_dim3A_724 : i32 to vector<16xi32>
    %gather3A_726 = tpu.vector_load_idx %arg6[%broadcast_in_dim3A_716, %iota3A, %broadcast_in_dim3A_725, %broadcast_in_dim3A_721] : memref<16x17x2x128xf32, #tpu.memory_space<vmem>>[vector<16xi32>, vector<16xi32>, vector<16xi32>, vector<16xi32>], vector<16xf32>,
    %gather3A_727 = tpu.vector_load_idx %arg6[%broadcast_in_dim3A_716, %broadcast_in_dim3A_3, %broadcast_in_dim3A_725, %broadcast_in_dim3A_721] : memref<16x17x2x128xf32, #tpu.memory_space<vmem>>[vector<16xi32>, vector<16xi32>, vector<16xi32>, vector<16xi32>], vector<16xf32>,
    %add3A_728 = arith.constant 0 : i32
    %add3A_729 = vector.broadcast %add3A_728 : i32 to vector<16xi32>
    %add3A_730 = arith.addi %iota3A, %add3A_729 : vector<16xi32>
    %div3A_731 = arith.divf %gather3A_726, %gather3A_727 : vector<16xf32>
    tpu.vector_store_idx %arg7[%add3A_730, %broadcast_in_dim3A_723], %div3A_731 : memref<32x512xf32, #tpu.memory_space<vmem>>[vector<16xi32>, vector<16xi32>], vector<16xf32>,
    %broadcast_in_dim3A_732 = arith.constant 1 : i32
    %broadcast_in_dim3A_733 = vector.broadcast %broadcast_in_dim3A_732 : i32 to vector<16xi32>
    %gather3A_734 = tpu.vector_load_idx %arg6[%broadcast_in_dim3A_716, %iota3A, %broadcast_in_dim3A_733, %broadcast_in_dim3A_721] : memref<16x17x2x128xf32, #tpu.memory_space<vmem>>[vector<16xi32>, vector<16xi32>, vector<16xi32>, vector<16xi32>], vector<16xf32>,
    %gather3A_735 = tpu.vector_load_idx %arg6[%broadcast_in_dim3A_716, %broadcast_in_dim3A_3, %broadcast_in_dim3A_733, %broadcast_in_dim3A_721] : memref<16x17x2x128xf32, #tpu.memory_space<vmem>>[vector<16xi32>, vector<16xi32>, vector<16xi32>, vector<16xi32>], vector<16xf32>,
    %add3A_736 = arith.constant 16 : i32
    %add3A_737 = vector.broadcast %add3A_736 : i32 to vector<16xi32>
    %add3A_738 = arith.addi %iota3A, %add3A_737 : vector<16xi32>
    %div3A_739 = arith.divf %gather3A_734, %gather3A_735 : vector<16xf32>
    tpu.vector_store_idx %arg7[%add3A_738, %broadcast_in_dim3A_723], %div3A_739 : memref<32x512xf32, #tpu.memory_space<vmem>>[vector<16xi32>, vector<16xi32>], vector<16xf32>,
    %get3A_740 = arith.constant 504 : index
    %get3A_741 = tpu.vector_load %arg5[%get3A_740] {strides = array<i32>} : memref<528xi32, #tpu.memory_space<vmem>>, vector<16xi32>,
    %dma_wait3A_742 = arith.constant 8 : i32
    %dma_wait3A_743 = arith.constant 0 : i32
    %dma_wait3A_744 = arith.constant 0 : i32
    %dma_wait3A_745 = arith.constant 0 : i32
    %dma_wait3A_746 = tpu.memref_slice %arg6[%dma_wait3A_742, %dma_wait3A_743, %dma_wait3A_744, %dma_wait3A_745] : memref<16x17x2x128xf32, #tpu.memory_space<vmem>> -> memref<1x17x2x128xf32, #tpu.memory_space<vmem>>
    %dma_wait3A_747 = tpu.memref_squeeze %dma_wait3A_746 : memref<1x17x2x128xf32, #tpu.memory_space<vmem>> -> memref<17x2x128xf32, #tpu.memory_space<vmem>>
    %dma_wait3A_748 = arith.constant 0 : i32
    %dma_wait3A_749 = arith.constant 0 : i32
    %dma_wait3A_750 = arith.constant 0 : i32
    %dma_wait3A_751 = tpu.memref_slice %arg2[%dma_wait3A_748, %dma_wait3A_749, %dma_wait3A_750] : memref<17x2x1000000xf32, #tpu.memory_space<hbm>> -> memref<17x2x128xf32, #tpu.memory_space<hbm>>
    %dma_wait3A_752 = arith.constant 0 : i32
    %dma_wait3A_753 = arith.constant 0 : i32
    %dma_wait3A_754 = arith.constant 0 : i32
    %dma_wait3A_755 = tpu.memref_slice %arg6[%dma_wait3A_742, %dma_wait3A_752, %dma_wait3A_753, %dma_wait3A_754] : memref<16x17x2x128xf32, #tpu.memory_space<vmem>> -> memref<1x17x2x128xf32, #tpu.memory_space<vmem>>
    %dma_wait3A_756 = tpu.memref_squeeze %dma_wait3A_755 : memref<1x17x2x128xf32, #tpu.memory_space<vmem>> -> memref<17x2x128xf32, #tpu.memory_space<vmem>>
    %dma_wait3A_757 = arith.constant 0 : i32
    %dma_wait3A_758 = arith.constant 0 : i32
    %dma_wait3A_759 = arith.constant 0 : i32
    %dma_wait3A_760 = tpu.memref_slice %arg2[%dma_wait3A_757, %dma_wait3A_758, %dma_wait3A_759] : memref<17x2x1000000xf32, #tpu.memory_space<hbm>> -> memref<17x2x128xf32, #tpu.memory_space<hbm>>
    tpu.wait_dma2 semaphore(%arg9 : memref<!tpu.dma_semaphore, #tpu.memory_space<semaphore_mem>>) src(%dma_wait3A_760 : memref<17x2x128xf32, #tpu.memory_space<hbm>>) dst(%dma_wait3A_756 : memref<17x2x128xf32, #tpu.memory_space<vmem>>)
    %dma_wait3A_761 = arith.constant 9 : i32
    %dma_wait3A_762 = arith.constant 0 : i32
    %dma_wait3A_763 = arith.constant 0 : i32
    %dma_wait3A_764 = arith.constant 0 : i32
    %dma_wait3A_765 = tpu.memref_slice %arg6[%dma_wait3A_761, %dma_wait3A_762, %dma_wait3A_763, %dma_wait3A_764] : memref<16x17x2x128xf32, #tpu.memory_space<vmem>> -> memref<1x17x2x128xf32, #tpu.memory_space<vmem>>
    %dma_wait3A_766 = tpu.memref_squeeze %dma_wait3A_765 : memref<1x17x2x128xf32, #tpu.memory_space<vmem>> -> memref<17x2x128xf32, #tpu.memory_space<vmem>>
    %dma_wait3A_767 = arith.constant 0 : i32
    %dma_wait3A_768 = arith.constant 0 : i32
    %dma_wait3A_769 = arith.constant 0 : i32
    %dma_wait3A_770 = tpu.memref_slice %arg2[%dma_wait3A_767, %dma_wait3A_768, %dma_wait3A_769] : memref<17x2x1000000xf32, #tpu.memory_space<hbm>> -> memref<17x2x128xf32, #tpu.memory_space<hbm>>
    %dma_wait3A_771 = arith.constant 0 : i32
    %dma_wait3A_772 = arith.constant 0 : i32
    %dma_wait3A_773 = arith.constant 0 : i32
    %dma_wait3A_774 = tpu.memref_slice %arg6[%dma_wait3A_761, %dma_wait3A_771, %dma_wait3A_772, %dma_wait3A_773] : memref<16x17x2x128xf32, #tpu.memory_space<vmem>> -> memref<1x17x2x128xf32, #tpu.memory_space<vmem>>
    %dma_wait3A_775 = tpu.memref_squeeze %dma_wait3A_774 : memref<1x17x2x128xf32, #tpu.memory_space<vmem>> -> memref<17x2x128xf32, #tpu.memory_space<vmem>>
    %dma_wait3A_776 = arith.constant 0 : i32
    %dma_wait3A_777 = arith.constant 0 : i32
    %dma_wait3A_778 = arith.constant 0 : i32
    %dma_wait3A_779 = tpu.memref_slice %arg2[%dma_wait3A_776, %dma_wait3A_777, %dma_wait3A_778] : memref<17x2x1000000xf32, #tpu.memory_space<hbm>> -> memref<17x2x128xf32, #tpu.memory_space<hbm>>
    tpu.wait_dma2 semaphore(%arg9 : memref<!tpu.dma_semaphore, #tpu.memory_space<semaphore_mem>>) src(%dma_wait3A_779 : memref<17x2x128xf32, #tpu.memory_space<hbm>>) dst(%dma_wait3A_775 : memref<17x2x128xf32, #tpu.memory_space<vmem>>)
    %dma_wait3A_780 = arith.constant 10 : i32
    %dma_wait3A_781 = arith.constant 0 : i32
    %dma_wait3A_782 = arith.constant 0 : i32
    %dma_wait3A_783 = arith.constant 0 : i32
    %dma_wait3A_784 = tpu.memref_slice %arg6[%dma_wait3A_780, %dma_wait3A_781, %dma_wait3A_782, %dma_wait3A_783] : memref<16x17x2x128xf32, #tpu.memory_space<vmem>> -> memref<1x17x2x128xf32, #tpu.memory_space<vmem>>
    %dma_wait3A_785 = tpu.memref_squeeze %dma_wait3A_784 : memref<1x17x2x128xf32, #tpu.memory_space<vmem>> -> memref<17x2x128xf32, #tpu.memory_space<vmem>>
    %dma_wait3A_786 = arith.constant 0 : i32
    %dma_wait3A_787 = arith.constant 0 : i32
    %dma_wait3A_788 = arith.constant 0 : i32
    %dma_wait3A_789 = tpu.memref_slice %arg2[%dma_wait3A_786, %dma_wait3A_787, %dma_wait3A_788] : memref<17x2x1000000xf32, #tpu.memory_space<hbm>> -> memref<17x2x128xf32, #tpu.memory_space<hbm>>
    %dma_wait3A_790 = arith.constant 0 : i32
    %dma_wait3A_791 = arith.constant 0 : i32
    %dma_wait3A_792 = arith.constant 0 : i32
    %dma_wait3A_793 = tpu.memref_slice %arg6[%dma_wait3A_780, %dma_wait3A_790, %dma_wait3A_791, %dma_wait3A_792] : memref<16x17x2x128xf32, #tpu.memory_space<vmem>> -> memref<1x17x2x128xf32, #tpu.memory_space<vmem>>
    %dma_wait3A_794 = tpu.memref_squeeze %dma_wait3A_793 : memref<1x17x2x128xf32, #tpu.memory_space<vmem>> -> memref<17x2x128xf32, #tpu.memory_space<vmem>>
    %dma_wait3A_795 = arith.constant 0 : i32
    %dma_wait3A_796 = arith.constant 0 : i32
    %dma_wait3A_797 = arith.constant 0 : i32
    %dma_wait3A_798 = tpu.memref_slice %arg2[%dma_wait3A_795, %dma_wait3A_796, %dma_wait3A_797] : memref<17x2x1000000xf32, #tpu.memory_space<hbm>> -> memref<17x2x128xf32, #tpu.memory_space<hbm>>
    tpu.wait_dma2 semaphore(%arg9 : memref<!tpu.dma_semaphore, #tpu.memory_space<semaphore_mem>>) src(%dma_wait3A_798 : memref<17x2x128xf32, #tpu.memory_space<hbm>>) dst(%dma_wait3A_794 : memref<17x2x128xf32, #tpu.memory_space<vmem>>)
    %dma_wait3A_799 = arith.constant 11 : i32
    %dma_wait3A_800 = arith.constant 0 : i32
    %dma_wait3A_801 = arith.constant 0 : i32
    %dma_wait3A_802 = arith.constant 0 : i32
    %dma_wait3A_803 = tpu.memref_slice %arg6[%dma_wait3A_799, %dma_wait3A_800, %dma_wait3A_801, %dma_wait3A_802] : memref<16x17x2x128xf32, #tpu.memory_space<vmem>> -> memref<1x17x2x128xf32, #tpu.memory_space<vmem>>
    %dma_wait3A_804 = tpu.memref_squeeze %dma_wait3A_803 : memref<1x17x2x128xf32, #tpu.memory_space<vmem>> -> memref<17x2x128xf32, #tpu.memory_space<vmem>>
    %dma_wait3A_805 = arith.constant 0 : i32
    %dma_wait3A_806 = arith.constant 0 : i32
    %dma_wait3A_807 = arith.constant 0 : i32
    %dma_wait3A_808 = tpu.memref_slice %arg2[%dma_wait3A_805, %dma_wait3A_806, %dma_wait3A_807] : memref<17x2x1000000xf32, #tpu.memory_space<hbm>> -> memref<17x2x128xf32, #tpu.memory_space<hbm>>
    %dma_wait3A_809 = arith.constant 0 : i32
    %dma_wait3A_810 = arith.constant 0 : i32
    %dma_wait3A_811 = arith.constant 0 : i32
    %dma_wait3A_812 = tpu.memref_slice %arg6[%dma_wait3A_799, %dma_wait3A_809, %dma_wait3A_810, %dma_wait3A_811] : memref<16x17x2x128xf32, #tpu.memory_space<vmem>> -> memref<1x17x2x128xf32, #tpu.memory_space<vmem>>
    %dma_wait3A_813 = tpu.memref_squeeze %dma_wait3A_812 : memref<1x17x2x128xf32, #tpu.memory_space<vmem>> -> memref<17x2x128xf32, #tpu.memory_space<vmem>>
    %dma_wait3A_814 = arith.constant 0 : i32
    %dma_wait3A_815 = arith.constant 0 : i32
    %dma_wait3A_816 = arith.constant 0 : i32
    %dma_wait3A_817 = tpu.memref_slice %arg2[%dma_wait3A_814, %dma_wait3A_815, %dma_wait3A_816] : memref<17x2x1000000xf32, #tpu.memory_space<hbm>> -> memref<17x2x128xf32, #tpu.memory_space<hbm>>
    tpu.wait_dma2 semaphore(%arg9 : memref<!tpu.dma_semaphore, #tpu.memory_space<semaphore_mem>>) src(%dma_wait3A_817 : memref<17x2x128xf32, #tpu.memory_space<hbm>>) dst(%dma_wait3A_813 : memref<17x2x128xf32, #tpu.memory_space<vmem>>)
    %dma_wait3A_818 = arith.constant 12 : i32
    %dma_wait3A_819 = arith.constant 0 : i32
    %dma_wait3A_820 = arith.constant 0 : i32
    %dma_wait3A_821 = arith.constant 0 : i32
    %dma_wait3A_822 = tpu.memref_slice %arg6[%dma_wait3A_818, %dma_wait3A_819, %dma_wait3A_820, %dma_wait3A_821] : memref<16x17x2x128xf32, #tpu.memory_space<vmem>> -> memref<1x17x2x128xf32, #tpu.memory_space<vmem>>
    %dma_wait3A_823 = tpu.memref_squeeze %dma_wait3A_822 : memref<1x17x2x128xf32, #tpu.memory_space<vmem>> -> memref<17x2x128xf32, #tpu.memory_space<vmem>>
    %dma_wait3A_824 = arith.constant 0 : i32
    %dma_wait3A_825 = arith.constant 0 : i32
    %dma_wait3A_826 = arith.constant 0 : i32
    %dma_wait3A_827 = tpu.memref_slice %arg2[%dma_wait3A_824, %dma_wait3A_825, %dma_wait3A_826] : memref<17x2x1000000xf32, #tpu.memory_space<hbm>> -> memref<17x2x128xf32, #tpu.memory_space<hbm>>
    %dma_wait3A_828 = arith.constant 0 : i32
    %dma_wait3A_829 = arith.constant 0 : i32
    %dma_wait3A_830 = arith.constant 0 : i32
    %dma_wait3A_831 = tpu.memref_slice %arg6[%dma_wait3A_818, %dma_wait3A_828, %dma_wait3A_829, %dma_wait3A_830] : memref<16x17x2x128xf32, #tpu.memory_space<vmem>> -> memref<1x17x2x128xf32, #tpu.memory_space<vmem>>
    %dma_wait3A_832 = tpu.memref_squeeze %dma_wait3A_831 : memref<1x17x2x128xf32, #tpu.memory_space<vmem>> -> memref<17x2x128xf32, #tpu.memory_space<vmem>>
    %dma_wait3A_833 = arith.constant 0 : i32
    %dma_wait3A_834 = arith.constant 0 : i32
    %dma_wait3A_835 = arith.constant 0 : i32
    %dma_wait3A_836 = tpu.memref_slice %arg2[%dma_wait3A_833, %dma_wait3A_834, %dma_wait3A_835] : memref<17x2x1000000xf32, #tpu.memory_space<hbm>> -> memref<17x2x128xf32, #tpu.memory_space<hbm>>
    tpu.wait_dma2 semaphore(%arg9 : memref<!tpu.dma_semaphore, #tpu.memory_space<semaphore_mem>>) src(%dma_wait3A_836 : memref<17x2x128xf32, #tpu.memory_space<hbm>>) dst(%dma_wait3A_832 : memref<17x2x128xf32, #tpu.memory_space<vmem>>)
    %dma_wait3A_837 = arith.constant 13 : i32
    %dma_wait3A_838 = arith.constant 0 : i32
    %dma_wait3A_839 = arith.constant 0 : i32
    %dma_wait3A_840 = arith.constant 0 : i32
    %dma_wait3A_841 = tpu.memref_slice %arg6[%dma_wait3A_837, %dma_wait3A_838, %dma_wait3A_839, %dma_wait3A_840] : memref<16x17x2x128xf32, #tpu.memory_space<vmem>> -> memref<1x17x2x128xf32, #tpu.memory_space<vmem>>
    %dma_wait3A_842 = tpu.memref_squeeze %dma_wait3A_841 : memref<1x17x2x128xf32, #tpu.memory_space<vmem>> -> memref<17x2x128xf32, #tpu.memory_space<vmem>>
    %dma_wait3A_843 = arith.constant 0 : i32
    %dma_wait3A_844 = arith.constant 0 : i32
    %dma_wait3A_845 = arith.constant 0 : i32
    %dma_wait3A_846 = tpu.memref_slice %arg2[%dma_wait3A_843, %dma_wait3A_844, %dma_wait3A_845] : memref<17x2x1000000xf32, #tpu.memory_space<hbm>> -> memref<17x2x128xf32, #tpu.memory_space<hbm>>
    %dma_wait3A_847 = arith.constant 0 : i32
    %dma_wait3A_848 = arith.constant 0 : i32
    %dma_wait3A_849 = arith.constant 0 : i32
    %dma_wait3A_850 = tpu.memref_slice %arg6[%dma_wait3A_837, %dma_wait3A_847, %dma_wait3A_848, %dma_wait3A_849] : memref<16x17x2x128xf32, #tpu.memory_space<vmem>> -> memref<1x17x2x128xf32, #tpu.memory_space<vmem>>
    %dma_wait3A_851 = tpu.memref_squeeze %dma_wait3A_850 : memref<1x17x2x128xf32, #tpu.memory_space<vmem>> -> memref<17x2x128xf32, #tpu.memory_space<vmem>>
    %dma_wait3A_852 = arith.constant 0 : i32
    %dma_wait3A_853 = arith.constant 0 : i32
    %dma_wait3A_854 = arith.constant 0 : i32
    %dma_wait3A_855 = tpu.memref_slice %arg2[%dma_wait3A_852, %dma_wait3A_853, %dma_wait3A_854] : memref<17x2x1000000xf32, #tpu.memory_space<hbm>> -> memref<17x2x128xf32, #tpu.memory_space<hbm>>
    tpu.wait_dma2 semaphore(%arg9 : memref<!tpu.dma_semaphore, #tpu.memory_space<semaphore_mem>>) src(%dma_wait3A_855 : memref<17x2x128xf32, #tpu.memory_space<hbm>>) dst(%dma_wait3A_851 : memref<17x2x128xf32, #tpu.memory_space<vmem>>)
    %dma_wait3A_856 = arith.constant 14 : i32
    %dma_wait3A_857 = arith.constant 0 : i32
    %dma_wait3A_858 = arith.constant 0 : i32
    %dma_wait3A_859 = arith.constant 0 : i32
    %dma_wait3A_860 = tpu.memref_slice %arg6[%dma_wait3A_856, %dma_wait3A_857, %dma_wait3A_858, %dma_wait3A_859] : memref<16x17x2x128xf32, #tpu.memory_space<vmem>> -> memref<1x17x2x128xf32, #tpu.memory_space<vmem>>
    %dma_wait3A_861 = tpu.memref_squeeze %dma_wait3A_860 : memref<1x17x2x128xf32, #tpu.memory_space<vmem>> -> memref<17x2x128xf32, #tpu.memory_space<vmem>>
    %dma_wait3A_862 = arith.constant 0 : i32
    %dma_wait3A_863 = arith.constant 0 : i32
    %dma_wait3A_864 = arith.constant 0 : i32
    %dma_wait3A_865 = tpu.memref_slice %arg2[%dma_wait3A_862, %dma_wait3A_863, %dma_wait3A_864] : memref<17x2x1000000xf32, #tpu.memory_space<hbm>> -> memref<17x2x128xf32, #tpu.memory_space<hbm>>
    %dma_wait3A_866 = arith.constant 0 : i32
    %dma_wait3A_867 = arith.constant 0 : i32
    %dma_wait3A_868 = arith.constant 0 : i32
    %dma_wait3A_869 = tpu.memref_slice %arg6[%dma_wait3A_856, %dma_wait3A_866, %dma_wait3A_867, %dma_wait3A_868] : memref<16x17x2x128xf32, #tpu.memory_space<vmem>> -> memref<1x17x2x128xf32, #tpu.memory_space<vmem>>
    %dma_wait3A_870 = tpu.memref_squeeze %dma_wait3A_869 : memref<1x17x2x128xf32, #tpu.memory_space<vmem>> -> memref<17x2x128xf32, #tpu.memory_space<vmem>>
    %dma_wait3A_871 = arith.constant 0 : i32
    %dma_wait3A_872 = arith.constant 0 : i32
    %dma_wait3A_873 = arith.constant 0 : i32
    %dma_wait3A_874 = tpu.memref_slice %arg2[%dma_wait3A_871, %dma_wait3A_872, %dma_wait3A_873] : memref<17x2x1000000xf32, #tpu.memory_space<hbm>> -> memref<17x2x128xf32, #tpu.memory_space<hbm>>
    tpu.wait_dma2 semaphore(%arg9 : memref<!tpu.dma_semaphore, #tpu.memory_space<semaphore_mem>>) src(%dma_wait3A_874 : memref<17x2x128xf32, #tpu.memory_space<hbm>>) dst(%dma_wait3A_870 : memref<17x2x128xf32, #tpu.memory_space<vmem>>)
    %dma_wait3A_875 = arith.constant 15 : i32
    %dma_wait3A_876 = arith.constant 0 : i32
    %dma_wait3A_877 = arith.constant 0 : i32
    %dma_wait3A_878 = arith.constant 0 : i32
    %dma_wait3A_879 = tpu.memref_slice %arg6[%dma_wait3A_875, %dma_wait3A_876, %dma_wait3A_877, %dma_wait3A_878] : memref<16x17x2x128xf32, #tpu.memory_space<vmem>> -> memref<1x17x2x128xf32, #tpu.memory_space<vmem>>
    %dma_wait3A_880 = tpu.memref_squeeze %dma_wait3A_879 : memref<1x17x2x128xf32, #tpu.memory_space<vmem>> -> memref<17x2x128xf32, #tpu.memory_space<vmem>>
    %dma_wait3A_881 = arith.constant 0 : i32
    %dma_wait3A_882 = arith.constant 0 : i32
    %dma_wait3A_883 = arith.constant 0 : i32
    %dma_wait3A_884 = tpu.memref_slice %arg2[%dma_wait3A_881, %dma_wait3A_882, %dma_wait3A_883] : memref<17x2x1000000xf32, #tpu.memory_space<hbm>> -> memref<17x2x128xf32, #tpu.memory_space<hbm>>
    %dma_wait3A_885 = arith.constant 0 : i32
    %dma_wait3A_886 = arith.constant 0 : i32
    %dma_wait3A_887 = arith.constant 0 : i32
    %dma_wait3A_888 = tpu.memref_slice %arg6[%dma_wait3A_875, %dma_wait3A_885, %dma_wait3A_886, %dma_wait3A_887] : memref<16x17x2x128xf32, #tpu.memory_space<vmem>> -> memref<1x17x2x128xf32, #tpu.memory_space<vmem>>
    %dma_wait3A_889 = tpu.memref_squeeze %dma_wait3A_888 : memref<1x17x2x128xf32, #tpu.memory_space<vmem>> -> memref<17x2x128xf32, #tpu.memory_space<vmem>>
    %dma_wait3A_890 = arith.constant 0 : i32
    %dma_wait3A_891 = arith.constant 0 : i32
    %dma_wait3A_892 = arith.constant 0 : i32
    %dma_wait3A_893 = tpu.memref_slice %arg2[%dma_wait3A_890, %dma_wait3A_891, %dma_wait3A_892] : memref<17x2x1000000xf32, #tpu.memory_space<hbm>> -> memref<17x2x128xf32, #tpu.memory_space<hbm>>
    tpu.wait_dma2 semaphore(%arg9 : memref<!tpu.dma_semaphore, #tpu.memory_space<semaphore_mem>>) src(%dma_wait3A_893 : memref<17x2x128xf32, #tpu.memory_space<hbm>>) dst(%dma_wait3A_889 : memref<17x2x128xf32, #tpu.memory_space<vmem>>)
    %broadcast_in_dim3A_894 = arith.constant 8 : i32
    %broadcast_in_dim3A_895 = vector.broadcast %broadcast_in_dim3A_894 : i32 to vector<16xi32>
    %slice3A_896 = vector.extract_strided_slice %get3A_741 {offsets = [0], sizes = [1], strides = [1]} : vector<16xi32> to vector<1xi32>
    %squeeze3A_897 = vector.extract %slice3A_896[0] : i32 from vector<1xi32>
    %and3A_898 = arith.constant 127 : i32
    %and3A_899 = arith.andi %squeeze3A_897, %and3A_898 : i32
    %broadcast_in_dim3A_900 = vector.broadcast %and3A_899 : i32 to vector<16xi32>
    %broadcast_in_dim3A_901 = arith.constant 504 : i32
    %broadcast_in_dim3A_902 = vector.broadcast %broadcast_in_dim3A_901 : i32 to vector<16xi32>
    %broadcast_in_dim3A_903 = arith.constant 0 : i32
    %broadcast_in_dim3A_904 = vector.broadcast %broadcast_in_dim3A_903 : i32 to vector<16xi32>
    %gather3A_905 = tpu.vector_load_idx %arg6[%broadcast_in_dim3A_895, %iota3A, %broadcast_in_dim3A_904, %broadcast_in_dim3A_900] : memref<16x17x2x128xf32, #tpu.memory_space<vmem>>[vector<16xi32>, vector<16xi32>, vector<16xi32>, vector<16xi32>], vector<16xf32>,
    %gather3A_906 = tpu.vector_load_idx %arg6[%broadcast_in_dim3A_895, %broadcast_in_dim3A_3, %broadcast_in_dim3A_904, %broadcast_in_dim3A_900] : memref<16x17x2x128xf32, #tpu.memory_space<vmem>>[vector<16xi32>, vector<16xi32>, vector<16xi32>, vector<16xi32>], vector<16xf32>,
    %add3A_907 = arith.constant 0 : i32
    %add3A_908 = vector.broadcast %add3A_907 : i32 to vector<16xi32>
    %add3A_909 = arith.addi %iota3A, %add3A_908 : vector<16xi32>
    %div3A_910 = arith.divf %gather3A_905, %gather3A_906 : vector<16xf32>
    tpu.vector_store_idx %arg7[%add3A_909, %broadcast_in_dim3A_902], %div3A_910 : memref<32x512xf32, #tpu.memory_space<vmem>>[vector<16xi32>, vector<16xi32>], vector<16xf32>,
    %broadcast_in_dim3A_911 = arith.constant 1 : i32
    %broadcast_in_dim3A_912 = vector.broadcast %broadcast_in_dim3A_911 : i32 to vector<16xi32>
    %gather3A_913 = tpu.vector_load_idx %arg6[%broadcast_in_dim3A_895, %iota3A, %broadcast_in_dim3A_912, %broadcast_in_dim3A_900] : memref<16x17x2x128xf32, #tpu.memory_space<vmem>>[vector<16xi32>, vector<16xi32>, vector<16xi32>, vector<16xi32>], vector<16xf32>,
    %gather3A_914 = tpu.vector_load_idx %arg6[%broadcast_in_dim3A_895, %broadcast_in_dim3A_3, %broadcast_in_dim3A_912, %broadcast_in_dim3A_900] : memref<16x17x2x128xf32, #tpu.memory_space<vmem>>[vector<16xi32>, vector<16xi32>, vector<16xi32>, vector<16xi32>], vector<16xf32>,
    %add3A_915 = arith.constant 16 : i32
    %add3A_916 = vector.broadcast %add3A_915 : i32 to vector<16xi32>
    %add3A_917 = arith.addi %iota3A, %add3A_916 : vector<16xi32>
    %div3A_918 = arith.divf %gather3A_913, %gather3A_914 : vector<16xf32>
    tpu.vector_store_idx %arg7[%add3A_917, %broadcast_in_dim3A_902], %div3A_918 : memref<32x512xf32, #tpu.memory_space<vmem>>[vector<16xi32>, vector<16xi32>], vector<16xf32>,
    %broadcast_in_dim3A_919 = arith.constant 9 : i32
    %broadcast_in_dim3A_920 = vector.broadcast %broadcast_in_dim3A_919 : i32 to vector<16xi32>
    %slice3A_921 = vector.extract_strided_slice %get3A_741 {offsets = [1], sizes = [1], strides = [1]} : vector<16xi32> to vector<1xi32>
    %squeeze3A_922 = vector.extract %slice3A_921[0] : i32 from vector<1xi32>
    %and3A_923 = arith.constant 127 : i32
    %and3A_924 = arith.andi %squeeze3A_922, %and3A_923 : i32
    %broadcast_in_dim3A_925 = vector.broadcast %and3A_924 : i32 to vector<16xi32>
    %broadcast_in_dim3A_926 = arith.constant 505 : i32
    %broadcast_in_dim3A_927 = vector.broadcast %broadcast_in_dim3A_926 : i32 to vector<16xi32>
    %broadcast_in_dim3A_928 = arith.constant 0 : i32
    %broadcast_in_dim3A_929 = vector.broadcast %broadcast_in_dim3A_928 : i32 to vector<16xi32>
    %gather3A_930 = tpu.vector_load_idx %arg6[%broadcast_in_dim3A_920, %iota3A, %broadcast_in_dim3A_929, %broadcast_in_dim3A_925] : memref<16x17x2x128xf32, #tpu.memory_space<vmem>>[vector<16xi32>, vector<16xi32>, vector<16xi32>, vector<16xi32>], vector<16xf32>,
    %gather3A_931 = tpu.vector_load_idx %arg6[%broadcast_in_dim3A_920, %broadcast_in_dim3A_3, %broadcast_in_dim3A_929, %broadcast_in_dim3A_925] : memref<16x17x2x128xf32, #tpu.memory_space<vmem>>[vector<16xi32>, vector<16xi32>, vector<16xi32>, vector<16xi32>], vector<16xf32>,
    %add3A_932 = arith.constant 0 : i32
    %add3A_933 = vector.broadcast %add3A_932 : i32 to vector<16xi32>
    %add3A_934 = arith.addi %iota3A, %add3A_933 : vector<16xi32>
    %div3A_935 = arith.divf %gather3A_930, %gather3A_931 : vector<16xf32>
    tpu.vector_store_idx %arg7[%add3A_934, %broadcast_in_dim3A_927], %div3A_935 : memref<32x512xf32, #tpu.memory_space<vmem>>[vector<16xi32>, vector<16xi32>], vector<16xf32>,
    %broadcast_in_dim3A_936 = arith.constant 1 : i32
    %broadcast_in_dim3A_937 = vector.broadcast %broadcast_in_dim3A_936 : i32 to vector<16xi32>
    %gather3A_938 = tpu.vector_load_idx %arg6[%broadcast_in_dim3A_920, %iota3A, %broadcast_in_dim3A_937, %broadcast_in_dim3A_925] : memref<16x17x2x128xf32, #tpu.memory_space<vmem>>[vector<16xi32>, vector<16xi32>, vector<16xi32>, vector<16xi32>], vector<16xf32>,
    %gather3A_939 = tpu.vector_load_idx %arg6[%broadcast_in_dim3A_920, %broadcast_in_dim3A_3, %broadcast_in_dim3A_937, %broadcast_in_dim3A_925] : memref<16x17x2x128xf32, #tpu.memory_space<vmem>>[vector<16xi32>, vector<16xi32>, vector<16xi32>, vector<16xi32>], vector<16xf32>,
    %add3A_940 = arith.constant 16 : i32
    %add3A_941 = vector.broadcast %add3A_940 : i32 to vector<16xi32>
    %add3A_942 = arith.addi %iota3A, %add3A_941 : vector<16xi32>
    %div3A_943 = arith.divf %gather3A_938, %gather3A_939 : vector<16xf32>
    tpu.vector_store_idx %arg7[%add3A_942, %broadcast_in_dim3A_927], %div3A_943 : memref<32x512xf32, #tpu.memory_space<vmem>>[vector<16xi32>, vector<16xi32>], vector<16xf32>,
    %broadcast_in_dim3A_944 = arith.constant 10 : i32
    %broadcast_in_dim3A_945 = vector.broadcast %broadcast_in_dim3A_944 : i32 to vector<16xi32>
    %slice3A_946 = vector.extract_strided_slice %get3A_741 {offsets = [2], sizes = [1], strides = [1]} : vector<16xi32> to vector<1xi32>
    %squeeze3A_947 = vector.extract %slice3A_946[0] : i32 from vector<1xi32>
    %and3A_948 = arith.constant 127 : i32
    %and3A_949 = arith.andi %squeeze3A_947, %and3A_948 : i32
    %broadcast_in_dim3A_950 = vector.broadcast %and3A_949 : i32 to vector<16xi32>
    %broadcast_in_dim3A_951 = arith.constant 506 : i32
    %broadcast_in_dim3A_952 = vector.broadcast %broadcast_in_dim3A_951 : i32 to vector<16xi32>
    %broadcast_in_dim3A_953 = arith.constant 0 : i32
    %broadcast_in_dim3A_954 = vector.broadcast %broadcast_in_dim3A_953 : i32 to vector<16xi32>
    %gather3A_955 = tpu.vector_load_idx %arg6[%broadcast_in_dim3A_945, %iota3A, %broadcast_in_dim3A_954, %broadcast_in_dim3A_950] : memref<16x17x2x128xf32, #tpu.memory_space<vmem>>[vector<16xi32>, vector<16xi32>, vector<16xi32>, vector<16xi32>], vector<16xf32>,
    %gather3A_956 = tpu.vector_load_idx %arg6[%broadcast_in_dim3A_945, %broadcast_in_dim3A_3, %broadcast_in_dim3A_954, %broadcast_in_dim3A_950] : memref<16x17x2x128xf32, #tpu.memory_space<vmem>>[vector<16xi32>, vector<16xi32>, vector<16xi32>, vector<16xi32>], vector<16xf32>,
    %add3A_957 = arith.constant 0 : i32
    %add3A_958 = vector.broadcast %add3A_957 : i32 to vector<16xi32>
    %add3A_959 = arith.addi %iota3A, %add3A_958 : vector<16xi32>
    %div3A_960 = arith.divf %gather3A_955, %gather3A_956 : vector<16xf32>
    tpu.vector_store_idx %arg7[%add3A_959, %broadcast_in_dim3A_952], %div3A_960 : memref<32x512xf32, #tpu.memory_space<vmem>>[vector<16xi32>, vector<16xi32>], vector<16xf32>,
    %broadcast_in_dim3A_961 = arith.constant 1 : i32
    %broadcast_in_dim3A_962 = vector.broadcast %broadcast_in_dim3A_961 : i32 to vector<16xi32>
    %gather3A_963 = tpu.vector_load_idx %arg6[%broadcast_in_dim3A_945, %iota3A, %broadcast_in_dim3A_962, %broadcast_in_dim3A_950] : memref<16x17x2x128xf32, #tpu.memory_space<vmem>>[vector<16xi32>, vector<16xi32>, vector<16xi32>, vector<16xi32>], vector<16xf32>,
    %gather3A_964 = tpu.vector_load_idx %arg6[%broadcast_in_dim3A_945, %broadcast_in_dim3A_3, %broadcast_in_dim3A_962, %broadcast_in_dim3A_950] : memref<16x17x2x128xf32, #tpu.memory_space<vmem>>[vector<16xi32>, vector<16xi32>, vector<16xi32>, vector<16xi32>], vector<16xf32>,
    %add3A_965 = arith.constant 16 : i32
    %add3A_966 = vector.broadcast %add3A_965 : i32 to vector<16xi32>
    %add3A_967 = arith.addi %iota3A, %add3A_966 : vector<16xi32>
    %div3A_968 = arith.divf %gather3A_963, %gather3A_964 : vector<16xf32>
    tpu.vector_store_idx %arg7[%add3A_967, %broadcast_in_dim3A_952], %div3A_968 : memref<32x512xf32, #tpu.memory_space<vmem>>[vector<16xi32>, vector<16xi32>], vector<16xf32>,
    %broadcast_in_dim3A_969 = arith.constant 11 : i32
    %broadcast_in_dim3A_970 = vector.broadcast %broadcast_in_dim3A_969 : i32 to vector<16xi32>
    %slice3A_971 = vector.extract_strided_slice %get3A_741 {offsets = [3], sizes = [1], strides = [1]} : vector<16xi32> to vector<1xi32>
    %squeeze3A_972 = vector.extract %slice3A_971[0] : i32 from vector<1xi32>
    %and3A_973 = arith.constant 127 : i32
    %and3A_974 = arith.andi %squeeze3A_972, %and3A_973 : i32
    %broadcast_in_dim3A_975 = vector.broadcast %and3A_974 : i32 to vector<16xi32>
    %broadcast_in_dim3A_976 = arith.constant 507 : i32
    %broadcast_in_dim3A_977 = vector.broadcast %broadcast_in_dim3A_976 : i32 to vector<16xi32>
    %broadcast_in_dim3A_978 = arith.constant 0 : i32
    %broadcast_in_dim3A_979 = vector.broadcast %broadcast_in_dim3A_978 : i32 to vector<16xi32>
    %gather3A_980 = tpu.vector_load_idx %arg6[%broadcast_in_dim3A_970, %iota3A, %broadcast_in_dim3A_979, %broadcast_in_dim3A_975] : memref<16x17x2x128xf32, #tpu.memory_space<vmem>>[vector<16xi32>, vector<16xi32>, vector<16xi32>, vector<16xi32>], vector<16xf32>,
    %gather3A_981 = tpu.vector_load_idx %arg6[%broadcast_in_dim3A_970, %broadcast_in_dim3A_3, %broadcast_in_dim3A_979, %broadcast_in_dim3A_975] : memref<16x17x2x128xf32, #tpu.memory_space<vmem>>[vector<16xi32>, vector<16xi32>, vector<16xi32>, vector<16xi32>], vector<16xf32>,
    %add3A_982 = arith.constant 0 : i32
    %add3A_983 = vector.broadcast %add3A_982 : i32 to vector<16xi32>
    %add3A_984 = arith.addi %iota3A, %add3A_983 : vector<16xi32>
    %div3A_985 = arith.divf %gather3A_980, %gather3A_981 : vector<16xf32>
    tpu.vector_store_idx %arg7[%add3A_984, %broadcast_in_dim3A_977], %div3A_985 : memref<32x512xf32, #tpu.memory_space<vmem>>[vector<16xi32>, vector<16xi32>], vector<16xf32>,
    %broadcast_in_dim3A_986 = arith.constant 1 : i32
    %broadcast_in_dim3A_987 = vector.broadcast %broadcast_in_dim3A_986 : i32 to vector<16xi32>
    %gather3A_988 = tpu.vector_load_idx %arg6[%broadcast_in_dim3A_970, %iota3A, %broadcast_in_dim3A_987, %broadcast_in_dim3A_975] : memref<16x17x2x128xf32, #tpu.memory_space<vmem>>[vector<16xi32>, vector<16xi32>, vector<16xi32>, vector<16xi32>], vector<16xf32>,
    %gather3A_989 = tpu.vector_load_idx %arg6[%broadcast_in_dim3A_970, %broadcast_in_dim3A_3, %broadcast_in_dim3A_987, %broadcast_in_dim3A_975] : memref<16x17x2x128xf32, #tpu.memory_space<vmem>>[vector<16xi32>, vector<16xi32>, vector<16xi32>, vector<16xi32>], vector<16xf32>,
    %add3A_990 = arith.constant 16 : i32
    %add3A_991 = vector.broadcast %add3A_990 : i32 to vector<16xi32>
    %add3A_992 = arith.addi %iota3A, %add3A_991 : vector<16xi32>
    %div3A_993 = arith.divf %gather3A_988, %gather3A_989 : vector<16xf32>
    tpu.vector_store_idx %arg7[%add3A_992, %broadcast_in_dim3A_977], %div3A_993 : memref<32x512xf32, #tpu.memory_space<vmem>>[vector<16xi32>, vector<16xi32>], vector<16xf32>,
    %broadcast_in_dim3A_994 = arith.constant 12 : i32
    %broadcast_in_dim3A_995 = vector.broadcast %broadcast_in_dim3A_994 : i32 to vector<16xi32>
    %slice3A_996 = vector.extract_strided_slice %get3A_741 {offsets = [4], sizes = [1], strides = [1]} : vector<16xi32> to vector<1xi32>
    %squeeze3A_997 = vector.extract %slice3A_996[0] : i32 from vector<1xi32>
    %and3A_998 = arith.constant 127 : i32
    %and3A_999 = arith.andi %squeeze3A_997, %and3A_998 : i32
    %broadcast_in_dim3A_1000 = vector.broadcast %and3A_999 : i32 to vector<16xi32>
    %broadcast_in_dim3A_1001 = arith.constant 508 : i32
    %broadcast_in_dim3A_1002 = vector.broadcast %broadcast_in_dim3A_1001 : i32 to vector<16xi32>
    %broadcast_in_dim3A_1003 = arith.constant 0 : i32
    %broadcast_in_dim3A_1004 = vector.broadcast %broadcast_in_dim3A_1003 : i32 to vector<16xi32>
    %gather3A_1005 = tpu.vector_load_idx %arg6[%broadcast_in_dim3A_995, %iota3A, %broadcast_in_dim3A_1004, %broadcast_in_dim3A_1000] : memref<16x17x2x128xf32, #tpu.memory_space<vmem>>[vector<16xi32>, vector<16xi32>, vector<16xi32>, vector<16xi32>], vector<16xf32>,
    %gather3A_1006 = tpu.vector_load_idx %arg6[%broadcast_in_dim3A_995, %broadcast_in_dim3A_3, %broadcast_in_dim3A_1004, %broadcast_in_dim3A_1000] : memref<16x17x2x128xf32, #tpu.memory_space<vmem>>[vector<16xi32>, vector<16xi32>, vector<16xi32>, vector<16xi32>], vector<16xf32>,
    %add3A_1007 = arith.constant 0 : i32
    %add3A_1008 = vector.broadcast %add3A_1007 : i32 to vector<16xi32>
    %add3A_1009 = arith.addi %iota3A, %add3A_1008 : vector<16xi32>
    %div3A_1010 = arith.divf %gather3A_1005, %gather3A_1006 : vector<16xf32>
    tpu.vector_store_idx %arg7[%add3A_1009, %broadcast_in_dim3A_1002], %div3A_1010 : memref<32x512xf32, #tpu.memory_space<vmem>>[vector<16xi32>, vector<16xi32>], vector<16xf32>,
    %broadcast_in_dim3A_1011 = arith.constant 1 : i32
    %broadcast_in_dim3A_1012 = vector.broadcast %broadcast_in_dim3A_1011 : i32 to vector<16xi32>
    %gather3A_1013 = tpu.vector_load_idx %arg6[%broadcast_in_dim3A_995, %iota3A, %broadcast_in_dim3A_1012, %broadcast_in_dim3A_1000] : memref<16x17x2x128xf32, #tpu.memory_space<vmem>>[vector<16xi32>, vector<16xi32>, vector<16xi32>, vector<16xi32>], vector<16xf32>,
    %gather3A_1014 = tpu.vector_load_idx %arg6[%broadcast_in_dim3A_995, %broadcast_in_dim3A_3, %broadcast_in_dim3A_1012, %broadcast_in_dim3A_1000] : memref<16x17x2x128xf32, #tpu.memory_space<vmem>>[vector<16xi32>, vector<16xi32>, vector<16xi32>, vector<16xi32>], vector<16xf32>,
    %add3A_1015 = arith.constant 16 : i32
    %add3A_1016 = vector.broadcast %add3A_1015 : i32 to vector<16xi32>
    %add3A_1017 = arith.addi %iota3A, %add3A_1016 : vector<16xi32>
    %div3A_1018 = arith.divf %gather3A_1013, %gather3A_1014 : vector<16xf32>
    tpu.vector_store_idx %arg7[%add3A_1017, %broadcast_in_dim3A_1002], %div3A_1018 : memref<32x512xf32, #tpu.memory_space<vmem>>[vector<16xi32>, vector<16xi32>], vector<16xf32>,
    %broadcast_in_dim3A_1019 = arith.constant 13 : i32
    %broadcast_in_dim3A_1020 = vector.broadcast %broadcast_in_dim3A_1019 : i32 to vector<16xi32>
    %slice3A_1021 = vector.extract_strided_slice %get3A_741 {offsets = [5], sizes = [1], strides = [1]} : vector<16xi32> to vector<1xi32>
    %squeeze3A_1022 = vector.extract %slice3A_1021[0] : i32 from vector<1xi32>
    %and3A_1023 = arith.constant 127 : i32
    %and3A_1024 = arith.andi %squeeze3A_1022, %and3A_1023 : i32
    %broadcast_in_dim3A_1025 = vector.broadcast %and3A_1024 : i32 to vector<16xi32>
    %broadcast_in_dim3A_1026 = arith.constant 509 : i32
    %broadcast_in_dim3A_1027 = vector.broadcast %broadcast_in_dim3A_1026 : i32 to vector<16xi32>
    %broadcast_in_dim3A_1028 = arith.constant 0 : i32
    %broadcast_in_dim3A_1029 = vector.broadcast %broadcast_in_dim3A_1028 : i32 to vector<16xi32>
    %gather3A_1030 = tpu.vector_load_idx %arg6[%broadcast_in_dim3A_1020, %iota3A, %broadcast_in_dim3A_1029, %broadcast_in_dim3A_1025] : memref<16x17x2x128xf32, #tpu.memory_space<vmem>>[vector<16xi32>, vector<16xi32>, vector<16xi32>, vector<16xi32>], vector<16xf32>,
    %gather3A_1031 = tpu.vector_load_idx %arg6[%broadcast_in_dim3A_1020, %broadcast_in_dim3A_3, %broadcast_in_dim3A_1029, %broadcast_in_dim3A_1025] : memref<16x17x2x128xf32, #tpu.memory_space<vmem>>[vector<16xi32>, vector<16xi32>, vector<16xi32>, vector<16xi32>], vector<16xf32>,
    %add3A_1032 = arith.constant 0 : i32
    %add3A_1033 = vector.broadcast %add3A_1032 : i32 to vector<16xi32>
    %add3A_1034 = arith.addi %iota3A, %add3A_1033 : vector<16xi32>
    %div3A_1035 = arith.divf %gather3A_1030, %gather3A_1031 : vector<16xf32>
    tpu.vector_store_idx %arg7[%add3A_1034, %broadcast_in_dim3A_1027], %div3A_1035 : memref<32x512xf32, #tpu.memory_space<vmem>>[vector<16xi32>, vector<16xi32>], vector<16xf32>,
    %broadcast_in_dim3A_1036 = arith.constant 1 : i32
    %broadcast_in_dim3A_1037 = vector.broadcast %broadcast_in_dim3A_1036 : i32 to vector<16xi32>
    %gather3A_1038 = tpu.vector_load_idx %arg6[%broadcast_in_dim3A_1020, %iota3A, %broadcast_in_dim3A_1037, %broadcast_in_dim3A_1025] : memref<16x17x2x128xf32, #tpu.memory_space<vmem>>[vector<16xi32>, vector<16xi32>, vector<16xi32>, vector<16xi32>], vector<16xf32>,
    %gather3A_1039 = tpu.vector_load_idx %arg6[%broadcast_in_dim3A_1020, %broadcast_in_dim3A_3, %broadcast_in_dim3A_1037, %broadcast_in_dim3A_1025] : memref<16x17x2x128xf32, #tpu.memory_space<vmem>>[vector<16xi32>, vector<16xi32>, vector<16xi32>, vector<16xi32>], vector<16xf32>,
    %add3A_1040 = arith.constant 16 : i32
    %add3A_1041 = vector.broadcast %add3A_1040 : i32 to vector<16xi32>
    %add3A_1042 = arith.addi %iota3A, %add3A_1041 : vector<16xi32>
    %div3A_1043 = arith.divf %gather3A_1038, %gather3A_1039 : vector<16xf32>
    tpu.vector_store_idx %arg7[%add3A_1042, %broadcast_in_dim3A_1027], %div3A_1043 : memref<32x512xf32, #tpu.memory_space<vmem>>[vector<16xi32>, vector<16xi32>], vector<16xf32>,
    %broadcast_in_dim3A_1044 = arith.constant 14 : i32
    %broadcast_in_dim3A_1045 = vector.broadcast %broadcast_in_dim3A_1044 : i32 to vector<16xi32>
    %slice3A_1046 = vector.extract_strided_slice %get3A_741 {offsets = [6], sizes = [1], strides = [1]} : vector<16xi32> to vector<1xi32>
    %squeeze3A_1047 = vector.extract %slice3A_1046[0] : i32 from vector<1xi32>
    %and3A_1048 = arith.constant 127 : i32
    %and3A_1049 = arith.andi %squeeze3A_1047, %and3A_1048 : i32
    %broadcast_in_dim3A_1050 = vector.broadcast %and3A_1049 : i32 to vector<16xi32>
    %broadcast_in_dim3A_1051 = arith.constant 510 : i32
    %broadcast_in_dim3A_1052 = vector.broadcast %broadcast_in_dim3A_1051 : i32 to vector<16xi32>
    %broadcast_in_dim3A_1053 = arith.constant 0 : i32
    %broadcast_in_dim3A_1054 = vector.broadcast %broadcast_in_dim3A_1053 : i32 to vector<16xi32>
    %gather3A_1055 = tpu.vector_load_idx %arg6[%broadcast_in_dim3A_1045, %iota3A, %broadcast_in_dim3A_1054, %broadcast_in_dim3A_1050] : memref<16x17x2x128xf32, #tpu.memory_space<vmem>>[vector<16xi32>, vector<16xi32>, vector<16xi32>, vector<16xi32>], vector<16xf32>,
    %gather3A_1056 = tpu.vector_load_idx %arg6[%broadcast_in_dim3A_1045, %broadcast_in_dim3A_3, %broadcast_in_dim3A_1054, %broadcast_in_dim3A_1050] : memref<16x17x2x128xf32, #tpu.memory_space<vmem>>[vector<16xi32>, vector<16xi32>, vector<16xi32>, vector<16xi32>], vector<16xf32>,
    %add3A_1057 = arith.constant 0 : i32
    %add3A_1058 = vector.broadcast %add3A_1057 : i32 to vector<16xi32>
    %add3A_1059 = arith.addi %iota3A, %add3A_1058 : vector<16xi32>
    %div3A_1060 = arith.divf %gather3A_1055, %gather3A_1056 : vector<16xf32>
    tpu.vector_store_idx %arg7[%add3A_1059, %broadcast_in_dim3A_1052], %div3A_1060 : memref<32x512xf32, #tpu.memory_space<vmem>>[vector<16xi32>, vector<16xi32>], vector<16xf32>,
    %broadcast_in_dim3A_1061 = arith.constant 1 : i32
    %broadcast_in_dim3A_1062 = vector.broadcast %broadcast_in_dim3A_1061 : i32 to vector<16xi32>
    %gather3A_1063 = tpu.vector_load_idx %arg6[%broadcast_in_dim3A_1045, %iota3A, %broadcast_in_dim3A_1062, %broadcast_in_dim3A_1050] : memref<16x17x2x128xf32, #tpu.memory_space<vmem>>[vector<16xi32>, vector<16xi32>, vector<16xi32>, vector<16xi32>], vector<16xf32>,
    %gather3A_1064 = tpu.vector_load_idx %arg6[%broadcast_in_dim3A_1045, %broadcast_in_dim3A_3, %broadcast_in_dim3A_1062, %broadcast_in_dim3A_1050] : memref<16x17x2x128xf32, #tpu.memory_space<vmem>>[vector<16xi32>, vector<16xi32>, vector<16xi32>, vector<16xi32>], vector<16xf32>,
    %add3A_1065 = arith.constant 16 : i32
    %add3A_1066 = vector.broadcast %add3A_1065 : i32 to vector<16xi32>
    %add3A_1067 = arith.addi %iota3A, %add3A_1066 : vector<16xi32>
    %div3A_1068 = arith.divf %gather3A_1063, %gather3A_1064 : vector<16xf32>
    tpu.vector_store_idx %arg7[%add3A_1067, %broadcast_in_dim3A_1052], %div3A_1068 : memref<32x512xf32, #tpu.memory_space<vmem>>[vector<16xi32>, vector<16xi32>], vector<16xf32>,
    %broadcast_in_dim3A_1069 = arith.constant 15 : i32
    %broadcast_in_dim3A_1070 = vector.broadcast %broadcast_in_dim3A_1069 : i32 to vector<16xi32>
    %slice3A_1071 = vector.extract_strided_slice %get3A_741 {offsets = [7], sizes = [1], strides = [1]} : vector<16xi32> to vector<1xi32>
    %squeeze3A_1072 = vector.extract %slice3A_1071[0] : i32 from vector<1xi32>
    %and3A_1073 = arith.constant 127 : i32
    %and3A_1074 = arith.andi %squeeze3A_1072, %and3A_1073 : i32
    %broadcast_in_dim3A_1075 = vector.broadcast %and3A_1074 : i32 to vector<16xi32>
    %broadcast_in_dim3A_1076 = arith.constant 511 : i32
    %broadcast_in_dim3A_1077 = vector.broadcast %broadcast_in_dim3A_1076 : i32 to vector<16xi32>
    %broadcast_in_dim3A_1078 = arith.constant 0 : i32
    %broadcast_in_dim3A_1079 = vector.broadcast %broadcast_in_dim3A_1078 : i32 to vector<16xi32>
    %gather3A_1080 = tpu.vector_load_idx %arg6[%broadcast_in_dim3A_1070, %iota3A, %broadcast_in_dim3A_1079, %broadcast_in_dim3A_1075] : memref<16x17x2x128xf32, #tpu.memory_space<vmem>>[vector<16xi32>, vector<16xi32>, vector<16xi32>, vector<16xi32>], vector<16xf32>,
    %gather3A_1081 = tpu.vector_load_idx %arg6[%broadcast_in_dim3A_1070, %broadcast_in_dim3A_3, %broadcast_in_dim3A_1079, %broadcast_in_dim3A_1075] : memref<16x17x2x128xf32, #tpu.memory_space<vmem>>[vector<16xi32>, vector<16xi32>, vector<16xi32>, vector<16xi32>], vector<16xf32>,
    %add3A_1082 = arith.constant 0 : i32
    %add3A_1083 = vector.broadcast %add3A_1082 : i32 to vector<16xi32>
    %add3A_1084 = arith.addi %iota3A, %add3A_1083 : vector<16xi32>
    %div3A_1085 = arith.divf %gather3A_1080, %gather3A_1081 : vector<16xf32>
    tpu.vector_store_idx %arg7[%add3A_1084, %broadcast_in_dim3A_1077], %div3A_1085 : memref<32x512xf32, #tpu.memory_space<vmem>>[vector<16xi32>, vector<16xi32>], vector<16xf32>,
    %broadcast_in_dim3A_1086 = arith.constant 1 : i32
    %broadcast_in_dim3A_1087 = vector.broadcast %broadcast_in_dim3A_1086 : i32 to vector<16xi32>
    %gather3A_1088 = tpu.vector_load_idx %arg6[%broadcast_in_dim3A_1070, %iota3A, %broadcast_in_dim3A_1087, %broadcast_in_dim3A_1075] : memref<16x17x2x128xf32, #tpu.memory_space<vmem>>[vector<16xi32>, vector<16xi32>, vector<16xi32>, vector<16xi32>], vector<16xf32>,
    %gather3A_1089 = tpu.vector_load_idx %arg6[%broadcast_in_dim3A_1070, %broadcast_in_dim3A_3, %broadcast_in_dim3A_1087, %broadcast_in_dim3A_1075] : memref<16x17x2x128xf32, #tpu.memory_space<vmem>>[vector<16xi32>, vector<16xi32>, vector<16xi32>, vector<16xi32>], vector<16xf32>,
    %add3A_1090 = arith.constant 16 : i32
    %add3A_1091 = vector.broadcast %add3A_1090 : i32 to vector<16xi32>
    %add3A_1092 = arith.addi %iota3A, %add3A_1091 : vector<16xi32>
    %div3A_1093 = arith.divf %gather3A_1088, %gather3A_1089 : vector<16xf32>
    tpu.vector_store_idx %arg7[%add3A_1092, %broadcast_in_dim3A_1077], %div3A_1093 : memref<32x512xf32, #tpu.memory_space<vmem>>[vector<16xi32>, vector<16xi32>], vector<16xf32>,
    "tpu.region"() ({
      %run_scoped3A = tpu.sem_alloc : memref<!tpu.dma_semaphore, #tpu.memory_space<semaphore_mem>>
      %dma_start3A_1094 = arith.constant 0 : i32
      %dma_start3A_1095 = tpu.memref_slice %arg4[%dma_start3A_1094, %mul3A_2] : memref<32x16384xf32, #tpu.memory_space<hbm>> -> memref<32x512xf32, #tpu.memory_space<hbm>>
      %dma_start3A_1096 = arith.constant 0 : i32
      %dma_start3A_1097 = tpu.memref_slice %arg4[%dma_start3A_1096, %mul3A_2] : memref<32x16384xf32, #tpu.memory_space<hbm>> -> memref<32x512xf32, #tpu.memory_space<hbm>>
      tpu.enqueue_dma source(%arg7 : memref<32x512xf32, #tpu.memory_space<vmem>>) target(%dma_start3A_1097 : memref<32x512xf32, #tpu.memory_space<hbm>>) target_semaphore(%run_scoped3A : memref<!tpu.dma_semaphore, #tpu.memory_space<semaphore_mem>>)
      %dma_wait3A_1098 = arith.constant 0 : i32
      %dma_wait3A_1099 = tpu.memref_slice %arg4[%dma_wait3A_1098, %mul3A_2] : memref<32x16384xf32, #tpu.memory_space<hbm>> -> memref<32x512xf32, #tpu.memory_space<hbm>>
      %dma_wait3A_1100 = arith.constant 0 : i32
      %dma_wait3A_1101 = tpu.memref_slice %arg4[%dma_wait3A_1100, %mul3A_2] : memref<32x16384xf32, #tpu.memory_space<hbm>> -> memref<32x512xf32, #tpu.memory_space<hbm>>
      tpu.wait_dma2 semaphore(%run_scoped3A : memref<!tpu.dma_semaphore, #tpu.memory_space<semaphore_mem>>) src(%arg7 : memref<32x512xf32, #tpu.memory_space<vmem>>) dst(%dma_wait3A_1101 : memref<32x512xf32, #tpu.memory_space<hbm>>)
      tpu.yield
    }) : () -> ()
    return
  }
}

</mosaic_0001>

<sc_bundles>
// kernel: kernel.3.cloned.1.call-start
scs
__scs_entry_jumppad:
0x0: {  	(pc) =	sbr.rel $0x88, $3  }
0x1: {  	(tag) =	ssettag $0x0;
	lr =	simm.s32 $0x1  }
0x2: {  	[smem:$0x3F9F] =	sst lr;
	_ =	strace $0xD0000000  }
0x3: {  	_ = 	snop  }
0x4: {  	_ = 	snop  }
0x5: {  	_ = 	snop  }
0x6: {  	_ = 	snop  }
0x7: {  	_ = 	snop  }
__scs_overlays_trampoline_lowered:
0x8: {  	[smem:$0x3FAE] =	sst s0  }
0x9: {  	[smem:$0x3FAF] =	sst s1  }
0xa: {  	[smem:$0x3FB0] =	sst s2  }
0xb: {  	[smem:$0x3FB1] =	sst s3  }
0xc: {  	[smem:$0x3FB2] =	sst s4  }
0xd: {  	[smem:$0x3FB3] =	sst s5  }
0xe: {  	[smem:$0x3FB4] =	sst s6  }
0xf: {  	[smem:$0x3FB5] =	sst s7  }
0x10: {  	[smem:$0x3FB6] =	sst s8  }
0x11: {  	[smem:$0x3FB7] =	sst s9;
	s0 =	simm.s32 @!p0 $0x0  }
0x12: {  	s1 =	sld [smem:$0x3F9D];
	s0 =	simm.s32 @p0 $0x1  }
0x13: {  	[smem:$0x3FB8] =	sst s0;
	s0 =	simm.s32 @!p1 $0x0  }
0x14: {  	s2 =	sld [smem:$0x3F9C];
	s0 =	simm.s32 @p1 $0x1  }
0x15: {  	[smem:$0x3FB9] =	sst s0;
	s0 =	simm.s32 @!p2 $0x0  }
0x16: {  	s3 =	sld [smem:$0x3FDB];
	s0 =	simm.s32 @p2 $0x1  }
0x17: {  	s4 =	simm.s32 $0x1BF5;
	[smem:$0x3FBB] =	sst s0  }
0x18: {  	s0 =	sld [smem:$0x3F9E];
	_ =	swait.ge [sflag:s4], $0x0  }
0x19: {  	s7 =	sld [smem:$0x3F9F]  }
0x1a: {  	s8 =	sadd.s32 $0xFFFFE003, lr  }
0x1b: {  	s9 =	sadd.s32 $0xFFFFFEF7, lr;
	s5 =	simm.s32 $0xFFFFFFFF;
	p2 =	slt.u32 s8, $0xFFFFF086  }
0x1c: {  	p1 =	slt.u32 s9, $0xF7A;
	s5 =	simm.s32 @!p2 $0x0  }
0x1d: {  	s5 =	simm.s32 @p1 $0x1;
	p0 =	seq.s32 s7, s2  }
0x1e: {  	s7 =	smul.u32 @!p0 $0xF7A, s2;
	p2 =	seq.s32 @!p0 s5, $0x0  }
0x1f: {  	s9 =	smul.u32 $0xF7A, s1;
	s8 =	simm.s32 @!p0 $0x1BF5;
	p2 =	por !p2, p0  }
0x20: {  	[sflag:s8] =	ssyncset.s32 @!p0 $0xFFFFF086;
	s6 =	sadd.s32 @!p0 s3, s7;
	s7 =	simm.s32 @!p0 $0x108  }
0x21: {  	s3 =	sadd.s32 s3, s9;
	s6 =	sadd.s32 @!p0 $0x88, s6;
	s7 =	simm.s32 @p2 $0x1082  }
0x22: {  	[simem:s7], [sflag:s8] =	dma.local @!p0 [hbm:s6], $0xF7A  }
0x23: {  	s9 =	sor.u32 $0xD0000000, s2;
	s6 =	simm.s32 $0x108;
	_ =	swait.ge @!p0 [sflag:s8], $0x0  }
0x24: {  	s3 =	sadd.s32 $0x88, s3;
	s6 =	simm.s32 @!p1 $0x1082;
	[sflag:s4] =	ssyncset.s32 $0xFFFFF086  }
0x25: {  	[simem:s6], [sflag:s4] =	dma.local [hbm:s3], $0xF7A  }
0x26: {  	[smem:$0x3F9F] =	sst s1;
	(tag) =	ssettag s2;
	_ =	strace s9  }
0x27: {  	s1 =	sld [smem:$0x3FAF]  }
0x28: {  	s2 =	sld [smem:$0x3FB0]  }
0x29: {  	s4 =	sld [smem:$0x3FB2]  }
0x2a: {  	p0 =	seq.s32 s5, $0x0;
	s5 =	sld [smem:$0x3FB3]  }
0x2b: {  	s6 =	sld [smem:$0x3FB4]  }
0x2c: {  	s7 =	sld [smem:$0x3FB5]  }
0x2d: {  	s3 =	simm.s32 $0x108;
	s8 =	sld [smem:$0x3FB6]  }
0x2e: {  	s3 =	simm.s32 @!p0 $0x1082;
	s9 =	sld [smem:$0x3FB7]  }
0x2f: {  	lr =	sadd.s32 s0, s3;
	s0 =	sld [smem:$0x3FAE]  }
0x30: {  	s3 =	sld [smem:$0x3FB1]  }
0x31: {  	[smem:$0x3FBA] =	sst s10  }
0x32: {  	s10 =	sld [smem:$0x3FB8];
	_ =	sdelay $0x3  }
0x33: {  	p0 =	seq.s32 s10, $0x1;
	s10 =	sld [smem:$0x3FBA];
	_ =	sdelay $0x3  }
0x34: {  	[smem:$0x3FBA] =	sst s10  }
0x35: {  	s10 =	sld [smem:$0x3FB9];
	_ =	sdelay $0x3  }
0x36: {  	p1 =	seq.s32 s10, $0x1;
	s10 =	sld [smem:$0x3FBA];
	_ =	sdelay $0x3  }
0x37: {  	[smem:$0x3FBA] =	sst s10  }
0x38: {  	s10 =	sld [smem:$0x3FBB]  }
0x39: {  	_ = 	snop;
	(pc) =	sbr.ind lr, $3  }
0x3a: {  	_ = 	snop  }
0x3b: {  	_ = 	snop  }
0x3c: {  	p2 =	seq.s32 s10, $0x1;
	s10 =	sld [smem:$0x3FBA]  }
0x3d: {  	_ =	shalt  }
0x3e: {  	_ =	shalt  }
0x3f: {  	_ =	shalt  }
0x40: {  	_ =	shalt  }
0x41: {  	_ =	shalt  }
0x42: {  	_ =	shalt  }
0x43: {  	_ =	shalt  }
0x44: {  	_ =	shalt  }
0x45: {  	_ =	shalt  }
0x46: {  	_ =	shalt  }
0x47: {  	_ =	shalt  }
0x48: {  	_ =	shalt  }
0x49: {  	_ =	shalt  }
0x4a: {  	_ =	shalt  }
0x4b: {  	_ =	shalt  }
0x4c: {  	_ =	shalt  }
0x4d: {  	_ =	shalt  }
0x4e: {  	_ =	shalt  }
0x4f: {  	_ =	shalt  }
0x50: {  	_ =	shalt  }
0x51: {  	_ =	shalt  }
0x52: {  	_ =	shalt  }
0x53: {  	_ =	shalt  }
0x54: {  	_ =	shalt  }
0x55: {  	_ =	shalt  }
0x56: {  	_ =	shalt  }
0x57: {  	_ =	shalt  }
0x58: {  	_ =	shalt  }
0x59: {  	_ =	shalt  }
0x5a: {  	_ =	shalt  }
0x5b: {  	_ =	shalt  }
0x5c: {  	_ =	shalt  }
0x5d: {  	_ =	shalt  }
0x5e: {  	_ =	shalt  }
0x5f: {  	_ =	shalt  }
0x60: {  	_ =	shalt  }
0x61: {  	_ =	shalt  }
0x62: {  	_ =	shalt  }
0x63: {  	_ =	shalt  }
0x64: {  	_ =	shalt  }
0x65: {  	_ =	shalt  }
0x66: {  	_ =	shalt  }
0x67: {  	_ =	shalt  }
0x68: {  	_ =	shalt  }
0x69: {  	_ =	shalt  }
0x6a: {  	_ =	shalt  }
0x6b: {  	_ =	shalt  }
0x6c: {  	_ =	shalt  }
0x6d: {  	_ =	shalt  }
0x6e: {  	_ =	shalt  }
0x6f: {  	_ =	shalt  }
0x70: {  	_ =	shalt  }
0x71: {  	_ =	shalt  }
0x72: {  	_ =	shalt  }
0x73: {  	_ =	shalt  }
0x74: {  	_ =	shalt  }
0x75: {  	_ =	shalt  }
0x76: {  	_ =	shalt  }
0x77: {  	_ =	shalt  }
0x78: {  	_ =	shalt  }
0x79: {  	_ =	shalt  }
0x7a: {  	_ =	shalt  }
0x7b: {  	_ =	shalt  }
0x7c: {  	_ =	shalt  }
0x7d: {  	_ =	shalt  }
0x7e: {  	_ =	shalt  }
0x7f: {  	_ =	shalt  }
0x80: {  	_ =	shalt  }
0x81: {  	_ =	shalt  }
0x82: {  	_ =	shalt  }
0x83: {  	_ =	shalt  }
0x84: {  	_ =	shalt  }
0x85: {  	_ =	shalt  }
0x86: {  	_ =	shalt  }
0x87: {  	_ =	shalt  }
.Lfunc_end0:
.L_simem_size_0:
called_computation_lowered:
.L_overlay_start_0:
0x88: {  	s2 =	sld [smem:$0x3FD9]  }
0x89: {  	s3 =	sld [smem:$0x3FFE];
	_ =	sdelay $0x1  }
0x8a: {  	s1 =	srdreg.scid  }
0x8b: {  	s0 =	sand.u32 $0x1, s1  }
0x8c: {  	s18 =	sshll.u32 s0, $0xA;
	s2 =	sadd.s32 s3, s2  }
0x8d: {  	s2 =	sadd.s32 s2, s18  }
0x8e: {  	[smem:$0x3FC6] =	sst s2  }
0x8f: {  	_ = 	snop  }
0x90: {  	s2 =	sld [smem:$0x3FC9]  }
0x91: {  	s19 =	sld [smem:$0x3FC8]  }
0x92: {  	s4 =	sld [smem:$0x3FD0];
	(tm) =	ssettm $0x1  }
0x93: {  	s5 =	sld [smem:$0x3FFB];
	_ =	sdelay $0x3  }
0x94: {  	_ =	strace s5  }
0x95: {  	s5 =	sld [smem:$0x3FFC];
	_ =	sdelay $0x3  }
0x96: {  	_ =	strace s5  }
0x97: {  	s5 =	sld [smem:$0x3FFD];
	_ =	sdelay $0x3  }
0x98: {  	_ =	strace s5  }
0x99: {  	_ =	strace $0x8FFFFFFF  }
0x9a: {  	s20 =	sld [smem:$0x3FDB];
	_ =	sdelay $0x1  }
0x9b: {  	s6 =	simm.s32 $_scs_section_size  }
0x9c: {  	s7 =	simm.s32 $_size__tile_overlayer_lowered;
	s8 =	simm.s32 $_tile_overlayer_lowered  }
0x9d: {  	s23 =	simm.s32 $0x1BFF;
	s22 =	sshll.u32 s8, $0x1;
	s5 =	sadd.s32 s6, s20  }
0x9e: {  	s9 =	simm.s32 $0x0;
	s21 =	sshll.u32 s7, $0x1;
	s7 =	sadd.s32 s22, s5  }
0x9f: {  	[timem:s9], [sflag:s23] =	dma.local [hbm:s7], s21  }
0xa0: {  	_ =	swait.ge [sflag:s23], s21  }
0xa1: {  	s6 =	ssub.s32 $0x0, s21;
	[sflag:s23] =	ssyncset.done $0x0  }
0xa2: {  	[sflag:s23] =	ssyncadd.s32 s6;
	_ =	sdelay $0x1  }
0xa3: {  	s24 =	simm.s32 $0x1B8B  }
0xa4: {  	_ =	swait.ge [sflag:s24], $0x1  }
0xa5: {  	[sflag:s24] =	ssyncset.done $0x0  }
0xa6: {  	s25 =	simm.s32 $0x1B8E;
	[sflag:s24] =	ssyncadd.s32 $0xFFFFFFFF  }
0xa7: {  	s26 =	simm.s32 $execute0_lowered;
	[smem:$0x3FD2] =	sst s25  }
0xa8: {  	s6 =	sshll.u32 s26, $0x1;
	_ =	strace $0x80000046;
	[dreg:$0x1] =	wrdreg $0xFFFFFFFF  }
0xa9: {  	s28 =	simm.s32 $_size_execute0_lowered;
	s5 =	sadd.s32 s5, s6;
	[dreg:$0x0] =	wrdreg $0x0  }
0xaa: {  	s6 =	sshll.u32 s28, $0x1;
	[dreg:$0x2] =	wrdreg s5  }
0xab: {  	[dreg:$0x3] =	wrdreg s6  }
0xac: {  	[dreg:$0x4] =	wrdreg $0xC0  }
0xad: {  	_ =	task [dreg:s9], $0x5FFFF  }
0xae: {  	[dreg:$0x1] =	wrdreg $0xFFFFFFFF  }
0xaf: {  	[dreg:$0x0] =	wrdreg $0x60  }
0xb0: {  	[dreg:$0x2] =	wrdreg s2  }
0xb1: {  	[dreg:$0x3] =	wrdreg s19  }
0xb2: {  	[dreg:$0x4] =	wrdreg s4  }
0xb3: {  	[dreg:$0x5] =	wrdreg $0x9  }
0xb4: {  	_ =	task.clear_ibuf [dreg:s9], $0x6FFFF;
	_ =	strace $0x90000046  }
0xb5: {  	s29 =	simm.s32 $0x9;
	_ =	strace $0x80000048  }
0xb6: {  	_ =	swait.ge [sflag:s29], $0x1  }
0xb7: {  	[sflag:s29] =	ssyncadd.s32 $0xFFFFFFFF  }
0xb8: {  	_ =	strace $0x90000048  }
0xb9: {  	_ =	sfence  }
0xba: {  	s30 =	sld [smem:$0x0];
	_ =	sdelay $0x2  }
0xbb: {  	s31 =	sshll.u32 s1, $0xD;
	s1 =	sshrl.u32 s1, $0x2  }
0xbc: {  	s3 =	sand.u32 $0x4000, s31;
	s1 =	sadd.s32 s1, s30  }
0xbd: {  	s0 =	sor.u32 s3, s0;
	s1 =	sshll.u32 s1, $0x11  }
0xbe: {  	s0 =	sor.u32 s1, s0  }
0xbf: {  	s0 =	sadd.s32 $0x8F2B, s0  }
0xc0: {  	[sflag:s0] =	ssyncadd.remote.s32 $0x1  }
0xc1: {  	_ =	sfence.sel $0xFFFF  }
0xc2: {  	[dreg:$0x0] =	wrdreg $0xFFFFFFFF;
	(pc) =	sbr.abs _section_cstart, $3  }
0xc3: {  	[dreg:$0x1] =	wrdreg $0xFFFFFFFF  }
0xc4: {  	_ =	task.clear_ibuf [dreg:s9], $0x2FFFF;
	_ =	strace $0x9FFFFFFF  }
0xc5: {  	(tm) =	ssettm $0x7FFFFFFF  }
tec
execute0_lowered:
.L_overlay_start_1:
0x0: {  	(tag) =	ssettag $0x1  }
0x1: {  	v0 =	vlaneseq.u32  }
0x2: {  	v1 =	vimm.s32 $0x1380;
	vm14 =	vcmask $0x300;
	vm13 =	vcmask $0x704  }
0x3: {  	v2 =	vimm.s32 $0x3380;
	vm12 =	vcmask $0xB08;
	vm11 =	vcmask $0xF0C  }
0x4: {  	vm10 =	vcmask $0x1310;
	vm9 =	vcmask $0x1714;
	vm8 =	vcmask $0x1B18  }
0x5: {  	vm7 =	vcmask $0x1F1C;
	vm6 =	vcmask $0x2320;
	vm5 =	vcmask $0x2724  }
0x6: {  	vm4 =	vcmask $0x2B28;
	vm3 =	vcmask $0x2F2C;
	vm1 =	vcmask $0x3330  }
0x7: {  	vm2 =	vcmask $0x3734;
	vm0 =	vcmask $0x3B38;
	v18 =	vimm.s32 $0x1FF0  }
0x8: {  	v20 =	vimm.s32 $0x3FF0;
	v58 =	vimm.s32 $0x1FF1;
	v59 =	vimm.s32 $0x3FF1  }
0x9: {  	v34 =	vimm.s32 $0x1FF2;
	v62 =	vimm.s32 $0x3FF2;
	v63 =	vimm.s32 $0x1FF3  }
0xa: {  	v36 =	vimm.s32 $0x3FF3;
	v39 =	vimm.s32 $0x1FF4;
	v40 =	vimm.s32 $0x3FF4  }
0xb: {  	v41 =	vimm.s32 $0x1FF5;
	v43 =	vimm.s32 $0x3FF5;
	v44 =	vimm.s32 $0x1FF6  }
0xc: {  	v45 =	vimm.s32 $0x3FF6;
	v47 =	vimm.s32 $0x1FF7;
	v48 =	vimm.s32 $0x3FF7  }
0xd: {  	v49 =	vimm.s32 $0x1FF8;
	v51 =	vimm.s32 $0x3FF8;
	v52 =	vimm.s32 $0x1FF9  }
0xe: {  	v53 =	vimm.s32 $0x3FF9;
	v55 =	vimm.s32 $0x1FFA;
	v56 =	vimm.s32 $0x3FFA  }
0xf: {  	v57 =	vimm.s32 $0x1FFB;
	v0 =	vmul.u32 $0x100, v0;
	v1 =	vsel vm14, $0x0, v1  }
0x10: {  	v2 =	vsel vm14, $0x2000, v2;
	v19 =	vsel vm14, $0xC70, v18;
	v20 =	vsel vm14, $0x2C70, v20  }
0x11: {  	v34 =	vsel vm14, $0xC72, v34;
	v1 =	vsel vm13, $0x80, v1;
	v2 =	vsel vm13, $0x2080, v2  }
0x12: {  	v21 =	vsel vm13, $0xCF0, v19;
	v22 =	vsel vm13, $0x2CF0, v20;
	v34 =	vsel vm13, $0xCF2, v34  }
0x13: {  	v1 =	vsel vm12, $0x100, v1;
	v2 =	vsel vm12, $0x2100, v2;
	v4 =	vadd.s32 $0x1100, v0  }
0x14: {  	v5 =	vadd.s32 $0x1180, v0;
	v6 =	vadd.s32 $0x2200, v0;
	v7 =	vadd.s32 $0x2280, v0  }
0x15: {  	v8 =	vadd.s32 $0x3300, v0;
	v9 =	vadd.s32 $0x3380, v0;
	v10 =	vadd.s32 $0x4400, v0  }
0x16: {  	v11 =	vadd.s32 $0x4480, v0;
	v12 =	vadd.s32 $0x5500, v0;
	v13 =	vadd.s32 $0x5580, v0  }
0x17: {  	v14 =	vadd.s32 $0x6600, v0;
	v15 =	vadd.s32 $0x6680, v0;
	v16 =	vadd.s32 $0x7700, v0  }
0x18: {  	v17 =	vadd.s32 $0x7780, v0;
	v18 =	vadd.s32 $0x8800, v0;
	v19 =	vadd.s32 $0x8880, v0  }
0x19: {  	v21 =	vsel vm12, $0xD70, v21;
	v20 =	vadd.s32 $0x9900, v0;
	v22 =	vsel vm12, $0x2D70, v22  }
0x1a: {  	v34 =	vsel vm12, $0xD72, v34;
	v1 =	vsel vm11, $0x180, v1;
	v2 =	vsel vm11, $0x2180, v2  }
0x1b: {  	v23 =	vsel vm11, $0xDF0, v21;
	v21 =	vadd.s32 $0x9980, v0;
	v24 =	vsel vm11, $0x2DF0, v22  }
0x1c: {  	v22 =	vadd.s32 $0xAA00, v0;
	v34 =	vsel vm11, $0xDF2, v34;
	v1 =	vsel vm10, $0x200, v1  }
0x1d: {  	v2 =	vsel vm10, $0x2200, v2;
	v23 =	vsel vm10, $0xE70, v23;
	v24 =	vsel vm10, $0x2E70, v24  }
0x1e: {  	v34 =	vsel vm10, $0xE72, v34;
	v1 =	vsel vm9, $0x280, v1;
	v2 =	vsel vm9, $0x2280, v2  }
0x1f: {  	v25 =	vsel vm9, $0xEF0, v23;
	v23 =	vadd.s32 $0xAA80, v0;
	v26 =	vsel vm9, $0x2EF0, v24  }
0x20: {  	v24 =	vadd.s32 $0xBB00, v0;
	v34 =	vsel vm9, $0xEF2, v34;
	v1 =	vsel vm8, $0x300, v1  }
0x21: {  	v2 =	vsel vm8, $0x2300, v2;
	v25 =	vsel vm8, $0xF70, v25;
	v26 =	vsel vm8, $0x2F70, v26  }
0x22: {  	v34 =	vsel vm8, $0xF72, v34;
	v1 =	vsel vm7, $0x380, v1;
	v2 =	vsel vm7, $0x2380, v2  }
0x23: {  	v27 =	vsel vm7, $0xFF0, v25;
	v25 =	vadd.s32 $0xBB80, v0;
	v28 =	vsel vm7, $0x2FF0, v26  }
0x24: {  	v26 =	vadd.s32 $0xCC00, v0;
	v34 =	vsel vm7, $0xFF2, v34;
	v1 =	vsel vm6, $0x1000, v1  }
0x25: {  	v2 =	vsel vm6, $0x3000, v2;
	v27 =	vsel vm6, $0x1C70, v27;
	v28 =	vsel vm6, $0x3C70, v28  }
0x26: {  	v34 =	vsel vm6, $0x1C72, v34;
	v1 =	vsel vm5, $0x1080, v1;
	v2 =	vsel vm5, $0x3080, v2  }
0x27: {  	v29 =	vsel vm5, $0x1CF0, v27;
	v27 =	vadd.s32 $0xCC80, v0;
	v30 =	vsel vm5, $0x3CF0, v28  }
0x28: {  	v28 =	vadd.s32 $0xDD00, v0;
	v34 =	vsel vm5, $0x1CF2, v34;
	v1 =	vsel vm4, $0x1100, v1  }
0x29: {  	v2 =	vsel vm4, $0x3100, v2;
	v29 =	vsel vm4, $0x1D70, v29;
	v30 =	vsel vm4, $0x3D70, v30  }
0x2a: {  	v34 =	vsel vm4, $0x1D72, v34;
	v1 =	vsel vm3, $0x1180, v1;
	v2 =	vsel vm3, $0x3180, v2  }
0x2b: {  	v31 =	vsel vm3, $0x1DF0, v29;
	v29 =	vadd.s32 $0xDD80, v0;
	v32 =	vsel vm3, $0x3DF0, v30  }
0x2c: {  	v30 =	vadd.s32 $0xEE00, v0;
	v34 =	vsel vm3, $0x1DF2, v34;
	v1 =	vsel vm1, $0x1200, v1  }
0x2d: {  	v3 =	vsel vm1, $0x3200, v2;
	v2 =	vor.u32 $0x80, v0;
	v31 =	vsel vm1, $0x1E70, v31  }
0x2e: {  	v32 =	vsel vm1, $0x3E70, v32;
	v34 =	vsel vm1, $0x1E72, v34;
	v1 =	vsel vm2, $0x1280, v1  }
0x2f: {  	v3 =	vsel vm2, $0x3280, v3;
	v33 =	vsel vm2, $0x1EF0, v31;
	v31 =	vadd.s32 $0xEE80, v0  }
0x30: {  	v32 =	vsel vm2, $0x3EF0, v32;
	v61 =	vsel vm2, $0x1EF2, v34;
	v34 =	vsel vm14, $0x2C73, v36  }
0x31: {  	v36 =	vimm.s32 $0x3FFD;
	v1 =	vsel vm0, $0x1300, v1;
	v33 =	vsel vm0, $0x1F70, v33  }
0x32: {  	v3 =	vsel vm0, $0x3300, v3;
	v32 =	vsel vm0, $0x3F70, v32;
	v34 =	vsel vm13, $0x2CF3, v34;
	[tilespmem:$0x1FF80] =	vst v33  }
0x33: {  	[tilespmem:$0x1FF90] =	vst v32;
	v32 =	vsel vm14, $0xC71, v58;
	v33 =	vsel vm14, $0x2C71, v59;
	v34 =	vsel vm12, $0x2D73, v34  }
0x34: {  	v59 =	vimm.s32 $0x3FFB;
	v32 =	vsel vm13, $0xCF1, v32;
	v33 =	vsel vm13, $0x2CF1, v33  }
0x35: {  	v34 =	vsel vm11, $0x2DF3, v34;
	v32 =	vsel vm12, $0xD71, v32;
	v33 =	vsel vm12, $0x2D71, v33  }
0x36: {  	v34 =	vsel vm10, $0x2E73, v34;
	v32 =	vsel vm11, $0xDF1, v32;
	v33 =	vsel vm11, $0x2DF1, v33  }
0x37: {  	v34 =	vsel vm9, $0x2EF3, v34;
	v32 =	vsel vm10, $0xE71, v32;
	v33 =	vsel vm10, $0x2E71, v33  }
0x38: {  	v34 =	vsel vm8, $0x2F73, v34;
	v32 =	vsel vm9, $0xEF1, v32;
	v33 =	vsel vm9, $0x2EF1, v33  }
0x39: {  	v34 =	vsel vm7, $0x2FF3, v34;
	v32 =	vsel vm8, $0xF71, v32;
	v33 =	vsel vm8, $0x2F71, v33  }
0x3a: {  	v34 =	vsel vm6, $0x3C73, v34;
	v32 =	vsel vm7, $0xFF1, v32;
	v33 =	vsel vm7, $0x2FF1, v33  }
0x3b: {  	v34 =	vsel vm5, $0x3CF3, v34;
	v32 =	vsel vm6, $0x1C71, v32;
	v33 =	vsel vm6, $0x3C71, v33  }
0x3c: {  	v34 =	vsel vm4, $0x3D73, v34;
	v32 =	vsel vm5, $0x1CF1, v32;
	v33 =	vsel vm5, $0x3CF1, v33  }
0x3d: {  	v34 =	vsel vm3, $0x3DF3, v34;
	v32 =	vsel vm4, $0x1D71, v32;
	v33 =	vsel vm4, $0x3D71, v33  }
0x3e: {  	v34 =	vsel vm1, $0x3E73, v34;
	v32 =	vsel vm3, $0x1DF1, v32;
	v33 =	vsel vm3, $0x3DF1, v33  }
0x3f: {  	v38 =	vsel vm2, $0x3EF3, v34;
	v34 =	vsel vm14, $0xC75, v41;
	v32 =	vsel vm1, $0x1E71, v32  }
0x40: {  	v33 =	vsel vm1, $0x3E71, v33;
	v34 =	vsel vm13, $0xCF5, v34;
	v32 =	vsel vm2, $0x1EF1, v32  }
0x41: {  	v33 =	vsel vm2, $0x3EF1, v33;
	v34 =	vsel vm12, $0xD75, v34;
	v32 =	vsel vm0, $0x1F71, v32  }
0x42: {  	v60 =	vsel vm0, $0x3F71, v33;
	v33 =	vsel vm14, $0xC73, v63;
	v34 =	vsel vm11, $0xDF5, v34  }
0x43: {  	v63 =	vimm.s32 $0x1FFD;
	[tilespmem:$0x1FFA0] =	vst v32;
	v32 =	vsel vm0, $0x1F72, v61;
	v33 =	vsel vm13, $0xCF3, v33  }
0x44: {  	[tilespmem:$0x1FFB0] =	vst v60;
	v34 =	vsel vm10, $0xE75, v34;
	v60 =	vimm.s32 $0x1FFC;
	v61 =	vimm.s32 $0x3FFC  }
0x45: {  	[tilespmem:$0x1FFC0] =	vst v32;
	v32 =	vsel vm14, $0x2C72, v62;
	v33 =	vsel vm12, $0xD73, v33;
	v34 =	vsel vm9, $0xEF5, v34  }
0x46: {  	v32 =	vsel vm13, $0x2CF2, v32;
	v33 =	vsel vm11, $0xDF3, v33;
	v34 =	vsel vm8, $0xF75, v34  }
0x47: {  	v32 =	vsel vm12, $0x2D72, v32;
	v33 =	vsel vm10, $0xE73, v33;
	v34 =	vsel vm7, $0xFF5, v34  }
0x48: {  	v32 =	vsel vm11, $0x2DF2, v32;
	v33 =	vsel vm9, $0xEF3, v33;
	v34 =	vsel vm6, $0x1C75, v34  }
0x49: {  	v32 =	vsel vm10, $0x2E72, v32;
	v33 =	vsel vm8, $0xF73, v33;
	v34 =	vsel vm5, $0x1CF5, v34  }
0x4a: {  	v32 =	vsel vm9, $0x2EF2, v32;
	v33 =	vsel vm7, $0xFF3, v33;
	v34 =	vsel vm4, $0x1D75, v34  }
0x4b: {  	v32 =	vsel vm8, $0x2F72, v32;
	v33 =	vsel vm6, $0x1C73, v33;
	v34 =	vsel vm3, $0x1DF5, v34  }
0x4c: {  	v32 =	vsel vm7, $0x2FF2, v32;
	v33 =	vsel vm5, $0x1CF3, v33;
	v34 =	vsel vm1, $0x1E75, v34  }
0x4d: {  	v32 =	vsel vm6, $0x3C72, v32;
	v33 =	vsel vm4, $0x1D73, v33;
	v42 =	vsel vm2, $0x1EF5, v34  }
0x4e: {  	v34 =	vsel vm14, $0x2C76, v45;
	v32 =	vsel vm5, $0x3CF2, v32;
	v33 =	vsel vm3, $0x1DF3, v33  }
0x4f: {  	v42 =	vsel vm0, $0x1F75, v42;
	v34 =	vsel vm13, $0x2CF6, v34;
	v32 =	vsel vm4, $0x3D72, v32  }
0x50: {  	v33 =	vsel vm1, $0x1E73, v33;
	v34 =	vsel vm12, $0x2D76, v34;
	v32 =	vsel vm3, $0x3DF2, v32  }
0x51: {  	v33 =	vsel vm2, $0x1EF3, v33;
	v34 =	vsel vm11, $0x2DF6, v34;
	v32 =	vsel vm1, $0x3E72, v32  }
0x52: {  	v37 =	vsel vm0, $0x1F73, v33;
	v33 =	vsel vm14, $0x2C74, v40;
	v34 =	vsel vm10, $0x2E76, v34  }
0x53: {  	v32 =	vsel vm2, $0x3EF2, v32;
	v33 =	vsel vm13, $0x2CF4, v33;
	v34 =	vsel vm9, $0x2EF6, v34  }
0x54: {  	[tilespmem:$0x1FFE0] =	vst v37;
	v37 =	vimm.s32 $0x1FFE;
	v32 =	vsel vm0, $0x3F72, v32;
	v33 =	vsel vm12, $0x2D74, v33  }
0x55: {  	v34 =	vsel vm8, $0x2F76, v34;
	[tilespmem:$0x1FFD0] =	vst v32;
	v32 =	vsel vm0, $0x3F73, v38;
	v33 =	vsel vm11, $0x2DF4, v33  }
0x56: {  	v34 =	vsel vm7, $0x2FF6, v34;
	[tilespmem:$0x1FFF0] =	vst v32;
	v32 =	vsel vm14, $0xC74, v39;
	v33 =	vsel vm10, $0x2E74, v33  }
0x57: {  	v34 =	vsel vm6, $0x3C76, v34;
	v39 =	vimm.s32 $0x3FFE;
	v32 =	vsel vm13, $0xCF4, v32  }
0x58: {  	v33 =	vsel vm9, $0x2EF4, v33;
	v34 =	vsel vm5, $0x3CF6, v34;
	v32 =	vsel vm12, $0xD74, v32  }
0x59: {  	v33 =	vsel vm8, $0x2F74, v33;
	v34 =	vsel vm4, $0x3D76, v34;
	v32 =	vsel vm11, $0xDF4, v32  }
0x5a: {  	v33 =	vsel vm7, $0x2FF4, v33;
	v34 =	vsel vm3, $0x3DF6, v34;
	v32 =	vsel vm10, $0xE74, v32  }
0x5b: {  	v33 =	vsel vm6, $0x3C74, v33;
	v34 =	vsel vm1, $0x3E76, v34;
	v32 =	vsel vm9, $0xEF4, v32  }
0x5c: {  	v33 =	vsel vm5, $0x3CF4, v33;
	v46 =	vsel vm2, $0x3EF6, v34;
	v32 =	vsel vm8, $0xF74, v32  }
0x5d: {  	v34 =	vsel vm14, $0xC78, v49;
	v33 =	vsel vm4, $0x3D74, v33;
	v32 =	vsel vm7, $0xFF4, v32  }
0x5e: {  	v45 =	vsel vm0, $0x3F76, v46;
	v34 =	vsel vm13, $0xCF8, v34;
	v32 =	vsel vm6, $0x1C74, v32  }
0x5f: {  	v33 =	vsel vm3, $0x3DF4, v33;
	v34 =	vsel vm12, $0xD78, v34;
	v32 =	vsel vm5, $0x1CF4, v32  }
0x60: {  	v33 =	vsel vm1, $0x3E74, v33;
	v34 =	vsel vm11, $0xDF8, v34;
	v32 =	vsel vm4, $0x1D74, v32  }
0x61: {  	v33 =	vsel vm2, $0x3EF4, v33;
	v34 =	vsel vm10, $0xE78, v34;
	v32 =	vsel vm3, $0x1DF4, v32  }
0x62: {  	v41 =	vsel vm0, $0x3F74, v33;
	v33 =	vsel vm14, $0xC76, v44;
	v32 =	vsel vm1, $0x1E74, v32  }
0x63: {  	v34 =	vsel vm9, $0xEF8, v34;
	v33 =	vsel vm13, $0xCF6, v33;
	v32 =	vsel vm2, $0x1EF4, v32  }
0x64: {  	v34 =	vsel vm8, $0xF78, v34;
	v40 =	vsel vm0, $0x1F74, v32;
	v32 =	vsel vm14, $0x2C75, v43  }
0x65: {  	v33 =	vsel vm12, $0xD76, v33;
	v34 =	vsel vm7, $0xFF8, v34;
	v32 =	vsel vm13, $0x2CF5, v32  }
0x66: {  	v33 =	vsel vm11, $0xDF6, v33;
	v34 =	vsel vm6, $0x1C78, v34;
	v32 =	vsel vm12, $0x2D75, v32  }
0x67: {  	v33 =	vsel vm10, $0xE76, v33;
	v34 =	vsel vm5, $0x1CF8, v34;
	v32 =	vsel vm11, $0x2DF5, v32  }
0x68: {  	v33 =	vsel vm9, $0xEF6, v33;
	v34 =	vsel vm4, $0x1D78, v34;
	v32 =	vsel vm10, $0x2E75, v32  }
0x69: {  	v33 =	vsel vm8, $0xF76, v33;
	v34 =	vsel vm3, $0x1DF8, v34;
	v32 =	vsel vm9, $0x2EF5, v32  }
0x6a: {  	v33 =	vsel vm7, $0xFF6, v33;
	v34 =	vsel vm1, $0x1E78, v34;
	v32 =	vsel vm8, $0x2F75, v32  }
0x6b: {  	v33 =	vsel vm6, $0x1C76, v33;
	v50 =	vsel vm2, $0x1EF8, v34;
	v32 =	vsel vm7, $0x2FF5, v32  }
0x6c: {  	v34 =	vsel vm14, $0x2C79, v53;
	v33 =	vsel vm5, $0x1CF6, v33;
	v32 =	vsel vm6, $0x3C75, v32  }
0x6d: {  	v34 =	vsel vm13, $0x2CF9, v34;
	v33 =	vsel vm4, $0x1D76, v33;
	v32 =	vsel vm5, $0x3CF5, v32  }
0x6e: {  	v34 =	vsel vm12, $0x2D79, v34;
	v33 =	vsel vm3, $0x1DF6, v33;
	v32 =	vsel vm4, $0x3D75, v32  }
0x6f: {  	v34 =	vsel vm11, $0x2DF9, v34;
	v33 =	vsel vm1, $0x1E76, v33;
	v32 =	vsel vm3, $0x3DF5, v32  }
0x70: {  	v34 =	vsel vm10, $0x2E79, v34;
	v33 =	vsel vm2, $0x1EF6, v33;
	v32 =	vsel vm1, $0x3E75, v32  }
0x71: {  	v44 =	vsel vm0, $0x1F76, v33;
	v33 =	vsel vm14, $0x2C77, v48;
	v32 =	vsel vm2, $0x3EF5, v32  }
0x72: {  	v33 =	vsel vm13, $0x2CF7, v33;
	v43 =	vsel vm0, $0x3F75, v32;
	v32 =	vsel vm14, $0xC77, v47  }
0x73: {  	v34 =	vsel vm9, $0x2EF9, v34;
	v33 =	vsel vm12, $0x2D77, v33;
	v32 =	vsel vm13, $0xCF7, v32  }
0x74: {  	v48 =	vsel vm0, $0x1F78, v50;
	v33 =	vsel vm11, $0x2DF7, v33;
	v32 =	vsel vm12, $0xD77, v32  }
0x75: {  	v34 =	vsel vm8, $0x2F79, v34;
	v33 =	vsel vm10, $0x2E77, v33;
	v32 =	vsel vm11, $0xDF7, v32  }
0x76: {  	v34 =	vsel vm7, $0x2FF9, v34;
	v33 =	vsel vm9, $0x2EF7, v33;
	v32 =	vsel vm10, $0xE77, v32  }
0x77: {  	v34 =	vsel vm6, $0x3C79, v34;
	v33 =	vsel vm8, $0x2F77, v33;
	v32 =	vsel vm9, $0xEF7, v32  }
0x78: {  	v34 =	vsel vm5, $0x3CF9, v34;
	v33 =	vsel vm7, $0x2FF7, v33;
	v32 =	vsel vm8, $0xF77, v32  }
0x79: {  	v34 =	vsel vm4, $0x3D79, v34;
	v33 =	vsel vm6, $0x3C77, v33;
	v32 =	vsel vm7, $0xFF7, v32  }
0x7a: {  	v34 =	vsel vm3, $0x3DF9, v34;
	v33 =	vsel vm5, $0x3CF7, v33;
	v32 =	vsel vm6, $0x1C77, v32  }
0x7b: {  	v34 =	vsel vm1, $0x3E79, v34;
	v33 =	vsel vm4, $0x3D77, v33;
	v32 =	vsel vm5, $0x1CF7, v32  }
0x7c: {  	v54 =	vsel vm2, $0x3EF9, v34;
	v33 =	vsel vm3, $0x3DF7, v33;
	v32 =	vsel vm4, $0x1D77, v32  }
0x7d: {  	v34 =	vsel vm14, $0xC7B, v57;
	v33 =	vsel vm1, $0x3E77, v33;
	v32 =	vsel vm3, $0x1DF7, v32  }
0x7e: {  	v34 =	vsel vm13, $0xCFB, v34;
	v33 =	vsel vm2, $0x3EF7, v33;
	v32 =	vsel vm1, $0x1E77, v32  }
0x7f: {  	v47 =	vsel vm0, $0x3F77, v33;
	v33 =	vsel vm14, $0xC79, v52;
	v32 =	vsel vm2, $0x1EF7, v32  }
0x80: {  	v33 =	vsel vm13, $0xCF9, v33;
	v46 =	vsel vm0, $0x1F77, v32;
	v32 =	vsel vm14, $0x2C78, v51  }
0x81: {  	v34 =	vsel vm12, $0xD7B, v34;
	v33 =	vsel vm12, $0xD79, v33;
	v32 =	vsel vm13, $0x2CF8, v32  }
0x82: {  	v34 =	vsel vm11, $0xDFB, v34;
	v33 =	vsel vm11, $0xDF9, v33;
	v32 =	vsel vm12, $0x2D78, v32  }
0x83: {  	v34 =	vsel vm10, $0xE7B, v34;
	v33 =	vsel vm10, $0xE79, v33;
	v32 =	vsel vm11, $0x2DF8, v32  }
0x84: {  	v34 =	vsel vm9, $0xEFB, v34;
	v33 =	vsel vm9, $0xEF9, v33;
	v32 =	vsel vm10, $0x2E78, v32  }
0x85: {  	v34 =	vsel vm8, $0xF7B, v34;
	v33 =	vsel vm8, $0xF79, v33;
	v32 =	vsel vm9, $0x2EF8, v32  }
0x86: {  	v34 =	vsel vm7, $0xFFB, v34;
	v33 =	vsel vm7, $0xFF9, v33;
	v32 =	vsel vm8, $0x2F78, v32  }
0x87: {  	v34 =	vsel vm6, $0x1C7B, v34;
	v33 =	vsel vm6, $0x1C79, v33;
	v32 =	vsel vm7, $0x2FF8, v32  }
0x88: {  	v34 =	vsel vm5, $0x1CFB, v34;
	v33 =	vsel vm5, $0x1CF9, v33;
	v32 =	vsel vm6, $0x3C78, v32  }
0x89: {  	v34 =	vsel vm4, $0x1D7B, v34;
	v33 =	vsel vm4, $0x1D79, v33;
	v32 =	vsel vm5, $0x3CF8, v32  }
0x8a: {  	v51 =	vsel vm0, $0x3F79, v54;
	v33 =	vsel vm3, $0x1DF9, v33;
	v32 =	vsel vm4, $0x3D78, v32  }
0x8b: {  	v34 =	vsel vm3, $0x1DFB, v34;
	v33 =	vsel vm1, $0x1E79, v33;
	v32 =	vsel vm3, $0x3DF8, v32  }
0x8c: {  	v34 =	vsel vm1, $0x1E7B, v34;
	v33 =	vsel vm2, $0x1EF9, v33;
	v32 =	vsel vm1, $0x3E78, v32  }
0x8d: {  	v50 =	vsel vm0, $0x1F79, v33;
	v33 =	vsel vm14, $0x2C7A, v56;
	v32 =	vsel vm2, $0x3EF8, v32  }
0x8e: {  	v33 =	vsel vm13, $0x2CFA, v33;
	v49 =	vsel vm0, $0x3F78, v32;
	v32 =	vsel vm14, $0xC7A, v55  }
0x8f: {  	v58 =	vsel vm2, $0x1EFB, v34;
	v33 =	vsel vm12, $0x2D7A, v33;
	v32 =	vsel vm13, $0xCFA, v32  }
0x90: {  	v34 =	vsel vm14, $0x2C7C, v61;
	v33 =	vsel vm11, $0x2DFA, v33;
	v32 =	vsel vm12, $0xD7A, v32  }
0x91: {  	v61 =	vimm.s32 $0x1FFF;
	v33 =	vsel vm10, $0x2E7A, v33;
	v32 =	vsel vm11, $0xDFA, v32  }
0x92: {  	v54 =	vsel vm0, $0x1F7B, v58;
	v33 =	vsel vm9, $0x2EFA, v33;
	v32 =	vsel vm10, $0xE7A, v32  }
0x93: {  	v34 =	vsel vm13, $0x2CFC, v34;
	v33 =	vsel vm8, $0x2F7A, v33;
	v32 =	vsel vm9, $0xEFA, v32  }
0x94: {  	v34 =	vsel vm12, $0x2D7C, v34;
	v33 =	vsel vm7, $0x2FFA, v33;
	v32 =	vsel vm8, $0xF7A, v32  }
0x95: {  	v34 =	vsel vm11, $0x2DFC, v34;
	v33 =	vsel vm6, $0x3C7A, v33;
	v32 =	vsel vm7, $0xFFA, v32  }
0x96: {  	v34 =	vsel vm10, $0x2E7C, v34;
	v33 =	vsel vm5, $0x3CFA, v33;
	v32 =	vsel vm6, $0x1C7A, v32  }
0x97: {  	v34 =	vsel vm9, $0x2EFC, v34;
	v33 =	vsel vm4, $0x3D7A, v33;
	v32 =	vsel vm5, $0x1CFA, v32  }
0x98: {  	v34 =	vsel vm8, $0x2F7C, v34;
	v33 =	vsel vm3, $0x3DFA, v33;
	v32 =	vsel vm4, $0x1D7A, v32  }
0x99: {  	v34 =	vsel vm7, $0x2FFC, v34;
	v33 =	vsel vm1, $0x3E7A, v33;
	v32 =	vsel vm3, $0x1DFA, v32  }
0x9a: {  	v34 =	vsel vm6, $0x3C7C, v34;
	v33 =	vsel vm2, $0x3EFA, v33;
	v32 =	vsel vm1, $0x1E7A, v32  }
0x9b: {  	v53 =	vsel vm0, $0x3F7A, v33;
	v33 =	vsel vm14, $0xC7C, v60;
	v32 =	vsel vm2, $0x1EFA, v32  }
0x9c: {  	v33 =	vsel vm13, $0xCFC, v33;
	v52 =	vsel vm0, $0x1F7A, v32;
	v32 =	vsel vm14, $0x2C7B, v59  }
0x9d: {  	v34 =	vsel vm5, $0x3CFC, v34;
	v33 =	vsel vm12, $0xD7C, v33;
	v32 =	vsel vm13, $0x2CFB, v32  }
0x9e: {  	v34 =	vsel vm4, $0x3D7C, v34;
	v33 =	vsel vm11, $0xDFC, v33;
	v32 =	vsel vm12, $0x2D7B, v32  }
0x9f: {  	v34 =	vsel vm3, $0x3DFC, v34;
	v33 =	vsel vm10, $0xE7C, v33;
	v32 =	vsel vm11, $0x2DFB, v32  }
0xa0: {  	v34 =	vsel vm1, $0x3E7C, v34;
	v33 =	vsel vm9, $0xEFC, v33;
	v32 =	vsel vm10, $0x2E7B, v32  }
0xa1: {  	v62 =	vsel vm2, $0x3EFC, v34;
	v33 =	vsel vm8, $0xF7C, v33;
	v32 =	vsel vm9, $0x2EFB, v32  }
0xa2: {  	v34 =	vsel vm14, $0xC7E, v37;
	v33 =	vsel vm7, $0xFFC, v33;
	v32 =	vsel vm8, $0x2F7B, v32  }
0xa3: {  	v57 =	vsel vm0, $0x3F7C, v62;
	v33 =	vsel vm6, $0x1C7C, v33;
	v32 =	vsel vm7, $0x2FFB, v32  }
0xa4: {  	v34 =	vsel vm13, $0xCFE, v34;
	v33 =	vsel vm5, $0x1CFC, v33;
	v32 =	vsel vm6, $0x3C7B, v32  }
0xa5: {  	v62 =	vimm.s32 $0x3FFF;
	v33 =	vsel vm4, $0x1D7C, v33;
	v32 =	vsel vm5, $0x3CFB, v32  }
0xa6: {  	v34 =	vsel vm12, $0xD7E, v34;
	v33 =	vsel vm3, $0x1DFC, v33;
	v32 =	vsel vm4, $0x3D7B, v32  }
0xa7: {  	v34 =	vsel vm11, $0xDFE, v34;
	v33 =	vsel vm1, $0x1E7C, v33;
	v32 =	vsel vm3, $0x3DFB, v32  }
0xa8: {  	v34 =	vsel vm10, $0xE7E, v34;
	v33 =	vsel vm2, $0x1EFC, v33;
	v32 =	vsel vm1, $0x3E7B, v32  }
0xa9: {  	v56 =	vsel vm0, $0x1F7C, v33;
	v33 =	vsel vm14, $0x2C7D, v36;
	v32 =	vsel vm2, $0x3EFB, v32  }
0xaa: {  	v33 =	vsel vm13, $0x2CFD, v33;
	v55 =	vsel vm0, $0x3F7B, v32;
	v32 =	vsel vm14, $0xC7D, v63  }
0xab: {  	v34 =	vsel vm9, $0xEFE, v34;
	v33 =	vsel vm12, $0x2D7D, v33;
	v32 =	vsel vm13, $0xCFD, v32  }
0xac: {  	v34 =	vsel vm8, $0xF7E, v34;
	v33 =	vsel vm11, $0x2DFD, v33;
	v32 =	vsel vm12, $0xD7D, v32  }
0xad: {  	v34 =	vsel vm7, $0xFFE, v34;
	v33 =	vsel vm10, $0x2E7D, v33;
	v32 =	vsel vm11, $0xDFD, v32  }
0xae: {  	v34 =	vsel vm6, $0x1C7E, v34;
	v33 =	vsel vm9, $0x2EFD, v33;
	v32 =	vsel vm10, $0xE7D, v32  }
0xaf: {  	v34 =	vsel vm5, $0x1CFE, v34;
	v33 =	vsel vm8, $0x2F7D, v33;
	v32 =	vsel vm9, $0xEFD, v32  }
0xb0: {  	v34 =	vsel vm4, $0x1D7E, v34;
	v33 =	vsel vm7, $0x2FFD, v33;
	v32 =	vsel vm8, $0xF7D, v32  }
0xb1: {  	v34 =	vsel vm3, $0x1DFE, v34;
	v33 =	vsel vm6, $0x3C7D, v33;
	v32 =	vsel vm7, $0xFFD, v32  }
0xb2: {  	v34 =	vsel vm1, $0x1E7E, v34;
	v33 =	vsel vm5, $0x3CFD, v33;
	v32 =	vsel vm6, $0x1C7D, v32  }
0xb3: {  	v38 =	vsel vm2, $0x1EFE, v34;
	v33 =	vsel vm4, $0x3D7D, v33;
	v32 =	vsel vm5, $0x1CFD, v32  }
0xb4: {  	v34 =	vsel vm14, $0x2C7F, v62;
	v33 =	vsel vm3, $0x3DFD, v33;
	v32 =	vsel vm4, $0x1D7D, v32  }
0xb5: {  	v60 =	vsel vm0, $0x1F7E, v38;
	v33 =	vsel vm1, $0x3E7D, v33;
	v32 =	vsel vm3, $0x1DFD, v32  }
0xb6: {  	v34 =	vsel vm13, $0x2CFF, v34;
	v33 =	vsel vm2, $0x3EFD, v33;
	v32 =	vsel vm1, $0x1E7D, v32  }
0xb7: {  	v59 =	vsel vm0, $0x3F7D, v33;
	v33 =	vsel vm14, $0xC7F, v61;
	v32 =	vsel vm2, $0x1EFD, v32  }
0xb8: {  	s0 =	rddreg [dreg:$0x0];
	v33 =	vsel vm13, $0xCFF, v33;
	v58 =	vsel vm0, $0x1F7D, v32;
	v32 =	vsel vm14, $0x2C7E, v39  }
0xb9: {  	s1 =	rddreg [dreg:$0x1];
	s2 =	srdreg.scid;
	v34 =	vsel vm12, $0x2D7F, v34;
	v33 =	vsel vm12, $0xD7F, v33;
	v32 =	vsel vm13, $0x2CFE, v32  }
0xba: {  	s3 =	rddreg [dreg:$0x2];
	s4 =	stileid.u32;
	s6 =	simm.s32 $0x0;
	v34 =	vsel vm11, $0x2DFF, v34;
	v33 =	vsel vm11, $0xDFF, v33;
	v32 =	vsel vm12, $0x2D7E, v32  }
0xbb: {  	s7 =	simm.s32 $0x3;
	s8 =	simm.s32 $0x100;
	s9 =	simm.s32 $0x1E8500;
	v34 =	vsel vm10, $0x2E7F, v34;
	v33 =	vsel vm10, $0xE7F, v33;
	v32 =	vsel vm11, $0x2DFE, v32  }
0xbc: {  	s10 =	simm.s32 $0x280;
	s11 =	simm.s32 $0x1380;
	s12 =	simm.s32 $0x2480;
	v34 =	vsel vm9, $0x2EFF, v34;
	v33 =	vsel vm9, $0xEFF, v33;
	v32 =	vsel vm10, $0x2E7E, v32  }
0xbd: {  	s13 =	simm.s32 $0x3580;
	s14 =	simm.s32 $0x4680;
	s15 =	simm.s32 $0x5780;
	v34 =	vsel vm8, $0x2F7F, v34;
	v33 =	vsel vm8, $0xF7F, v33;
	v32 =	vsel vm9, $0x2EFE, v32  }
0xbe: {  	s16 =	simm.s32 $0x6880;
	s17 =	simm.s32 $0x7980;
	s18 =	simm.s32 $0x8A80;
	v34 =	vsel vm7, $0x2FFF, v34;
	v33 =	vsel vm7, $0xFFF, v33;
	v32 =	vsel vm8, $0x2F7E, v32  }
0xbf: {  	s19 =	simm.s32 $0x9B80;
	s20 =	simm.s32 $0xAC80;
	s21 =	simm.s32 $0xBD80;
	v34 =	vsel vm6, $0x3C7F, v34;
	v33 =	vsel vm6, $0x1C7F, v33;
	v32 =	vsel vm7, $0x2FFE, v32  }
0xc0: {  	s22 =	simm.s32 $0xCE80;
	s23 =	simm.s32 $0xDF80;
	s24 =	simm.s32 $0xF080;
	v34 =	vsel vm5, $0x3CFF, v34;
	v33 =	vsel vm5, $0x1CFF, v33;
	v32 =	vsel vm6, $0x3C7E, v32  }
0xc1: {  	s25 =	simm.s32 $0x10180;
	s26 =	simm.s32 $0x1;
	s2 =	sand.u32 $0x1, s2;
	v34 =	vsel vm4, $0x3D7F, v34;
	v33 =	vsel vm4, $0x1D7F, v33;
	v32 =	vsel vm5, $0x3CFE, v32  }
0xc2: {  	s28 =	simm.s32 $0x11280;
	s4 =	sshll.u32 s4, $0xA;
	s5 =	sshll.u32 s2, $0x9;
	v34 =	vsel vm3, $0x3DFF, v34;
	v33 =	vsel vm3, $0x1DFF, v33;
	v32 =	vsel vm4, $0x3D7E, v32  }
0xc3: {  	s29 =	simm.s32 $0x2;
	s2 =	ssub.s32 $0x2, s2;
	s5 =	sor.u32 s5, s4;
	v34 =	vsel vm1, $0x3E7F, v34;
	v33 =	vsel vm1, $0x1E7F, v33;
	v32 =	vsel vm3, $0x3DFE, v32  }
0xc4: {  	[smem:$0x7FF] =	sst s6;
	s30 =	sshrl.u32 s2, $0x1;
	s31 =	sshrl.u32 s5, $0x3;
	v63 =	vsel vm2, $0x3EFF, v34;
	v33 =	vsel vm2, $0x1EFF, v33;
	v32 =	vsel vm1, $0x3E7E, v32  }
0xc5: {  	s2 =	ssub.s32 s2, s30;
	s5 =	sadd.s32 s3, s5;
	s4 =	sadd.s32 s1, s31;
	v63 =	vsel vm0, $0x3F7F, v63;
	v62 =	vsel vm0, $0x1F7F, v33;
	v32 =	vsel vm2, $0x3EFE, v32  }
0xc6: {  	s6 =	smax.u32 s2, $0x1;
	s2 =	simm.s32 $0x0;
	_ =	strace $0x80000047;
	v33 =	vadd.s32 $0xFF80, v0;
	v61 =	vsel vm0, $0x3F7E, v32;
	v32 =	vadd.s32 $0xFF00, v0  }
.LBB2_1:
0xc7: {  	s1 =	simm.s32 $0x0  }
0xc8: {  	[tilespmem:s1], [sflag:$0x3] =	stream.linear.gather [hbm4b:s4+s1], $0x200, $0x38;
	[tilespmem:$0x15280] =	vst v63  }
0xc9: {  	_ =	swait.ge [sflag:s7], $0x200  }
0xca: {  	[sflag:s7] =	ssyncset.done $0x0  }
0xcb: {  	[sflag:s7] =	ssyncadd.s32 $0xFFFFFE00  }
0xcc: {  	v34 =	vld [tilespmem:$0x0];
	_ =	sdelay $0x4  }
0xcd: {  	v34 =	vshrl.u32 v34, $0x2  }
0xce: {  	(v2sf) =	vpush v34, $0x0  }
0xcf: {  	(v2sf) =	vpush v34, $0x1;
	_ =	sdelay $0x1  }
0xd0: {  	(v2sf) =	vpush v34, $0x2;
	_ =	sdelay $0x4  }
0xd1: {  	(v2sf) =	vpush v34, $0x3  }
0xd2: {  	(v2sf) =	vpush v34, $0x4;
	_ =	sdelay $0x5  }
0xd3: {  	s30 =	spop (v2sf);
	(v2sf) =	vpush v34, $0x5  }
0xd4: {  	s31 =	spop (v2sf);
	(v2sf) =	vpush v34, $0x6  }
0xd5: {  	s1 =	sand.u32 $0xFFFFFE0, s30  }
0xd6: {  	s1 =	sadd.s32 s0, s1;
	s3 =	spop (v2sf)  }
0xd7: {  	(v2sf) =	vpush v34, $0x7;
	[tilespmem:s10], [sflag:$0x1] =	stream.strided.gather [hbm4b:s1+s8], $0x1100, s9, s8, $0x38;
	[tilespmem:$0x15280] =	vst v63  }
0xd8: {  	s1 =	sand.u32 $0xFFFFFE0, s31  }
0xd9: {  	s1 =	sadd.s32 s0, s1  }
0xda: {  	[tilespmem:s11], [sflag:$0x1] =	stream.strided.gather [hbm4b:s1+s8], $0x1100, s9, s8, $0x38;
	[tilespmem:$0x15280] =	vst v63  }
0xdb: {  	s1 =	sand.u32 $0xFFFFFE0, s3;
	s3 =	spop (v2sf)  }
0xdc: {  	s1 =	sadd.s32 s0, s1;
	s30 =	sand.u32 $0xFFFFFE0, s3;
	s31 =	spop (v2sf)  }
0xdd: {  	[tilespmem:s12], [sflag:$0x1] =	stream.strided.gather [hbm4b:s1+s8], $0x1100, s9, s8, $0x38;
	[tilespmem:$0x15280] =	vst v63  }
0xde: {  	s1 =	sadd.s32 s0, s30;
	s30 =	sand.u32 $0xFFFFFE0, s31  }
0xdf: {  	[tilespmem:s13], [sflag:$0x1] =	stream.strided.gather [hbm4b:s1+s8], $0x1100, s9, s8, $0x38;
	[tilespmem:$0x15280] =	vst v63  }
0xe0: {  	s1 =	sadd.s32 s0, s30  }
0xe1: {  	[tilespmem:s14], [sflag:$0x1] =	stream.strided.gather [hbm4b:s1+s8], $0x1100, s9, s8, $0x38;
	[tilespmem:$0x15280] =	vst v63  }
0xe2: {  	s31 =	spop (v2sf)  }
0xe3: {  	s30 =	sand.u32 $0xFFFFFE0, s31;
	s31 =	spop (v2sf)  }
0xe4: {  	s1 =	sadd.s32 s0, s30;
	s30 =	sand.u32 $0xFFFFFE0, s31  }
0xe5: {  	[tilespmem:s15], [sflag:$0x1] =	stream.strided.gather [hbm4b:s1+s8], $0x1100, s9, s8, $0x38;
	[tilespmem:$0x15280] =	vst v63  }
0xe6: {  	s31 =	spop (v2sf);
	s1 =	sadd.s32 s0, s30  }
0xe7: {  	[tilespmem:s16], [sflag:$0x1] =	stream.strided.gather [hbm4b:s1+s8], $0x1100, s9, s8, $0x38;
	[tilespmem:$0x15280] =	vst v63  }
0xe8: {  	s1 =	sand.u32 $0xFFFFFE0, s31  }
0xe9: {  	s1 =	sadd.s32 s0, s1  }
0xea: {  	[tilespmem:s17], [sflag:$0x1] =	stream.strided.gather [hbm4b:s1+s8], $0x1100, s9, s8, $0x38;
	[tilespmem:$0x15280] =	vst v63  }
0xeb: {  	s3 =	simm.s32 $0x0;
	s1 =	simm.s32 $0x8  }
.LBB2_2:
0xec: {  	v34 =	vld [tilespmem:s1+$0x0];
	_ =	sdelay $0x4  }
0xed: {  	v34 =	vshrl.u32 v34, $0x2  }
0xee: {  	(v2sf) =	vpush v34, $0x0;
	_ =	sdelay $0x1  }
0xef: {  	(v2sf) =	vpush v34, $0x1;
	_ =	sdelay $0x2  }
0xf0: {  	(v2sf) =	vpush v34, $0x2;
	_ =	sdelay $0x4  }
0xf1: {  	(v2sf) =	vpush v34, $0x3;
	_ =	sdelay $0x4  }
0xf2: {  	s30 =	spop (v2sf);
	(v2sf) =	vpush v34, $0x4;
	_ =	sdelay $0x1  }
0xf3: {  	s30 =	sand.u32 $0xFFFFFE0, s30;
	s31 =	spop (v2sf);
	(v2sf) =	vpush v34, $0x5  }
0xf4: {  	s30 =	sadd.s32 s0, s30  }
0xf5: {  	[tilespmem:s18], [sflag:$0x2] =	stream.strided.gather [hbm4b:s30+s8], $0x1100, s9, s8, $0x38;
	[tilespmem:$0x15280] =	vst v63  }
0xf6: {  	s30 =	sand.u32 $0xFFFFFE0, s31;
	s31 =	spop (v2sf);
	(v2sf) =	vpush v34, $0x6;
	_ =	sdelay $0x1  }
0xf7: {  	s30 =	sadd.s32 s0, s30  }
0xf8: {  	(v2sf) =	vpush v34, $0x7;
	[tilespmem:s19], [sflag:$0x2] =	stream.strided.gather [hbm4b:s30+s8], $0x1100, s9, s8, $0x38;
	[tilespmem:$0x15280] =	vst v63  }
0xf9: {  	s30 =	sand.u32 $0xFFFFFE0, s31  }
0xfa: {  	s31 =	spop (v2sf);
	s30 =	sadd.s32 s0, s30  }
0xfb: {  	[tilespmem:s20], [sflag:$0x2] =	stream.strided.gather [hbm4b:s30+s8], $0x1100, s9, s8, $0x38;
	[tilespmem:$0x15280] =	vst v63  }
0xfc: {  	s30 =	sand.u32 $0xFFFFFE0, s31  }
0xfd: {  	s30 =	sadd.s32 s0, s30  }
0xfe: {  	[tilespmem:s21], [sflag:$0x2] =	stream.strided.gather [hbm4b:s30+s8], $0x1100, s9, s8, $0x38;
	[tilespmem:$0x15280] =	vst v63  }
0xff: {  	s31 =	spop (v2sf)  }
0x100: {  	s30 =	sand.u32 $0xFFFFFE0, s31  }
0x101: {  	s31 =	spop (v2sf);
	s30 =	sadd.s32 s0, s30  }
0x102: {  	[tilespmem:s22], [sflag:$0x2] =	stream.strided.gather [hbm4b:s30+s8], $0x1100, s9, s8, $0x38;
	[tilespmem:$0x15280] =	vst v63  }
0x103: {  	s30 =	sand.u32 $0xFFFFFE0, s31  }
0x104: {  	s31 =	spop (v2sf);
	s30 =	sadd.s32 s0, s30  }
0x105: {  	[tilespmem:s23], [sflag:$0x2] =	stream.strided.gather [hbm4b:s30+s8], $0x1100, s9, s8, $0x38;
	[tilespmem:$0x15280] =	vst v63  }
0x106: {  	s30 =	sand.u32 $0xFFFFFE0, s31  }
0x107: {  	s31 =	spop (v2sf);
	s30 =	sadd.s32 s0, s30  }
0x108: {  	[tilespmem:s24], [sflag:$0x2] =	stream.strided.gather [hbm4b:s30+s8], $0x1100, s9, s8, $0x38;
	[tilespmem:$0x15280] =	vst v63  }
0x109: {  	s30 =	sand.u32 $0xFFFFFE0, s31  }
0x10a: {  	s30 =	sadd.s32 s0, s30  }
0x10b: {  	[tilespmem:s25], [sflag:$0x2] =	stream.strided.gather [hbm4b:s30+s8], $0x1100, s9, s8, $0x38;
	[tilespmem:$0x15280] =	vst v63  }
0x10c: {  	v34 =	vld [tilespmem:s1+$0xFFFFFFF8];
	_ =	swait.ge [sflag:s26], $0x1100  }
0x10d: {  	[sflag:s26] =	ssyncset.done $0x0  }
0x10e: {  	[sflag:s26] =	ssyncadd.s32 $0xFFFFEF00  }
0x10f: {  	_ =	swait.ge [sflag:s26], $0x1100  }
0x110: {  	[sflag:s26] =	ssyncset.done $0x0  }
0x111: {  	[sflag:s26] =	ssyncadd.s32 $0xFFFFEF00  }
0x112: {  	_ =	swait.ge [sflag:s26], $0x1100  }
0x113: {  	[sflag:s26] =	ssyncset.done $0x0  }
0x114: {  	[sflag:s26] =	ssyncadd.s32 $0xFFFFEF00  }
0x115: {  	_ =	swait.ge [sflag:s26], $0x1100  }
0x116: {  	[sflag:s26] =	ssyncset.done $0x0  }
0x117: {  	[sflag:s26] =	ssyncadd.s32 $0xFFFFEF00  }
0x118: {  	_ =	swait.ge [sflag:s26], $0x1100  }
0x119: {  	[sflag:s26] =	ssyncset.done $0x0  }
0x11a: {  	[sflag:s26] =	ssyncadd.s32 $0xFFFFEF00  }
0x11b: {  	_ =	swait.ge [sflag:s26], $0x1100  }
0x11c: {  	[sflag:s26] =	ssyncset.done $0x0  }
0x11d: {  	[sflag:s26] =	ssyncadd.s32 $0xFFFFEF00  }
0x11e: {  	_ =	swait.ge [sflag:s26], $0x1100  }
0x11f: {  	[sflag:s26] =	ssyncset.done $0x0  }
0x120: {  	[sflag:s26] =	ssyncadd.s32 $0xFFFFEF00  }
0x121: {  	_ =	swait.ge [sflag:s26], $0x1100  }
0x122: {  	(v2sf) =	vpush v34, $0x0;
	_ =	sdelay $0xe  }
0x123: {  	s31 =	spop (v2sf)  }
0x124: {  	s30 =	sand.u32 $0x7F, s31  }
0x125: {  	v35 =	vmov s30  }
0x126: {  	v36 =	vor.u32 $0x1000, v35;
	_ =	sdelay $0x2  }
0x127: {  	[sflag:s26] =	ssyncset.done $0x0  }
0x128: {  	[sflag:s26] =	ssyncadd.s32 $0xFFFFEF00  }
0x129: {  	v36 =	vld.idx.msk [tilespmem:v36+s10+$0x0], $0xffff;
	_ =	sdelay $0x4  }
0x12a: {  	v37 =	vor.u32 s30, v0;
	(erf) = vrcp.f32 v36;
	_ =	sdelay $0x2  }
0x12b: {  	v36 =	vmov s3  }
0x12c: {  	v38 =	vshll.u32 v36, $0x3  }
0x12d: {  	v37 =	vld.idx.msk [tilespmem:v37+s10+$0x0], $0xffff;
	v36 =	vand.u32 $0x70, v36;
	v38 =	vand.u32 $0xC00, v38  }
0x12e: {  	v36 =	vor.u32 v36, v38  }
0x12f: {  	v38 =	vor.u32 v1, v36  }
0x130: {  	(v2sf) =	vpush v34, $0x1;
	v35 =	vor.u32 $0x1080, v35  }
0x131: {  	v39 =	vpop (erf)  }
0x132: {  	v37 =	vmul.f32 v39, v37;
	_ =	sdelay $0x1  }
0x133: {  	[tilespmem:v38+s28+$0x0] =	vst.idx.msk $0xffff, v37  }
0x134: {  	v35 =	vld.idx.msk [tilespmem:v35+s10+$0x0], $0xffff;
	_ =	sdelay $0x4  }
0x135: {  	v37 =	vor.u32 s30, v2;
	(erf) = vrcp.f32 v35;
	_ =	sdelay $0x4  }
0x136: {  	s31 =	spop (v2sf);
	v35 =	vld.idx.msk [tilespmem:v37+s10+$0x0], $0xffff  }
0x137: {  	s30 =	sand.u32 $0x7F, s31  }
0x138: {  	v36 =	vor.u32 v3, v36;
	v37 =	vmov s30  }
0x139: {  	v38 =	vor.u32 $0x2100, v37  }
0x13a: {  	v39 =	vpop (erf)  }
0x13b: {  	v35 =	vmul.f32 v39, v35;
	_ =	sdelay $0x1  }
0x13c: {  	[tilespmem:v36+s28+$0x0] =	vst.idx.msk $0xffff, v35  }
0x13d: {  	v35 =	vld.idx.msk [tilespmem:v38+s10+$0x0], $0xffff;
	_ =	sdelay $0x4  }
0x13e: {  	v36 =	vor.u32 s30, v4;
	(erf) = vrcp.f32 v35;
	_ =	sdelay $0x1  }
0x13f: {  	s31 =	sadd.s32 $0x1, s3  }
0x140: {  	v35 =	vmov s31  }
0x141: {  	v38 =	vshll.u32 v35, $0x3  }
0x142: {  	v36 =	vld.idx.msk [tilespmem:v36+s10+$0x0], $0xffff;
	v35 =	vand.u32 $0x71, v35;
	v38 =	vand.u32 $0xC00, v38  }
0x143: {  	v35 =	vor.u32 v35, v38  }
0x144: {  	v38 =	vor.u32 v1, v35  }
0x145: {  	(v2sf) =	vpush v34, $0x2;
	v37 =	vor.u32 $0x2180, v37  }
0x146: {  	v39 =	vpop (erf)  }
0x147: {  	v36 =	vmul.f32 v39, v36;
	_ =	sdelay $0x1  }
0x148: {  	[tilespmem:v38+s28+$0x0] =	vst.idx.msk $0xffff, v36  }
0x149: {  	v36 =	vld.idx.msk [tilespmem:v37+s10+$0x0], $0xffff;
	_ =	sdelay $0x4  }
0x14a: {  	v37 =	vor.u32 s30, v5;
	(erf) = vrcp.f32 v36;
	_ =	sdelay $0x4  }
0x14b: {  	s31 =	spop (v2sf);
	v36 =	vld.idx.msk [tilespmem:v37+s10+$0x0], $0xffff  }
0x14c: {  	s30 =	sand.u32 $0x7F, s31  }
0x14d: {  	v35 =	vor.u32 v3, v35;
	v37 =	vmov s30  }
0x14e: {  	v38 =	vor.u32 $0x3200, v37  }
0x14f: {  	v39 =	vpop (erf)  }
0x150: {  	v36 =	vmul.f32 v39, v36;
	_ =	sdelay $0x1  }
0x151: {  	[tilespmem:v35+s28+$0x0] =	vst.idx.msk $0xffff, v36  }
0x152: {  	v35 =	vld.idx.msk [tilespmem:v38+s10+$0x0], $0xffff;
	_ =	sdelay $0x4  }
0x153: {  	v36 =	vor.u32 s30, v6;
	(erf) = vrcp.f32 v35;
	_ =	sdelay $0x1  }
0x154: {  	s31 =	sadd.s32 $0x2, s3  }
0x155: {  	v35 =	vmov s31  }
0x156: {  	v38 =	vshll.u32 v35, $0x3  }
0x157: {  	v36 =	vld.idx.msk [tilespmem:v36+s10+$0x0], $0xffff;
	v35 =	vand.u32 $0x72, v35;
	v38 =	vand.u32 $0xC00, v38  }
0x158: {  	v35 =	vor.u32 v35, v38  }
0x159: {  	v38 =	vor.u32 v1, v35  }
0x15a: {  	(v2sf) =	vpush v34, $0x3;
	v37 =	vor.u32 $0x3280, v37  }
0x15b: {  	v39 =	vpop (erf)  }
0x15c: {  	v36 =	vmul.f32 v39, v36;
	_ =	sdelay $0x1  }
0x15d: {  	[tilespmem:v38+s28+$0x0] =	vst.idx.msk $0xffff, v36  }
0x15e: {  	v36 =	vld.idx.msk [tilespmem:v37+s10+$0x0], $0xffff;
	_ =	sdelay $0x4  }
0x15f: {  	v37 =	vor.u32 s30, v7;
	(erf) = vrcp.f32 v36;
	_ =	sdelay $0x4  }
0x160: {  	s31 =	spop (v2sf);
	v36 =	vld.idx.msk [tilespmem:v37+s10+$0x0], $0xffff  }
0x161: {  	s30 =	sand.u32 $0x7F, s31  }
0x162: {  	v35 =	vor.u32 v3, v35;
	v37 =	vmov s30  }
0x163: {  	v38 =	vor.u32 $0x4300, v37  }
0x164: {  	v39 =	vpop (erf)  }
0x165: {  	v36 =	vmul.f32 v39, v36;
	_ =	sdelay $0x1  }
0x166: {  	[tilespmem:v35+s28+$0x0] =	vst.idx.msk $0xffff, v36  }
0x167: {  	v35 =	vld.idx.msk [tilespmem:v38+s10+$0x0], $0xffff;
	_ =	sdelay $0x4  }
0x168: {  	v36 =	vor.u32 s30, v8;
	(erf) = vrcp.f32 v35;
	_ =	sdelay $0x1  }
0x169: {  	s31 =	sadd.s32 $0x3, s3  }
0x16a: {  	v35 =	vmov s31  }
0x16b: {  	v38 =	vshll.u32 v35, $0x3  }
0x16c: {  	v36 =	vld.idx.msk [tilespmem:v36+s10+$0x0], $0xffff;
	v35 =	vand.u32 $0x73, v35;
	v38 =	vand.u32 $0xC00, v38  }
0x16d: {  	v35 =	vor.u32 v35, v38  }
0x16e: {  	v38 =	vor.u32 v1, v35  }
0x16f: {  	(v2sf) =	vpush v34, $0x4;
	v37 =	vor.u32 $0x4380, v37  }
0x170: {  	v39 =	vpop (erf)  }
0x171: {  	v36 =	vmul.f32 v39, v36;
	_ =	sdelay $0x1  }
0x172: {  	[tilespmem:v38+s28+$0x0] =	vst.idx.msk $0xffff, v36  }
0x173: {  	v36 =	vld.idx.msk [tilespmem:v37+s10+$0x0], $0xffff;
	_ =	sdelay $0x4  }
0x174: {  	v37 =	vor.u32 s30, v9;
	(erf) = vrcp.f32 v36;
	_ =	sdelay $0x4  }
0x175: {  	s31 =	spop (v2sf);
	v36 =	vld.idx.msk [tilespmem:v37+s10+$0x0], $0xffff  }
0x176: {  	s30 =	sand.u32 $0x7F, s31  }
0x177: {  	v35 =	vor.u32 v3, v35;
	v37 =	vmov s30  }
0x178: {  	v38 =	vor.u32 $0x5400, v37  }
0x179: {  	v39 =	vpop (erf)  }
0x17a: {  	v36 =	vmul.f32 v39, v36;
	_ =	sdelay $0x1  }
0x17b: {  	[tilespmem:v35+s28+$0x0] =	vst.idx.msk $0xffff, v36  }
0x17c: {  	v35 =	vld.idx.msk [tilespmem:v38+s10+$0x0], $0xffff;
	_ =	sdelay $0x4  }
0x17d: {  	v36 =	vor.u32 s30, v10;
	(erf) = vrcp.f32 v35;
	_ =	sdelay $0x1  }
0x17e: {  	s31 =	sadd.s32 $0x4, s3  }
0x17f: {  	v35 =	vmov s31  }
0x180: {  	v38 =	vshll.u32 v35, $0x3  }
0x181: {  	v36 =	vld.idx.msk [tilespmem:v36+s10+$0x0], $0xffff;
	v35 =	vand.u32 $0x74, v35;
	v38 =	vand.u32 $0xC00, v38  }
0x182: {  	v35 =	vor.u32 v35, v38  }
0x183: {  	v38 =	vor.u32 v1, v35  }
0x184: {  	(v2sf) =	vpush v34, $0x5;
	v37 =	vor.u32 $0x5480, v37  }
0x185: {  	v39 =	vpop (erf)  }
0x186: {  	v36 =	vmul.f32 v39, v36;
	_ =	sdelay $0x1  }
0x187: {  	[tilespmem:v38+s28+$0x0] =	vst.idx.msk $0xffff, v36  }
0x188: {  	v36 =	vld.idx.msk [tilespmem:v37+s10+$0x0], $0xffff;
	_ =	sdelay $0x4  }
0x189: {  	v37 =	vor.u32 s30, v11;
	(erf) = vrcp.f32 v36;
	_ =	sdelay $0x4  }
0x18a: {  	s31 =	spop (v2sf);
	v36 =	vld.idx.msk [tilespmem:v37+s10+$0x0], $0xffff  }
0x18b: {  	s30 =	sand.u32 $0x7F, s31  }
0x18c: {  	v35 =	vor.u32 v3, v35;
	v37 =	vmov s30  }
0x18d: {  	v38 =	vor.u32 $0x6500, v37  }
0x18e: {  	v39 =	vpop (erf)  }
0x18f: {  	v36 =	vmul.f32 v39, v36;
	_ =	sdelay $0x1  }
0x190: {  	[tilespmem:v35+s28+$0x0] =	vst.idx.msk $0xffff, v36  }
0x191: {  	v35 =	vld.idx.msk [tilespmem:v38+s10+$0x0], $0xffff;
	_ =	sdelay $0x4  }
0x192: {  	v36 =	vor.u32 s30, v12;
	(erf) = vrcp.f32 v35;
	_ =	sdelay $0x1  }
0x193: {  	s31 =	sadd.s32 $0x5, s3  }
0x194: {  	v35 =	vmov s31  }
0x195: {  	v38 =	vshll.u32 v35, $0x3  }
0x196: {  	v36 =	vld.idx.msk [tilespmem:v36+s10+$0x0], $0xffff;
	v35 =	vand.u32 $0x75, v35;
	v38 =	vand.u32 $0xC00, v38  }
0x197: {  	v35 =	vor.u32 v35, v38  }
0x198: {  	v38 =	vor.u32 v1, v35  }
0x199: {  	(v2sf) =	vpush v34, $0x6;
	v37 =	vor.u32 $0x6580, v37  }
0x19a: {  	v39 =	vpop (erf)  }
0x19b: {  	v36 =	vmul.f32 v39, v36;
	_ =	sdelay $0x1  }
0x19c: {  	[tilespmem:v38+s28+$0x0] =	vst.idx.msk $0xffff, v36  }
0x19d: {  	v36 =	vld.idx.msk [tilespmem:v37+s10+$0x0], $0xffff;
	_ =	sdelay $0x4  }
0x19e: {  	v37 =	vor.u32 s30, v13;
	(erf) = vrcp.f32 v36;
	_ =	sdelay $0x4  }
0x19f: {  	s31 =	spop (v2sf);
	v36 =	vld.idx.msk [tilespmem:v37+s10+$0x0], $0xffff  }
0x1a0: {  	s30 =	sand.u32 $0x7F, s31  }
0x1a1: {  	v35 =	vor.u32 v3, v35;
	v37 =	vmov s30  }
0x1a2: {  	v38 =	vor.u32 $0x7600, v37  }
0x1a3: {  	v39 =	vpop (erf)  }
0x1a4: {  	v36 =	vmul.f32 v39, v36;
	_ =	sdelay $0x1  }
0x1a5: {  	[tilespmem:v35+s28+$0x0] =	vst.idx.msk $0xffff, v36  }
0x1a6: {  	v35 =	vld.idx.msk [tilespmem:v38+s10+$0x0], $0xffff;
	_ =	sdelay $0x4  }
0x1a7: {  	v36 =	vor.u32 s30, v14;
	(erf) = vrcp.f32 v35;
	_ =	sdelay $0x1  }
0x1a8: {  	s31 =	sadd.s32 $0x6, s3  }
0x1a9: {  	v35 =	vmov s31  }
0x1aa: {  	v38 =	vshll.u32 v35, $0x3  }
0x1ab: {  	v36 =	vld.idx.msk [tilespmem:v36+s10+$0x0], $0xffff;
	v35 =	vand.u32 $0x76, v35;
	v38 =	vand.u32 $0xC00, v38  }
0x1ac: {  	v35 =	vor.u32 v35, v38  }
0x1ad: {  	v38 =	vor.u32 v1, v35  }
0x1ae: {  	(v2sf) =	vpush v34, $0x7;
	v37 =	vor.u32 $0x7680, v37  }
0x1af: {  	v39 =	vpop (erf)  }
0x1b0: {  	v34 =	vmul.f32 v39, v36;
	_ =	sdelay $0x1  }
0x1b1: {  	[tilespmem:v38+s28+$0x0] =	vst.idx.msk $0xffff, v34  }
0x1b2: {  	v34 =	vld.idx.msk [tilespmem:v37+s10+$0x0], $0xffff;
	_ =	sdelay $0x4  }
0x1b3: {  	v36 =	vor.u32 s30, v15;
	(erf) = vrcp.f32 v34;
	_ =	sdelay $0x4  }
0x1b4: {  	s31 =	spop (v2sf);
	v34 =	vld.idx.msk [tilespmem:v36+s10+$0x0], $0xffff  }
0x1b5: {  	s30 =	sand.u32 $0x7F, s31  }
0x1b6: {  	v35 =	vor.u32 v3, v35;
	v36 =	vmov s30  }
0x1b7: {  	v37 =	vor.u32 $0x8700, v36  }
0x1b8: {  	v38 =	vpop (erf)  }
0x1b9: {  	v34 =	vmul.f32 v38, v34;
	_ =	sdelay $0x1  }
0x1ba: {  	[tilespmem:v35+s28+$0x0] =	vst.idx.msk $0xffff, v34  }
0x1bb: {  	v34 =	vld.idx.msk [tilespmem:v37+s10+$0x0], $0xffff;
	_ =	sdelay $0x4  }
0x1bc: {  	v35 =	vor.u32 s30, v16;
	(erf) = vrcp.f32 v34;
	_ =	sdelay $0x1  }
0x1bd: {  	s31 =	sadd.s32 $0x7, s3  }
0x1be: {  	v34 =	vmov s31  }
0x1bf: {  	v37 =	vshll.u32 v34, $0x3  }
0x1c0: {  	v35 =	vld.idx.msk [tilespmem:v35+s10+$0x0], $0xffff;
	v34 =	vand.u32 $0x77, v34;
	v37 =	vand.u32 $0xC00, v37  }
0x1c1: {  	v34 =	vor.u32 v34, v37  }
0x1c2: {  	v37 =	vor.u32 v1, v34  }
0x1c3: {  	v36 =	vor.u32 $0x8780, v36  }
0x1c4: {  	v38 =	vpop (erf)  }
0x1c5: {  	v35 =	vmul.f32 v38, v35;
	_ =	sdelay $0x1  }
0x1c6: {  	[tilespmem:v37+s28+$0x0] =	vst.idx.msk $0xffff, v35  }
0x1c7: {  	v35 =	vld.idx.msk [tilespmem:v36+s10+$0x0], $0xffff;
	_ =	sdelay $0x4  }
0x1c8: {  	v36 =	vor.u32 s30, v17;
	(erf) = vrcp.f32 v35;
	_ =	sdelay $0x4  }
0x1c9: {  	v35 =	vld.idx.msk [tilespmem:v36+s10+$0x0], $0xffff;
	_ =	sdelay $0x1  }
0x1ca: {  	v34 =	vor.u32 v3, v34;
	_ =	sdelay $0x1  }
0x1cb: {  	v36 =	vpop (erf)  }
0x1cc: {  	v35 =	vmul.f32 v36, v35;
	_ =	sdelay $0x1  }
0x1cd: {  	[tilespmem:v34+s28+$0x0] =	vst.idx.msk $0xffff, v35  }
0x1ce: {  	v34 =	vld [tilespmem:s1+$0x8];
	_ =	sdelay $0x4  }
0x1cf: {  	v34 =	vshrl.u32 v34, $0x2  }
0x1d0: {  	(v2sf) =	vpush v34, $0x0;
	_ =	sdelay $0x1  }
0x1d1: {  	(v2sf) =	vpush v34, $0x1;
	_ =	sdelay $0x2  }
0x1d2: {  	(v2sf) =	vpush v34, $0x2;
	_ =	sdelay $0x2  }
0x1d3: {  	(v2sf) =	vpush v34, $0x3;
	_ =	sdelay $0x2  }
0x1d4: {  	(v2sf) =	vpush v34, $0x4;
	_ =	sdelay $0x3  }
0x1d5: {  	s31 =	spop (v2sf)  }
0x1d6: {  	(v2sf) =	vpush v34, $0x5;
	s30 =	sand.u32 $0xFFFFFE0, s31  }
0x1d7: {  	s31 =	spop (v2sf);
	(v2sf) =	vpush v34, $0x6;
	s30 =	sadd.s32 s0, s30  }
0x1d8: {  	[tilespmem:s10], [sflag:$0x1] =	stream.strided.gather [hbm4b:s30+s8], $0x1100, s9, s8, $0x38;
	[tilespmem:$0x15280] =	vst v63  }
0x1d9: {  	s30 =	sand.u32 $0xFFFFFE0, s31  }
0x1da: {  	s31 =	spop (v2sf);
	(v2sf) =	vpush v34, $0x7;
	s30 =	sadd.s32 s0, s30  }
0x1db: {  	[tilespmem:s11], [sflag:$0x1] =	stream.strided.gather [hbm4b:s30+s8], $0x1100, s9, s8, $0x38;
	[tilespmem:$0x15280] =	vst v63  }
0x1dc: {  	s30 =	sand.u32 $0xFFFFFE0, s31  }
0x1dd: {  	s31 =	spop (v2sf);
	s30 =	sadd.s32 s0, s30  }
0x1de: {  	[tilespmem:s12], [sflag:$0x1] =	stream.strided.gather [hbm4b:s30+s8], $0x1100, s9, s8, $0x38;
	[tilespmem:$0x15280] =	vst v63  }
0x1df: {  	s30 =	sand.u32 $0xFFFFFE0, s31  }
0x1e0: {  	s31 =	spop (v2sf);
	s30 =	sadd.s32 s0, s30  }
0x1e1: {  	[tilespmem:s13], [sflag:$0x1] =	stream.strided.gather [hbm4b:s30+s8], $0x1100, s9, s8, $0x38;
	[tilespmem:$0x15280] =	vst v63  }
0x1e2: {  	s30 =	sand.u32 $0xFFFFFE0, s31  }
0x1e3: {  	s30 =	sadd.s32 s0, s30  }
0x1e4: {  	[tilespmem:s14], [sflag:$0x1] =	stream.strided.gather [hbm4b:s30+s8], $0x1100, s9, s8, $0x38;
	[tilespmem:$0x15280] =	vst v63  }
0x1e5: {  	s31 =	spop (v2sf)  }
0x1e6: {  	s30 =	sand.u32 $0xFFFFFE0, s31;
	s31 =	spop (v2sf)  }
0x1e7: {  	s30 =	sadd.s32 s0, s30;
	s31 =	sand.u32 $0xFFFFFE0, s31  }
0x1e8: {  	[tilespmem:s15], [sflag:$0x1] =	stream.strided.gather [hbm4b:s30+s8], $0x1100, s9, s8, $0x38;
	[tilespmem:$0x15280] =	vst v63  }
0x1e9: {  	s30 =	sadd.s32 s0, s31;
	s31 =	spop (v2sf)  }
0x1ea: {  	[tilespmem:s16], [sflag:$0x1] =	stream.strided.gather [hbm4b:s30+s8], $0x1100, s9, s8, $0x38;
	[tilespmem:$0x15280] =	vst v63  }
0x1eb: {  	s30 =	sand.u32 $0xFFFFFE0, s31  }
0x1ec: {  	s30 =	sadd.s32 s0, s30  }
0x1ed: {  	[tilespmem:s17], [sflag:$0x1] =	stream.strided.gather [hbm4b:s30+s8], $0x1100, s9, s8, $0x38;
	[tilespmem:$0x15280] =	vst v63  }
0x1ee: {  	v34 =	vld [tilespmem:s1+$0x0];
	_ =	swait.ge [sflag:s29], $0x1100  }
0x1ef: {  	[sflag:s29] =	ssyncset.done $0x0  }
0x1f0: {  	[sflag:s29] =	ssyncadd.s32 $0xFFFFEF00  }
0x1f1: {  	_ =	swait.ge [sflag:s29], $0x1100  }
0x1f2: {  	[sflag:s29] =	ssyncset.done $0x0  }
0x1f3: {  	[sflag:s29] =	ssyncadd.s32 $0xFFFFEF00  }
0x1f4: {  	_ =	swait.ge [sflag:s29], $0x1100  }
0x1f5: {  	[sflag:s29] =	ssyncset.done $0x0  }
0x1f6: {  	[sflag:s29] =	ssyncadd.s32 $0xFFFFEF00  }
0x1f7: {  	_ =	swait.ge [sflag:s29], $0x1100  }
0x1f8: {  	[sflag:s29] =	ssyncset.done $0x0  }
0x1f9: {  	[sflag:s29] =	ssyncadd.s32 $0xFFFFEF00  }
0x1fa: {  	_ =	swait.ge [sflag:s29], $0x1100  }
0x1fb: {  	[sflag:s29] =	ssyncset.done $0x0  }
0x1fc: {  	[sflag:s29] =	ssyncadd.s32 $0xFFFFEF00  }
0x1fd: {  	_ =	swait.ge [sflag:s29], $0x1100  }
0x1fe: {  	[sflag:s29] =	ssyncset.done $0x0  }
0x1ff: {  	[sflag:s29] =	ssyncadd.s32 $0xFFFFEF00  }
0x200: {  	_ =	swait.ge [sflag:s29], $0x1100  }
0x201: {  	[sflag:s29] =	ssyncset.done $0x0  }
0x202: {  	[sflag:s29] =	ssyncadd.s32 $0xFFFFEF00  }
0x203: {  	_ =	swait.ge [sflag:s29], $0x1100  }
0x204: {  	(v2sf) =	vpush v34, $0x0;
	_ =	sdelay $0xe  }
0x205: {  	s31 =	spop (v2sf)  }
0x206: {  	s30 =	sand.u32 $0x7F, s31  }
0x207: {  	v35 =	vmov s30  }
0x208: {  	v36 =	vor.u32 $0x9800, v35;
	_ =	sdelay $0x2  }
0x209: {  	[sflag:s29] =	ssyncset.done $0x0  }
0x20a: {  	[sflag:s29] =	ssyncadd.s32 $0xFFFFEF00  }
0x20b: {  	v36 =	vld.idx.msk [tilespmem:v36+s10+$0x0], $0xffff;
	_ =	sdelay $0x4  }
0x20c: {  	v37 =	vor.u32 s30, v18;
	(erf) = vrcp.f32 v36;
	_ =	sdelay $0x1  }
0x20d: {  	s31 =	sadd.s32 $0x8, s3  }
0x20e: {  	v36 =	vmov s31  }
0x20f: {  	v38 =	vshll.u32 v36, $0x3  }
0x210: {  	v37 =	vld.idx.msk [tilespmem:v37+s10+$0x0], $0xffff;
	v36 =	vand.u32 $0x78, v36;
	v38 =	vand.u32 $0xC00, v38  }
0x211: {  	v36 =	vor.u32 v36, v38  }
0x212: {  	v38 =	vor.u32 v1, v36  }
0x213: {  	(v2sf) =	vpush v34, $0x1;
	v35 =	vor.u32 $0x9880, v35  }
0x214: {  	v39 =	vpop (erf)  }
0x215: {  	v37 =	vmul.f32 v39, v37;
	_ =	sdelay $0x1  }
0x216: {  	[tilespmem:v38+s28+$0x0] =	vst.idx.msk $0xffff, v37  }
0x217: {  	v35 =	vld.idx.msk [tilespmem:v35+s10+$0x0], $0xffff;
	_ =	sdelay $0x4  }
0x218: {  	v37 =	vor.u32 s30, v19;
	(erf) = vrcp.f32 v35;
	_ =	sdelay $0x4  }
0x219: {  	s31 =	spop (v2sf);
	v35 =	vld.idx.msk [tilespmem:v37+s10+$0x0], $0xffff  }
0x21a: {  	s30 =	sand.u32 $0x7F, s31  }
0x21b: {  	v36 =	vor.u32 v3, v36;
	v37 =	vmov s30  }
0x21c: {  	v38 =	vor.u32 $0xA900, v37  }
0x21d: {  	v39 =	vpop (erf)  }
0x21e: {  	v35 =	vmul.f32 v39, v35;
	_ =	sdelay $0x1  }
0x21f: {  	[tilespmem:v36+s28+$0x0] =	vst.idx.msk $0xffff, v35  }
0x220: {  	v35 =	vld.idx.msk [tilespmem:v38+s10+$0x0], $0xffff;
	_ =	sdelay $0x4  }
0x221: {  	v36 =	vor.u32 s30, v20;
	(erf) = vrcp.f32 v35;
	_ =	sdelay $0x1  }
0x222: {  	s31 =	sadd.s32 $0x9, s3  }
0x223: {  	v35 =	vmov s31  }
0x224: {  	v38 =	vshll.u32 v35, $0x3  }
0x225: {  	v36 =	vld.idx.msk [tilespmem:v36+s10+$0x0], $0xffff;
	v35 =	vand.u32 $0x79, v35;
	v38 =	vand.u32 $0xC00, v38  }
0x226: {  	v35 =	vor.u32 v35, v38  }
0x227: {  	v38 =	vor.u32 v1, v35  }
0x228: {  	(v2sf) =	vpush v34, $0x2;
	v37 =	vor.u32 $0xA980, v37  }
0x229: {  	v39 =	vpop (erf)  }
0x22a: {  	v36 =	vmul.f32 v39, v36;
	_ =	sdelay $0x1  }
0x22b: {  	[tilespmem:v38+s28+$0x0] =	vst.idx.msk $0xffff, v36  }
0x22c: {  	v36 =	vld.idx.msk [tilespmem:v37+s10+$0x0], $0xffff;
	_ =	sdelay $0x4  }
0x22d: {  	v37 =	vor.u32 s30, v21;
	(erf) = vrcp.f32 v36;
	_ =	sdelay $0x4  }
0x22e: {  	s31 =	spop (v2sf);
	v36 =	vld.idx.msk [tilespmem:v37+s10+$0x0], $0xffff  }
0x22f: {  	s30 =	sand.u32 $0x7F, s31  }
0x230: {  	v35 =	vor.u32 v3, v35;
	v37 =	vmov s30  }
0x231: {  	v38 =	vor.u32 $0xBA00, v37  }
0x232: {  	v39 =	vpop (erf)  }
0x233: {  	v36 =	vmul.f32 v39, v36;
	_ =	sdelay $0x1  }
0x234: {  	[tilespmem:v35+s28+$0x0] =	vst.idx.msk $0xffff, v36  }
0x235: {  	v35 =	vld.idx.msk [tilespmem:v38+s10+$0x0], $0xffff;
	_ =	sdelay $0x4  }
0x236: {  	v36 =	vor.u32 s30, v22;
	(erf) = vrcp.f32 v35;
	_ =	sdelay $0x1  }
0x237: {  	s31 =	sadd.s32 $0xA, s3  }
0x238: {  	v35 =	vmov s31  }
0x239: {  	v38 =	vshll.u32 v35, $0x3  }
0x23a: {  	v36 =	vld.idx.msk [tilespmem:v36+s10+$0x0], $0xffff;
	v35 =	vand.u32 $0x7A, v35;
	v38 =	vand.u32 $0xC00, v38  }
0x23b: {  	v35 =	vor.u32 v35, v38  }
0x23c: {  	v38 =	vor.u32 v1, v35  }
0x23d: {  	(v2sf) =	vpush v34, $0x3;
	v37 =	vor.u32 $0xBA80, v37  }
0x23e: {  	v39 =	vpop (erf)  }
0x23f: {  	v36 =	vmul.f32 v39, v36;
	_ =	sdelay $0x1  }
0x240: {  	[tilespmem:v38+s28+$0x0] =	vst.idx.msk $0xffff, v36  }
0x241: {  	v36 =	vld.idx.msk [tilespmem:v37+s10+$0x0], $0xffff;
	_ =	sdelay $0x4  }
0x242: {  	v37 =	vor.u32 s30, v23;
	(erf) = vrcp.f32 v36;
	_ =	sdelay $0x4  }
0x243: {  	s31 =	spop (v2sf);
	v36 =	vld.idx.msk [tilespmem:v37+s10+$0x0], $0xffff  }
0x244: {  	s30 =	sand.u32 $0x7F, s31  }
0x245: {  	v35 =	vor.u32 v3, v35;
	v37 =	vmov s30  }
0x246: {  	v38 =	vor.u32 $0xCB00, v37  }
0x247: {  	v39 =	vpop (erf)  }
0x248: {  	v36 =	vmul.f32 v39, v36;
	_ =	sdelay $0x1  }
0x249: {  	[tilespmem:v35+s28+$0x0] =	vst.idx.msk $0xffff, v36  }
0x24a: {  	v35 =	vld.idx.msk [tilespmem:v38+s10+$0x0], $0xffff;
	_ =	sdelay $0x4  }
0x24b: {  	v36 =	vor.u32 s30, v24;
	(erf) = vrcp.f32 v35;
	_ =	sdelay $0x1  }
0x24c: {  	s31 =	sadd.s32 $0xB, s3  }
0x24d: {  	v35 =	vmov s31  }
0x24e: {  	v38 =	vshll.u32 v35, $0x3  }
0x24f: {  	v36 =	vld.idx.msk [tilespmem:v36+s10+$0x0], $0xffff;
	v35 =	vand.u32 $0x7B, v35;
	v38 =	vand.u32 $0xC00, v38  }
0x250: {  	v35 =	vor.u32 v35, v38  }
0x251: {  	v38 =	vor.u32 v1, v35  }
0x252: {  	(v2sf) =	vpush v34, $0x4;
	v37 =	vor.u32 $0xCB80, v37  }
0x253: {  	v39 =	vpop (erf)  }
0x254: {  	v36 =	vmul.f32 v39, v36;
	_ =	sdelay $0x1  }
0x255: {  	[tilespmem:v38+s28+$0x0] =	vst.idx.msk $0xffff, v36  }
0x256: {  	v36 =	vld.idx.msk [tilespmem:v37+s10+$0x0], $0xffff;
	_ =	sdelay $0x4  }
0x257: {  	v37 =	vor.u32 s30, v25;
	(erf) = vrcp.f32 v36;
	_ =	sdelay $0x4  }
0x258: {  	s31 =	spop (v2sf);
	v36 =	vld.idx.msk [tilespmem:v37+s10+$0x0], $0xffff  }
0x259: {  	s30 =	sand.u32 $0x7F, s31  }
0x25a: {  	v35 =	vor.u32 v3, v35;
	v37 =	vmov s30  }
0x25b: {  	v38 =	vor.u32 $0xDC00, v37  }
0x25c: {  	v39 =	vpop (erf)  }
0x25d: {  	v36 =	vmul.f32 v39, v36;
	_ =	sdelay $0x1  }
0x25e: {  	[tilespmem:v35+s28+$0x0] =	vst.idx.msk $0xffff, v36  }
0x25f: {  	v35 =	vld.idx.msk [tilespmem:v38+s10+$0x0], $0xffff;
	_ =	sdelay $0x4  }
0x260: {  	v36 =	vor.u32 s30, v26;
	(erf) = vrcp.f32 v35;
	_ =	sdelay $0x1  }
0x261: {  	s31 =	sadd.s32 $0xC, s3  }
0x262: {  	v35 =	vmov s31  }
0x263: {  	v38 =	vshll.u32 v35, $0x3  }
0x264: {  	v36 =	vld.idx.msk [tilespmem:v36+s10+$0x0], $0xffff;
	v35 =	vand.u32 $0x7C, v35;
	v38 =	vand.u32 $0xC00, v38  }
0x265: {  	v35 =	vor.u32 v35, v38  }
0x266: {  	v38 =	vor.u32 v1, v35  }
0x267: {  	(v2sf) =	vpush v34, $0x5;
	v37 =	vor.u32 $0xDC80, v37  }
0x268: {  	v39 =	vpop (erf)  }
0x269: {  	v36 =	vmul.f32 v39, v36;
	_ =	sdelay $0x1  }
0x26a: {  	[tilespmem:v38+s28+$0x0] =	vst.idx.msk $0xffff, v36  }
0x26b: {  	v36 =	vld.idx.msk [tilespmem:v37+s10+$0x0], $0xffff;
	_ =	sdelay $0x4  }
0x26c: {  	v37 =	vor.u32 s30, v27;
	(erf) = vrcp.f32 v36;
	_ =	sdelay $0x4  }
0x26d: {  	s31 =	spop (v2sf);
	v36 =	vld.idx.msk [tilespmem:v37+s10+$0x0], $0xffff  }
0x26e: {  	s30 =	sand.u32 $0x7F, s31  }
0x26f: {  	v35 =	vor.u32 v3, v35;
	v37 =	vmov s30  }
0x270: {  	v38 =	vor.u32 $0xED00, v37  }
0x271: {  	v39 =	vpop (erf)  }
0x272: {  	v36 =	vmul.f32 v39, v36;
	_ =	sdelay $0x1  }
0x273: {  	[tilespmem:v35+s28+$0x0] =	vst.idx.msk $0xffff, v36  }
0x274: {  	v35 =	vld.idx.msk [tilespmem:v38+s10+$0x0], $0xffff;
	_ =	sdelay $0x4  }
0x275: {  	v36 =	vor.u32 s30, v28;
	(erf) = vrcp.f32 v35;
	_ =	sdelay $0x1  }
0x276: {  	s31 =	sadd.s32 $0xD, s3  }
0x277: {  	v35 =	vmov s31  }
0x278: {  	v38 =	vshll.u32 v35, $0x3  }
0x279: {  	v36 =	vld.idx.msk [tilespmem:v36+s10+$0x0], $0xffff;
	v35 =	vand.u32 $0x7D, v35;
	v38 =	vand.u32 $0xC00, v38  }
0x27a: {  	v35 =	vor.u32 v35, v38  }
0x27b: {  	v38 =	vor.u32 v1, v35  }
0x27c: {  	(v2sf) =	vpush v34, $0x6;
	v37 =	vor.u32 $0xED80, v37  }
0x27d: {  	v39 =	vpop (erf)  }
0x27e: {  	v36 =	vmul.f32 v39, v36;
	_ =	sdelay $0x1  }
0x27f: {  	[tilespmem:v38+s28+$0x0] =	vst.idx.msk $0xffff, v36  }
0x280: {  	v36 =	vld.idx.msk [tilespmem:v37+s10+$0x0], $0xffff;
	_ =	sdelay $0x4  }
0x281: {  	v37 =	vor.u32 s30, v29;
	(erf) = vrcp.f32 v36;
	_ =	sdelay $0x4  }
0x282: {  	s31 =	spop (v2sf);
	v36 =	vld.idx.msk [tilespmem:v37+s10+$0x0], $0xffff  }
0x283: {  	s30 =	sand.u32 $0x7F, s31  }
0x284: {  	v35 =	vor.u32 v3, v35;
	v37 =	vmov s30  }
0x285: {  	v38 =	vor.u32 $0xFE00, v37  }
0x286: {  	v39 =	vpop (erf)  }
0x287: {  	v36 =	vmul.f32 v39, v36;
	_ =	sdelay $0x1  }
0x288: {  	[tilespmem:v35+s28+$0x0] =	vst.idx.msk $0xffff, v36  }
0x289: {  	v35 =	vld.idx.msk [tilespmem:v38+s10+$0x0], $0xffff;
	_ =	sdelay $0x4  }
0x28a: {  	v36 =	vor.u32 s30, v30;
	(erf) = vrcp.f32 v35;
	_ =	sdelay $0x1  }
0x28b: {  	s31 =	sadd.s32 $0xE, s3  }
0x28c: {  	v35 =	vmov s31  }
0x28d: {  	v38 =	vshll.u32 v35, $0x3  }
0x28e: {  	v36 =	vld.idx.msk [tilespmem:v36+s10+$0x0], $0xffff;
	v35 =	vand.u32 $0x7E, v35;
	v38 =	vand.u32 $0xC00, v38  }
0x28f: {  	v35 =	vor.u32 v35, v38  }
0x290: {  	v38 =	vor.u32 v1, v35  }
0x291: {  	(v2sf) =	vpush v34, $0x7;
	v37 =	vor.u32 $0xFE80, v37  }
0x292: {  	v39 =	vpop (erf)  }
0x293: {  	v34 =	vmul.f32 v39, v36;
	_ =	sdelay $0x1  }
0x294: {  	[tilespmem:v38+s28+$0x0] =	vst.idx.msk $0xffff, v34  }
0x295: {  	v34 =	vld.idx.msk [tilespmem:v37+s10+$0x0], $0xffff;
	_ =	sdelay $0x4  }
0x296: {  	v36 =	vor.u32 s30, v31;
	(erf) = vrcp.f32 v34;
	_ =	sdelay $0x4  }
0x297: {  	s31 =	spop (v2sf);
	v34 =	vld.idx.msk [tilespmem:v36+s10+$0x0], $0xffff  }
0x298: {  	s30 =	sand.u32 $0x7F, s31  }
0x299: {  	v35 =	vor.u32 v3, v35;
	v36 =	vmov s30  }
0x29a: {  	v37 =	vor.u32 $0x10F00, v36  }
0x29b: {  	v38 =	vpop (erf)  }
0x29c: {  	v34 =	vmul.f32 v38, v34;
	_ =	sdelay $0x1  }
0x29d: {  	[tilespmem:v35+s28+$0x0] =	vst.idx.msk $0xffff, v34  }
0x29e: {  	v34 =	vld.idx.msk [tilespmem:v37+s10+$0x0], $0xffff;
	_ =	sdelay $0x4  }
0x29f: {  	v35 =	vor.u32 s30, v32;
	(erf) = vrcp.f32 v34;
	_ =	sdelay $0x1  }
0x2a0: {  	s31 =	sadd.s32 $0xF, s3  }
0x2a1: {  	v34 =	vmov s31  }
0x2a2: {  	v37 =	vshll.u32 v34, $0x3  }
0x2a3: {  	v35 =	vld.idx.msk [tilespmem:v35+s10+$0x0], $0xffff;
	v34 =	vand.u32 $0x7F, v34;
	v37 =	vand.u32 $0xC00, v37  }
0x2a4: {  	v34 =	vor.u32 v34, v37  }
0x2a5: {  	v37 =	vor.u32 v1, v34  }
0x2a6: {  	v36 =	vor.u32 $0x10F80, v36  }
0x2a7: {  	v38 =	vpop (erf)  }
0x2a8: {  	v35 =	vmul.f32 v38, v35;
	_ =	sdelay $0x1  }
0x2a9: {  	[tilespmem:v37+s28+$0x0] =	vst.idx.msk $0xffff, v35  }
0x2aa: {  	v35 =	vld.idx.msk [tilespmem:v36+s10+$0x0], $0xffff;
	_ =	sdelay $0x4  }
0x2ab: {  	v36 =	vor.u32 s30, v33;
	(erf) = vrcp.f32 v35;
	_ =	sdelay $0x4  }
0x2ac: {  	v35 =	vld.idx.msk [tilespmem:v36+s10+$0x0], $0xffff;
	_ =	sdelay $0x1  }
0x2ad: {  	p0 =	sne.s32 s3, $0x1E0;
	v34 =	vor.u32 v3, v34  }
.Ltmp0:
0x2ae: {  	_ = 	snop;
	(pc) =	sbr.rel @p0 .LBB2_2-.Ltmp0, $3  }
0x2af: {  	v36 =	vpop (erf)  }
0x2b0: {  	v35 =	vmul.f32 v36, v35;
	_ =	sdelay $0x1  }
0x2b1: {  	s1 =	sadd.s32 $0x10, s1;
	s3 =	sadd.s32 $0x10, s3;
	[tilespmem:v34+s28+$0x0] =	vst.idx.msk $0xffff, v35  }
0x2b2: {  	v34 =	vld [tilespmem:$0x1F8];
	_ =	sdelay $0x4  }
0x2b3: {  	v34 =	vshrl.u32 v34, $0x2  }
0x2b4: {  	(v2sf) =	vpush v34, $0x0;
	_ =	sdelay $0x1  }
0x2b5: {  	(v2sf) =	vpush v34, $0x1;
	_ =	sdelay $0x1  }
0x2b6: {  	(v2sf) =	vpush v34, $0x2;
	_ =	sdelay $0x2  }
0x2b7: {  	(v2sf) =	vpush v34, $0x3;
	_ =	sdelay $0x7  }
0x2b8: {  	s1 =	spop (v2sf);
	(v2sf) =	vpush v34, $0x4;
	_ =	sdelay $0x1  }
0x2b9: {  	s3 =	spop (v2sf);
	(v2sf) =	vpush v34, $0x5  }
0x2ba: {  	s1 =	sand.u32 $0xFFFFFE0, s1  }
0x2bb: {  	s1 =	sadd.s32 s0, s1;
	s30 =	spop (v2sf)  }
0x2bc: {  	(v2sf) =	vpush v34, $0x6;
	[tilespmem:s18], [sflag:$0x2] =	stream.strided.gather [hbm4b:s1+s8], $0x1100, s9, s8, $0x38;
	[tilespmem:$0x15280] =	vst v63  }
0x2bd: {  	s1 =	sand.u32 $0xFFFFFE0, s3  }
0x2be: {  	s31 =	spop (v2sf);
	s1 =	sadd.s32 s0, s1  }
0x2bf: {  	(v2sf) =	vpush v34, $0x7;
	[tilespmem:s19], [sflag:$0x2] =	stream.strided.gather [hbm4b:s1+s8], $0x1100, s9, s8, $0x38;
	[tilespmem:$0x15280] =	vst v63  }
0x2c0: {  	s1 =	sand.u32 $0xFFFFFE0, s30  }
0x2c1: {  	s1 =	sadd.s32 s0, s1  }
0x2c2: {  	[tilespmem:s20], [sflag:$0x2] =	stream.strided.gather [hbm4b:s1+s8], $0x1100, s9, s8, $0x38;
	[tilespmem:$0x15280] =	vst v63  }
0x2c3: {  	s1 =	sand.u32 $0xFFFFFE0, s31  }
0x2c4: {  	s1 =	sadd.s32 s0, s1  }
0x2c5: {  	[tilespmem:s21], [sflag:$0x2] =	stream.strided.gather [hbm4b:s1+s8], $0x1100, s9, s8, $0x38;
	[tilespmem:$0x15280] =	vst v63  }
0x2c6: {  	s3 =	spop (v2sf)  }
0x2c7: {  	s1 =	sand.u32 $0xFFFFFE0, s3  }
0x2c8: {  	s30 =	spop (v2sf);
	s1 =	sadd.s32 s0, s1  }
0x2c9: {  	[tilespmem:s22], [sflag:$0x2] =	stream.strided.gather [hbm4b:s1+s8], $0x1100, s9, s8, $0x38;
	[tilespmem:$0x15280] =	vst v63  }
0x2ca: {  	s1 =	sand.u32 $0xFFFFFE0, s30  }
0x2cb: {  	s31 =	spop (v2sf);
	s1 =	sadd.s32 s0, s1  }
0x2cc: {  	[tilespmem:s23], [sflag:$0x2] =	stream.strided.gather [hbm4b:s1+s8], $0x1100, s9, s8, $0x38;
	[tilespmem:$0x15280] =	vst v63  }
0x2cd: {  	s1 =	sand.u32 $0xFFFFFE0, s31  }
0x2ce: {  	s3 =	spop (v2sf);
	s1 =	sadd.s32 s0, s1  }
0x2cf: {  	[tilespmem:s24], [sflag:$0x2] =	stream.strided.gather [hbm4b:s1+s8], $0x1100, s9, s8, $0x38;
	[tilespmem:$0x15280] =	vst v63  }
0x2d0: {  	s1 =	sand.u32 $0xFFFFFE0, s3  }
0x2d1: {  	s1 =	sadd.s32 s0, s1  }
0x2d2: {  	[tilespmem:s25], [sflag:$0x2] =	stream.strided.gather [hbm4b:s1+s8], $0x1100, s9, s8, $0x38;
	[tilespmem:$0x15280] =	vst v63  }
0x2d3: {  	v34 =	vld [tilespmem:$0x1F0];
	_ =	swait.ge [sflag:s26], $0x1100  }
0x2d4: {  	[sflag:s26] =	ssyncset.done $0x0  }
0x2d5: {  	[sflag:s26] =	ssyncadd.s32 $0xFFFFEF00  }
0x2d6: {  	_ =	swait.ge [sflag:s26], $0x1100  }
0x2d7: {  	[sflag:s26] =	ssyncset.done $0x0  }
0x2d8: {  	[sflag:s26] =	ssyncadd.s32 $0xFFFFEF00  }
0x2d9: {  	_ =	swait.ge [sflag:s26], $0x1100  }
0x2da: {  	[sflag:s26] =	ssyncset.done $0x0  }
0x2db: {  	[sflag:s26] =	ssyncadd.s32 $0xFFFFEF00  }
0x2dc: {  	_ =	swait.ge [sflag:s26], $0x1100  }
0x2dd: {  	[sflag:s26] =	ssyncset.done $0x0  }
0x2de: {  	[sflag:s26] =	ssyncadd.s32 $0xFFFFEF00  }
0x2df: {  	_ =	swait.ge [sflag:s26], $0x1100  }
0x2e0: {  	[sflag:s26] =	ssyncset.done $0x0  }
0x2e1: {  	[sflag:s26] =	ssyncadd.s32 $0xFFFFEF00  }
0x2e2: {  	_ =	swait.ge [sflag:s26], $0x1100  }
0x2e3: {  	[sflag:s26] =	ssyncset.done $0x0  }
0x2e4: {  	[sflag:s26] =	ssyncadd.s32 $0xFFFFEF00  }
0x2e5: {  	_ =	swait.ge [sflag:s26], $0x1100  }
0x2e6: {  	[sflag:s26] =	ssyncset.done $0x0  }
0x2e7: {  	[sflag:s26] =	ssyncadd.s32 $0xFFFFEF00  }
0x2e8: {  	_ =	swait.ge [sflag:s26], $0x1100  }
0x2e9: {  	(v2sf) =	vpush v34, $0x0;
	_ =	sdelay $0xe  }
0x2ea: {  	s30 =	spop (v2sf)  }
0x2eb: {  	s1 =	sand.u32 $0x7F, s30  }
0x2ec: {  	v35 =	vmov s1  }
0x2ed: {  	v36 =	vor.u32 $0x1000, v35;
	_ =	sdelay $0x2  }
0x2ee: {  	[sflag:s26] =	ssyncset.done $0x0  }
0x2ef: {  	[sflag:s26] =	ssyncadd.s32 $0xFFFFEF00  }
0x2f0: {  	v36 =	vld.idx.msk [tilespmem:v36+s10+$0x0], $0xffff;
	_ =	sdelay $0x4  }
0x2f1: {  	v37 =	vor.u32 s1, v0;
	(erf) = vrcp.f32 v36;
	_ =	sdelay $0x4  }
0x2f2: {  	v36 =	vld.idx.msk [tilespmem:v37+s10+$0x0], $0xffff;
	_ =	sdelay $0x3  }
0x2f3: {  	v37 =	vpop (erf)  }
0x2f4: {  	v36 =	vmul.f32 v37, v36;
	v37 =	vld [tilespmem:$0x1FF80];
	_ =	sdelay $0x3  }
0x2f5: {  	v35 =	vor.u32 $0x1080, v35;
	_ =	sdelay $0x3  }
0x2f6: {  	[tilespmem:v37+s28+$0x0] =	vst.idx.msk $0xffff, v36  }
0x2f7: {  	v35 =	vld.idx.msk [tilespmem:v35+s10+$0x0], $0xffff  }
0x2f8: {  	(v2sf) =	vpush v34, $0x1;
	_ =	sdelay $0x3  }
0x2f9: {  	v36 =	vor.u32 s1, v2;
	(erf) = vrcp.f32 v35;
	_ =	sdelay $0x4  }
0x2fa: {  	v35 =	vld.idx.msk [tilespmem:v36+s10+$0x0], $0xffff;
	_ =	sdelay $0x3  }
0x2fb: {  	v38 =	vpop (erf)  }
0x2fc: {  	v35 =	vmul.f32 v38, v35;
	v38 =	vld [tilespmem:$0x1FF90]  }
0x2fd: {  	s31 =	spop (v2sf)  }
0x2fe: {  	s1 =	sand.u32 $0x7F, s31  }
0x2ff: {  	v36 =	vmov s1  }
0x300: {  	v37 =	vor.u32 $0x2100, v36;
	_ =	sdelay $0x3  }
0x301: {  	[tilespmem:v38+s28+$0x0] =	vst.idx.msk $0xffff, v35  }
0x302: {  	v35 =	vld.idx.msk [tilespmem:v37+s10+$0x0], $0xffff;
	_ =	sdelay $0x4  }
0x303: {  	v37 =	vor.u32 s1, v4;
	(erf) = vrcp.f32 v35;
	_ =	sdelay $0x4  }
0x304: {  	v35 =	vld.idx.msk [tilespmem:v37+s10+$0x0], $0xffff;
	_ =	sdelay $0x3  }
0x305: {  	v37 =	vpop (erf)  }
0x306: {  	v35 =	vmul.f32 v37, v35;
	v37 =	vld [tilespmem:$0x1FFA0];
	_ =	sdelay $0x3  }
0x307: {  	v36 =	vor.u32 $0x2180, v36;
	_ =	sdelay $0x3  }
0x308: {  	[tilespmem:v37+s28+$0x0] =	vst.idx.msk $0xffff, v35  }
0x309: {  	v35 =	vld.idx.msk [tilespmem:v36+s10+$0x0], $0xffff  }
0x30a: {  	(v2sf) =	vpush v34, $0x2;
	_ =	sdelay $0x3  }
0x30b: {  	v36 =	vor.u32 s1, v5;
	(erf) = vrcp.f32 v35;
	_ =	sdelay $0x4  }
0x30c: {  	v35 =	vld.idx.msk [tilespmem:v36+s10+$0x0], $0xffff;
	_ =	sdelay $0x3  }
0x30d: {  	v38 =	vpop (erf)  }
0x30e: {  	v35 =	vmul.f32 v38, v35;
	v38 =	vld [tilespmem:$0x1FFB0]  }
0x30f: {  	s3 =	spop (v2sf)  }
0x310: {  	s1 =	sand.u32 $0x7F, s3  }
0x311: {  	v36 =	vmov s1  }
0x312: {  	v37 =	vor.u32 $0x3200, v36;
	_ =	sdelay $0x3  }
0x313: {  	[tilespmem:v38+s28+$0x0] =	vst.idx.msk $0xffff, v35  }
0x314: {  	v35 =	vld.idx.msk [tilespmem:v37+s10+$0x0], $0xffff;
	_ =	sdelay $0x4  }
0x315: {  	v37 =	vor.u32 s1, v6;
	(erf) = vrcp.f32 v35;
	_ =	sdelay $0x4  }
0x316: {  	v35 =	vld.idx.msk [tilespmem:v37+s10+$0x0], $0xffff;
	_ =	sdelay $0x3  }
0x317: {  	v37 =	vpop (erf)  }
0x318: {  	v35 =	vmul.f32 v37, v35;
	v37 =	vld [tilespmem:$0x1FFC0];
	_ =	sdelay $0x3  }
0x319: {  	v36 =	vor.u32 $0x3280, v36;
	_ =	sdelay $0x3  }
0x31a: {  	[tilespmem:v37+s28+$0x0] =	vst.idx.msk $0xffff, v35  }
0x31b: {  	v35 =	vld.idx.msk [tilespmem:v36+s10+$0x0], $0xffff  }
0x31c: {  	(v2sf) =	vpush v34, $0x3;
	_ =	sdelay $0x3  }
0x31d: {  	v36 =	vor.u32 s1, v7;
	(erf) = vrcp.f32 v35;
	_ =	sdelay $0x4  }
0x31e: {  	v35 =	vld.idx.msk [tilespmem:v36+s10+$0x0], $0xffff;
	_ =	sdelay $0x3  }
0x31f: {  	v38 =	vpop (erf)  }
0x320: {  	v35 =	vmul.f32 v38, v35;
	v38 =	vld [tilespmem:$0x1FFD0]  }
0x321: {  	s30 =	spop (v2sf)  }
0x322: {  	s1 =	sand.u32 $0x7F, s30  }
0x323: {  	v36 =	vmov s1  }
0x324: {  	v37 =	vor.u32 $0x4300, v36;
	_ =	sdelay $0x3  }
0x325: {  	[tilespmem:v38+s28+$0x0] =	vst.idx.msk $0xffff, v35  }
0x326: {  	v35 =	vld.idx.msk [tilespmem:v37+s10+$0x0], $0xffff;
	_ =	sdelay $0x4  }
0x327: {  	v37 =	vor.u32 s1, v8;
	(erf) = vrcp.f32 v35;
	_ =	sdelay $0x4  }
0x328: {  	v35 =	vld.idx.msk [tilespmem:v37+s10+$0x0], $0xffff;
	_ =	sdelay $0x3  }
0x329: {  	v37 =	vpop (erf)  }
0x32a: {  	v35 =	vmul.f32 v37, v35;
	v37 =	vld [tilespmem:$0x1FFE0];
	_ =	sdelay $0x3  }
0x32b: {  	v36 =	vor.u32 $0x4380, v36;
	_ =	sdelay $0x3  }
0x32c: {  	[tilespmem:v37+s28+$0x0] =	vst.idx.msk $0xffff, v35  }
0x32d: {  	v35 =	vld.idx.msk [tilespmem:v36+s10+$0x0], $0xffff  }
0x32e: {  	(v2sf) =	vpush v34, $0x4;
	_ =	sdelay $0x3  }
0x32f: {  	v36 =	vor.u32 s1, v9;
	(erf) = vrcp.f32 v35;
	_ =	sdelay $0x4  }
0x330: {  	v35 =	vld.idx.msk [tilespmem:v36+s10+$0x0], $0xffff;
	_ =	sdelay $0x3  }
0x331: {  	v38 =	vpop (erf)  }
0x332: {  	v35 =	vmul.f32 v38, v35;
	v38 =	vld [tilespmem:$0x1FFF0]  }
0x333: {  	s31 =	spop (v2sf)  }
0x334: {  	s1 =	sand.u32 $0x7F, s31  }
0x335: {  	v36 =	vmov s1  }
0x336: {  	v37 =	vor.u32 $0x5400, v36;
	_ =	sdelay $0x3  }
0x337: {  	[tilespmem:v38+s28+$0x0] =	vst.idx.msk $0xffff, v35  }
0x338: {  	v35 =	vld.idx.msk [tilespmem:v37+s10+$0x0], $0xffff;
	_ =	sdelay $0x4  }
0x339: {  	v37 =	vor.u32 s1, v10;
	(erf) = vrcp.f32 v35;
	_ =	sdelay $0x4  }
0x33a: {  	v35 =	vld.idx.msk [tilespmem:v37+s10+$0x0], $0xffff;
	_ =	sdelay $0x2  }
0x33b: {  	(v2sf) =	vpush v34, $0x5;
	v36 =	vor.u32 $0x5480, v36  }
0x33c: {  	v37 =	vpop (erf)  }
0x33d: {  	v35 =	vmul.f32 v37, v35;
	_ =	sdelay $0x1  }
0x33e: {  	[tilespmem:v40+s28+$0x0] =	vst.idx.msk $0xffff, v35  }
0x33f: {  	v35 =	vld.idx.msk [tilespmem:v36+s10+$0x0], $0xffff;
	_ =	sdelay $0x4  }
0x340: {  	v36 =	vor.u32 s1, v11;
	(erf) = vrcp.f32 v35;
	_ =	sdelay $0x4  }
0x341: {  	s3 =	spop (v2sf);
	v35 =	vld.idx.msk [tilespmem:v36+s10+$0x0], $0xffff  }
0x342: {  	s1 =	sand.u32 $0x7F, s3  }
0x343: {  	v36 =	vmov s1  }
0x344: {  	v37 =	vor.u32 $0x6500, v36  }
0x345: {  	v38 =	vpop (erf)  }
0x346: {  	v35 =	vmul.f32 v38, v35;
	_ =	sdelay $0x1  }
0x347: {  	[tilespmem:v41+s28+$0x0] =	vst.idx.msk $0xffff, v35  }
0x348: {  	v35 =	vld.idx.msk [tilespmem:v37+s10+$0x0], $0xffff;
	_ =	sdelay $0x4  }
0x349: {  	v37 =	vor.u32 s1, v12;
	(erf) = vrcp.f32 v35;
	_ =	sdelay $0x4  }
0x34a: {  	v35 =	vld.idx.msk [tilespmem:v37+s10+$0x0], $0xffff;
	_ =	sdelay $0x2  }
0x34b: {  	(v2sf) =	vpush v34, $0x6;
	v36 =	vor.u32 $0x6580, v36  }
0x34c: {  	v37 =	vpop (erf)  }
0x34d: {  	v35 =	vmul.f32 v37, v35;
	_ =	sdelay $0x1  }
0x34e: {  	[tilespmem:v42+s28+$0x0] =	vst.idx.msk $0xffff, v35  }
0x34f: {  	v35 =	vld.idx.msk [tilespmem:v36+s10+$0x0], $0xffff;
	_ =	sdelay $0x4  }
0x350: {  	v36 =	vor.u32 s1, v13;
	(erf) = vrcp.f32 v35;
	_ =	sdelay $0x4  }
0x351: {  	s30 =	spop (v2sf);
	v35 =	vld.idx.msk [tilespmem:v36+s10+$0x0], $0xffff  }
0x352: {  	s1 =	sand.u32 $0x7F, s30  }
0x353: {  	v36 =	vmov s1  }
0x354: {  	v37 =	vor.u32 $0x7600, v36  }
0x355: {  	v38 =	vpop (erf)  }
0x356: {  	v35 =	vmul.f32 v38, v35;
	_ =	sdelay $0x1  }
0x357: {  	[tilespmem:v43+s28+$0x0] =	vst.idx.msk $0xffff, v35  }
0x358: {  	v35 =	vld.idx.msk [tilespmem:v37+s10+$0x0], $0xffff;
	_ =	sdelay $0x4  }
0x359: {  	v37 =	vor.u32 s1, v14;
	(erf) = vrcp.f32 v35;
	_ =	sdelay $0x4  }
0x35a: {  	v35 =	vld.idx.msk [tilespmem:v37+s10+$0x0], $0xffff;
	_ =	sdelay $0x2  }
0x35b: {  	(v2sf) =	vpush v34, $0x7;
	v36 =	vor.u32 $0x7680, v36  }
0x35c: {  	v38 =	vpop (erf)  }
0x35d: {  	v34 =	vmul.f32 v38, v35;
	_ =	sdelay $0x1  }
0x35e: {  	[tilespmem:v44+s28+$0x0] =	vst.idx.msk $0xffff, v34  }
0x35f: {  	v34 =	vld.idx.msk [tilespmem:v36+s10+$0x0], $0xffff;
	_ =	sdelay $0x4  }
0x360: {  	v39 =	vor.u32 s1, v15;
	(erf) = vrcp.f32 v34;
	_ =	sdelay $0x4  }
0x361: {  	s31 =	spop (v2sf);
	v34 =	vld.idx.msk [tilespmem:v39+s10+$0x0], $0xffff  }
0x362: {  	s1 =	sand.u32 $0x7F, s31  }
0x363: {  	v35 =	vmov s1  }
0x364: {  	v36 =	vor.u32 $0x8700, v35  }
0x365: {  	v37 =	vpop (erf)  }
0x366: {  	v34 =	vmul.f32 v37, v34;
	_ =	sdelay $0x1  }
0x367: {  	[tilespmem:v45+s28+$0x0] =	vst.idx.msk $0xffff, v34  }
0x368: {  	v34 =	vld.idx.msk [tilespmem:v36+s10+$0x0], $0xffff;
	_ =	sdelay $0x4  }
0x369: {  	v36 =	vor.u32 s1, v16;
	(erf) = vrcp.f32 v34;
	_ =	sdelay $0x4  }
0x36a: {  	v34 =	vld.idx.msk [tilespmem:v36+s10+$0x0], $0xffff;
	_ =	sdelay $0x2  }
0x36b: {  	v35 =	vor.u32 $0x8780, v35  }
0x36c: {  	v36 =	vpop (erf)  }
0x36d: {  	v34 =	vmul.f32 v36, v34;
	_ =	sdelay $0x1  }
0x36e: {  	[tilespmem:v46+s28+$0x0] =	vst.idx.msk $0xffff, v34  }
0x36f: {  	v34 =	vld.idx.msk [tilespmem:v35+s10+$0x0], $0xffff;
	_ =	sdelay $0x4  }
0x370: {  	v36 =	vor.u32 s1, v17;
	(erf) = vrcp.f32 v34;
	_ =	sdelay $0x4  }
0x371: {  	v37 =	vld.idx.msk [tilespmem:v36+s10+$0x0], $0xffff;
	_ =	sdelay $0x3  }
0x372: {  	v38 =	vpop (erf)  }
0x373: {  	v34 =	vmul.f32 v38, v37;
	_ =	sdelay $0x1  }
0x374: {  	[tilespmem:v47+s28+$0x0] =	vst.idx.msk $0xffff, v34  }
0x375: {  	v34 =	vld [tilespmem:$0x1F8];
	_ =	swait.ge [sflag:s29], $0x1100  }
0x376: {  	[sflag:s29] =	ssyncset.done $0x0  }
0x377: {  	[sflag:s29] =	ssyncadd.s32 $0xFFFFEF00  }
0x378: {  	_ =	swait.ge [sflag:s29], $0x1100  }
0x379: {  	[sflag:s29] =	ssyncset.done $0x0  }
0x37a: {  	[sflag:s29] =	ssyncadd.s32 $0xFFFFEF00  }
0x37b: {  	_ =	swait.ge [sflag:s29], $0x1100  }
0x37c: {  	[sflag:s29] =	ssyncset.done $0x0  }
0x37d: {  	[sflag:s29] =	ssyncadd.s32 $0xFFFFEF00  }
0x37e: {  	_ =	swait.ge [sflag:s29], $0x1100  }
0x37f: {  	[sflag:s29] =	ssyncset.done $0x0  }
0x380: {  	[sflag:s29] =	ssyncadd.s32 $0xFFFFEF00  }
0x381: {  	_ =	swait.ge [sflag:s29], $0x1100  }
0x382: {  	[sflag:s29] =	ssyncset.done $0x0  }
0x383: {  	[sflag:s29] =	ssyncadd.s32 $0xFFFFEF00  }
0x384: {  	_ =	swait.ge [sflag:s29], $0x1100  }
0x385: {  	[sflag:s29] =	ssyncset.done $0x0  }
0x386: {  	[sflag:s29] =	ssyncadd.s32 $0xFFFFEF00  }
0x387: {  	_ =	swait.ge [sflag:s29], $0x1100  }
0x388: {  	[sflag:s29] =	ssyncset.done $0x0  }
0x389: {  	[sflag:s29] =	ssyncadd.s32 $0xFFFFEF00  }
0x38a: {  	_ =	swait.ge [sflag:s29], $0x1100  }
0x38b: {  	(v2sf) =	vpush v34, $0x0;
	_ =	sdelay $0xe  }
0x38c: {  	s3 =	spop (v2sf)  }
0x38d: {  	s1 =	sand.u32 $0x7F, s3  }
0x38e: {  	v35 =	vmov s1  }
0x38f: {  	v36 =	vor.u32 $0x9800, v35;
	_ =	sdelay $0x2  }
0x390: {  	[sflag:s29] =	ssyncset.done $0x0  }
0x391: {  	[sflag:s29] =	ssyncadd.s32 $0xFFFFEF00  }
0x392: {  	v36 =	vld.idx.msk [tilespmem:v36+s10+$0x0], $0xffff;
	_ =	sdelay $0x4  }
0x393: {  	v37 =	vor.u32 s1, v18;
	(erf) = vrcp.f32 v36;
	_ =	sdelay $0x4  }
0x394: {  	v36 =	vld.idx.msk [tilespmem:v37+s10+$0x0], $0xffff;
	_ =	sdelay $0x2  }
0x395: {  	(v2sf) =	vpush v34, $0x1;
	v35 =	vor.u32 $0x9880, v35  }
0x396: {  	v37 =	vpop (erf)  }
0x397: {  	v36 =	vmul.f32 v37, v36;
	_ =	sdelay $0x1  }
0x398: {  	[tilespmem:v48+s28+$0x0] =	vst.idx.msk $0xffff, v36  }
0x399: {  	v35 =	vld.idx.msk [tilespmem:v35+s10+$0x0], $0xffff;
	_ =	sdelay $0x4  }
0x39a: {  	v36 =	vor.u32 s1, v19;
	(erf) = vrcp.f32 v35;
	_ =	sdelay $0x4  }
0x39b: {  	s30 =	spop (v2sf);
	v35 =	vld.idx.msk [tilespmem:v36+s10+$0x0], $0xffff  }
0x39c: {  	s1 =	sand.u32 $0x7F, s30  }
0x39d: {  	v36 =	vmov s1  }
0x39e: {  	v37 =	vor.u32 $0xA900, v36  }
0x39f: {  	v38 =	vpop (erf)  }
0x3a0: {  	v35 =	vmul.f32 v38, v35;
	_ =	sdelay $0x1  }
0x3a1: {  	[tilespmem:v49+s28+$0x0] =	vst.idx.msk $0xffff, v35  }
0x3a2: {  	v35 =	vld.idx.msk [tilespmem:v37+s10+$0x0], $0xffff;
	_ =	sdelay $0x4  }
0x3a3: {  	v37 =	vor.u32 s1, v20;
	(erf) = vrcp.f32 v35;
	_ =	sdelay $0x4  }
0x3a4: {  	v35 =	vld.idx.msk [tilespmem:v37+s10+$0x0], $0xffff;
	_ =	sdelay $0x2  }
0x3a5: {  	(v2sf) =	vpush v34, $0x2;
	v36 =	vor.u32 $0xA980, v36  }
0x3a6: {  	v37 =	vpop (erf)  }
0x3a7: {  	v35 =	vmul.f32 v37, v35;
	_ =	sdelay $0x1  }
0x3a8: {  	[tilespmem:v50+s28+$0x0] =	vst.idx.msk $0xffff, v35  }
0x3a9: {  	v35 =	vld.idx.msk [tilespmem:v36+s10+$0x0], $0xffff;
	_ =	sdelay $0x4  }
0x3aa: {  	v36 =	vor.u32 s1, v21;
	(erf) = vrcp.f32 v35;
	_ =	sdelay $0x4  }
0x3ab: {  	s31 =	spop (v2sf);
	v35 =	vld.idx.msk [tilespmem:v36+s10+$0x0], $0xffff  }
0x3ac: {  	s1 =	sand.u32 $0x7F, s31  }
0x3ad: {  	v36 =	vmov s1  }
0x3ae: {  	v37 =	vor.u32 $0xBA00, v36  }
0x3af: {  	v38 =	vpop (erf)  }
0x3b0: {  	v35 =	vmul.f32 v38, v35;
	_ =	sdelay $0x1  }
0x3b1: {  	[tilespmem:v51+s28+$0x0] =	vst.idx.msk $0xffff, v35  }
0x3b2: {  	v35 =	vld.idx.msk [tilespmem:v37+s10+$0x0], $0xffff;
	_ =	sdelay $0x4  }
0x3b3: {  	v37 =	vor.u32 s1, v22;
	(erf) = vrcp.f32 v35;
	_ =	sdelay $0x4  }
0x3b4: {  	v35 =	vld.idx.msk [tilespmem:v37+s10+$0x0], $0xffff;
	_ =	sdelay $0x2  }
0x3b5: {  	(v2sf) =	vpush v34, $0x3;
	v36 =	vor.u32 $0xBA80, v36  }
0x3b6: {  	v37 =	vpop (erf)  }
0x3b7: {  	v35 =	vmul.f32 v37, v35;
	_ =	sdelay $0x1  }
0x3b8: {  	[tilespmem:v52+s28+$0x0] =	vst.idx.msk $0xffff, v35  }
0x3b9: {  	v35 =	vld.idx.msk [tilespmem:v36+s10+$0x0], $0xffff;
	_ =	sdelay $0x4  }
0x3ba: {  	v36 =	vor.u32 s1, v23;
	(erf) = vrcp.f32 v35;
	_ =	sdelay $0x4  }
0x3bb: {  	s3 =	spop (v2sf);
	v35 =	vld.idx.msk [tilespmem:v36+s10+$0x0], $0xffff  }
0x3bc: {  	s1 =	sand.u32 $0x7F, s3  }
0x3bd: {  	v36 =	vmov s1  }
0x3be: {  	v37 =	vor.u32 $0xCB00, v36  }
0x3bf: {  	v38 =	vpop (erf)  }
0x3c0: {  	v35 =	vmul.f32 v38, v35;
	_ =	sdelay $0x1  }
0x3c1: {  	[tilespmem:v53+s28+$0x0] =	vst.idx.msk $0xffff, v35  }
0x3c2: {  	v35 =	vld.idx.msk [tilespmem:v37+s10+$0x0], $0xffff;
	_ =	sdelay $0x4  }
0x3c3: {  	v37 =	vor.u32 s1, v24;
	(erf) = vrcp.f32 v35;
	_ =	sdelay $0x4  }
0x3c4: {  	v35 =	vld.idx.msk [tilespmem:v37+s10+$0x0], $0xffff;
	_ =	sdelay $0x2  }
0x3c5: {  	(v2sf) =	vpush v34, $0x4;
	v36 =	vor.u32 $0xCB80, v36  }
0x3c6: {  	v37 =	vpop (erf)  }
0x3c7: {  	v35 =	vmul.f32 v37, v35;
	_ =	sdelay $0x1  }
0x3c8: {  	[tilespmem:v54+s28+$0x0] =	vst.idx.msk $0xffff, v35  }
0x3c9: {  	v35 =	vld.idx.msk [tilespmem:v36+s10+$0x0], $0xffff;
	_ =	sdelay $0x4  }
0x3ca: {  	v36 =	vor.u32 s1, v25;
	(erf) = vrcp.f32 v35;
	_ =	sdelay $0x4  }
0x3cb: {  	s30 =	spop (v2sf);
	v35 =	vld.idx.msk [tilespmem:v36+s10+$0x0], $0xffff  }
0x3cc: {  	s1 =	sand.u32 $0x7F, s30  }
0x3cd: {  	v36 =	vmov s1  }
0x3ce: {  	v37 =	vor.u32 $0xDC00, v36  }
0x3cf: {  	v38 =	vpop (erf)  }
0x3d0: {  	v35 =	vmul.f32 v38, v35;
	_ =	sdelay $0x1  }
0x3d1: {  	[tilespmem:v55+s28+$0x0] =	vst.idx.msk $0xffff, v35  }
0x3d2: {  	v35 =	vld.idx.msk [tilespmem:v37+s10+$0x0], $0xffff;
	_ =	sdelay $0x4  }
0x3d3: {  	v37 =	vor.u32 s1, v26;
	(erf) = vrcp.f32 v35;
	_ =	sdelay $0x4  }
0x3d4: {  	v35 =	vld.idx.msk [tilespmem:v37+s10+$0x0], $0xffff;
	_ =	sdelay $0x2  }
0x3d5: {  	(v2sf) =	vpush v34, $0x5;
	v36 =	vor.u32 $0xDC80, v36  }
0x3d6: {  	v37 =	vpop (erf)  }
0x3d7: {  	v35 =	vmul.f32 v37, v35;
	_ =	sdelay $0x1  }
0x3d8: {  	[tilespmem:v56+s28+$0x0] =	vst.idx.msk $0xffff, v35  }
0x3d9: {  	v35 =	vld.idx.msk [tilespmem:v36+s10+$0x0], $0xffff;
	_ =	sdelay $0x4  }
0x3da: {  	v36 =	vor.u32 s1, v27;
	(erf) = vrcp.f32 v35;
	_ =	sdelay $0x4  }
0x3db: {  	s31 =	spop (v2sf);
	v35 =	vld.idx.msk [tilespmem:v36+s10+$0x0], $0xffff  }
0x3dc: {  	s1 =	sand.u32 $0x7F, s31  }
0x3dd: {  	v36 =	vmov s1  }
0x3de: {  	v37 =	vor.u32 $0xED00, v36  }
0x3df: {  	v38 =	vpop (erf)  }
0x3e0: {  	v35 =	vmul.f32 v38, v35;
	_ =	sdelay $0x1  }
0x3e1: {  	[tilespmem:v57+s28+$0x0] =	vst.idx.msk $0xffff, v35  }
0x3e2: {  	v35 =	vld.idx.msk [tilespmem:v37+s10+$0x0], $0xffff;
	_ =	sdelay $0x4  }
0x3e3: {  	v37 =	vor.u32 s1, v28;
	(erf) = vrcp.f32 v35;
	_ =	sdelay $0x4  }
0x3e4: {  	v35 =	vld.idx.msk [tilespmem:v37+s10+$0x0], $0xffff;
	_ =	sdelay $0x2  }
0x3e5: {  	(v2sf) =	vpush v34, $0x6;
	v36 =	vor.u32 $0xED80, v36  }
0x3e6: {  	v37 =	vpop (erf)  }
0x3e7: {  	v35 =	vmul.f32 v37, v35;
	_ =	sdelay $0x1  }
0x3e8: {  	[tilespmem:v58+s28+$0x0] =	vst.idx.msk $0xffff, v35  }
0x3e9: {  	v35 =	vld.idx.msk [tilespmem:v36+s10+$0x0], $0xffff;
	_ =	sdelay $0x4  }
0x3ea: {  	v36 =	vor.u32 s1, v29;
	(erf) = vrcp.f32 v35;
	_ =	sdelay $0x4  }
0x3eb: {  	s3 =	spop (v2sf);
	v35 =	vld.idx.msk [tilespmem:v36+s10+$0x0], $0xffff  }
0x3ec: {  	s1 =	sand.u32 $0x7F, s3  }
0x3ed: {  	v36 =	vmov s1  }
0x3ee: {  	v37 =	vor.u32 $0xFE00, v36  }
0x3ef: {  	v38 =	vpop (erf)  }
0x3f0: {  	v35 =	vmul.f32 v38, v35;
	_ =	sdelay $0x1  }
0x3f1: {  	[tilespmem:v59+s28+$0x0] =	vst.idx.msk $0xffff, v35  }
0x3f2: {  	v35 =	vld.idx.msk [tilespmem:v37+s10+$0x0], $0xffff;
	_ =	sdelay $0x4  }
0x3f3: {  	v37 =	vor.u32 s1, v30;
	(erf) = vrcp.f32 v35;
	_ =	sdelay $0x4  }
0x3f4: {  	v35 =	vld.idx.msk [tilespmem:v37+s10+$0x0], $0xffff;
	_ =	sdelay $0x2  }
0x3f5: {  	(v2sf) =	vpush v34, $0x7;
	v36 =	vor.u32 $0xFE80, v36  }
0x3f6: {  	v39 =	vpop (erf)  }
0x3f7: {  	v34 =	vmul.f32 v39, v35;
	_ =	sdelay $0x1  }
0x3f8: {  	[tilespmem:v60+s28+$0x0] =	vst.idx.msk $0xffff, v34  }
0x3f9: {  	v34 =	vld.idx.msk [tilespmem:v36+s10+$0x0], $0xffff;
	_ =	sdelay $0x4  }
0x3fa: {  	v36 =	vor.u32 s1, v31;
	(erf) = vrcp.f32 v34;
	_ =	sdelay $0x4  }
0x3fb: {  	s30 =	spop (v2sf);
	v34 =	vld.idx.msk [tilespmem:v36+s10+$0x0], $0xffff  }
0x3fc: {  	s1 =	sand.u32 $0x7F, s30  }
0x3fd: {  	v35 =	vmov s1  }
0x3fe: {  	v36 =	vor.u32 $0x10F00, v35  }
0x3ff: {  	v37 =	vpop (erf)  }
0x400: {  	v34 =	vmul.f32 v37, v34;
	_ =	sdelay $0x1  }
0x401: {  	[tilespmem:v61+s28+$0x0] =	vst.idx.msk $0xffff, v34  }
0x402: {  	v34 =	vld.idx.msk [tilespmem:v36+s10+$0x0], $0xffff;
	_ =	sdelay $0x4  }
0x403: {  	v36 =	vor.u32 s1, v32;
	(erf) = vrcp.f32 v34;
	_ =	sdelay $0x4  }
0x404: {  	v34 =	vld.idx.msk [tilespmem:v36+s10+$0x0], $0xffff;
	_ =	sdelay $0x2  }
0x405: {  	v35 =	vor.u32 $0x10F80, v35  }
0x406: {  	v36 =	vpop (erf)  }
0x407: {  	v34 =	vmul.f32 v36, v34;
	_ =	sdelay $0x1  }
0x408: {  	[tilespmem:v62+s28+$0x0] =	vst.idx.msk $0xffff, v34  }
0x409: {  	v34 =	vld.idx.msk [tilespmem:v35+s10+$0x0], $0xffff;
	_ =	sdelay $0x4  }
0x40a: {  	v37 =	vor.u32 s1, v33;
	(erf) = vrcp.f32 v34;
	_ =	sdelay $0x4  }
0x40b: {  	v38 =	vld.idx.msk [tilespmem:v37+s10+$0x0], $0xffff;
	_ =	sdelay $0x3  }
0x40c: {  	v39 =	vpop (erf)  }
0x40d: {  	s2 =	sadd.s32 $0x1, s2;
	v34 =	vmul.f32 v39, v38  }
0x40e: {  	p0 =	sne.s32 s2, s6  }
.Ltmp1:
0x40f: {  	s31 =	simm.s32 $0x1000;
	s3 =	simm.s32 $0x20000;
	[tilespmem:v63+s28+$0x0] =	vst.idx.msk $0xffff, v34;
	(pc) =	sbr.rel @p0 .LBB2_1-.Ltmp1, $4  }
0x410: {  	[hbm4b:s5+s31] =	stream.strided.scatter [tilespmem:s28], [sflag:$0x3], $0x4000, s3, s31, $0x38;
	[tilespmem:$0x15280] =	vst v63  }
0x411: {  	_ =	swait.ge [sflag:s7], $0x4000  }
0x412: {  	[sflag:s7] =	ssyncset.done $0x0  }
0x413: {  	[sflag:s7] =	ssyncadd.s32 $0xFFFFC000  }
0x414: {  	_ =	sfence.sel $0x180000  }
0x415: {  	[bflag:$0x0] =	sbarrier.arrive $0xFFFF  }
0x416: {  	_ =	strace $0x90000047  }
0x417: {  	s0 =	stileid.u32;
	[bflag:$0x2] =	sbarrier.arrive $0xFFFF  }
0x418: {  	p0 =	sne.s32 s0, $0x0;
	s0 =	rddreg [dreg:$0x3]  }
0x419: {  	s0 =	sadd.s32 @!p0 $0x100000, s0  }
0x41a: {  	[sflag:s0] =	ssyncadd.tile.s32 @!p0 $0x1;
	_ =	shalt  }
.Lfunc_end2:
_tile_overlayer_lowered:
.L_overlay_start_2:
0x41b: {  	(tag) =	ssettag $0x2  }
0x41c: {  	s0 =	rddreg [dreg:$0x0];
	s2 =	stileid.u32  }
0x41d: {  	s1 =	rddreg [dreg:$0x1];
	p0 =	sne.s32 s2, $0x0  }
0x41e: {  	s3 =	rddreg [dreg:$0x2];
	[bflag:$0x3] =	sbarrier.arrive $0xFFFF;
	s2 =	simm.s32 @!p0 $0x1C03  }
0x41f: {  	[timem:s3], [sflag:s2] =	dma.local @!p0 [hbm:s0], s1  }
0x420: {  	s0 =	simm.s32 @!p0 $0x3  }
0x421: {  	_ =	swait.ge @!p0 [sflag:s0], s1  }
0x422: {  	s1 =	ssub.s32 @!p0 $0x0, s1;
	[sflag:s0] =	ssyncset.done @!p0 $0x0  }
0x423: {  	[sflag:s0] =	ssyncadd.s32 @!p0 s1  }
0x424: {  	[bflag:$0x3] =	sbarrier.arrive $0xFFFF  }
0x425: {  	_ =	shalt  }

</sc_bundles>
